<compile_context>
chip_gen: v7x
topology: tpu7x:2x2x1
jax: 0.10.2.dev20260603
libtpu: 0.0.44.dev20260713+nightly
codegen_flags: <defaults>
</compile_context>

<pallas_src>
import functools

import jax
import jax.numpy as jnp
from jax import lax
from jax.experimental import pallas as pl
from jax.experimental.pallas import tpu as pltpu
from jax.experimental.pallas import tpu_sc as plsc

_N = 10000
_E = 320000
_D = 128
_NC = 2
_NS = 16
_NW = _NC * _NS
_CH = 128
_NCH = 80
_NPH = 2
_CPP = _NCH // _NPH
_EPT = _NCH * _CH
_EPAD = _NW * _EPT
_RPT = 626
_NSLAB = _NS * _RPT
_NF = _NS * 10240
_FPT = _NF // _NS

def _sc_aggr_body(h_hbm, src_hbm, dst_hbm, z_hbm, out_hbm,
                  src_v, dst_v, buf_a, buf_b, slab, sem_a, sem_b):
    c = lax.axis_index("c")
    s = lax.axis_index("s")
    wid = c * _NS + s
    pltpu.sync_copy(z_hbm, slab.at[pl.ds(s * _RPT, _RPT)])
    plsc.subcore_barrier()

    for p in range(_NPH):
        pltpu.sync_copy(src_hbm.at[wid, p], src_v)
        pltpu.sync_copy(dst_hbm.at[wid, p], dst_v)
        pltpu.async_copy(h_hbm.at[src_v.at[0]], buf_a, sem_a)
        pltpu.async_copy(h_hbm.at[src_v.at[1]], buf_b, sem_b)

        def body(i, _):
            ja = 2 * i
            jb = 2 * i + 1
            pltpu.make_async_copy(h_hbm.at[src_v.at[ja]], buf_a, sem_a).wait()
            pltpu.sync_copy(buf_a, slab.at[dst_v.at[ja]], add=True)

            @pl.when(ja + 2 < _CPP)
            def _():
                pltpu.async_copy(h_hbm.at[src_v.at[ja + 2]], buf_a, sem_a)

            pltpu.make_async_copy(h_hbm.at[src_v.at[jb]], buf_b, sem_b).wait()
            pltpu.sync_copy(buf_b, slab.at[dst_v.at[jb]], add=True)

            @pl.when(jb + 2 < _CPP)
            def _():
                pltpu.async_copy(h_hbm.at[src_v.at[jb + 2]], buf_b, sem_b)

            return _

        lax.fori_loop(0, _CPP // 2, body, None)
    plsc.subcore_barrier()
    pltpu.sync_copy(slab.at[pl.ds(s * _RPT, _RPT)], out_hbm.at[wid])


def _sc_counts_body(dst_hbm, a0_hbm, a1_hbm, z_hbm, out_hbm,
                    dst_v, a0_v, a1_v, idx1_v, idx2_v, ones_v, slab):
    c = lax.axis_index("c")
    s = lax.axis_index("s")
    wid = c * _NS + s
    pltpu.sync_copy(dst_hbm.at[wid], dst_v)
    pltpu.sync_copy(a0_hbm.at[wid], a0_v)
    pltpu.sync_copy(a1_hbm.at[wid], a1_v)
    pltpu.sync_copy(z_hbm, slab.at[pl.ds(s * _FPT, _FPT)])
    for v in range(_CH // 16):
        ones_v[pl.ds(v * 16, 16)] = jnp.ones((16,), jnp.float32)
    plsc.subcore_barrier()

    def body(j, _):
        for v in range(_CH // 16):
            sl = pl.ds(v * 16, 16)
            d16 = dst_v[j, sl] * 16
            idx1_v[sl] = d16 + a0_v[j, sl]
            idx2_v[sl] = d16 + (a1_v[j, sl] + 8)
        pltpu.sync_copy(ones_v, slab.at[idx1_v], add=True)
        pltpu.sync_copy(ones_v, slab.at[idx2_v], add=True)
        return _

    lax.fori_loop(0, _NCH, body, None)
    plsc.subcore_barrier()
    pltpu.sync_copy(slab.at[pl.ds(s * _FPT, _FPT)], out_hbm.at[wid])


@functools.lru_cache(maxsize=None)
def _build_sc_kernels():
    mesh = plsc.VectorSubcoreMesh(core_axis_name="c", subcore_axis_name="s",
                                  num_cores=_NC, num_subcores=_NS)
    aggr = pl.kernel(
        _sc_aggr_body,
        mesh=mesh,
        out_type=jax.ShapeDtypeStruct((_NW, _RPT, _D), jnp.float32),
        scratch_types=[
            pltpu.VMEM((_CPP, _CH), jnp.int32),
            pltpu.VMEM((_CPP, _CH), jnp.int32),
            pltpu.VMEM((_CH, _D), jnp.float32),
            pltpu.VMEM((_CH, _D), jnp.float32),
            pltpu.VMEM_SHARED((_NSLAB, _D), jnp.float32),
            pltpu.SemaphoreType.DMA,
            pltpu.SemaphoreType.DMA,
        ],
    )
    counts = pl.kernel(
        _sc_counts_body,
        mesh=mesh,
        out_type=jax.ShapeDtypeStruct((_NW, _FPT), jnp.float32),
        scratch_types=[
            pltpu.VMEM((_NCH, _CH), jnp.int32),
            pltpu.VMEM((_NCH, _CH), jnp.int32),
            pltpu.VMEM((_NCH, _CH), jnp.int32),
            pltpu.VMEM((_CH,), jnp.int32),
            pltpu.VMEM((_CH,), jnp.int32),
            pltpu.VMEM((_CH,), jnp.float32),
            pltpu.VMEM_SHARED((_NF,), jnp.float32),
        ],
    )
    return aggr, counts


def _sc_aggr(h, src3, dst3, zrows):
    return _build_sc_kernels()[0](h, src3, dst3, zrows)


def _sc_counts(dst3, a03, a13, zflat):
    return _build_sc_kernels()[1](dst3, a03, a13, zflat)


def _tc_embed(x, e1p, e2p):
    bn = 1000

    def body(x_ref, e1_ref, e2_ref, o_ref):
        xb = x_ref[...]
        iota = lax.broadcasted_iota(jnp.int32, (bn, _D), 1)
        oh1 = (iota == xb[:, 0:1]).astype(jnp.float32)
        oh2 = (iota == xb[:, 1:2]).astype(jnp.float32)
        o_ref[...] = (
            jnp.dot(oh1, e1_ref[...], preferred_element_type=jnp.float32,
                    precision=lax.Precision.HIGHEST)
            + jnp.dot(oh2, e2_ref[...], preferred_element_type=jnp.float32,
                      precision=lax.Precision.HIGHEST))

    return pl.pallas_call(
        body,
        grid=(_N // bn,),
        in_specs=[
            pl.BlockSpec((bn, 2), lambda i: (i, 0)),
            pl.BlockSpec((_D, _D), lambda i: (0, 0)),
            pl.BlockSpec((_D, _D), lambda i: (0, 0)),
        ],
        out_specs=pl.BlockSpec((bn, _D), lambda i: (i, 0)),
        out_shape=jax.ShapeDtypeStruct((_N, _D), jnp.float32),
    )(x, e1p, e2p)


_BN = 1000
_NB = _N // _BN


def _tc_layer(aggr2, h, caux2, ecat, w1, b1, w2, b2, g, bt, relu):
    def body(a_ref, h_ref, c_ref, e_ref, w1_ref, b1_ref, w2_ref, b2_ref,
             g_ref, bt_ref, o_ref, sum_sc, sq_sc):
        ph = pl.program_id(0)
        i = pl.program_id(1)

        def compute_z():
            ecat_v = e_ref[...]
            selfvec = ecat_v[4:5, :] + ecat_v[8:9, :]
            a = a_ref[0] + a_ref[1] + h_ref[...] + selfvec
            c16 = c_ref[0] + c_ref[1]
            a = a + jnp.dot(c16, ecat_v, preferred_element_type=jnp.float32,
                            precision=lax.Precision.HIGHEST)
            hid = jnp.dot(a.astype(jnp.bfloat16),
                          w1_ref[...].astype(jnp.bfloat16),
                          preferred_element_type=jnp.float32) + b1_ref[...]
            hid = jnp.maximum(hid, 0.0)
            return jnp.dot(hid.astype(jnp.bfloat16),
                           w2_ref[...].astype(jnp.bfloat16),
                           preferred_element_type=jnp.float32) + b2_ref[...]

        @pl.when(ph == 0)
        def _():
            z = compute_z()
            s1 = jnp.sum(z, 0, keepdims=True)
            s2 = jnp.sum(z * z, 0, keepdims=True)

            @pl.when(i == 0)
            def _():
                sum_sc[...] = s1
                sq_sc[...] = s2

            @pl.when(i > 0)
            def _():
                sum_sc[...] = sum_sc[...] + s1
                sq_sc[...] = sq_sc[...] + s2

        @pl.when(ph == 1)
        def _():
            z = compute_z()
            mean = sum_sc[...] * (1.0 / _N)
            var = sq_sc[...] * (1.0 / _N) - mean * mean
            zn = (z - mean) / jnp.sqrt(var + 1e-5) * g_ref[...] + bt_ref[...]
            if relu:
                zn = jnp.maximum(zn, 0.0)
            o_ref[...] = zn

    return pl.pallas_call(
        body,
        grid=(2, _NB),
        in_specs=[
            pl.BlockSpec((2, _BN, _D), lambda p, i: (0, i, 0)),
            pl.BlockSpec((_BN, _D), lambda p, i: (i, 0)),
            pl.BlockSpec((2, _BN, 16), lambda p, i: (0, i, 0)),
            pl.BlockSpec((16, _D), lambda p, i: (0, 0)),
            pl.BlockSpec((_D, 2 * _D), lambda p, i: (0, 0)),
            pl.BlockSpec((1, 2 * _D), lambda p, i: (0, 0)),
            pl.BlockSpec((2 * _D, _D), lambda p, i: (0, 0)),
            pl.BlockSpec((1, _D), lambda p, i: (0, 0)),
            pl.BlockSpec((1, _D), lambda p, i: (0, 0)),
            pl.BlockSpec((1, _D), lambda p, i: (0, 0)),
        ],
        out_specs=pl.BlockSpec((_BN, _D), lambda p, i: (i, 0)),
        out_shape=jax.ShapeDtypeStruct((_N, _D), jnp.float32),
        scratch_shapes=[
            pltpu.VMEM((1, _D), jnp.float32),
            pltpu.VMEM((1, _D), jnp.float32),
        ],
    )(aggr2, h, caux2, ecat, w1, b1, w2, b2, g, bt)


def kernel(x, edge_index, edge_attr, x_emb1, x_emb2, e_emb1, e_emb2,
           W1, b1, W2, b2, gamma, beta):
    num_layer = W1.shape[0]
    f32 = jnp.float32

    pad = _EPAD - _E
    padi = jnp.arange(pad, dtype=jnp.int32) % 8
    src_p = jnp.concatenate([edge_index[0].astype(jnp.int32), padi])
    dst_p = jnp.concatenate([edge_index[1].astype(jnp.int32), _N + padi])
    a0_p = jnp.concatenate([edge_attr[:, 0].astype(jnp.int32),
                            jnp.zeros((pad,), jnp.int32)])
    a1_p = jnp.concatenate([edge_attr[:, 1].astype(jnp.int32),
                            jnp.zeros((pad,), jnp.int32)])
    src4 = src_p.reshape(_NW, _NPH, _CPP, _CH)
    dst4 = dst_p.reshape(_NW, _NPH, _CPP, _CH)
    dst3 = dst_p.reshape(_NW, _NCH, _CH)
    a03 = a0_p.reshape(_NW, _NCH, _CH)
    a13 = a1_p.reshape(_NW, _NCH, _CH)

    zrows = jnp.zeros((_RPT, _D), f32)
    zflat = jnp.zeros((_FPT,), f32)

    cflat = _sc_counts(dst3, a03, a13, zflat)
    caux2 = cflat.reshape(_NC, _NF // 16, 16)[:, :_N, :]

    e1p = jnp.zeros((_D, _D), f32).at[:x_emb1.shape[0]].set(x_emb1)
    e2p = jnp.zeros((_D, _D), f32).at[:x_emb2.shape[0]].set(x_emb2)
    h = _tc_embed(x.astype(jnp.int32), e1p, e2p)

    zero_rows = jnp.zeros((2, _D), f32)
    for l in range(num_layer):
        slabs = _sc_aggr(h, src4, dst4, zrows)
        aggr2 = slabs.reshape(_NC, _NSLAB, _D)
        ecat = jnp.concatenate(
            [e_emb1[l], zero_rows, e_emb2[l], jnp.zeros((5, _D), f32)], axis=0)
        h = _tc_layer(aggr2, h, caux2, ecat, W1[l], b1[l].reshape(1, -1),
                      W2[l], b2[l].reshape(1, -1), gamma[l].reshape(1, -1),
                      beta[l].reshape(1, -1), relu=(l < num_layer - 1))
    return h

# --- scband reference (transcript-rebuilt; emitter-appended) ---
"""Pipeline reference for scband-gnn-16338055594318 (READ-ONLY COPY).

The authoritative reference and input builder live on the scoring server;
editing this copy changes nothing except your own understanding.
"""

import jax, jax.numpy as jnp
import numpy as np

N = 10000
E = 320000
D = 128
L = 5
NUM_ATOM_TYPE = 120
NUM_CHIRALITY = 3
NUM_BOND_TYPE = 6
NUM_BOND_DIR = 3


def setup_inputs(seed: int = 0) -> dict:
    key = jax.random.key(seed)
    ks = jax.random.split(key, 14)
    x = jax.random.randint(ks[0], (N, 2), 0, 3)
    edge_index = jax.random.randint(ks[1], (2, E), 0, N)
    edge_attr = jax.random.randint(ks[2], (E, 2), 0, 3)
    x_emb1 = jax.random.normal(ks[3], (NUM_ATOM_TYPE, D), dtype=jnp.float32) * 0.1
    x_emb2 = jax.random.normal(ks[4], (NUM_CHIRALITY, D), dtype=jnp.float32) * 0.1
    e_emb1 = jax.random.normal(ks[5], (L, NUM_BOND_TYPE, D), dtype=jnp.float32) * 0.1
    e_emb2 = jax.random.normal(ks[6], (L, NUM_BOND_DIR, D), dtype=jnp.float32) * 0.1
    W1 = jax.random.normal(ks[7], (L, D, 2 * D), dtype=jnp.float32) * 0.05
    b1 = jnp.zeros((L, 2 * D), dtype=jnp.float32)
    W2 = jax.random.normal(ks[8], (L, 2 * D, D), dtype=jnp.float32) * 0.05
    b2 = jnp.zeros((L, D), dtype=jnp.float32)
    gamma = jnp.ones((L, D), dtype=jnp.float32)
    beta = jnp.zeros((L, D), dtype=jnp.float32)
    return {"x": x, "edge_index": edge_index, "edge_attr": edge_attr,
            "x_emb1": x_emb1, "x_emb2": x_emb2, "e_emb1": e_emb1, "e_emb2": e_emb2,
            "W1": W1, "b1": b1, "W2": W2, "b2": b2, "gamma": gamma, "beta": beta}


def reference(x, edge_index, edge_attr, x_emb1, x_emb2, e_emb1, e_emb2, W1, b1, W2, b2, gamma, beta):
    n = x.shape[0]
    # input node embedding: x_embedding1(x[:,0]) + x_embedding2(x[:,1])
    h = jnp.take(x_emb1, x[:, 0], axis=0) + jnp.take(x_emb2, x[:, 1], axis=0)
    # add self loops (once; identical every layer)
    loop = jnp.arange(n, dtype=edge_index.dtype)
    src = jnp.concatenate([edge_index[0], loop])
    dst = jnp.concatenate([edge_index[1], loop])
    self_loop_attr = jnp.concatenate([
        jnp.full((n, 1), 4, dtype=edge_attr.dtype),
        jnp.zeros((n, 1), dtype=edge_attr.dtype)], axis=1)
    ea = jnp.concatenate([edge_attr, self_loop_attr], axis=0)
    num_layer = W1.shape[0]
    for l in range(num_layer):
        edge_embeddings = jnp.take(e_emb1[l], ea[:, 0], axis=0) + jnp.take(e_emb2[l], ea[:, 1], axis=0)
        # message: x_j + edge_attr  (x_j gathered from source nodes)
        msg = jnp.take(h, src, axis=0) + edge_embeddings
        # aggregate 'add' at destination nodes
        aggr = jax.ops.segment_sum(msg, dst, num_segments=n)
        # update: MLP Linear(D, 2D) -> ReLU -> Linear(2D, D)
        hid = jnp.maximum(aggr @ W1[l] + b1[l], 0.0)
        hl = hid @ W2[l] + b2[l]
        # BatchNorm1d (training-mode batch statistics, eps=1e-5)
        mean = jnp.mean(hl, axis=0)
        var = jnp.var(hl, axis=0)
        hl = (hl - mean) / jnp.sqrt(var + 1e-5) * gamma[l] + beta[l]
        # dropout with drop_ratio=0 is identity; relu except last layer
        if l < num_layer - 1:
            hl = jnp.maximum(hl, 0.0)
        h = hl
    # JK == 'last'
    return h

if __name__ == "__main__":
    import jax
    _d = setup_inputs()
    print(jax.jit(kernel)(*tuple(_d.values())))

</pallas_src>

<mosaic_0001>
#map = affine_map<(d0, d1) -> (0, 0, 0)>
#map1 = affine_map<(d0, d1) -> (0)>
#map2 = affine_map<(d0, d1) -> (0, 0)>
module attributes {stable_mosaic.version = 14 : i64} {
  func.func @_sc_counts_body(%arg0: i32, %arg1: i32, %arg2: memref<32x80x128xi32, #tpu.memory_space<hbm>>, %arg3: memref<32x80x128xi32, #tpu.memory_space<hbm>>, %arg4: memref<32x80x128xi32, #tpu.memory_space<hbm>>, %arg5: memref<10240xf32, #tpu.memory_space<hbm>>, %arg6: memref<32x10240xf32, #tpu.memory_space<hbm>>, %arg7: memref<80x128xi32, #tpu.memory_space<vmem>>, %arg8: memref<80x128xi32, #tpu.memory_space<vmem>>, %arg9: memref<80x128xi32, #tpu.memory_space<vmem>>, %arg10: memref<128xi32, #tpu.memory_space<vmem>>, %arg11: memref<128xi32, #tpu.memory_space<vmem>>, %arg12: memref<128xf32, #tpu.memory_space<vmem>>, %arg13: memref<163840xf32, #tpu.memory_space<vmem_shared>>) attributes {dimension_semantics = [#tpu.dimension_semantics<core_parallel>, #tpu.dimension_semantics<subcore_parallel>], iteration_bounds = array<i64: 2, 16>, scalar_prefetch = 0 : i64, scratch_operands = 7 : i64, tpu.core_type = #tpu.core_type<sc_vector_subcore>, window_params = [{transform_indices = #map}, {transform_indices = #map}, {transform_indices = #map}, {transform_indices = #map1}, {transform_indices = #map2}]} {
    %mul3A = arith.constant 16 : i32
    %mul3A_0 = arith.muli %arg0, %mul3A : i32
    %add3A = arith.addi %mul3A_0, %arg1 : i32
    "tpu.region"() ({
      %run_scoped3A = tpu.sem_alloc : memref<!tpu.dma_semaphore, #tpu.memory_space<semaphore_mem>>
      %dma_start3A = arith.constant 0 : i32
      %dma_start3A_56 = arith.constant 0 : i32
      %dma_start3A_57 = tpu.memref_slice %arg2[%add3A, %dma_start3A, %dma_start3A_56] : memref<32x80x128xi32, #tpu.memory_space<hbm>> -> memref<1x80x128xi32, #tpu.memory_space<hbm>>
      %dma_start3A_58 = tpu.memref_squeeze %dma_start3A_57 : memref<1x80x128xi32, #tpu.memory_space<hbm>> -> memref<80x128xi32, #tpu.memory_space<hbm>>
      %dma_start3A_59 = arith.constant 0 : i32
      %dma_start3A_60 = arith.constant 0 : i32
      %dma_start3A_61 = tpu.memref_slice %arg2[%add3A, %dma_start3A_59, %dma_start3A_60] : memref<32x80x128xi32, #tpu.memory_space<hbm>> -> memref<1x80x128xi32, #tpu.memory_space<hbm>>
      %dma_start3A_62 = tpu.memref_squeeze %dma_start3A_61 : memref<1x80x128xi32, #tpu.memory_space<hbm>> -> memref<80x128xi32, #tpu.memory_space<hbm>>
      tpu.enqueue_dma source(%dma_start3A_62 : memref<80x128xi32, #tpu.memory_space<hbm>>) target(%arg7 : memref<80x128xi32, #tpu.memory_space<vmem>>) target_semaphore(%run_scoped3A : memref<!tpu.dma_semaphore, #tpu.memory_space<semaphore_mem>>)
      %dma_wait3A = arith.constant 0 : i32
      %dma_wait3A_63 = arith.constant 0 : i32
      %dma_wait3A_64 = tpu.memref_slice %arg2[%add3A, %dma_wait3A, %dma_wait3A_63] : memref<32x80x128xi32, #tpu.memory_space<hbm>> -> memref<1x80x128xi32, #tpu.memory_space<hbm>>
      %dma_wait3A_65 = tpu.memref_squeeze %dma_wait3A_64 : memref<1x80x128xi32, #tpu.memory_space<hbm>> -> memref<80x128xi32, #tpu.memory_space<hbm>>
      %dma_wait3A_66 = arith.constant 0 : i32
      %dma_wait3A_67 = arith.constant 0 : i32
      %dma_wait3A_68 = tpu.memref_slice %arg2[%add3A, %dma_wait3A_66, %dma_wait3A_67] : memref<32x80x128xi32, #tpu.memory_space<hbm>> -> memref<1x80x128xi32, #tpu.memory_space<hbm>>
      %dma_wait3A_69 = tpu.memref_squeeze %dma_wait3A_68 : memref<1x80x128xi32, #tpu.memory_space<hbm>> -> memref<80x128xi32, #tpu.memory_space<hbm>>
      tpu.wait_dma2 semaphore(%run_scoped3A : memref<!tpu.dma_semaphore, #tpu.memory_space<semaphore_mem>>) src(%dma_wait3A_69 : memref<80x128xi32, #tpu.memory_space<hbm>>) dst(%arg7 : memref<80x128xi32, #tpu.memory_space<vmem>>)
      tpu.yield
    }) : () -> ()
    "tpu.region"() ({
      %run_scoped3A = tpu.sem_alloc : memref<!tpu.dma_semaphore, #tpu.memory_space<semaphore_mem>>
      %dma_start3A = arith.constant 0 : i32
      %dma_start3A_56 = arith.constant 0 : i32
      %dma_start3A_57 = tpu.memref_slice %arg3[%add3A, %dma_start3A, %dma_start3A_56] : memref<32x80x128xi32, #tpu.memory_space<hbm>> -> memref<1x80x128xi32, #tpu.memory_space<hbm>>
      %dma_start3A_58 = tpu.memref_squeeze %dma_start3A_57 : memref<1x80x128xi32, #tpu.memory_space<hbm>> -> memref<80x128xi32, #tpu.memory_space<hbm>>
      %dma_start3A_59 = arith.constant 0 : i32
      %dma_start3A_60 = arith.constant 0 : i32
      %dma_start3A_61 = tpu.memref_slice %arg3[%add3A, %dma_start3A_59, %dma_start3A_60] : memref<32x80x128xi32, #tpu.memory_space<hbm>> -> memref<1x80x128xi32, #tpu.memory_space<hbm>>
      %dma_start3A_62 = tpu.memref_squeeze %dma_start3A_61 : memref<1x80x128xi32, #tpu.memory_space<hbm>> -> memref<80x128xi32, #tpu.memory_space<hbm>>
      tpu.enqueue_dma source(%dma_start3A_62 : memref<80x128xi32, #tpu.memory_space<hbm>>) target(%arg8 : memref<80x128xi32, #tpu.memory_space<vmem>>) target_semaphore(%run_scoped3A : memref<!tpu.dma_semaphore, #tpu.memory_space<semaphore_mem>>)
      %dma_wait3A = arith.constant 0 : i32
      %dma_wait3A_63 = arith.constant 0 : i32
      %dma_wait3A_64 = tpu.memref_slice %arg3[%add3A, %dma_wait3A, %dma_wait3A_63] : memref<32x80x128xi32, #tpu.memory_space<hbm>> -> memref<1x80x128xi32, #tpu.memory_space<hbm>>
      %dma_wait3A_65 = tpu.memref_squeeze %dma_wait3A_64 : memref<1x80x128xi32, #tpu.memory_space<hbm>> -> memref<80x128xi32, #tpu.memory_space<hbm>>
      %dma_wait3A_66 = arith.constant 0 : i32
      %dma_wait3A_67 = arith.constant 0 : i32
      %dma_wait3A_68 = tpu.memref_slice %arg3[%add3A, %dma_wait3A_66, %dma_wait3A_67] : memref<32x80x128xi32, #tpu.memory_space<hbm>> -> memref<1x80x128xi32, #tpu.memory_space<hbm>>
      %dma_wait3A_69 = tpu.memref_squeeze %dma_wait3A_68 : memref<1x80x128xi32, #tpu.memory_space<hbm>> -> memref<80x128xi32, #tpu.memory_space<hbm>>
      tpu.wait_dma2 semaphore(%run_scoped3A : memref<!tpu.dma_semaphore, #tpu.memory_space<semaphore_mem>>) src(%dma_wait3A_69 : memref<80x128xi32, #tpu.memory_space<hbm>>) dst(%arg8 : memref<80x128xi32, #tpu.memory_space<vmem>>)
      tpu.yield
    }) : () -> ()
    "tpu.region"() ({
      %run_scoped3A = tpu.sem_alloc : memref<!tpu.dma_semaphore, #tpu.memory_space<semaphore_mem>>
      %dma_start3A = arith.constant 0 : i32
      %dma_start3A_56 = arith.constant 0 : i32
      %dma_start3A_57 = tpu.memref_slice %arg4[%add3A, %dma_start3A, %dma_start3A_56] : memref<32x80x128xi32, #tpu.memory_space<hbm>> -> memref<1x80x128xi32, #tpu.memory_space<hbm>>
      %dma_start3A_58 = tpu.memref_squeeze %dma_start3A_57 : memref<1x80x128xi32, #tpu.memory_space<hbm>> -> memref<80x128xi32, #tpu.memory_space<hbm>>
      %dma_start3A_59 = arith.constant 0 : i32
      %dma_start3A_60 = arith.constant 0 : i32
      %dma_start3A_61 = tpu.memref_slice %arg4[%add3A, %dma_start3A_59, %dma_start3A_60] : memref<32x80x128xi32, #tpu.memory_space<hbm>> -> memref<1x80x128xi32, #tpu.memory_space<hbm>>
      %dma_start3A_62 = tpu.memref_squeeze %dma_start3A_61 : memref<1x80x128xi32, #tpu.memory_space<hbm>> -> memref<80x128xi32, #tpu.memory_space<hbm>>
      tpu.enqueue_dma source(%dma_start3A_62 : memref<80x128xi32, #tpu.memory_space<hbm>>) target(%arg9 : memref<80x128xi32, #tpu.memory_space<vmem>>) target_semaphore(%run_scoped3A : memref<!tpu.dma_semaphore, #tpu.memory_space<semaphore_mem>>)
      %dma_wait3A = arith.constant 0 : i32
      %dma_wait3A_63 = arith.constant 0 : i32
      %dma_wait3A_64 = tpu.memref_slice %arg4[%add3A, %dma_wait3A, %dma_wait3A_63] : memref<32x80x128xi32, #tpu.memory_space<hbm>> -> memref<1x80x128xi32, #tpu.memory_space<hbm>>
      %dma_wait3A_65 = tpu.memref_squeeze %dma_wait3A_64 : memref<1x80x128xi32, #tpu.memory_space<hbm>> -> memref<80x128xi32, #tpu.memory_space<hbm>>
      %dma_wait3A_66 = arith.constant 0 : i32
      %dma_wait3A_67 = arith.constant 0 : i32
      %dma_wait3A_68 = tpu.memref_slice %arg4[%add3A, %dma_wait3A_66, %dma_wait3A_67] : memref<32x80x128xi32, #tpu.memory_space<hbm>> -> memref<1x80x128xi32, #tpu.memory_space<hbm>>
      %dma_wait3A_69 = tpu.memref_squeeze %dma_wait3A_68 : memref<1x80x128xi32, #tpu.memory_space<hbm>> -> memref<80x128xi32, #tpu.memory_space<hbm>>
      tpu.wait_dma2 semaphore(%run_scoped3A : memref<!tpu.dma_semaphore, #tpu.memory_space<semaphore_mem>>) src(%dma_wait3A_69 : memref<80x128xi32, #tpu.memory_space<hbm>>) dst(%arg9 : memref<80x128xi32, #tpu.memory_space<vmem>>)
      tpu.yield
    }) : () -> ()
    %mul3A_1 = arith.constant 10240 : i32
    %mul3A_2 = arith.muli %arg1, %mul3A_1 : i32
    "tpu.region"() ({
      %run_scoped3A = tpu.sem_alloc : memref<!tpu.dma_semaphore, #tpu.memory_space<semaphore_mem>>
      %dma_start3A = tpu.memref_slice %arg13[%mul3A_2] : memref<163840xf32, #tpu.memory_space<vmem_shared>> -> memref<10240xf32, #tpu.memory_space<vmem_shared>>
      tpu.enqueue_dma source(%arg5 : memref<10240xf32, #tpu.memory_space<hbm>>) target(%dma_start3A : memref<10240xf32, #tpu.memory_space<vmem_shared>>) target_semaphore(%run_scoped3A : memref<!tpu.dma_semaphore, #tpu.memory_space<semaphore_mem>>)
      %dma_wait3A = tpu.memref_slice %arg13[%mul3A_2] : memref<163840xf32, #tpu.memory_space<vmem_shared>> -> memref<10240xf32, #tpu.memory_space<vmem_shared>>
      tpu.wait_dma2 semaphore(%run_scoped3A : memref<!tpu.dma_semaphore, #tpu.memory_space<semaphore_mem>>) src(%arg5 : memref<10240xf32, #tpu.memory_space<hbm>>) dst(%dma_wait3A : memref<10240xf32, #tpu.memory_space<vmem_shared>>)
      tpu.yield
    }) : () -> ()
    %broadcast_in_dim3A = arith.constant 1.000000e+00 : f32
    %broadcast_in_dim3A_3 = vector.broadcast %broadcast_in_dim3A : f32 to vector<16xf32>
    %swap3A = arith.constant 0 : index
    %swap3A_4 = tpu.vector_load %arg12[%swap3A] {strides = array<i32>} : memref<128xf32, #tpu.memory_space<vmem>>, vector<16xf32>,
    %swap3A_5 = vector.shape_cast %swap3A_4 : vector<16xf32> to vector<16xf32>
    %swap3A_6 = vector.shape_cast %broadcast_in_dim3A_3 : vector<16xf32> to vector<16xf32>
    tpu.vector_store %arg12[%swap3A], %swap3A_6 {strides = array<i32>} : memref<128xf32, #tpu.memory_space<vmem>>, vector<16xf32>,
    %broadcast_in_dim3A_7 = arith.constant 1.000000e+00 : f32
    %broadcast_in_dim3A_8 = vector.broadcast %broadcast_in_dim3A_7 : f32 to vector<16xf32>
    %swap3A_9 = arith.constant 16 : index
    %swap3A_10 = tpu.vector_load %arg12[%swap3A_9] {strides = array<i32>} : memref<128xf32, #tpu.memory_space<vmem>>, vector<16xf32>,
    %swap3A_11 = vector.shape_cast %swap3A_10 : vector<16xf32> to vector<16xf32>
    %swap3A_12 = vector.shape_cast %broadcast_in_dim3A_8 : vector<16xf32> to vector<16xf32>
    tpu.vector_store %arg12[%swap3A_9], %swap3A_12 {strides = array<i32>} : memref<128xf32, #tpu.memory_space<vmem>>, vector<16xf32>,
    %broadcast_in_dim3A_13 = arith.constant 1.000000e+00 : f32
    %broadcast_in_dim3A_14 = vector.broadcast %broadcast_in_dim3A_13 : f32 to vector<16xf32>
    %swap3A_15 = arith.constant 32 : index
    %swap3A_16 = tpu.vector_load %arg12[%swap3A_15] {strides = array<i32>} : memref<128xf32, #tpu.memory_space<vmem>>, vector<16xf32>,
    %swap3A_17 = vector.shape_cast %swap3A_16 : vector<16xf32> to vector<16xf32>
    %swap3A_18 = vector.shape_cast %broadcast_in_dim3A_14 : vector<16xf32> to vector<16xf32>
    tpu.vector_store %arg12[%swap3A_15], %swap3A_18 {strides = array<i32>} : memref<128xf32, #tpu.memory_space<vmem>>, vector<16xf32>,
    %broadcast_in_dim3A_19 = arith.constant 1.000000e+00 : f32
    %broadcast_in_dim3A_20 = vector.broadcast %broadcast_in_dim3A_19 : f32 to vector<16xf32>
    %swap3A_21 = arith.constant 48 : index
    %swap3A_22 = tpu.vector_load %arg12[%swap3A_21] {strides = array<i32>} : memref<128xf32, #tpu.memory_space<vmem>>, vector<16xf32>,
    %swap3A_23 = vector.shape_cast %swap3A_22 : vector<16xf32> to vector<16xf32>
    %swap3A_24 = vector.shape_cast %broadcast_in_dim3A_20 : vector<16xf32> to vector<16xf32>
    tpu.vector_store %arg12[%swap3A_21], %swap3A_24 {strides = array<i32>} : memref<128xf32, #tpu.memory_space<vmem>>, vector<16xf32>,
    %broadcast_in_dim3A_25 = arith.constant 1.000000e+00 : f32
    %broadcast_in_dim3A_26 = vector.broadcast %broadcast_in_dim3A_25 : f32 to vector<16xf32>
    %swap3A_27 = arith.constant 64 : index
    %swap3A_28 = tpu.vector_load %arg12[%swap3A_27] {strides = array<i32>} : memref<128xf32, #tpu.memory_space<vmem>>, vector<16xf32>,
    %swap3A_29 = vector.shape_cast %swap3A_28 : vector<16xf32> to vector<16xf32>
    %swap3A_30 = vector.shape_cast %broadcast_in_dim3A_26 : vector<16xf32> to vector<16xf32>
    tpu.vector_store %arg12[%swap3A_27], %swap3A_30 {strides = array<i32>} : memref<128xf32, #tpu.memory_space<vmem>>, vector<16xf32>,
    %broadcast_in_dim3A_31 = arith.constant 1.000000e+00 : f32
    %broadcast_in_dim3A_32 = vector.broadcast %broadcast_in_dim3A_31 : f32 to vector<16xf32>
    %swap3A_33 = arith.constant 80 : index
    %swap3A_34 = tpu.vector_load %arg12[%swap3A_33] {strides = array<i32>} : memref<128xf32, #tpu.memory_space<vmem>>, vector<16xf32>,
    %swap3A_35 = vector.shape_cast %swap3A_34 : vector<16xf32> to vector<16xf32>
    %swap3A_36 = vector.shape_cast %broadcast_in_dim3A_32 : vector<16xf32> to vector<16xf32>
    tpu.vector_store %arg12[%swap3A_33], %swap3A_36 {strides = array<i32>} : memref<128xf32, #tpu.memory_space<vmem>>, vector<16xf32>,
    %broadcast_in_dim3A_37 = arith.constant 1.000000e+00 : f32
    %broadcast_in_dim3A_38 = vector.broadcast %broadcast_in_dim3A_37 : f32 to vector<16xf32>
    %swap3A_39 = arith.constant 96 : index
    %swap3A_40 = tpu.vector_load %arg12[%swap3A_39] {strides = array<i32>} : memref<128xf32, #tpu.memory_space<vmem>>, vector<16xf32>,
    %swap3A_41 = vector.shape_cast %swap3A_40 : vector<16xf32> to vector<16xf32>
    %swap3A_42 = vector.shape_cast %broadcast_in_dim3A_38 : vector<16xf32> to vector<16xf32>
    tpu.vector_store %arg12[%swap3A_39], %swap3A_42 {strides = array<i32>} : memref<128xf32, #tpu.memory_space<vmem>>, vector<16xf32>,
    %broadcast_in_dim3A_43 = arith.constant 1.000000e+00 : f32
    %broadcast_in_dim3A_44 = vector.broadcast %broadcast_in_dim3A_43 : f32 to vector<16xf32>
    %swap3A_45 = arith.constant 112 : index
    %swap3A_46 = tpu.vector_load %arg12[%swap3A_45] {strides = array<i32>} : memref<128xf32, #tpu.memory_space<vmem>>, vector<16xf32>,
    %swap3A_47 = vector.shape_cast %swap3A_46 : vector<16xf32> to vector<16xf32>
    %swap3A_48 = vector.shape_cast %broadcast_in_dim3A_44 : vector<16xf32> to vector<16xf32>
    tpu.vector_store %arg12[%swap3A_45], %swap3A_48 {strides = array<i32>} : memref<128xf32, #tpu.memory_space<vmem>>, vector<16xf32>,
    %barrier3A = arith.constant 0 : index
    tpu.barrier barrier_id(%barrier3A)
    %scan3A = arith.constant 0 : i32
    %scan3A_49 = arith.constant 80 : i32
    %scan3A_50 = arith.addi %scan3A, %scan3A_49 : i32
    %scan3A_51 = arith.constant 1 : i32
    scf.for %scan3A_56 = %scan3A to %scan3A_50 step %scan3A_51  : i32 {
      %get3A = arith.index_cast %scan3A_56 : i32 to index
      %get3A_57 = arith.constant 0 : index
      %get3A_58 = tpu.vector_load %arg7[%get3A, %get3A_57] {strides = array<i32>} : memref<80x128xi32, #tpu.memory_space<vmem>>, vector<1x16xi32>,
      %get3A_59 = vector.shape_cast %get3A_58 : vector<1x16xi32> to vector<16xi32>
      %mul3A_60 = arith.constant 16 : i32
      %mul3A_61 = vector.broadcast %mul3A_60 : i32 to vector<16xi32>
      %mul3A_62 = arith.muli %get3A_59, %mul3A_61 : vector<16xi32>
      %get3A_63 = arith.index_cast %scan3A_56 : i32 to index
      %get3A_64 = arith.constant 0 : index
      %get3A_65 = tpu.vector_load %arg8[%get3A_63, %get3A_64] {strides = array<i32>} : memref<80x128xi32, #tpu.memory_space<vmem>>, vector<1x16xi32>,
      %get3A_66 = vector.shape_cast %get3A_65 : vector<1x16xi32> to vector<16xi32>
      %add3A_67 = arith.addi %mul3A_62, %get3A_66 : vector<16xi32>
      %swap3A_68 = arith.constant 0 : index
      %swap3A_69 = tpu.vector_load %arg10[%swap3A_68] {strides = array<i32>} : memref<128xi32, #tpu.memory_space<vmem>>, vector<16xi32>,
      %swap3A_70 = vector.shape_cast %swap3A_69 : vector<16xi32> to vector<16xi32>
      %swap3A_71 = vector.shape_cast %add3A_67 : vector<16xi32> to vector<16xi32>
      tpu.vector_store %arg10[%swap3A_68], %swap3A_71 {strides = array<i32>} : memref<128xi32, #tpu.memory_space<vmem>>, vector<16xi32>,
      %get3A_72 = arith.index_cast %scan3A_56 : i32 to index
      %get3A_73 = arith.constant 0 : index
      %get3A_74 = tpu.vector_load %arg9[%get3A_72, %get3A_73] {strides = array<i32>} : memref<80x128xi32, #tpu.memory_space<vmem>>, vector<1x16xi32>,
      %get3A_75 = vector.shape_cast %get3A_74 : vector<1x16xi32> to vector<16xi32>
      %add3A_76 = arith.constant 8 : i32
      %add3A_77 = vector.broadcast %add3A_76 : i32 to vector<16xi32>
      %add3A_78 = arith.addi %get3A_75, %add3A_77 : vector<16xi32>
      %add3A_79 = arith.addi %mul3A_62, %add3A_78 : vector<16xi32>
      %swap3A_80 = arith.constant 0 : index
      %swap3A_81 = tpu.vector_load %arg11[%swap3A_80] {strides = array<i32>} : memref<128xi32, #tpu.memory_space<vmem>>, vector<16xi32>,
      %swap3A_82 = vector.shape_cast %swap3A_81 : vector<16xi32> to vector<16xi32>
      %swap3A_83 = vector.shape_cast %add3A_79 : vector<16xi32> to vector<16xi32>
      tpu.vector_store %arg11[%swap3A_80], %swap3A_83 {strides = array<i32>} : memref<128xi32, #tpu.memory_space<vmem>>, vector<16xi32>,
      %get3A_84 = arith.index_cast %scan3A_56 : i32 to index
      %get3A_85 = arith.constant 16 : index
      %get3A_86 = tpu.vector_load %arg7[%get3A_84, %get3A_85] {strides = array<i32>} : memref<80x128xi32, #tpu.memory_space<vmem>>, vector<1x16xi32>,
      %get3A_87 = vector.shape_cast %get3A_86 : vector<1x16xi32> to vector<16xi32>
      %mul3A_88 = arith.constant 16 : i32
      %mul3A_89 = vector.broadcast %mul3A_88 : i32 to vector<16xi32>
      %mul3A_90 = arith.muli %get3A_87, %mul3A_89 : vector<16xi32>
      %get3A_91 = arith.index_cast %scan3A_56 : i32 to index
      %get3A_92 = arith.constant 16 : index
      %get3A_93 = tpu.vector_load %arg8[%get3A_91, %get3A_92] {strides = array<i32>} : memref<80x128xi32, #tpu.memory_space<vmem>>, vector<1x16xi32>,
      %get3A_94 = vector.shape_cast %get3A_93 : vector<1x16xi32> to vector<16xi32>
      %add3A_95 = arith.addi %mul3A_90, %get3A_94 : vector<16xi32>
      %swap3A_96 = arith.constant 16 : index
      %swap3A_97 = tpu.vector_load %arg10[%swap3A_96] {strides = array<i32>} : memref<128xi32, #tpu.memory_space<vmem>>, vector<16xi32>,
      %swap3A_98 = vector.shape_cast %swap3A_97 : vector<16xi32> to vector<16xi32>
      %swap3A_99 = vector.shape_cast %add3A_95 : vector<16xi32> to vector<16xi32>
      tpu.vector_store %arg10[%swap3A_96], %swap3A_99 {strides = array<i32>} : memref<128xi32, #tpu.memory_space<vmem>>, vector<16xi32>,
      %get3A_100 = arith.index_cast %scan3A_56 : i32 to index
      %get3A_101 = arith.constant 16 : index
      %get3A_102 = tpu.vector_load %arg9[%get3A_100, %get3A_101] {strides = array<i32>} : memref<80x128xi32, #tpu.memory_space<vmem>>, vector<1x16xi32>,
      %get3A_103 = vector.shape_cast %get3A_102 : vector<1x16xi32> to vector<16xi32>
      %add3A_104 = arith.constant 8 : i32
      %add3A_105 = vector.broadcast %add3A_104 : i32 to vector<16xi32>
      %add3A_106 = arith.addi %get3A_103, %add3A_105 : vector<16xi32>
      %add3A_107 = arith.addi %mul3A_90, %add3A_106 : vector<16xi32>
      %swap3A_108 = arith.constant 16 : index
      %swap3A_109 = tpu.vector_load %arg11[%swap3A_108] {strides = array<i32>} : memref<128xi32, #tpu.memory_space<vmem>>, vector<16xi32>,
      %swap3A_110 = vector.shape_cast %swap3A_109 : vector<16xi32> to vector<16xi32>
      %swap3A_111 = vector.shape_cast %add3A_107 : vector<16xi32> to vector<16xi32>
      tpu.vector_store %arg11[%swap3A_108], %swap3A_111 {strides = array<i32>} : memref<128xi32, #tpu.memory_space<vmem>>, vector<16xi32>,
      %get3A_112 = arith.index_cast %scan3A_56 : i32 to index
      %get3A_113 = arith.constant 32 : index
      %get3A_114 = tpu.vector_load %arg7[%get3A_112, %get3A_113] {strides = array<i32>} : memref<80x128xi32, #tpu.memory_space<vmem>>, vector<1x16xi32>,
      %get3A_115 = vector.shape_cast %get3A_114 : vector<1x16xi32> to vector<16xi32>
      %mul3A_116 = arith.constant 16 : i32
      %mul3A_117 = vector.broadcast %mul3A_116 : i32 to vector<16xi32>
      %mul3A_118 = arith.muli %get3A_115, %mul3A_117 : vector<16xi32>
      %get3A_119 = arith.index_cast %scan3A_56 : i32 to index
      %get3A_120 = arith.constant 32 : index
      %get3A_121 = tpu.vector_load %arg8[%get3A_119, %get3A_120] {strides = array<i32>} : memref<80x128xi32, #tpu.memory_space<vmem>>, vector<1x16xi32>,
      %get3A_122 = vector.shape_cast %get3A_121 : vector<1x16xi32> to vector<16xi32>
      %add3A_123 = arith.addi %mul3A_118, %get3A_122 : vector<16xi32>
      %swap3A_124 = arith.constant 32 : index
      %swap3A_125 = tpu.vector_load %arg10[%swap3A_124] {strides = array<i32>} : memref<128xi32, #tpu.memory_space<vmem>>, vector<16xi32>,
      %swap3A_126 = vector.shape_cast %swap3A_125 : vector<16xi32> to vector<16xi32>
      %swap3A_127 = vector.shape_cast %add3A_123 : vector<16xi32> to vector<16xi32>
      tpu.vector_store %arg10[%swap3A_124], %swap3A_127 {strides = array<i32>} : memref<128xi32, #tpu.memory_space<vmem>>, vector<16xi32>,
      %get3A_128 = arith.index_cast %scan3A_56 : i32 to index
      %get3A_129 = arith.constant 32 : index
      %get3A_130 = tpu.vector_load %arg9[%get3A_128, %get3A_129] {strides = array<i32>} : memref<80x128xi32, #tpu.memory_space<vmem>>, vector<1x16xi32>,
      %get3A_131 = vector.shape_cast %get3A_130 : vector<1x16xi32> to vector<16xi32>
      %add3A_132 = arith.constant 8 : i32
      %add3A_133 = vector.broadcast %add3A_132 : i32 to vector<16xi32>
      %add3A_134 = arith.addi %get3A_131, %add3A_133 : vector<16xi32>
      %add3A_135 = arith.addi %mul3A_118, %add3A_134 : vector<16xi32>
      %swap3A_136 = arith.constant 32 : index
      %swap3A_137 = tpu.vector_load %arg11[%swap3A_136] {strides = array<i32>} : memref<128xi32, #tpu.memory_space<vmem>>, vector<16xi32>,
      %swap3A_138 = vector.shape_cast %swap3A_137 : vector<16xi32> to vector<16xi32>
      %swap3A_139 = vector.shape_cast %add3A_135 : vector<16xi32> to vector<16xi32>
      tpu.vector_store %arg11[%swap3A_136], %swap3A_139 {strides = array<i32>} : memref<128xi32, #tpu.memory_space<vmem>>, vector<16xi32>,
      %get3A_140 = arith.index_cast %scan3A_56 : i32 to index
      %get3A_141 = arith.constant 48 : index
      %get3A_142 = tpu.vector_load %arg7[%get3A_140, %get3A_141] {strides = array<i32>} : memref<80x128xi32, #tpu.memory_space<vmem>>, vector<1x16xi32>,
      %get3A_143 = vector.shape_cast %get3A_142 : vector<1x16xi32> to vector<16xi32>
      %mul3A_144 = arith.constant 16 : i32
      %mul3A_145 = vector.broadcast %mul3A_144 : i32 to vector<16xi32>
      %mul3A_146 = arith.muli %get3A_143, %mul3A_145 : vector<16xi32>
      %get3A_147 = arith.index_cast %scan3A_56 : i32 to index
      %get3A_148 = arith.constant 48 : index
      %get3A_149 = tpu.vector_load %arg8[%get3A_147, %get3A_148] {strides = array<i32>} : memref<80x128xi32, #tpu.memory_space<vmem>>, vector<1x16xi32>,
      %get3A_150 = vector.shape_cast %get3A_149 : vector<1x16xi32> to vector<16xi32>
      %add3A_151 = arith.addi %mul3A_146, %get3A_150 : vector<16xi32>
      %swap3A_152 = arith.constant 48 : index
      %swap3A_153 = tpu.vector_load %arg10[%swap3A_152] {strides = array<i32>} : memref<128xi32, #tpu.memory_space<vmem>>, vector<16xi32>,
      %swap3A_154 = vector.shape_cast %swap3A_153 : vector<16xi32> to vector<16xi32>
      %swap3A_155 = vector.shape_cast %add3A_151 : vector<16xi32> to vector<16xi32>
      tpu.vector_store %arg10[%swap3A_152], %swap3A_155 {strides = array<i32>} : memref<128xi32, #tpu.memory_space<vmem>>, vector<16xi32>,
      %get3A_156 = arith.index_cast %scan3A_56 : i32 to index
      %get3A_157 = arith.constant 48 : index
      %get3A_158 = tpu.vector_load %arg9[%get3A_156, %get3A_157] {strides = array<i32>} : memref<80x128xi32, #tpu.memory_space<vmem>>, vector<1x16xi32>,
      %get3A_159 = vector.shape_cast %get3A_158 : vector<1x16xi32> to vector<16xi32>
      %add3A_160 = arith.constant 8 : i32
      %add3A_161 = vector.broadcast %add3A_160 : i32 to vector<16xi32>
      %add3A_162 = arith.addi %get3A_159, %add3A_161 : vector<16xi32>
      %add3A_163 = arith.addi %mul3A_146, %add3A_162 : vector<16xi32>
      %swap3A_164 = arith.constant 48 : index
      %swap3A_165 = tpu.vector_load %arg11[%swap3A_164] {strides = array<i32>} : memref<128xi32, #tpu.memory_space<vmem>>, vector<16xi32>,
      %swap3A_166 = vector.shape_cast %swap3A_165 : vector<16xi32> to vector<16xi32>
      %swap3A_167 = vector.shape_cast %add3A_163 : vector<16xi32> to vector<16xi32>
      tpu.vector_store %arg11[%swap3A_164], %swap3A_167 {strides = array<i32>} : memref<128xi32, #tpu.memory_space<vmem>>, vector<16xi32>,
      %get3A_168 = arith.index_cast %scan3A_56 : i32 to index
      %get3A_169 = arith.constant 64 : index
      %get3A_170 = tpu.vector_load %arg7[%get3A_168, %get3A_169] {strides = array<i32>} : memref<80x128xi32, #tpu.memory_space<vmem>>, vector<1x16xi32>,
      %get3A_171 = vector.shape_cast %get3A_170 : vector<1x16xi32> to vector<16xi32>
      %mul3A_172 = arith.constant 16 : i32
      %mul3A_173 = vector.broadcast %mul3A_172 : i32 to vector<16xi32>
      %mul3A_174 = arith.muli %get3A_171, %mul3A_173 : vector<16xi32>
      %get3A_175 = arith.index_cast %scan3A_56 : i32 to index
      %get3A_176 = arith.constant 64 : index
      %get3A_177 = tpu.vector_load %arg8[%get3A_175, %get3A_176] {strides = array<i32>} : memref<80x128xi32, #tpu.memory_space<vmem>>, vector<1x16xi32>,
      %get3A_178 = vector.shape_cast %get3A_177 : vector<1x16xi32> to vector<16xi32>
      %add3A_179 = arith.addi %mul3A_174, %get3A_178 : vector<16xi32>
      %swap3A_180 = arith.constant 64 : index
      %swap3A_181 = tpu.vector_load %arg10[%swap3A_180] {strides = array<i32>} : memref<128xi32, #tpu.memory_space<vmem>>, vector<16xi32>,
      %swap3A_182 = vector.shape_cast %swap3A_181 : vector<16xi32> to vector<16xi32>
      %swap3A_183 = vector.shape_cast %add3A_179 : vector<16xi32> to vector<16xi32>
      tpu.vector_store %arg10[%swap3A_180], %swap3A_183 {strides = array<i32>} : memref<128xi32, #tpu.memory_space<vmem>>, vector<16xi32>,
      %get3A_184 = arith.index_cast %scan3A_56 : i32 to index
      %get3A_185 = arith.constant 64 : index
      %get3A_186 = tpu.vector_load %arg9[%get3A_184, %get3A_185] {strides = array<i32>} : memref<80x128xi32, #tpu.memory_space<vmem>>, vector<1x16xi32>,
      %get3A_187 = vector.shape_cast %get3A_186 : vector<1x16xi32> to vector<16xi32>
      %add3A_188 = arith.constant 8 : i32
      %add3A_189 = vector.broadcast %add3A_188 : i32 to vector<16xi32>
      %add3A_190 = arith.addi %get3A_187, %add3A_189 : vector<16xi32>
      %add3A_191 = arith.addi %mul3A_174, %add3A_190 : vector<16xi32>
      %swap3A_192 = arith.constant 64 : index
      %swap3A_193 = tpu.vector_load %arg11[%swap3A_192] {strides = array<i32>} : memref<128xi32, #tpu.memory_space<vmem>>, vector<16xi32>,
      %swap3A_194 = vector.shape_cast %swap3A_193 : vector<16xi32> to vector<16xi32>
      %swap3A_195 = vector.shape_cast %add3A_191 : vector<16xi32> to vector<16xi32>
      tpu.vector_store %arg11[%swap3A_192], %swap3A_195 {strides = array<i32>} : memref<128xi32, #tpu.memory_space<vmem>>, vector<16xi32>,
      %get3A_196 = arith.index_cast %scan3A_56 : i32 to index
      %get3A_197 = arith.constant 80 : index
      %get3A_198 = tpu.vector_load %arg7[%get3A_196, %get3A_197] {strides = array<i32>} : memref<80x128xi32, #tpu.memory_space<vmem>>, vector<1x16xi32>,
      %get3A_199 = vector.shape_cast %get3A_198 : vector<1x16xi32> to vector<16xi32>
      %mul3A_200 = arith.constant 16 : i32
      %mul3A_201 = vector.broadcast %mul3A_200 : i32 to vector<16xi32>
      %mul3A_202 = arith.muli %get3A_199, %mul3A_201 : vector<16xi32>
      %get3A_203 = arith.index_cast %scan3A_56 : i32 to index
      %get3A_204 = arith.constant 80 : index
      %get3A_205 = tpu.vector_load %arg8[%get3A_203, %get3A_204] {strides = array<i32>} : memref<80x128xi32, #tpu.memory_space<vmem>>, vector<1x16xi32>,
      %get3A_206 = vector.shape_cast %get3A_205 : vector<1x16xi32> to vector<16xi32>
      %add3A_207 = arith.addi %mul3A_202, %get3A_206 : vector<16xi32>
      %swap3A_208 = arith.constant 80 : index
      %swap3A_209 = tpu.vector_load %arg10[%swap3A_208] {strides = array<i32>} : memref<128xi32, #tpu.memory_space<vmem>>, vector<16xi32>,
      %swap3A_210 = vector.shape_cast %swap3A_209 : vector<16xi32> to vector<16xi32>
      %swap3A_211 = vector.shape_cast %add3A_207 : vector<16xi32> to vector<16xi32>
      tpu.vector_store %arg10[%swap3A_208], %swap3A_211 {strides = array<i32>} : memref<128xi32, #tpu.memory_space<vmem>>, vector<16xi32>,
      %get3A_212 = arith.index_cast %scan3A_56 : i32 to index
      %get3A_213 = arith.constant 80 : index
      %get3A_214 = tpu.vector_load %arg9[%get3A_212, %get3A_213] {strides = array<i32>} : memref<80x128xi32, #tpu.memory_space<vmem>>, vector<1x16xi32>,
      %get3A_215 = vector.shape_cast %get3A_214 : vector<1x16xi32> to vector<16xi32>
      %add3A_216 = arith.constant 8 : i32
      %add3A_217 = vector.broadcast %add3A_216 : i32 to vector<16xi32>
      %add3A_218 = arith.addi %get3A_215, %add3A_217 : vector<16xi32>
      %add3A_219 = arith.addi %mul3A_202, %add3A_218 : vector<16xi32>
      %swap3A_220 = arith.constant 80 : index
      %swap3A_221 = tpu.vector_load %arg11[%swap3A_220] {strides = array<i32>} : memref<128xi32, #tpu.memory_space<vmem>>, vector<16xi32>,
      %swap3A_222 = vector.shape_cast %swap3A_221 : vector<16xi32> to vector<16xi32>
      %swap3A_223 = vector.shape_cast %add3A_219 : vector<16xi32> to vector<16xi32>
      tpu.vector_store %arg11[%swap3A_220], %swap3A_223 {strides = array<i32>} : memref<128xi32, #tpu.memory_space<vmem>>, vector<16xi32>,
      %get3A_224 = arith.index_cast %scan3A_56 : i32 to index
      %get3A_225 = arith.constant 96 : index
      %get3A_226 = tpu.vector_load %arg7[%get3A_224, %get3A_225] {strides = array<i32>} : memref<80x128xi32, #tpu.memory_space<vmem>>, vector<1x16xi32>,
      %get3A_227 = vector.shape_cast %get3A_226 : vector<1x16xi32> to vector<16xi32>
      %mul3A_228 = arith.constant 16 : i32
      %mul3A_229 = vector.broadcast %mul3A_228 : i32 to vector<16xi32>
      %mul3A_230 = arith.muli %get3A_227, %mul3A_229 : vector<16xi32>
      %get3A_231 = arith.index_cast %scan3A_56 : i32 to index
      %get3A_232 = arith.constant 96 : index
      %get3A_233 = tpu.vector_load %arg8[%get3A_231, %get3A_232] {strides = array<i32>} : memref<80x128xi32, #tpu.memory_space<vmem>>, vector<1x16xi32>,
      %get3A_234 = vector.shape_cast %get3A_233 : vector<1x16xi32> to vector<16xi32>
      %add3A_235 = arith.addi %mul3A_230, %get3A_234 : vector<16xi32>
      %swap3A_236 = arith.constant 96 : index
      %swap3A_237 = tpu.vector_load %arg10[%swap3A_236] {strides = array<i32>} : memref<128xi32, #tpu.memory_space<vmem>>, vector<16xi32>,
      %swap3A_238 = vector.shape_cast %swap3A_237 : vector<16xi32> to vector<16xi32>
      %swap3A_239 = vector.shape_cast %add3A_235 : vector<16xi32> to vector<16xi32>
      tpu.vector_store %arg10[%swap3A_236], %swap3A_239 {strides = array<i32>} : memref<128xi32, #tpu.memory_space<vmem>>, vector<16xi32>,
      %get3A_240 = arith.index_cast %scan3A_56 : i32 to index
      %get3A_241 = arith.constant 96 : index
      %get3A_242 = tpu.vector_load %arg9[%get3A_240, %get3A_241] {strides = array<i32>} : memref<80x128xi32, #tpu.memory_space<vmem>>, vector<1x16xi32>,
      %get3A_243 = vector.shape_cast %get3A_242 : vector<1x16xi32> to vector<16xi32>
      %add3A_244 = arith.constant 8 : i32
      %add3A_245 = vector.broadcast %add3A_244 : i32 to vector<16xi32>
      %add3A_246 = arith.addi %get3A_243, %add3A_245 : vector<16xi32>
      %add3A_247 = arith.addi %mul3A_230, %add3A_246 : vector<16xi32>
      %swap3A_248 = arith.constant 96 : index
      %swap3A_249 = tpu.vector_load %arg11[%swap3A_248] {strides = array<i32>} : memref<128xi32, #tpu.memory_space<vmem>>, vector<16xi32>,
      %swap3A_250 = vector.shape_cast %swap3A_249 : vector<16xi32> to vector<16xi32>
      %swap3A_251 = vector.shape_cast %add3A_247 : vector<16xi32> to vector<16xi32>
      tpu.vector_store %arg11[%swap3A_248], %swap3A_251 {strides = array<i32>} : memref<128xi32, #tpu.memory_space<vmem>>, vector<16xi32>,
      %get3A_252 = arith.index_cast %scan3A_56 : i32 to index
      %get3A_253 = arith.constant 112 : index
      %get3A_254 = tpu.vector_load %arg7[%get3A_252, %get3A_253] {strides = array<i32>} : memref<80x128xi32, #tpu.memory_space<vmem>>, vector<1x16xi32>,
      %get3A_255 = vector.shape_cast %get3A_254 : vector<1x16xi32> to vector<16xi32>
      %mul3A_256 = arith.constant 16 : i32
      %mul3A_257 = vector.broadcast %mul3A_256 : i32 to vector<16xi32>
      %mul3A_258 = arith.muli %get3A_255, %mul3A_257 : vector<16xi32>
      %get3A_259 = arith.index_cast %scan3A_56 : i32 to index
      %get3A_260 = arith.constant 112 : index
      %get3A_261 = tpu.vector_load %arg8[%get3A_259, %get3A_260] {strides = array<i32>} : memref<80x128xi32, #tpu.memory_space<vmem>>, vector<1x16xi32>,
      %get3A_262 = vector.shape_cast %get3A_261 : vector<1x16xi32> to vector<16xi32>
      %add3A_263 = arith.addi %mul3A_258, %get3A_262 : vector<16xi32>
      %swap3A_264 = arith.constant 112 : index
      %swap3A_265 = tpu.vector_load %arg10[%swap3A_264] {strides = array<i32>} : memref<128xi32, #tpu.memory_space<vmem>>, vector<16xi32>,
      %swap3A_266 = vector.shape_cast %swap3A_265 : vector<16xi32> to vector<16xi32>
      %swap3A_267 = vector.shape_cast %add3A_263 : vector<16xi32> to vector<16xi32>
      tpu.vector_store %arg10[%swap3A_264], %swap3A_267 {strides = array<i32>} : memref<128xi32, #tpu.memory_space<vmem>>, vector<16xi32>,
      %get3A_268 = arith.index_cast %scan3A_56 : i32 to index
      %get3A_269 = arith.constant 112 : index
      %get3A_270 = tpu.vector_load %arg9[%get3A_268, %get3A_269] {strides = array<i32>} : memref<80x128xi32, #tpu.memory_space<vmem>>, vector<1x16xi32>,
      %get3A_271 = vector.shape_cast %get3A_270 : vector<1x16xi32> to vector<16xi32>
      %add3A_272 = arith.constant 8 : i32
      %add3A_273 = vector.broadcast %add3A_272 : i32 to vector<16xi32>
      %add3A_274 = arith.addi %get3A_271, %add3A_273 : vector<16xi32>
      %add3A_275 = arith.addi %mul3A_258, %add3A_274 : vector<16xi32>
      %swap3A_276 = arith.constant 112 : index
      %swap3A_277 = tpu.vector_load %arg11[%swap3A_276] {strides = array<i32>} : memref<128xi32, #tpu.memory_space<vmem>>, vector<16xi32>,
      %swap3A_278 = vector.shape_cast %swap3A_277 : vector<16xi32> to vector<16xi32>
      %swap3A_279 = vector.shape_cast %add3A_275 : vector<16xi32> to vector<16xi32>
      tpu.vector_store %arg11[%swap3A_276], %swap3A_279 {strides = array<i32>} : memref<128xi32, #tpu.memory_space<vmem>>, vector<16xi32>,
      "tpu.region"() ({
        %run_scoped3A = tpu.sem_alloc : memref<!tpu.dma_semaphore, #tpu.memory_space<semaphore_mem>>
        %dma_start3A = arith.constant 0 : i32
        %dma_start3A_280 = tpu.memref_slice %arg13[%dma_start3A] : memref<163840xf32, #tpu.memory_space<vmem_shared>> -> memref<163840xf32, #tpu.memory_space<vmem_shared>>
        tpu.enqueue_indirect_dma source(%arg12 : memref<128xf32, #tpu.memory_space<vmem>>) target(%dma_start3A_280 : memref<163840xf32, #tpu.memory_space<vmem_shared>>) offsets(%arg10 : memref<128xi32, #tpu.memory_space<vmem>>) semaphore(%run_scoped3A : memref<!tpu.dma_semaphore, #tpu.memory_space<semaphore_mem>>) {add = true}
        %dma_wait3A = arith.constant 0 : i32
        %dma_wait3A_281 = tpu.memref_slice %arg13[%dma_wait3A] : memref<163840xf32, #tpu.memory_space<vmem_shared>> -> memref<163840xf32, #tpu.memory_space<vmem_shared>>
        tpu.wait_indirect_dma semaphore(%run_scoped3A : memref<!tpu.dma_semaphore, #tpu.memory_space<semaphore_mem>>) src(%arg12 : memref<128xf32, #tpu.memory_space<vmem>>) dst(%dma_wait3A_281 : memref<163840xf32, #tpu.memory_space<vmem_shared>>)
        tpu.yield
      }) : () -> ()
      "tpu.region"() ({
        %run_scoped3A = tpu.sem_alloc : memref<!tpu.dma_semaphore, #tpu.memory_space<semaphore_mem>>
        %dma_start3A = arith.constant 0 : i32
        %dma_start3A_280 = tpu.memref_slice %arg13[%dma_start3A] : memref<163840xf32, #tpu.memory_space<vmem_shared>> -> memref<163840xf32, #tpu.memory_space<vmem_shared>>
        tpu.enqueue_indirect_dma source(%arg12 : memref<128xf32, #tpu.memory_space<vmem>>) target(%dma_start3A_280 : memref<163840xf32, #tpu.memory_space<vmem_shared>>) offsets(%arg11 : memref<128xi32, #tpu.memory_space<vmem>>) semaphore(%run_scoped3A : memref<!tpu.dma_semaphore, #tpu.memory_space<semaphore_mem>>) {add = true}
        %dma_wait3A = arith.constant 0 : i32
        %dma_wait3A_281 = tpu.memref_slice %arg13[%dma_wait3A] : memref<163840xf32, #tpu.memory_space<vmem_shared>> -> memref<163840xf32, #tpu.memory_space<vmem_shared>>
        tpu.wait_indirect_dma semaphore(%run_scoped3A : memref<!tpu.dma_semaphore, #tpu.memory_space<semaphore_mem>>) src(%arg12 : memref<128xf32, #tpu.memory_space<vmem>>) dst(%dma_wait3A_281 : memref<163840xf32, #tpu.memory_space<vmem_shared>>)
        tpu.yield
      }) : () -> ()
    }
    %scan3A_52 = arith.constant 80 : i32
    %barrier3A_53 = arith.constant 0 : index
    tpu.barrier barrier_id(%barrier3A_53)
    %mul3A_54 = arith.constant 10240 : i32
    %mul3A_55 = arith.muli %arg1, %mul3A_54 : i32
    "tpu.region"() ({
      %run_scoped3A = tpu.sem_alloc : memref<!tpu.dma_semaphore, #tpu.memory_space<semaphore_mem>>
      %dma_start3A = arith.constant 0 : i32
      %dma_start3A_56 = tpu.memref_slice %arg6[%add3A, %dma_start3A] : memref<32x10240xf32, #tpu.memory_space<hbm>> -> memref<1x10240xf32, #tpu.memory_space<hbm>>
      %dma_start3A_57 = tpu.memref_squeeze %dma_start3A_56 : memref<1x10240xf32, #tpu.memory_space<hbm>> -> memref<10240xf32, #tpu.memory_space<hbm>>
      %dma_start3A_58 = tpu.memref_slice %arg13[%mul3A_55] : memref<163840xf32, #tpu.memory_space<vmem_shared>> -> memref<10240xf32, #tpu.memory_space<vmem_shared>>
      tpu.enqueue_dma source(%dma_start3A_58 : memref<10240xf32, #tpu.memory_space<vmem_shared>>) target(%dma_start3A_57 : memref<10240xf32, #tpu.memory_space<hbm>>) target_semaphore(%run_scoped3A : memref<!tpu.dma_semaphore, #tpu.memory_space<semaphore_mem>>)
      %dma_wait3A = arith.constant 0 : i32
      %dma_wait3A_59 = tpu.memref_slice %arg6[%add3A, %dma_wait3A] : memref<32x10240xf32, #tpu.memory_space<hbm>> -> memref<1x10240xf32, #tpu.memory_space<hbm>>
      %dma_wait3A_60 = tpu.memref_squeeze %dma_wait3A_59 : memref<1x10240xf32, #tpu.memory_space<hbm>> -> memref<10240xf32, #tpu.memory_space<hbm>>
      %dma_wait3A_61 = tpu.memref_slice %arg13[%mul3A_55] : memref<163840xf32, #tpu.memory_space<vmem_shared>> -> memref<10240xf32, #tpu.memory_space<vmem_shared>>
      tpu.wait_dma2 semaphore(%run_scoped3A : memref<!tpu.dma_semaphore, #tpu.memory_space<semaphore_mem>>) src(%dma_wait3A_61 : memref<10240xf32, #tpu.memory_space<vmem_shared>>) dst(%dma_wait3A_60 : memref<10240xf32, #tpu.memory_space<hbm>>)
      tpu.yield
    }) : () -> ()
    return
  }
}

#map = affine_map<(d0, d1) -> (0, 0)>
#map1 = affine_map<(d0, d1) -> (0, 0, 0, 0)>
#map2 = affine_map<(d0, d1) -> (0, 0, 0)>
module attributes {stable_mosaic.version = 14 : i64} {
  func.func @_sc_aggr_body(%arg0: i32, %arg1: i32, %arg2: memref<10000x128xf32, #tpu.memory_space<hbm>>, %arg3: memref<32x2x40x128xi32, #tpu.memory_space<hbm>>, %arg4: memref<32x2x40x128xi32, #tpu.memory_space<hbm>>, %arg5: memref<626x128xf32, #tpu.memory_space<hbm>>, %arg6: memref<32x626x128xf32, #tpu.memory_space<hbm>>, %arg7: memref<40x128xi32, #tpu.memory_space<vmem>>, %arg8: memref<40x128xi32, #tpu.memory_space<vmem>>, %arg9: memref<128x128xf32, #tpu.memory_space<vmem>>, %arg10: memref<128x128xf32, #tpu.memory_space<vmem>>, %arg11: memref<10016x128xf32, #tpu.memory_space<vmem_shared>>, %arg12: memref<!tpu.dma_semaphore, #tpu.memory_space<semaphore_mem>>, %arg13: memref<!tpu.dma_semaphore, #tpu.memory_space<semaphore_mem>>) attributes {dimension_semantics = [#tpu.dimension_semantics<core_parallel>, #tpu.dimension_semantics<subcore_parallel>], iteration_bounds = array<i64: 2, 16>, scalar_prefetch = 0 : i64, scratch_operands = 7 : i64, tpu.core_type = #tpu.core_type<sc_vector_subcore>, window_params = [{transform_indices = #map}, {transform_indices = #map1}, {transform_indices = #map1}, {transform_indices = #map}, {transform_indices = #map2}]} {
    %mul3A = arith.constant 16 : i32
    %mul3A_0 = arith.muli %arg0, %mul3A : i32
    %add3A = arith.addi %mul3A_0, %arg1 : i32
    %mul3A_1 = arith.constant 626 : i32
    %mul3A_2 = arith.muli %arg1, %mul3A_1 : i32
    "tpu.region"() ({
      %run_scoped3A_45 = tpu.sem_alloc : memref<!tpu.dma_semaphore, #tpu.memory_space<semaphore_mem>>
      %dma_start3A_46 = arith.constant 0 : i32
      %dma_start3A_47 = tpu.memref_slice %arg11[%mul3A_2, %dma_start3A_46] : memref<10016x128xf32, #tpu.memory_space<vmem_shared>> -> memref<626x128xf32, #tpu.memory_space<vmem_shared>>
      tpu.enqueue_dma source(%arg5 : memref<626x128xf32, #tpu.memory_space<hbm>>) target(%dma_start3A_47 : memref<626x128xf32, #tpu.memory_space<vmem_shared>>) target_semaphore(%run_scoped3A_45 : memref<!tpu.dma_semaphore, #tpu.memory_space<semaphore_mem>>)
      %dma_wait3A = arith.constant 0 : i32
      %dma_wait3A_48 = tpu.memref_slice %arg11[%mul3A_2, %dma_wait3A] : memref<10016x128xf32, #tpu.memory_space<vmem_shared>> -> memref<626x128xf32, #tpu.memory_space<vmem_shared>>
      tpu.wait_dma2 semaphore(%run_scoped3A_45 : memref<!tpu.dma_semaphore, #tpu.memory_space<semaphore_mem>>) src(%arg5 : memref<626x128xf32, #tpu.memory_space<hbm>>) dst(%dma_wait3A_48 : memref<626x128xf32, #tpu.memory_space<vmem_shared>>)
      tpu.yield
    }) : () -> ()
    %barrier3A = arith.constant 0 : index
    tpu.barrier barrier_id(%barrier3A)
    %run_scoped3A = arith.constant 0 : i32
    "tpu.region"() ({
      %run_scoped3A_45 = tpu.sem_alloc : memref<!tpu.dma_semaphore, #tpu.memory_space<semaphore_mem>>
      %dma_start3A_46 = arith.constant 0 : i32
      %dma_start3A_47 = arith.constant 0 : i32
      %dma_start3A_48 = tpu.memref_slice %arg3[%add3A, %run_scoped3A, %dma_start3A_46, %dma_start3A_47] : memref<32x2x40x128xi32, #tpu.memory_space<hbm>> -> memref<1x1x40x128xi32, #tpu.memory_space<hbm>>
      %dma_start3A_49 = tpu.memref_squeeze %dma_start3A_48 : memref<1x1x40x128xi32, #tpu.memory_space<hbm>> -> memref<40x128xi32, #tpu.memory_space<hbm>>
      %dma_start3A_50 = arith.constant 0 : i32
      %dma_start3A_51 = arith.constant 0 : i32
      %dma_start3A_52 = tpu.memref_slice %arg3[%add3A, %run_scoped3A, %dma_start3A_50, %dma_start3A_51] : memref<32x2x40x128xi32, #tpu.memory_space<hbm>> -> memref<1x1x40x128xi32, #tpu.memory_space<hbm>>
      %dma_start3A_53 = tpu.memref_squeeze %dma_start3A_52 : memref<1x1x40x128xi32, #tpu.memory_space<hbm>> -> memref<40x128xi32, #tpu.memory_space<hbm>>
      tpu.enqueue_dma source(%dma_start3A_53 : memref<40x128xi32, #tpu.memory_space<hbm>>) target(%arg7 : memref<40x128xi32, #tpu.memory_space<vmem>>) target_semaphore(%run_scoped3A_45 : memref<!tpu.dma_semaphore, #tpu.memory_space<semaphore_mem>>)
      %dma_wait3A = arith.constant 0 : i32
      %dma_wait3A_54 = arith.constant 0 : i32
      %dma_wait3A_55 = tpu.memref_slice %arg3[%add3A, %run_scoped3A, %dma_wait3A, %dma_wait3A_54] : memref<32x2x40x128xi32, #tpu.memory_space<hbm>> -> memref<1x1x40x128xi32, #tpu.memory_space<hbm>>
      %dma_wait3A_56 = tpu.memref_squeeze %dma_wait3A_55 : memref<1x1x40x128xi32, #tpu.memory_space<hbm>> -> memref<40x128xi32, #tpu.memory_space<hbm>>
      %dma_wait3A_57 = arith.constant 0 : i32
      %dma_wait3A_58 = arith.constant 0 : i32
      %dma_wait3A_59 = tpu.memref_slice %arg3[%add3A, %run_scoped3A, %dma_wait3A_57, %dma_wait3A_58] : memref<32x2x40x128xi32, #tpu.memory_space<hbm>> -> memref<1x1x40x128xi32, #tpu.memory_space<hbm>>
      %dma_wait3A_60 = tpu.memref_squeeze %dma_wait3A_59 : memref<1x1x40x128xi32, #tpu.memory_space<hbm>> -> memref<40x128xi32, #tpu.memory_space<hbm>>
      tpu.wait_dma2 semaphore(%run_scoped3A_45 : memref<!tpu.dma_semaphore, #tpu.memory_space<semaphore_mem>>) src(%dma_wait3A_60 : memref<40x128xi32, #tpu.memory_space<hbm>>) dst(%arg7 : memref<40x128xi32, #tpu.memory_space<vmem>>)
      tpu.yield
    }) : () -> ()
    %run_scoped3A_3 = arith.constant 0 : i32
    "tpu.region"() ({
      %run_scoped3A_45 = tpu.sem_alloc : memref<!tpu.dma_semaphore, #tpu.memory_space<semaphore_mem>>
      %dma_start3A_46 = arith.constant 0 : i32
      %dma_start3A_47 = arith.constant 0 : i32
      %dma_start3A_48 = tpu.memref_slice %arg4[%add3A, %run_scoped3A_3, %dma_start3A_46, %dma_start3A_47] : memref<32x2x40x128xi32, #tpu.memory_space<hbm>> -> memref<1x1x40x128xi32, #tpu.memory_space<hbm>>
      %dma_start3A_49 = tpu.memref_squeeze %dma_start3A_48 : memref<1x1x40x128xi32, #tpu.memory_space<hbm>> -> memref<40x128xi32, #tpu.memory_space<hbm>>
      %dma_start3A_50 = arith.constant 0 : i32
      %dma_start3A_51 = arith.constant 0 : i32
      %dma_start3A_52 = tpu.memref_slice %arg4[%add3A, %run_scoped3A_3, %dma_start3A_50, %dma_start3A_51] : memref<32x2x40x128xi32, #tpu.memory_space<hbm>> -> memref<1x1x40x128xi32, #tpu.memory_space<hbm>>
      %dma_start3A_53 = tpu.memref_squeeze %dma_start3A_52 : memref<1x1x40x128xi32, #tpu.memory_space<hbm>> -> memref<40x128xi32, #tpu.memory_space<hbm>>
      tpu.enqueue_dma source(%dma_start3A_53 : memref<40x128xi32, #tpu.memory_space<hbm>>) target(%arg8 : memref<40x128xi32, #tpu.memory_space<vmem>>) target_semaphore(%run_scoped3A_45 : memref<!tpu.dma_semaphore, #tpu.memory_space<semaphore_mem>>)
      %dma_wait3A = arith.constant 0 : i32
      %dma_wait3A_54 = arith.constant 0 : i32
      %dma_wait3A_55 = tpu.memref_slice %arg4[%add3A, %run_scoped3A_3, %dma_wait3A, %dma_wait3A_54] : memref<32x2x40x128xi32, #tpu.memory_space<hbm>> -> memref<1x1x40x128xi32, #tpu.memory_space<hbm>>
      %dma_wait3A_56 = tpu.memref_squeeze %dma_wait3A_55 : memref<1x1x40x128xi32, #tpu.memory_space<hbm>> -> memref<40x128xi32, #tpu.memory_space<hbm>>
      %dma_wait3A_57 = arith.constant 0 : i32
      %dma_wait3A_58 = arith.constant 0 : i32
      %dma_wait3A_59 = tpu.memref_slice %arg4[%add3A, %run_scoped3A_3, %dma_wait3A_57, %dma_wait3A_58] : memref<32x2x40x128xi32, #tpu.memory_space<hbm>> -> memref<1x1x40x128xi32, #tpu.memory_space<hbm>>
      %dma_wait3A_60 = tpu.memref_squeeze %dma_wait3A_59 : memref<1x1x40x128xi32, #tpu.memory_space<hbm>> -> memref<40x128xi32, #tpu.memory_space<hbm>>
      tpu.wait_dma2 semaphore(%run_scoped3A_45 : memref<!tpu.dma_semaphore, #tpu.memory_space<semaphore_mem>>) src(%dma_wait3A_60 : memref<40x128xi32, #tpu.memory_space<hbm>>) dst(%arg8 : memref<40x128xi32, #tpu.memory_space<vmem>>)
      tpu.yield
    }) : () -> ()
    %dma_start3A = arith.constant 0 : i32
    %dma_start3A_4 = arith.constant 0 : i32
    %dma_start3A_5 = tpu.memref_slice %arg7[%dma_start3A, %dma_start3A_4] : memref<40x128xi32, #tpu.memory_space<vmem>> -> memref<1x128xi32, #tpu.memory_space<vmem>>
    %dma_start3A_6 = tpu.memref_squeeze %dma_start3A_5 : memref<1x128xi32, #tpu.memory_space<vmem>> -> memref<128xi32, #tpu.memory_space<vmem>>
    %dma_start3A_7 = arith.constant 0 : i32
    %dma_start3A_8 = arith.constant 0 : i32
    %dma_start3A_9 = tpu.memref_slice %arg2[%dma_start3A_7, %dma_start3A_8] : memref<10000x128xf32, #tpu.memory_space<hbm>> -> memref<10000x128xf32, #tpu.memory_space<hbm>>
    tpu.enqueue_indirect_dma source(%dma_start3A_9 : memref<10000x128xf32, #tpu.memory_space<hbm>>) target(%arg9 : memref<128x128xf32, #tpu.memory_space<vmem>>) offsets(%dma_start3A_6 : memref<128xi32, #tpu.memory_space<vmem>>) semaphore(%arg12 : memref<!tpu.dma_semaphore, #tpu.memory_space<semaphore_mem>>)
    %dma_start3A_10 = arith.constant 1 : i32
    %dma_start3A_11 = arith.constant 0 : i32
    %dma_start3A_12 = tpu.memref_slice %arg7[%dma_start3A_10, %dma_start3A_11] : memref<40x128xi32, #tpu.memory_space<vmem>> -> memref<1x128xi32, #tpu.memory_space<vmem>>
    %dma_start3A_13 = tpu.memref_squeeze %dma_start3A_12 : memref<1x128xi32, #tpu.memory_space<vmem>> -> memref<128xi32, #tpu.memory_space<vmem>>
    %dma_start3A_14 = arith.constant 0 : i32
    %dma_start3A_15 = arith.constant 0 : i32
    %dma_start3A_16 = tpu.memref_slice %arg2[%dma_start3A_14, %dma_start3A_15] : memref<10000x128xf32, #tpu.memory_space<hbm>> -> memref<10000x128xf32, #tpu.memory_space<hbm>>
    tpu.enqueue_indirect_dma source(%dma_start3A_16 : memref<10000x128xf32, #tpu.memory_space<hbm>>) target(%arg10 : memref<128x128xf32, #tpu.memory_space<vmem>>) offsets(%dma_start3A_13 : memref<128xi32, #tpu.memory_space<vmem>>) semaphore(%arg13 : memref<!tpu.dma_semaphore, #tpu.memory_space<semaphore_mem>>)
    %scan3A = arith.constant 0 : i32
    %scan3A_17 = arith.constant 20 : i32
    %scan3A_18 = arith.addi %scan3A, %scan3A_17 : i32
    %scan3A_19 = arith.constant 1 : i32
    scf.for %scan3A_45 = %scan3A to %scan3A_18 step %scan3A_19  : i32 {
      %mul3A_46 = arith.constant 2 : i32
      %mul3A_47 = arith.muli %mul3A_46, %scan3A_45 : i32
      %mul3A_48 = arith.constant 2 : i32
      %mul3A_49 = arith.muli %mul3A_48, %scan3A_45 : i32
      %add3A_50 = arith.constant 1 : i32
      %add3A_51 = arith.addi %mul3A_49, %add3A_50 : i32
      %dma_wait3A = arith.constant 0 : i32
      %dma_wait3A_52 = tpu.memref_slice %arg7[%mul3A_47, %dma_wait3A] : memref<40x128xi32, #tpu.memory_space<vmem>> -> memref<1x128xi32, #tpu.memory_space<vmem>>
      %dma_wait3A_53 = tpu.memref_squeeze %dma_wait3A_52 : memref<1x128xi32, #tpu.memory_space<vmem>> -> memref<128xi32, #tpu.memory_space<vmem>>
      %dma_wait3A_54 = arith.constant 0 : i32
      %dma_wait3A_55 = arith.constant 0 : i32
      %dma_wait3A_56 = tpu.memref_slice %arg2[%dma_wait3A_54, %dma_wait3A_55] : memref<10000x128xf32, #tpu.memory_space<hbm>> -> memref<10000x128xf32, #tpu.memory_space<hbm>>
      tpu.wait_indirect_dma semaphore(%arg12 : memref<!tpu.dma_semaphore, #tpu.memory_space<semaphore_mem>>) src(%dma_wait3A_56 : memref<10000x128xf32, #tpu.memory_space<hbm>>) dst(%arg9 : memref<128x128xf32, #tpu.memory_space<vmem>>)
      "tpu.region"() ({
        %run_scoped3A_74 = tpu.sem_alloc : memref<!tpu.dma_semaphore, #tpu.memory_space<semaphore_mem>>
        %dma_start3A_75 = arith.constant 0 : i32
        %dma_start3A_76 = tpu.memref_slice %arg8[%mul3A_47, %dma_start3A_75] : memref<40x128xi32, #tpu.memory_space<vmem>> -> memref<1x128xi32, #tpu.memory_space<vmem>>
        %dma_start3A_77 = tpu.memref_squeeze %dma_start3A_76 : memref<1x128xi32, #tpu.memory_space<vmem>> -> memref<128xi32, #tpu.memory_space<vmem>>
        %dma_start3A_78 = arith.constant 0 : i32
        %dma_start3A_79 = arith.constant 0 : i32
        %dma_start3A_80 = tpu.memref_slice %arg11[%dma_start3A_78, %dma_start3A_79] : memref<10016x128xf32, #tpu.memory_space<vmem_shared>> -> memref<10016x128xf32, #tpu.memory_space<vmem_shared>>
        tpu.enqueue_indirect_dma source(%arg9 : memref<128x128xf32, #tpu.memory_space<vmem>>) target(%dma_start3A_80 : memref<10016x128xf32, #tpu.memory_space<vmem_shared>>) offsets(%dma_start3A_77 : memref<128xi32, #tpu.memory_space<vmem>>) semaphore(%run_scoped3A_74 : memref<!tpu.dma_semaphore, #tpu.memory_space<semaphore_mem>>) {add = true}
        %dma_wait3A_81 = arith.constant 0 : i32
        %dma_wait3A_82 = tpu.memref_slice %arg8[%mul3A_47, %dma_wait3A_81] : memref<40x128xi32, #tpu.memory_space<vmem>> -> memref<1x128xi32, #tpu.memory_space<vmem>>
        %dma_wait3A_83 = tpu.memref_squeeze %dma_wait3A_82 : memref<1x128xi32, #tpu.memory_space<vmem>> -> memref<128xi32, #tpu.memory_space<vmem>>
        %dma_wait3A_84 = arith.constant 0 : i32
        %dma_wait3A_85 = arith.constant 0 : i32
        %dma_wait3A_86 = tpu.memref_slice %arg11[%dma_wait3A_84, %dma_wait3A_85] : memref<10016x128xf32, #tpu.memory_space<vmem_shared>> -> memref<10016x128xf32, #tpu.memory_space<vmem_shared>>
        tpu.wait_indirect_dma semaphore(%run_scoped3A_74 : memref<!tpu.dma_semaphore, #tpu.memory_space<semaphore_mem>>) src(%arg9 : memref<128x128xf32, #tpu.memory_space<vmem>>) dst(%dma_wait3A_86 : memref<10016x128xf32, #tpu.memory_space<vmem_shared>>)
        tpu.yield
      }) : () -> ()
      %add3A_57 = arith.constant 2 : i32
      %add3A_58 = arith.addi %mul3A_47, %add3A_57 : i32
      %lt3A = arith.constant 40 : i32
      %lt3A_59 = arith.cmpi slt, %add3A_58, %lt3A : i32
      %convert_element_type3A = arith.extui %lt3A_59 : i1 to i32
      %cond3A = arith.constant 0 : i32
      %cond3A_60 = arith.cmpi ne, %convert_element_type3A, %cond3A : i32
      scf.if %cond3A_60 {
        %add3A_74 = arith.constant 2 : i32
        %add3A_75 = arith.addi %mul3A_47, %add3A_74 : i32
        %dma_start3A_76 = arith.constant 0 : i32
        %dma_start3A_77 = tpu.memref_slice %arg7[%add3A_75, %dma_start3A_76] : memref<40x128xi32, #tpu.memory_space<vmem>> -> memref<1x128xi32, #tpu.memory_space<vmem>>
        %dma_start3A_78 = tpu.memref_squeeze %dma_start3A_77 : memref<1x128xi32, #tpu.memory_space<vmem>> -> memref<128xi32, #tpu.memory_space<vmem>>
        %dma_start3A_79 = arith.constant 0 : i32
        %dma_start3A_80 = arith.constant 0 : i32
        %dma_start3A_81 = tpu.memref_slice %arg2[%dma_start3A_79, %dma_start3A_80] : memref<10000x128xf32, #tpu.memory_space<hbm>> -> memref<10000x128xf32, #tpu.memory_space<hbm>>
        tpu.enqueue_indirect_dma source(%dma_start3A_81 : memref<10000x128xf32, #tpu.memory_space<hbm>>) target(%arg9 : memref<128x128xf32, #tpu.memory_space<vmem>>) offsets(%dma_start3A_78 : memref<128xi32, #tpu.memory_space<vmem>>) semaphore(%arg12 : memref<!tpu.dma_semaphore, #tpu.memory_space<semaphore_mem>>)
      } else {
      }
      %dma_wait3A_61 = arith.constant 0 : i32
      %dma_wait3A_62 = tpu.memref_slice %arg7[%add3A_51, %dma_wait3A_61] : memref<40x128xi32, #tpu.memory_space<vmem>> -> memref<1x128xi32, #tpu.memory_space<vmem>>
      %dma_wait3A_63 = tpu.memref_squeeze %dma_wait3A_62 : memref<1x128xi32, #tpu.memory_space<vmem>> -> memref<128xi32, #tpu.memory_space<vmem>>
      %dma_wait3A_64 = arith.constant 0 : i32
      %dma_wait3A_65 = arith.constant 0 : i32
      %dma_wait3A_66 = tpu.memref_slice %arg2[%dma_wait3A_64, %dma_wait3A_65] : memref<10000x128xf32, #tpu.memory_space<hbm>> -> memref<10000x128xf32, #tpu.memory_space<hbm>>
      tpu.wait_indirect_dma semaphore(%arg13 : memref<!tpu.dma_semaphore, #tpu.memory_space<semaphore_mem>>) src(%dma_wait3A_66 : memref<10000x128xf32, #tpu.memory_space<hbm>>) dst(%arg10 : memref<128x128xf32, #tpu.memory_space<vmem>>)
      "tpu.region"() ({
        %run_scoped3A_74 = tpu.sem_alloc : memref<!tpu.dma_semaphore, #tpu.memory_space<semaphore_mem>>
        %dma_start3A_75 = arith.constant 0 : i32
        %dma_start3A_76 = tpu.memref_slice %arg8[%add3A_51, %dma_start3A_75] : memref<40x128xi32, #tpu.memory_space<vmem>> -> memref<1x128xi32, #tpu.memory_space<vmem>>
        %dma_start3A_77 = tpu.memref_squeeze %dma_start3A_76 : memref<1x128xi32, #tpu.memory_space<vmem>> -> memref<128xi32, #tpu.memory_space<vmem>>
        %dma_start3A_78 = arith.constant 0 : i32
        %dma_start3A_79 = arith.constant 0 : i32
        %dma_start3A_80 = tpu.memref_slice %arg11[%dma_start3A_78, %dma_start3A_79] : memref<10016x128xf32, #tpu.memory_space<vmem_shared>> -> memref<10016x128xf32, #tpu.memory_space<vmem_shared>>
        tpu.enqueue_indirect_dma source(%arg10 : memref<128x128xf32, #tpu.memory_space<vmem>>) target(%dma_start3A_80 : memref<10016x128xf32, #tpu.memory_space<vmem_shared>>) offsets(%dma_start3A_77 : memref<128xi32, #tpu.memory_space<vmem>>) semaphore(%run_scoped3A_74 : memref<!tpu.dma_semaphore, #tpu.memory_space<semaphore_mem>>) {add = true}
        %dma_wait3A_81 = arith.constant 0 : i32
        %dma_wait3A_82 = tpu.memref_slice %arg8[%add3A_51, %dma_wait3A_81] : memref<40x128xi32, #tpu.memory_space<vmem>> -> memref<1x128xi32, #tpu.memory_space<vmem>>
        %dma_wait3A_83 = tpu.memref_squeeze %dma_wait3A_82 : memref<1x128xi32, #tpu.memory_space<vmem>> -> memref<128xi32, #tpu.memory_space<vmem>>
        %dma_wait3A_84 = arith.constant 0 : i32
        %dma_wait3A_85 = arith.constant 0 : i32
        %dma_wait3A_86 = tpu.memref_slice %arg11[%dma_wait3A_84, %dma_wait3A_85] : memref<10016x128xf32, #tpu.memory_space<vmem_shared>> -> memref<10016x128xf32, #tpu.memory_space<vmem_shared>>
        tpu.wait_indirect_dma semaphore(%run_scoped3A_74 : memref<!tpu.dma_semaphore, #tpu.memory_space<semaphore_mem>>) src(%arg10 : memref<128x128xf32, #tpu.memory_space<vmem>>) dst(%dma_wait3A_86 : memref<10016x128xf32, #tpu.memory_space<vmem_shared>>)
        tpu.yield
      }) : () -> ()
      %add3A_67 = arith.constant 2 : i32
      %add3A_68 = arith.addi %add3A_51, %add3A_67 : i32
      %lt3A_69 = arith.constant 40 : i32
      %lt3A_70 = arith.cmpi slt, %add3A_68, %lt3A_69 : i32
      %convert_element_type3A_71 = arith.extui %lt3A_70 : i1 to i32
      %cond3A_72 = arith.constant 0 : i32
      %cond3A_73 = arith.cmpi ne, %convert_element_type3A_71, %cond3A_72 : i32
      scf.if %cond3A_73 {
        %add3A_74 = arith.constant 2 : i32
        %add3A_75 = arith.addi %add3A_51, %add3A_74 : i32
        %dma_start3A_76 = arith.constant 0 : i32
        %dma_start3A_77 = tpu.memref_slice %arg7[%add3A_75, %dma_start3A_76] : memref<40x128xi32, #tpu.memory_space<vmem>> -> memref<1x128xi32, #tpu.memory_space<vmem>>
        %dma_start3A_78 = tpu.memref_squeeze %dma_start3A_77 : memref<1x128xi32, #tpu.memory_space<vmem>> -> memref<128xi32, #tpu.memory_space<vmem>>
        %dma_start3A_79 = arith.constant 0 : i32
        %dma_start3A_80 = arith.constant 0 : i32
        %dma_start3A_81 = tpu.memref_slice %arg2[%dma_start3A_79, %dma_start3A_80] : memref<10000x128xf32, #tpu.memory_space<hbm>> -> memref<10000x128xf32, #tpu.memory_space<hbm>>
        tpu.enqueue_indirect_dma source(%dma_start3A_81 : memref<10000x128xf32, #tpu.memory_space<hbm>>) target(%arg10 : memref<128x128xf32, #tpu.memory_space<vmem>>) offsets(%dma_start3A_78 : memref<128xi32, #tpu.memory_space<vmem>>) semaphore(%arg13 : memref<!tpu.dma_semaphore, #tpu.memory_space<semaphore_mem>>)
      } else {
      }
    }
    %scan3A_20 = arith.constant 20 : i32
    %run_scoped3A_21 = arith.constant 1 : i32
    "tpu.region"() ({
      %run_scoped3A_45 = tpu.sem_alloc : memref<!tpu.dma_semaphore, #tpu.memory_space<semaphore_mem>>
      %dma_start3A_46 = arith.constant 0 : i32
      %dma_start3A_47 = arith.constant 0 : i32
      %dma_start3A_48 = tpu.memref_slice %arg3[%add3A, %run_scoped3A_21, %dma_start3A_46, %dma_start3A_47] : memref<32x2x40x128xi32, #tpu.memory_space<hbm>> -> memref<1x1x40x128xi32, #tpu.memory_space<hbm>>
      %dma_start3A_49 = tpu.memref_squeeze %dma_start3A_48 : memref<1x1x40x128xi32, #tpu.memory_space<hbm>> -> memref<40x128xi32, #tpu.memory_space<hbm>>
      %dma_start3A_50 = arith.constant 0 : i32
      %dma_start3A_51 = arith.constant 0 : i32
      %dma_start3A_52 = tpu.memref_slice %arg3[%add3A, %run_scoped3A_21, %dma_start3A_50, %dma_start3A_51] : memref<32x2x40x128xi32, #tpu.memory_space<hbm>> -> memref<1x1x40x128xi32, #tpu.memory_space<hbm>>
      %dma_start3A_53 = tpu.memref_squeeze %dma_start3A_52 : memref<1x1x40x128xi32, #tpu.memory_space<hbm>> -> memref<40x128xi32, #tpu.memory_space<hbm>>
      tpu.enqueue_dma source(%dma_start3A_53 : memref<40x128xi32, #tpu.memory_space<hbm>>) target(%arg7 : memref<40x128xi32, #tpu.memory_space<vmem>>) target_semaphore(%run_scoped3A_45 : memref<!tpu.dma_semaphore, #tpu.memory_space<semaphore_mem>>)
      %dma_wait3A = arith.constant 0 : i32
      %dma_wait3A_54 = arith.constant 0 : i32
      %dma_wait3A_55 = tpu.memref_slice %arg3[%add3A, %run_scoped3A_21, %dma_wait3A, %dma_wait3A_54] : memref<32x2x40x128xi32, #tpu.memory_space<hbm>> -> memref<1x1x40x128xi32, #tpu.memory_space<hbm>>
      %dma_wait3A_56 = tpu.memref_squeeze %dma_wait3A_55 : memref<1x1x40x128xi32, #tpu.memory_space<hbm>> -> memref<40x128xi32, #tpu.memory_space<hbm>>
      %dma_wait3A_57 = arith.constant 0 : i32
      %dma_wait3A_58 = arith.constant 0 : i32
      %dma_wait3A_59 = tpu.memref_slice %arg3[%add3A, %run_scoped3A_21, %dma_wait3A_57, %dma_wait3A_58] : memref<32x2x40x128xi32, #tpu.memory_space<hbm>> -> memref<1x1x40x128xi32, #tpu.memory_space<hbm>>
      %dma_wait3A_60 = tpu.memref_squeeze %dma_wait3A_59 : memref<1x1x40x128xi32, #tpu.memory_space<hbm>> -> memref<40x128xi32, #tpu.memory_space<hbm>>
      tpu.wait_dma2 semaphore(%run_scoped3A_45 : memref<!tpu.dma_semaphore, #tpu.memory_space<semaphore_mem>>) src(%dma_wait3A_60 : memref<40x128xi32, #tpu.memory_space<hbm>>) dst(%arg7 : memref<40x128xi32, #tpu.memory_space<vmem>>)
      tpu.yield
    }) : () -> ()
    %run_scoped3A_22 = arith.constant 1 : i32
    "tpu.region"() ({
      %run_scoped3A_45 = tpu.sem_alloc : memref<!tpu.dma_semaphore, #tpu.memory_space<semaphore_mem>>
      %dma_start3A_46 = arith.constant 0 : i32
      %dma_start3A_47 = arith.constant 0 : i32
      %dma_start3A_48 = tpu.memref_slice %arg4[%add3A, %run_scoped3A_22, %dma_start3A_46, %dma_start3A_47] : memref<32x2x40x128xi32, #tpu.memory_space<hbm>> -> memref<1x1x40x128xi32, #tpu.memory_space<hbm>>
      %dma_start3A_49 = tpu.memref_squeeze %dma_start3A_48 : memref<1x1x40x128xi32, #tpu.memory_space<hbm>> -> memref<40x128xi32, #tpu.memory_space<hbm>>
      %dma_start3A_50 = arith.constant 0 : i32
      %dma_start3A_51 = arith.constant 0 : i32
      %dma_start3A_52 = tpu.memref_slice %arg4[%add3A, %run_scoped3A_22, %dma_start3A_50, %dma_start3A_51] : memref<32x2x40x128xi32, #tpu.memory_space<hbm>> -> memref<1x1x40x128xi32, #tpu.memory_space<hbm>>
      %dma_start3A_53 = tpu.memref_squeeze %dma_start3A_52 : memref<1x1x40x128xi32, #tpu.memory_space<hbm>> -> memref<40x128xi32, #tpu.memory_space<hbm>>
      tpu.enqueue_dma source(%dma_start3A_53 : memref<40x128xi32, #tpu.memory_space<hbm>>) target(%arg8 : memref<40x128xi32, #tpu.memory_space<vmem>>) target_semaphore(%run_scoped3A_45 : memref<!tpu.dma_semaphore, #tpu.memory_space<semaphore_mem>>)
      %dma_wait3A = arith.constant 0 : i32
      %dma_wait3A_54 = arith.constant 0 : i32
      %dma_wait3A_55 = tpu.memref_slice %arg4[%add3A, %run_scoped3A_22, %dma_wait3A, %dma_wait3A_54] : memref<32x2x40x128xi32, #tpu.memory_space<hbm>> -> memref<1x1x40x128xi32, #tpu.memory_space<hbm>>
      %dma_wait3A_56 = tpu.memref_squeeze %dma_wait3A_55 : memref<1x1x40x128xi32, #tpu.memory_space<hbm>> -> memref<40x128xi32, #tpu.memory_space<hbm>>
      %dma_wait3A_57 = arith.constant 0 : i32
      %dma_wait3A_58 = arith.constant 0 : i32
      %dma_wait3A_59 = tpu.memref_slice %arg4[%add3A, %run_scoped3A_22, %dma_wait3A_57, %dma_wait3A_58] : memref<32x2x40x128xi32, #tpu.memory_space<hbm>> -> memref<1x1x40x128xi32, #tpu.memory_space<hbm>>
      %dma_wait3A_60 = tpu.memref_squeeze %dma_wait3A_59 : memref<1x1x40x128xi32, #tpu.memory_space<hbm>> -> memref<40x128xi32, #tpu.memory_space<hbm>>
      tpu.wait_dma2 semaphore(%run_scoped3A_45 : memref<!tpu.dma_semaphore, #tpu.memory_space<semaphore_mem>>) src(%dma_wait3A_60 : memref<40x128xi32, #tpu.memory_space<hbm>>) dst(%arg8 : memref<40x128xi32, #tpu.memory_space<vmem>>)
      tpu.yield
    }) : () -> ()
    %dma_start3A_23 = arith.constant 0 : i32
    %dma_start3A_24 = arith.constant 0 : i32
    %dma_start3A_25 = tpu.memref_slice %arg7[%dma_start3A_23, %dma_start3A_24] : memref<40x128xi32, #tpu.memory_space<vmem>> -> memref<1x128xi32, #tpu.memory_space<vmem>>
    %dma_start3A_26 = tpu.memref_squeeze %dma_start3A_25 : memref<1x128xi32, #tpu.memory_space<vmem>> -> memref<128xi32, #tpu.memory_space<vmem>>
    %dma_start3A_27 = arith.constant 0 : i32
    %dma_start3A_28 = arith.constant 0 : i32
    %dma_start3A_29 = tpu.memref_slice %arg2[%dma_start3A_27, %dma_start3A_28] : memref<10000x128xf32, #tpu.memory_space<hbm>> -> memref<10000x128xf32, #tpu.memory_space<hbm>>
    tpu.enqueue_indirect_dma source(%dma_start3A_29 : memref<10000x128xf32, #tpu.memory_space<hbm>>) target(%arg9 : memref<128x128xf32, #tpu.memory_space<vmem>>) offsets(%dma_start3A_26 : memref<128xi32, #tpu.memory_space<vmem>>) semaphore(%arg12 : memref<!tpu.dma_semaphore, #tpu.memory_space<semaphore_mem>>)
    %dma_start3A_30 = arith.constant 1 : i32
    %dma_start3A_31 = arith.constant 0 : i32
    %dma_start3A_32 = tpu.memref_slice %arg7[%dma_start3A_30, %dma_start3A_31] : memref<40x128xi32, #tpu.memory_space<vmem>> -> memref<1x128xi32, #tpu.memory_space<vmem>>
    %dma_start3A_33 = tpu.memref_squeeze %dma_start3A_32 : memref<1x128xi32, #tpu.memory_space<vmem>> -> memref<128xi32, #tpu.memory_space<vmem>>
    %dma_start3A_34 = arith.constant 0 : i32
    %dma_start3A_35 = arith.constant 0 : i32
    %dma_start3A_36 = tpu.memref_slice %arg2[%dma_start3A_34, %dma_start3A_35] : memref<10000x128xf32, #tpu.memory_space<hbm>> -> memref<10000x128xf32, #tpu.memory_space<hbm>>
    tpu.enqueue_indirect_dma source(%dma_start3A_36 : memref<10000x128xf32, #tpu.memory_space<hbm>>) target(%arg10 : memref<128x128xf32, #tpu.memory_space<vmem>>) offsets(%dma_start3A_33 : memref<128xi32, #tpu.memory_space<vmem>>) semaphore(%arg13 : memref<!tpu.dma_semaphore, #tpu.memory_space<semaphore_mem>>)
    %scan3A_37 = arith.constant 0 : i32
    %scan3A_38 = arith.constant 20 : i32
    %scan3A_39 = arith.addi %scan3A_37, %scan3A_38 : i32
    %scan3A_40 = arith.constant 1 : i32
    scf.for %scan3A_45 = %scan3A_37 to %scan3A_39 step %scan3A_40  : i32 {
      %mul3A_46 = arith.constant 2 : i32
      %mul3A_47 = arith.muli %mul3A_46, %scan3A_45 : i32
      %mul3A_48 = arith.constant 2 : i32
      %mul3A_49 = arith.muli %mul3A_48, %scan3A_45 : i32
      %add3A_50 = arith.constant 1 : i32
      %add3A_51 = arith.addi %mul3A_49, %add3A_50 : i32
      %dma_wait3A = arith.constant 0 : i32
      %dma_wait3A_52 = tpu.memref_slice %arg7[%mul3A_47, %dma_wait3A] : memref<40x128xi32, #tpu.memory_space<vmem>> -> memref<1x128xi32, #tpu.memory_space<vmem>>
      %dma_wait3A_53 = tpu.memref_squeeze %dma_wait3A_52 : memref<1x128xi32, #tpu.memory_space<vmem>> -> memref<128xi32, #tpu.memory_space<vmem>>
      %dma_wait3A_54 = arith.constant 0 : i32
      %dma_wait3A_55 = arith.constant 0 : i32
      %dma_wait3A_56 = tpu.memref_slice %arg2[%dma_wait3A_54, %dma_wait3A_55] : memref<10000x128xf32, #tpu.memory_space<hbm>> -> memref<10000x128xf32, #tpu.memory_space<hbm>>
      tpu.wait_indirect_dma semaphore(%arg12 : memref<!tpu.dma_semaphore, #tpu.memory_space<semaphore_mem>>) src(%dma_wait3A_56 : memref<10000x128xf32, #tpu.memory_space<hbm>>) dst(%arg9 : memref<128x128xf32, #tpu.memory_space<vmem>>)
      "tpu.region"() ({
        %run_scoped3A_74 = tpu.sem_alloc : memref<!tpu.dma_semaphore, #tpu.memory_space<semaphore_mem>>
        %dma_start3A_75 = arith.constant 0 : i32
        %dma_start3A_76 = tpu.memref_slice %arg8[%mul3A_47, %dma_start3A_75] : memref<40x128xi32, #tpu.memory_space<vmem>> -> memref<1x128xi32, #tpu.memory_space<vmem>>
        %dma_start3A_77 = tpu.memref_squeeze %dma_start3A_76 : memref<1x128xi32, #tpu.memory_space<vmem>> -> memref<128xi32, #tpu.memory_space<vmem>>
        %dma_start3A_78 = arith.constant 0 : i32
        %dma_start3A_79 = arith.constant 0 : i32
        %dma_start3A_80 = tpu.memref_slice %arg11[%dma_start3A_78, %dma_start3A_79] : memref<10016x128xf32, #tpu.memory_space<vmem_shared>> -> memref<10016x128xf32, #tpu.memory_space<vmem_shared>>
        tpu.enqueue_indirect_dma source(%arg9 : memref<128x128xf32, #tpu.memory_space<vmem>>) target(%dma_start3A_80 : memref<10016x128xf32, #tpu.memory_space<vmem_shared>>) offsets(%dma_start3A_77 : memref<128xi32, #tpu.memory_space<vmem>>) semaphore(%run_scoped3A_74 : memref<!tpu.dma_semaphore, #tpu.memory_space<semaphore_mem>>) {add = true}
        %dma_wait3A_81 = arith.constant 0 : i32
        %dma_wait3A_82 = tpu.memref_slice %arg8[%mul3A_47, %dma_wait3A_81] : memref<40x128xi32, #tpu.memory_space<vmem>> -> memref<1x128xi32, #tpu.memory_space<vmem>>
        %dma_wait3A_83 = tpu.memref_squeeze %dma_wait3A_82 : memref<1x128xi32, #tpu.memory_space<vmem>> -> memref<128xi32, #tpu.memory_space<vmem>>
        %dma_wait3A_84 = arith.constant 0 : i32
        %dma_wait3A_85 = arith.constant 0 : i32
        %dma_wait3A_86 = tpu.memref_slice %arg11[%dma_wait3A_84, %dma_wait3A_85] : memref<10016x128xf32, #tpu.memory_space<vmem_shared>> -> memref<10016x128xf32, #tpu.memory_space<vmem_shared>>
        tpu.wait_indirect_dma semaphore(%run_scoped3A_74 : memref<!tpu.dma_semaphore, #tpu.memory_space<semaphore_mem>>) src(%arg9 : memref<128x128xf32, #tpu.memory_space<vmem>>) dst(%dma_wait3A_86 : memref<10016x128xf32, #tpu.memory_space<vmem_shared>>)
        tpu.yield
      }) : () -> ()
      %add3A_57 = arith.constant 2 : i32
      %add3A_58 = arith.addi %mul3A_47, %add3A_57 : i32
      %lt3A = arith.constant 40 : i32
      %lt3A_59 = arith.cmpi slt, %add3A_58, %lt3A : i32
      %convert_element_type3A = arith.extui %lt3A_59 : i1 to i32
      %cond3A = arith.constant 0 : i32
      %cond3A_60 = arith.cmpi ne, %convert_element_type3A, %cond3A : i32
      scf.if %cond3A_60 {
        %add3A_74 = arith.constant 2 : i32
        %add3A_75 = arith.addi %mul3A_47, %add3A_74 : i32
        %dma_start3A_76 = arith.constant 0 : i32
        %dma_start3A_77 = tpu.memref_slice %arg7[%add3A_75, %dma_start3A_76] : memref<40x128xi32, #tpu.memory_space<vmem>> -> memref<1x128xi32, #tpu.memory_space<vmem>>
        %dma_start3A_78 = tpu.memref_squeeze %dma_start3A_77 : memref<1x128xi32, #tpu.memory_space<vmem>> -> memref<128xi32, #tpu.memory_space<vmem>>
        %dma_start3A_79 = arith.constant 0 : i32
        %dma_start3A_80 = arith.constant 0 : i32
        %dma_start3A_81 = tpu.memref_slice %arg2[%dma_start3A_79, %dma_start3A_80] : memref<10000x128xf32, #tpu.memory_space<hbm>> -> memref<10000x128xf32, #tpu.memory_space<hbm>>
        tpu.enqueue_indirect_dma source(%dma_start3A_81 : memref<10000x128xf32, #tpu.memory_space<hbm>>) target(%arg9 : memref<128x128xf32, #tpu.memory_space<vmem>>) offsets(%dma_start3A_78 : memref<128xi32, #tpu.memory_space<vmem>>) semaphore(%arg12 : memref<!tpu.dma_semaphore, #tpu.memory_space<semaphore_mem>>)
      } else {
      }
      %dma_wait3A_61 = arith.constant 0 : i32
      %dma_wait3A_62 = tpu.memref_slice %arg7[%add3A_51, %dma_wait3A_61] : memref<40x128xi32, #tpu.memory_space<vmem>> -> memref<1x128xi32, #tpu.memory_space<vmem>>
      %dma_wait3A_63 = tpu.memref_squeeze %dma_wait3A_62 : memref<1x128xi32, #tpu.memory_space<vmem>> -> memref<128xi32, #tpu.memory_space<vmem>>
      %dma_wait3A_64 = arith.constant 0 : i32
      %dma_wait3A_65 = arith.constant 0 : i32
      %dma_wait3A_66 = tpu.memref_slice %arg2[%dma_wait3A_64, %dma_wait3A_65] : memref<10000x128xf32, #tpu.memory_space<hbm>> -> memref<10000x128xf32, #tpu.memory_space<hbm>>
      tpu.wait_indirect_dma semaphore(%arg13 : memref<!tpu.dma_semaphore, #tpu.memory_space<semaphore_mem>>) src(%dma_wait3A_66 : memref<10000x128xf32, #tpu.memory_space<hbm>>) dst(%arg10 : memref<128x128xf32, #tpu.memory_space<vmem>>)
      "tpu.region"() ({
        %run_scoped3A_74 = tpu.sem_alloc : memref<!tpu.dma_semaphore, #tpu.memory_space<semaphore_mem>>
        %dma_start3A_75 = arith.constant 0 : i32
        %dma_start3A_76 = tpu.memref_slice %arg8[%add3A_51, %dma_start3A_75] : memref<40x128xi32, #tpu.memory_space<vmem>> -> memref<1x128xi32, #tpu.memory_space<vmem>>
        %dma_start3A_77 = tpu.memref_squeeze %dma_start3A_76 : memref<1x128xi32, #tpu.memory_space<vmem>> -> memref<128xi32, #tpu.memory_space<vmem>>
        %dma_start3A_78 = arith.constant 0 : i32
        %dma_start3A_79 = arith.constant 0 : i32
        %dma_start3A_80 = tpu.memref_slice %arg11[%dma_start3A_78, %dma_start3A_79] : memref<10016x128xf32, #tpu.memory_space<vmem_shared>> -> memref<10016x128xf32, #tpu.memory_space<vmem_shared>>
        tpu.enqueue_indirect_dma source(%arg10 : memref<128x128xf32, #tpu.memory_space<vmem>>) target(%dma_start3A_80 : memref<10016x128xf32, #tpu.memory_space<vmem_shared>>) offsets(%dma_start3A_77 : memref<128xi32, #tpu.memory_space<vmem>>) semaphore(%run_scoped3A_74 : memref<!tpu.dma_semaphore, #tpu.memory_space<semaphore_mem>>) {add = true}
        %dma_wait3A_81 = arith.constant 0 : i32
        %dma_wait3A_82 = tpu.memref_slice %arg8[%add3A_51, %dma_wait3A_81] : memref<40x128xi32, #tpu.memory_space<vmem>> -> memref<1x128xi32, #tpu.memory_space<vmem>>
        %dma_wait3A_83 = tpu.memref_squeeze %dma_wait3A_82 : memref<1x128xi32, #tpu.memory_space<vmem>> -> memref<128xi32, #tpu.memory_space<vmem>>
        %dma_wait3A_84 = arith.constant 0 : i32
        %dma_wait3A_85 = arith.constant 0 : i32
        %dma_wait3A_86 = tpu.memref_slice %arg11[%dma_wait3A_84, %dma_wait3A_85] : memref<10016x128xf32, #tpu.memory_space<vmem_shared>> -> memref<10016x128xf32, #tpu.memory_space<vmem_shared>>
        tpu.wait_indirect_dma semaphore(%run_scoped3A_74 : memref<!tpu.dma_semaphore, #tpu.memory_space<semaphore_mem>>) src(%arg10 : memref<128x128xf32, #tpu.memory_space<vmem>>) dst(%dma_wait3A_86 : memref<10016x128xf32, #tpu.memory_space<vmem_shared>>)
        tpu.yield
      }) : () -> ()
      %add3A_67 = arith.constant 2 : i32
      %add3A_68 = arith.addi %add3A_51, %add3A_67 : i32
      %lt3A_69 = arith.constant 40 : i32
      %lt3A_70 = arith.cmpi slt, %add3A_68, %lt3A_69 : i32
      %convert_element_type3A_71 = arith.extui %lt3A_70 : i1 to i32
      %cond3A_72 = arith.constant 0 : i32
      %cond3A_73 = arith.cmpi ne, %convert_element_type3A_71, %cond3A_72 : i32
      scf.if %cond3A_73 {
        %add3A_74 = arith.constant 2 : i32
        %add3A_75 = arith.addi %add3A_51, %add3A_74 : i32
        %dma_start3A_76 = arith.constant 0 : i32
        %dma_start3A_77 = tpu.memref_slice %arg7[%add3A_75, %dma_start3A_76] : memref<40x128xi32, #tpu.memory_space<vmem>> -> memref<1x128xi32, #tpu.memory_space<vmem>>
        %dma_start3A_78 = tpu.memref_squeeze %dma_start3A_77 : memref<1x128xi32, #tpu.memory_space<vmem>> -> memref<128xi32, #tpu.memory_space<vmem>>
        %dma_start3A_79 = arith.constant 0 : i32
        %dma_start3A_80 = arith.constant 0 : i32
        %dma_start3A_81 = tpu.memref_slice %arg2[%dma_start3A_79, %dma_start3A_80] : memref<10000x128xf32, #tpu.memory_space<hbm>> -> memref<10000x128xf32, #tpu.memory_space<hbm>>
        tpu.enqueue_indirect_dma source(%dma_start3A_81 : memref<10000x128xf32, #tpu.memory_space<hbm>>) target(%arg10 : memref<128x128xf32, #tpu.memory_space<vmem>>) offsets(%dma_start3A_78 : memref<128xi32, #tpu.memory_space<vmem>>) semaphore(%arg13 : memref<!tpu.dma_semaphore, #tpu.memory_space<semaphore_mem>>)
      } else {
      }
    }
    %scan3A_41 = arith.constant 20 : i32
    %barrier3A_42 = arith.constant 0 : index
    tpu.barrier barrier_id(%barrier3A_42)
    %mul3A_43 = arith.constant 626 : i32
    %mul3A_44 = arith.muli %arg1, %mul3A_43 : i32
    "tpu.region"() ({
      %run_scoped3A_45 = tpu.sem_alloc : memref<!tpu.dma_semaphore, #tpu.memory_space<semaphore_mem>>
      %dma_start3A_46 = arith.constant 0 : i32
      %dma_start3A_47 = arith.constant 0 : i32
      %dma_start3A_48 = tpu.memref_slice %arg6[%add3A, %dma_start3A_46, %dma_start3A_47] : memref<32x626x128xf32, #tpu.memory_space<hbm>> -> memref<1x626x128xf32, #tpu.memory_space<hbm>>
      %dma_start3A_49 = tpu.memref_squeeze %dma_start3A_48 : memref<1x626x128xf32, #tpu.memory_space<hbm>> -> memref<626x128xf32, #tpu.memory_space<hbm>>
      %dma_start3A_50 = arith.constant 0 : i32
      %dma_start3A_51 = tpu.memref_slice %arg11[%mul3A_44, %dma_start3A_50] : memref<10016x128xf32, #tpu.memory_space<vmem_shared>> -> memref<626x128xf32, #tpu.memory_space<vmem_shared>>
      tpu.enqueue_dma source(%dma_start3A_51 : memref<626x128xf32, #tpu.memory_space<vmem_shared>>) target(%dma_start3A_49 : memref<626x128xf32, #tpu.memory_space<hbm>>) target_semaphore(%run_scoped3A_45 : memref<!tpu.dma_semaphore, #tpu.memory_space<semaphore_mem>>)
      %dma_wait3A = arith.constant 0 : i32
      %dma_wait3A_52 = arith.constant 0 : i32
      %dma_wait3A_53 = tpu.memref_slice %arg6[%add3A, %dma_wait3A, %dma_wait3A_52] : memref<32x626x128xf32, #tpu.memory_space<hbm>> -> memref<1x626x128xf32, #tpu.memory_space<hbm>>
      %dma_wait3A_54 = tpu.memref_squeeze %dma_wait3A_53 : memref<1x626x128xf32, #tpu.memory_space<hbm>> -> memref<626x128xf32, #tpu.memory_space<hbm>>
      %dma_wait3A_55 = arith.constant 0 : i32
      %dma_wait3A_56 = tpu.memref_slice %arg11[%mul3A_44, %dma_wait3A_55] : memref<10016x128xf32, #tpu.memory_space<vmem_shared>> -> memref<626x128xf32, #tpu.memory_space<vmem_shared>>
      tpu.wait_dma2 semaphore(%run_scoped3A_45 : memref<!tpu.dma_semaphore, #tpu.memory_space<semaphore_mem>>) src(%dma_wait3A_56 : memref<626x128xf32, #tpu.memory_space<vmem_shared>>) dst(%dma_wait3A_54 : memref<626x128xf32, #tpu.memory_space<hbm>>)
      tpu.yield
    }) : () -> ()
    return
  }
}

#map = affine_map<(d0, d1) -> (0, 0)>
#map1 = affine_map<(d0, d1) -> (0, 0, 0, 0)>
#map2 = affine_map<(d0, d1) -> (0, 0, 0)>
module attributes {stable_mosaic.version = 14 : i64} {
  func.func @_sc_aggr_body(%arg0: i32, %arg1: i32, %arg2: memref<10000x128xf32, #tpu.memory_space<hbm>>, %arg3: memref<32x2x40x128xi32, #tpu.memory_space<hbm>>, %arg4: memref<32x2x40x128xi32, #tpu.memory_space<hbm>>, %arg5: memref<626x128xf32, #tpu.memory_space<hbm>>, %arg6: memref<32x626x128xf32, #tpu.memory_space<hbm>>, %arg7: memref<40x128xi32, #tpu.memory_space<vmem>>, %arg8: memref<40x128xi32, #tpu.memory_space<vmem>>, %arg9: memref<128x128xf32, #tpu.memory_space<vmem>>, %arg10: memref<128x128xf32, #tpu.memory_space<vmem>>, %arg11: memref<10016x128xf32, #tpu.memory_space<vmem_shared>>, %arg12: memref<!tpu.dma_semaphore, #tpu.memory_space<semaphore_mem>>, %arg13: memref<!tpu.dma_semaphore, #tpu.memory_space<semaphore_mem>>) attributes {dimension_semantics = [#tpu.dimension_semantics<core_parallel>, #tpu.dimension_semantics<subcore_parallel>], iteration_bounds = array<i64: 2, 16>, scalar_prefetch = 0 : i64, scratch_operands = 7 : i64, tpu.core_type = #tpu.core_type<sc_vector_subcore>, window_params = [{transform_indices = #map}, {transform_indices = #map1}, {transform_indices = #map1}, {transform_indices = #map}, {transform_indices = #map2}]} {
    %mul3A = arith.constant 16 : i32
    %mul3A_0 = arith.muli %arg0, %mul3A : i32
    %add3A = arith.addi %mul3A_0, %arg1 : i32
    %mul3A_1 = arith.constant 626 : i32
    %mul3A_2 = arith.muli %arg1, %mul3A_1 : i32
    "tpu.region"() ({
      %run_scoped3A_45 = tpu.sem_alloc : memref<!tpu.dma_semaphore, #tpu.memory_space<semaphore_mem>>
      %dma_start3A_46 = arith.constant 0 : i32
      %dma_start3A_47 = tpu.memref_slice %arg11[%mul3A_2, %dma_start3A_46] : memref<10016x128xf32, #tpu.memory_space<vmem_shared>> -> memref<626x128xf32, #tpu.memory_space<vmem_shared>>
      tpu.enqueue_dma source(%arg5 : memref<626x128xf32, #tpu.memory_space<hbm>>) target(%dma_start3A_47 : memref<626x128xf32, #tpu.memory_space<vmem_shared>>) target_semaphore(%run_scoped3A_45 : memref<!tpu.dma_semaphore, #tpu.memory_space<semaphore_mem>>)
      %dma_wait3A = arith.constant 0 : i32
      %dma_wait3A_48 = tpu.memref_slice %arg11[%mul3A_2, %dma_wait3A] : memref<10016x128xf32, #tpu.memory_space<vmem_shared>> -> memref<626x128xf32, #tpu.memory_space<vmem_shared>>
      tpu.wait_dma2 semaphore(%run_scoped3A_45 : memref<!tpu.dma_semaphore, #tpu.memory_space<semaphore_mem>>) src(%arg5 : memref<626x128xf32, #tpu.memory_space<hbm>>) dst(%dma_wait3A_48 : memref<626x128xf32, #tpu.memory_space<vmem_shared>>)
      tpu.yield
    }) : () -> ()
    %barrier3A = arith.constant 0 : index
    tpu.barrier barrier_id(%barrier3A)
    %run_scoped3A = arith.constant 0 : i32
    "tpu.region"() ({
      %run_scoped3A_45 = tpu.sem_alloc : memref<!tpu.dma_semaphore, #tpu.memory_space<semaphore_mem>>
      %dma_start3A_46 = arith.constant 0 : i32
      %dma_start3A_47 = arith.constant 0 : i32
      %dma_start3A_48 = tpu.memref_slice %arg3[%add3A, %run_scoped3A, %dma_start3A_46, %dma_start3A_47] : memref<32x2x40x128xi32, #tpu.memory_space<hbm>> -> memref<1x1x40x128xi32, #tpu.memory_space<hbm>>
      %dma_start3A_49 = tpu.memref_squeeze %dma_start3A_48 : memref<1x1x40x128xi32, #tpu.memory_space<hbm>> -> memref<40x128xi32, #tpu.memory_space<hbm>>
      %dma_start3A_50 = arith.constant 0 : i32
      %dma_start3A_51 = arith.constant 0 : i32
      %dma_start3A_52 = tpu.memref_slice %arg3[%add3A, %run_scoped3A, %dma_start3A_50, %dma_start3A_51] : memref<32x2x40x128xi32, #tpu.memory_space<hbm>> -> memref<1x1x40x128xi32, #tpu.memory_space<hbm>>
      %dma_start3A_53 = tpu.memref_squeeze %dma_start3A_52 : memref<1x1x40x128xi32, #tpu.memory_space<hbm>> -> memref<40x128xi32, #tpu.memory_space<hbm>>
      tpu.enqueue_dma source(%dma_start3A_53 : memref<40x128xi32, #tpu.memory_space<hbm>>) target(%arg7 : memref<40x128xi32, #tpu.memory_space<vmem>>) target_semaphore(%run_scoped3A_45 : memref<!tpu.dma_semaphore, #tpu.memory_space<semaphore_mem>>)
      %dma_wait3A = arith.constant 0 : i32
      %dma_wait3A_54 = arith.constant 0 : i32
      %dma_wait3A_55 = tpu.memref_slice %arg3[%add3A, %run_scoped3A, %dma_wait3A, %dma_wait3A_54] : memref<32x2x40x128xi32, #tpu.memory_space<hbm>> -> memref<1x1x40x128xi32, #tpu.memory_space<hbm>>
      %dma_wait3A_56 = tpu.memref_squeeze %dma_wait3A_55 : memref<1x1x40x128xi32, #tpu.memory_space<hbm>> -> memref<40x128xi32, #tpu.memory_space<hbm>>
      %dma_wait3A_57 = arith.constant 0 : i32
      %dma_wait3A_58 = arith.constant 0 : i32
      %dma_wait3A_59 = tpu.memref_slice %arg3[%add3A, %run_scoped3A, %dma_wait3A_57, %dma_wait3A_58] : memref<32x2x40x128xi32, #tpu.memory_space<hbm>> -> memref<1x1x40x128xi32, #tpu.memory_space<hbm>>
      %dma_wait3A_60 = tpu.memref_squeeze %dma_wait3A_59 : memref<1x1x40x128xi32, #tpu.memory_space<hbm>> -> memref<40x128xi32, #tpu.memory_space<hbm>>
      tpu.wait_dma2 semaphore(%run_scoped3A_45 : memref<!tpu.dma_semaphore, #tpu.memory_space<semaphore_mem>>) src(%dma_wait3A_60 : memref<40x128xi32, #tpu.memory_space<hbm>>) dst(%arg7 : memref<40x128xi32, #tpu.memory_space<vmem>>)
      tpu.yield
    }) : () -> ()
    %run_scoped3A_3 = arith.constant 0 : i32
    "tpu.region"() ({
      %run_scoped3A_45 = tpu.sem_alloc : memref<!tpu.dma_semaphore, #tpu.memory_space<semaphore_mem>>
      %dma_start3A_46 = arith.constant 0 : i32
      %dma_start3A_47 = arith.constant 0 : i32
      %dma_start3A_48 = tpu.memref_slice %arg4[%add3A, %run_scoped3A_3, %dma_start3A_46, %dma_start3A_47] : memref<32x2x40x128xi32, #tpu.memory_space<hbm>> -> memref<1x1x40x128xi32, #tpu.memory_space<hbm>>
      %dma_start3A_49 = tpu.memref_squeeze %dma_start3A_48 : memref<1x1x40x128xi32, #tpu.memory_space<hbm>> -> memref<40x128xi32, #tpu.memory_space<hbm>>
      %dma_start3A_50 = arith.constant 0 : i32
      %dma_start3A_51 = arith.constant 0 : i32
      %dma_start3A_52 = tpu.memref_slice %arg4[%add3A, %run_scoped3A_3, %dma_start3A_50, %dma_start3A_51] : memref<32x2x40x128xi32, #tpu.memory_space<hbm>> -> memref<1x1x40x128xi32, #tpu.memory_space<hbm>>
      %dma_start3A_53 = tpu.memref_squeeze %dma_start3A_52 : memref<1x1x40x128xi32, #tpu.memory_space<hbm>> -> memref<40x128xi32, #tpu.memory_space<hbm>>
      tpu.enqueue_dma source(%dma_start3A_53 : memref<40x128xi32, #tpu.memory_space<hbm>>) target(%arg8 : memref<40x128xi32, #tpu.memory_space<vmem>>) target_semaphore(%run_scoped3A_45 : memref<!tpu.dma_semaphore, #tpu.memory_space<semaphore_mem>>)
      %dma_wait3A = arith.constant 0 : i32
      %dma_wait3A_54 = arith.constant 0 : i32
      %dma_wait3A_55 = tpu.memref_slice %arg4[%add3A, %run_scoped3A_3, %dma_wait3A, %dma_wait3A_54] : memref<32x2x40x128xi32, #tpu.memory_space<hbm>> -> memref<1x1x40x128xi32, #tpu.memory_space<hbm>>
      %dma_wait3A_56 = tpu.memref_squeeze %dma_wait3A_55 : memref<1x1x40x128xi32, #tpu.memory_space<hbm>> -> memref<40x128xi32, #tpu.memory_space<hbm>>
      %dma_wait3A_57 = arith.constant 0 : i32
      %dma_wait3A_58 = arith.constant 0 : i32
      %dma_wait3A_59 = tpu.memref_slice %arg4[%add3A, %run_scoped3A_3, %dma_wait3A_57, %dma_wait3A_58] : memref<32x2x40x128xi32, #tpu.memory_space<hbm>> -> memref<1x1x40x128xi32, #tpu.memory_space<hbm>>
      %dma_wait3A_60 = tpu.memref_squeeze %dma_wait3A_59 : memref<1x1x40x128xi32, #tpu.memory_space<hbm>> -> memref<40x128xi32, #tpu.memory_space<hbm>>
      tpu.wait_dma2 semaphore(%run_scoped3A_45 : memref<!tpu.dma_semaphore, #tpu.memory_space<semaphore_mem>>) src(%dma_wait3A_60 : memref<40x128xi32, #tpu.memory_space<hbm>>) dst(%arg8 : memref<40x128xi32, #tpu.memory_space<vmem>>)
      tpu.yield
    }) : () -> ()
    %dma_start3A = arith.constant 0 : i32
    %dma_start3A_4 = arith.constant 0 : i32
    %dma_start3A_5 = tpu.memref_slice %arg7[%dma_start3A, %dma_start3A_4] : memref<40x128xi32, #tpu.memory_space<vmem>> -> memref<1x128xi32, #tpu.memory_space<vmem>>
    %dma_start3A_6 = tpu.memref_squeeze %dma_start3A_5 : memref<1x128xi32, #tpu.memory_space<vmem>> -> memref<128xi32, #tpu.memory_space<vmem>>
    %dma_start3A_7 = arith.constant 0 : i32
    %dma_start3A_8 = arith.constant 0 : i32
    %dma_start3A_9 = tpu.memref_slice %arg2[%dma_start3A_7, %dma_start3A_8] : memref<10000x128xf32, #tpu.memory_space<hbm>> -> memref<10000x128xf32, #tpu.memory_space<hbm>>
    tpu.enqueue_indirect_dma source(%dma_start3A_9 : memref<10000x128xf32, #tpu.memory_space<hbm>>) target(%arg9 : memref<128x128xf32, #tpu.memory_space<vmem>>) offsets(%dma_start3A_6 : memref<128xi32, #tpu.memory_space<vmem>>) semaphore(%arg12 : memref<!tpu.dma_semaphore, #tpu.memory_space<semaphore_mem>>)
    %dma_start3A_10 = arith.constant 1 : i32
    %dma_start3A_11 = arith.constant 0 : i32
    %dma_start3A_12 = tpu.memref_slice %arg7[%dma_start3A_10, %dma_start3A_11] : memref<40x128xi32, #tpu.memory_space<vmem>> -> memref<1x128xi32, #tpu.memory_space<vmem>>
    %dma_start3A_13 = tpu.memref_squeeze %dma_start3A_12 : memref<1x128xi32, #tpu.memory_space<vmem>> -> memref<128xi32, #tpu.memory_space<vmem>>
    %dma_start3A_14 = arith.constant 0 : i32
    %dma_start3A_15 = arith.constant 0 : i32
    %dma_start3A_16 = tpu.memref_slice %arg2[%dma_start3A_14, %dma_start3A_15] : memref<10000x128xf32, #tpu.memory_space<hbm>> -> memref<10000x128xf32, #tpu.memory_space<hbm>>
    tpu.enqueue_indirect_dma source(%dma_start3A_16 : memref<10000x128xf32, #tpu.memory_space<hbm>>) target(%arg10 : memref<128x128xf32, #tpu.memory_space<vmem>>) offsets(%dma_start3A_13 : memref<128xi32, #tpu.memory_space<vmem>>) semaphore(%arg13 : memref<!tpu.dma_semaphore, #tpu.memory_space<semaphore_mem>>)
    %scan3A = arith.constant 0 : i32
    %scan3A_17 = arith.constant 20 : i32
    %scan3A_18 = arith.addi %scan3A, %scan3A_17 : i32
    %scan3A_19 = arith.constant 1 : i32
    scf.for %scan3A_45 = %scan3A to %scan3A_18 step %scan3A_19  : i32 {
      %mul3A_46 = arith.constant 2 : i32
      %mul3A_47 = arith.muli %mul3A_46, %scan3A_45 : i32
      %mul3A_48 = arith.constant 2 : i32
      %mul3A_49 = arith.muli %mul3A_48, %scan3A_45 : i32
      %add3A_50 = arith.constant 1 : i32
      %add3A_51 = arith.addi %mul3A_49, %add3A_50 : i32
      %dma_wait3A = arith.constant 0 : i32
      %dma_wait3A_52 = tpu.memref_slice %arg7[%mul3A_47, %dma_wait3A] : memref<40x128xi32, #tpu.memory_space<vmem>> -> memref<1x128xi32, #tpu.memory_space<vmem>>
      %dma_wait3A_53 = tpu.memref_squeeze %dma_wait3A_52 : memref<1x128xi32, #tpu.memory_space<vmem>> -> memref<128xi32, #tpu.memory_space<vmem>>
      %dma_wait3A_54 = arith.constant 0 : i32
      %dma_wait3A_55 = arith.constant 0 : i32
      %dma_wait3A_56 = tpu.memref_slice %arg2[%dma_wait3A_54, %dma_wait3A_55] : memref<10000x128xf32, #tpu.memory_space<hbm>> -> memref<10000x128xf32, #tpu.memory_space<hbm>>
      tpu.wait_indirect_dma semaphore(%arg12 : memref<!tpu.dma_semaphore, #tpu.memory_space<semaphore_mem>>) src(%dma_wait3A_56 : memref<10000x128xf32, #tpu.memory_space<hbm>>) dst(%arg9 : memref<128x128xf32, #tpu.memory_space<vmem>>)
      "tpu.region"() ({
        %run_scoped3A_74 = tpu.sem_alloc : memref<!tpu.dma_semaphore, #tpu.memory_space<semaphore_mem>>
        %dma_start3A_75 = arith.constant 0 : i32
        %dma_start3A_76 = tpu.memref_slice %arg8[%mul3A_47, %dma_start3A_75] : memref<40x128xi32, #tpu.memory_space<vmem>> -> memref<1x128xi32, #tpu.memory_space<vmem>>
        %dma_start3A_77 = tpu.memref_squeeze %dma_start3A_76 : memref<1x128xi32, #tpu.memory_space<vmem>> -> memref<128xi32, #tpu.memory_space<vmem>>
        %dma_start3A_78 = arith.constant 0 : i32
        %dma_start3A_79 = arith.constant 0 : i32
        %dma_start3A_80 = tpu.memref_slice %arg11[%dma_start3A_78, %dma_start3A_79] : memref<10016x128xf32, #tpu.memory_space<vmem_shared>> -> memref<10016x128xf32, #tpu.memory_space<vmem_shared>>
        tpu.enqueue_indirect_dma source(%arg9 : memref<128x128xf32, #tpu.memory_space<vmem>>) target(%dma_start3A_80 : memref<10016x128xf32, #tpu.memory_space<vmem_shared>>) offsets(%dma_start3A_77 : memref<128xi32, #tpu.memory_space<vmem>>) semaphore(%run_scoped3A_74 : memref<!tpu.dma_semaphore, #tpu.memory_space<semaphore_mem>>) {add = true}
        %dma_wait3A_81 = arith.constant 0 : i32
        %dma_wait3A_82 = tpu.memref_slice %arg8[%mul3A_47, %dma_wait3A_81] : memref<40x128xi32, #tpu.memory_space<vmem>> -> memref<1x128xi32, #tpu.memory_space<vmem>>
        %dma_wait3A_83 = tpu.memref_squeeze %dma_wait3A_82 : memref<1x128xi32, #tpu.memory_space<vmem>> -> memref<128xi32, #tpu.memory_space<vmem>>
        %dma_wait3A_84 = arith.constant 0 : i32
        %dma_wait3A_85 = arith.constant 0 : i32
        %dma_wait3A_86 = tpu.memref_slice %arg11[%dma_wait3A_84, %dma_wait3A_85] : memref<10016x128xf32, #tpu.memory_space<vmem_shared>> -> memref<10016x128xf32, #tpu.memory_space<vmem_shared>>
        tpu.wait_indirect_dma semaphore(%run_scoped3A_74 : memref<!tpu.dma_semaphore, #tpu.memory_space<semaphore_mem>>) src(%arg9 : memref<128x128xf32, #tpu.memory_space<vmem>>) dst(%dma_wait3A_86 : memref<10016x128xf32, #tpu.memory_space<vmem_shared>>)
        tpu.yield
      }) : () -> ()
      %add3A_57 = arith.constant 2 : i32
      %add3A_58 = arith.addi %mul3A_47, %add3A_57 : i32
      %lt3A = arith.constant 40 : i32
      %lt3A_59 = arith.cmpi slt, %add3A_58, %lt3A : i32
      %convert_element_type3A = arith.extui %lt3A_59 : i1 to i32
      %cond3A = arith.constant 0 : i32
      %cond3A_60 = arith.cmpi ne, %convert_element_type3A, %cond3A : i32
      scf.if %cond3A_60 {
        %add3A_74 = arith.constant 2 : i32
        %add3A_75 = arith.addi %mul3A_47, %add3A_74 : i32
        %dma_start3A_76 = arith.constant 0 : i32
        %dma_start3A_77 = tpu.memref_slice %arg7[%add3A_75, %dma_start3A_76] : memref<40x128xi32, #tpu.memory_space<vmem>> -> memref<1x128xi32, #tpu.memory_space<vmem>>
        %dma_start3A_78 = tpu.memref_squeeze %dma_start3A_77 : memref<1x128xi32, #tpu.memory_space<vmem>> -> memref<128xi32, #tpu.memory_space<vmem>>
        %dma_start3A_79 = arith.constant 0 : i32
        %dma_start3A_80 = arith.constant 0 : i32
        %dma_start3A_81 = tpu.memref_slice %arg2[%dma_start3A_79, %dma_start3A_80] : memref<10000x128xf32, #tpu.memory_space<hbm>> -> memref<10000x128xf32, #tpu.memory_space<hbm>>
        tpu.enqueue_indirect_dma source(%dma_start3A_81 : memref<10000x128xf32, #tpu.memory_space<hbm>>) target(%arg9 : memref<128x128xf32, #tpu.memory_space<vmem>>) offsets(%dma_start3A_78 : memref<128xi32, #tpu.memory_space<vmem>>) semaphore(%arg12 : memref<!tpu.dma_semaphore, #tpu.memory_space<semaphore_mem>>)
      } else {
      }
      %dma_wait3A_61 = arith.constant 0 : i32
      %dma_wait3A_62 = tpu.memref_slice %arg7[%add3A_51, %dma_wait3A_61] : memref<40x128xi32, #tpu.memory_space<vmem>> -> memref<1x128xi32, #tpu.memory_space<vmem>>
      %dma_wait3A_63 = tpu.memref_squeeze %dma_wait3A_62 : memref<1x128xi32, #tpu.memory_space<vmem>> -> memref<128xi32, #tpu.memory_space<vmem>>
      %dma_wait3A_64 = arith.constant 0 : i32
      %dma_wait3A_65 = arith.constant 0 : i32
      %dma_wait3A_66 = tpu.memref_slice %arg2[%dma_wait3A_64, %dma_wait3A_65] : memref<10000x128xf32, #tpu.memory_space<hbm>> -> memref<10000x128xf32, #tpu.memory_space<hbm>>
      tpu.wait_indirect_dma semaphore(%arg13 : memref<!tpu.dma_semaphore, #tpu.memory_space<semaphore_mem>>) src(%dma_wait3A_66 : memref<10000x128xf32, #tpu.memory_space<hbm>>) dst(%arg10 : memref<128x128xf32, #tpu.memory_space<vmem>>)
      "tpu.region"() ({
        %run_scoped3A_74 = tpu.sem_alloc : memref<!tpu.dma_semaphore, #tpu.memory_space<semaphore_mem>>
        %dma_start3A_75 = arith.constant 0 : i32
        %dma_start3A_76 = tpu.memref_slice %arg8[%add3A_51, %dma_start3A_75] : memref<40x128xi32, #tpu.memory_space<vmem>> -> memref<1x128xi32, #tpu.memory_space<vmem>>
        %dma_start3A_77 = tpu.memref_squeeze %dma_start3A_76 : memref<1x128xi32, #tpu.memory_space<vmem>> -> memref<128xi32, #tpu.memory_space<vmem>>
        %dma_start3A_78 = arith.constant 0 : i32
        %dma_start3A_79 = arith.constant 0 : i32
        %dma_start3A_80 = tpu.memref_slice %arg11[%dma_start3A_78, %dma_start3A_79] : memref<10016x128xf32, #tpu.memory_space<vmem_shared>> -> memref<10016x128xf32, #tpu.memory_space<vmem_shared>>
        tpu.enqueue_indirect_dma source(%arg10 : memref<128x128xf32, #tpu.memory_space<vmem>>) target(%dma_start3A_80 : memref<10016x128xf32, #tpu.memory_space<vmem_shared>>) offsets(%dma_start3A_77 : memref<128xi32, #tpu.memory_space<vmem>>) semaphore(%run_scoped3A_74 : memref<!tpu.dma_semaphore, #tpu.memory_space<semaphore_mem>>) {add = true}
        %dma_wait3A_81 = arith.constant 0 : i32
        %dma_wait3A_82 = tpu.memref_slice %arg8[%add3A_51, %dma_wait3A_81] : memref<40x128xi32, #tpu.memory_space<vmem>> -> memref<1x128xi32, #tpu.memory_space<vmem>>
        %dma_wait3A_83 = tpu.memref_squeeze %dma_wait3A_82 : memref<1x128xi32, #tpu.memory_space<vmem>> -> memref<128xi32, #tpu.memory_space<vmem>>
        %dma_wait3A_84 = arith.constant 0 : i32
        %dma_wait3A_85 = arith.constant 0 : i32
        %dma_wait3A_86 = tpu.memref_slice %arg11[%dma_wait3A_84, %dma_wait3A_85] : memref<10016x128xf32, #tpu.memory_space<vmem_shared>> -> memref<10016x128xf32, #tpu.memory_space<vmem_shared>>
        tpu.wait_indirect_dma semaphore(%run_scoped3A_74 : memref<!tpu.dma_semaphore, #tpu.memory_space<semaphore_mem>>) src(%arg10 : memref<128x128xf32, #tpu.memory_space<vmem>>) dst(%dma_wait3A_86 : memref<10016x128xf32, #tpu.memory_space<vmem_shared>>)
        tpu.yield
      }) : () -> ()
      %add3A_67 = arith.constant 2 : i32
      %add3A_68 = arith.addi %add3A_51, %add3A_67 : i32
      %lt3A_69 = arith.constant 40 : i32
      %lt3A_70 = arith.cmpi slt, %add3A_68, %lt3A_69 : i32
      %convert_element_type3A_71 = arith.extui %lt3A_70 : i1 to i32
      %cond3A_72 = arith.constant 0 : i32
      %cond3A_73 = arith.cmpi ne, %convert_element_type3A_71, %cond3A_72 : i32
      scf.if %cond3A_73 {
        %add3A_74 = arith.constant 2 : i32
        %add3A_75 = arith.addi %add3A_51, %add3A_74 : i32
        %dma_start3A_76 = arith.constant 0 : i32
        %dma_start3A_77 = tpu.memref_slice %arg7[%add3A_75, %dma_start3A_76] : memref<40x128xi32, #tpu.memory_space<vmem>> -> memref<1x128xi32, #tpu.memory_space<vmem>>
        %dma_start3A_78 = tpu.memref_squeeze %dma_start3A_77 : memref<1x128xi32, #tpu.memory_space<vmem>> -> memref<128xi32, #tpu.memory_space<vmem>>
        %dma_start3A_79 = arith.constant 0 : i32
        %dma_start3A_80 = arith.constant 0 : i32
        %dma_start3A_81 = tpu.memref_slice %arg2[%dma_start3A_79, %dma_start3A_80] : memref<10000x128xf32, #tpu.memory_space<hbm>> -> memref<10000x128xf32, #tpu.memory_space<hbm>>
        tpu.enqueue_indirect_dma source(%dma_start3A_81 : memref<10000x128xf32, #tpu.memory_space<hbm>>) target(%arg10 : memref<128x128xf32, #tpu.memory_space<vmem>>) offsets(%dma_start3A_78 : memref<128xi32, #tpu.memory_space<vmem>>) semaphore(%arg13 : memref<!tpu.dma_semaphore, #tpu.memory_space<semaphore_mem>>)
      } else {
      }
    }
    %scan3A_20 = arith.constant 20 : i32
    %run_scoped3A_21 = arith.constant 1 : i32
    "tpu.region"() ({
      %run_scoped3A_45 = tpu.sem_alloc : memref<!tpu.dma_semaphore, #tpu.memory_space<semaphore_mem>>
      %dma_start3A_46 = arith.constant 0 : i32
      %dma_start3A_47 = arith.constant 0 : i32
      %dma_start3A_48 = tpu.memref_slice %arg3[%add3A, %run_scoped3A_21, %dma_start3A_46, %dma_start3A_47] : memref<32x2x40x128xi32, #tpu.memory_space<hbm>> -> memref<1x1x40x128xi32, #tpu.memory_space<hbm>>
      %dma_start3A_49 = tpu.memref_squeeze %dma_start3A_48 : memref<1x1x40x128xi32, #tpu.memory_space<hbm>> -> memref<40x128xi32, #tpu.memory_space<hbm>>
      %dma_start3A_50 = arith.constant 0 : i32
      %dma_start3A_51 = arith.constant 0 : i32
      %dma_start3A_52 = tpu.memref_slice %arg3[%add3A, %run_scoped3A_21, %dma_start3A_50, %dma_start3A_51] : memref<32x2x40x128xi32, #tpu.memory_space<hbm>> -> memref<1x1x40x128xi32, #tpu.memory_space<hbm>>
      %dma_start3A_53 = tpu.memref_squeeze %dma_start3A_52 : memref<1x1x40x128xi32, #tpu.memory_space<hbm>> -> memref<40x128xi32, #tpu.memory_space<hbm>>
      tpu.enqueue_dma source(%dma_start3A_53 : memref<40x128xi32, #tpu.memory_space<hbm>>) target(%arg7 : memref<40x128xi32, #tpu.memory_space<vmem>>) target_semaphore(%run_scoped3A_45 : memref<!tpu.dma_semaphore, #tpu.memory_space<semaphore_mem>>)
      %dma_wait3A = arith.constant 0 : i32
      %dma_wait3A_54 = arith.constant 0 : i32
      %dma_wait3A_55 = tpu.memref_slice %arg3[%add3A, %run_scoped3A_21, %dma_wait3A, %dma_wait3A_54] : memref<32x2x40x128xi32, #tpu.memory_space<hbm>> -> memref<1x1x40x128xi32, #tpu.memory_space<hbm>>
      %dma_wait3A_56 = tpu.memref_squeeze %dma_wait3A_55 : memref<1x1x40x128xi32, #tpu.memory_space<hbm>> -> memref<40x128xi32, #tpu.memory_space<hbm>>
      %dma_wait3A_57 = arith.constant 0 : i32
      %dma_wait3A_58 = arith.constant 0 : i32
      %dma_wait3A_59 = tpu.memref_slice %arg3[%add3A, %run_scoped3A_21, %dma_wait3A_57, %dma_wait3A_58] : memref<32x2x40x128xi32, #tpu.memory_space<hbm>> -> memref<1x1x40x128xi32, #tpu.memory_space<hbm>>
      %dma_wait3A_60 = tpu.memref_squeeze %dma_wait3A_59 : memref<1x1x40x128xi32, #tpu.memory_space<hbm>> -> memref<40x128xi32, #tpu.memory_space<hbm>>
      tpu.wait_dma2 semaphore(%run_scoped3A_45 : memref<!tpu.dma_semaphore, #tpu.memory_space<semaphore_mem>>) src(%dma_wait3A_60 : memref<40x128xi32, #tpu.memory_space<hbm>>) dst(%arg7 : memref<40x128xi32, #tpu.memory_space<vmem>>)
      tpu.yield
    }) : () -> ()
    %run_scoped3A_22 = arith.constant 1 : i32
    "tpu.region"() ({
      %run_scoped3A_45 = tpu.sem_alloc : memref<!tpu.dma_semaphore, #tpu.memory_space<semaphore_mem>>
      %dma_start3A_46 = arith.constant 0 : i32
      %dma_start3A_47 = arith.constant 0 : i32
      %dma_start3A_48 = tpu.memref_slice %arg4[%add3A, %run_scoped3A_22, %dma_start3A_46, %dma_start3A_47] : memref<32x2x40x128xi32, #tpu.memory_space<hbm>> -> memref<1x1x40x128xi32, #tpu.memory_space<hbm>>
      %dma_start3A_49 = tpu.memref_squeeze %dma_start3A_48 : memref<1x1x40x128xi32, #tpu.memory_space<hbm>> -> memref<40x128xi32, #tpu.memory_space<hbm>>
      %dma_start3A_50 = arith.constant 0 : i32
      %dma_start3A_51 = arith.constant 0 : i32
      %dma_start3A_52 = tpu.memref_slice %arg4[%add3A, %run_scoped3A_22, %dma_start3A_50, %dma_start3A_51] : memref<32x2x40x128xi32, #tpu.memory_space<hbm>> -> memref<1x1x40x128xi32, #tpu.memory_space<hbm>>
      %dma_start3A_53 = tpu.memref_squeeze %dma_start3A_52 : memref<1x1x40x128xi32, #tpu.memory_space<hbm>> -> memref<40x128xi32, #tpu.memory_space<hbm>>
      tpu.enqueue_dma source(%dma_start3A_53 : memref<40x128xi32, #tpu.memory_space<hbm>>) target(%arg8 : memref<40x128xi32, #tpu.memory_space<vmem>>) target_semaphore(%run_scoped3A_45 : memref<!tpu.dma_semaphore, #tpu.memory_space<semaphore_mem>>)
      %dma_wait3A = arith.constant 0 : i32
      %dma_wait3A_54 = arith.constant 0 : i32
      %dma_wait3A_55 = tpu.memref_slice %arg4[%add3A, %run_scoped3A_22, %dma_wait3A, %dma_wait3A_54] : memref<32x2x40x128xi32, #tpu.memory_space<hbm>> -> memref<1x1x40x128xi32, #tpu.memory_space<hbm>>
      %dma_wait3A_56 = tpu.memref_squeeze %dma_wait3A_55 : memref<1x1x40x128xi32, #tpu.memory_space<hbm>> -> memref<40x128xi32, #tpu.memory_space<hbm>>
      %dma_wait3A_57 = arith.constant 0 : i32
      %dma_wait3A_58 = arith.constant 0 : i32
      %dma_wait3A_59 = tpu.memref_slice %arg4[%add3A, %run_scoped3A_22, %dma_wait3A_57, %dma_wait3A_58] : memref<32x2x40x128xi32, #tpu.memory_space<hbm>> -> memref<1x1x40x128xi32, #tpu.memory_space<hbm>>
      %dma_wait3A_60 = tpu.memref_squeeze %dma_wait3A_59 : memref<1x1x40x128xi32, #tpu.memory_space<hbm>> -> memref<40x128xi32, #tpu.memory_space<hbm>>
      tpu.wait_dma2 semaphore(%run_scoped3A_45 : memref<!tpu.dma_semaphore, #tpu.memory_space<semaphore_mem>>) src(%dma_wait3A_60 : memref<40x128xi32, #tpu.memory_space<hbm>>) dst(%arg8 : memref<40x128xi32, #tpu.memory_space<vmem>>)
      tpu.yield
    }) : () -> ()
    %dma_start3A_23 = arith.constant 0 : i32
    %dma_start3A_24 = arith.constant 0 : i32
    %dma_start3A_25 = tpu.memref_slice %arg7[%dma_start3A_23, %dma_start3A_24] : memref<40x128xi32, #tpu.memory_space<vmem>> -> memref<1x128xi32, #tpu.memory_space<vmem>>
    %dma_start3A_26 = tpu.memref_squeeze %dma_start3A_25 : memref<1x128xi32, #tpu.memory_space<vmem>> -> memref<128xi32, #tpu.memory_space<vmem>>
    %dma_start3A_27 = arith.constant 0 : i32
    %dma_start3A_28 = arith.constant 0 : i32
    %dma_start3A_29 = tpu.memref_slice %arg2[%dma_start3A_27, %dma_start3A_28] : memref<10000x128xf32, #tpu.memory_space<hbm>> -> memref<10000x128xf32, #tpu.memory_space<hbm>>
    tpu.enqueue_indirect_dma source(%dma_start3A_29 : memref<10000x128xf32, #tpu.memory_space<hbm>>) target(%arg9 : memref<128x128xf32, #tpu.memory_space<vmem>>) offsets(%dma_start3A_26 : memref<128xi32, #tpu.memory_space<vmem>>) semaphore(%arg12 : memref<!tpu.dma_semaphore, #tpu.memory_space<semaphore_mem>>)
    %dma_start3A_30 = arith.constant 1 : i32
    %dma_start3A_31 = arith.constant 0 : i32
    %dma_start3A_32 = tpu.memref_slice %arg7[%dma_start3A_30, %dma_start3A_31] : memref<40x128xi32, #tpu.memory_space<vmem>> -> memref<1x128xi32, #tpu.memory_space<vmem>>
    %dma_start3A_33 = tpu.memref_squeeze %dma_start3A_32 : memref<1x128xi32, #tpu.memory_space<vmem>> -> memref<128xi32, #tpu.memory_space<vmem>>
    %dma_start3A_34 = arith.constant 0 : i32
    %dma_start3A_35 = arith.constant 0 : i32
    %dma_start3A_36 = tpu.memref_slice %arg2[%dma_start3A_34, %dma_start3A_35] : memref<10000x128xf32, #tpu.memory_space<hbm>> -> memref<10000x128xf32, #tpu.memory_space<hbm>>
    tpu.enqueue_indirect_dma source(%dma_start3A_36 : memref<10000x128xf32, #tpu.memory_space<hbm>>) target(%arg10 : memref<128x128xf32, #tpu.memory_space<vmem>>) offsets(%dma_start3A_33 : memref<128xi32, #tpu.memory_space<vmem>>) semaphore(%arg13 : memref<!tpu.dma_semaphore, #tpu.memory_space<semaphore_mem>>)
    %scan3A_37 = arith.constant 0 : i32
    %scan3A_38 = arith.constant 20 : i32
    %scan3A_39 = arith.addi %scan3A_37, %scan3A_38 : i32
    %scan3A_40 = arith.constant 1 : i32
    scf.for %scan3A_45 = %scan3A_37 to %scan3A_39 step %scan3A_40  : i32 {
      %mul3A_46 = arith.constant 2 : i32
      %mul3A_47 = arith.muli %mul3A_46, %scan3A_45 : i32
      %mul3A_48 = arith.constant 2 : i32
      %mul3A_49 = arith.muli %mul3A_48, %scan3A_45 : i32
      %add3A_50 = arith.constant 1 : i32
      %add3A_51 = arith.addi %mul3A_49, %add3A_50 : i32
      %dma_wait3A = arith.constant 0 : i32
      %dma_wait3A_52 = tpu.memref_slice %arg7[%mul3A_47, %dma_wait3A] : memref<40x128xi32, #tpu.memory_space<vmem>> -> memref<1x128xi32, #tpu.memory_space<vmem>>
      %dma_wait3A_53 = tpu.memref_squeeze %dma_wait3A_52 : memref<1x128xi32, #tpu.memory_space<vmem>> -> memref<128xi32, #tpu.memory_space<vmem>>
      %dma_wait3A_54 = arith.constant 0 : i32
      %dma_wait3A_55 = arith.constant 0 : i32
      %dma_wait3A_56 = tpu.memref_slice %arg2[%dma_wait3A_54, %dma_wait3A_55] : memref<10000x128xf32, #tpu.memory_space<hbm>> -> memref<10000x128xf32, #tpu.memory_space<hbm>>
      tpu.wait_indirect_dma semaphore(%arg12 : memref<!tpu.dma_semaphore, #tpu.memory_space<semaphore_mem>>) src(%dma_wait3A_56 : memref<10000x128xf32, #tpu.memory_space<hbm>>) dst(%arg9 : memref<128x128xf32, #tpu.memory_space<vmem>>)
      "tpu.region"() ({
        %run_scoped3A_74 = tpu.sem_alloc : memref<!tpu.dma_semaphore, #tpu.memory_space<semaphore_mem>>
        %dma_start3A_75 = arith.constant 0 : i32
        %dma_start3A_76 = tpu.memref_slice %arg8[%mul3A_47, %dma_start3A_75] : memref<40x128xi32, #tpu.memory_space<vmem>> -> memref<1x128xi32, #tpu.memory_space<vmem>>
        %dma_start3A_77 = tpu.memref_squeeze %dma_start3A_76 : memref<1x128xi32, #tpu.memory_space<vmem>> -> memref<128xi32, #tpu.memory_space<vmem>>
        %dma_start3A_78 = arith.constant 0 : i32
        %dma_start3A_79 = arith.constant 0 : i32
        %dma_start3A_80 = tpu.memref_slice %arg11[%dma_start3A_78, %dma_start3A_79] : memref<10016x128xf32, #tpu.memory_space<vmem_shared>> -> memref<10016x128xf32, #tpu.memory_space<vmem_shared>>
        tpu.enqueue_indirect_dma source(%arg9 : memref<128x128xf32, #tpu.memory_space<vmem>>) target(%dma_start3A_80 : memref<10016x128xf32, #tpu.memory_space<vmem_shared>>) offsets(%dma_start3A_77 : memref<128xi32, #tpu.memory_space<vmem>>) semaphore(%run_scoped3A_74 : memref<!tpu.dma_semaphore, #tpu.memory_space<semaphore_mem>>) {add = true}
        %dma_wait3A_81 = arith.constant 0 : i32
        %dma_wait3A_82 = tpu.memref_slice %arg8[%mul3A_47, %dma_wait3A_81] : memref<40x128xi32, #tpu.memory_space<vmem>> -> memref<1x128xi32, #tpu.memory_space<vmem>>
        %dma_wait3A_83 = tpu.memref_squeeze %dma_wait3A_82 : memref<1x128xi32, #tpu.memory_space<vmem>> -> memref<128xi32, #tpu.memory_space<vmem>>
        %dma_wait3A_84 = arith.constant 0 : i32
        %dma_wait3A_85 = arith.constant 0 : i32
        %dma_wait3A_86 = tpu.memref_slice %arg11[%dma_wait3A_84, %dma_wait3A_85] : memref<10016x128xf32, #tpu.memory_space<vmem_shared>> -> memref<10016x128xf32, #tpu.memory_space<vmem_shared>>
        tpu.wait_indirect_dma semaphore(%run_scoped3A_74 : memref<!tpu.dma_semaphore, #tpu.memory_space<semaphore_mem>>) src(%arg9 : memref<128x128xf32, #tpu.memory_space<vmem>>) dst(%dma_wait3A_86 : memref<10016x128xf32, #tpu.memory_space<vmem_shared>>)
        tpu.yield
      }) : () -> ()
      %add3A_57 = arith.constant 2 : i32
      %add3A_58 = arith.addi %mul3A_47, %add3A_57 : i32
      %lt3A = arith.constant 40 : i32
      %lt3A_59 = arith.cmpi slt, %add3A_58, %lt3A : i32
      %convert_element_type3A = arith.extui %lt3A_59 : i1 to i32
      %cond3A = arith.constant 0 : i32
      %cond3A_60 = arith.cmpi ne, %convert_element_type3A, %cond3A : i32
      scf.if %cond3A_60 {
        %add3A_74 = arith.constant 2 : i32
        %add3A_75 = arith.addi %mul3A_47, %add3A_74 : i32
        %dma_start3A_76 = arith.constant 0 : i32
        %dma_start3A_77 = tpu.memref_slice %arg7[%add3A_75, %dma_start3A_76] : memref<40x128xi32, #tpu.memory_space<vmem>> -> memref<1x128xi32, #tpu.memory_space<vmem>>
        %dma_start3A_78 = tpu.memref_squeeze %dma_start3A_77 : memref<1x128xi32, #tpu.memory_space<vmem>> -> memref<128xi32, #tpu.memory_space<vmem>>
        %dma_start3A_79 = arith.constant 0 : i32
        %dma_start3A_80 = arith.constant 0 : i32
        %dma_start3A_81 = tpu.memref_slice %arg2[%dma_start3A_79, %dma_start3A_80] : memref<10000x128xf32, #tpu.memory_space<hbm>> -> memref<10000x128xf32, #tpu.memory_space<hbm>>
        tpu.enqueue_indirect_dma source(%dma_start3A_81 : memref<10000x128xf32, #tpu.memory_space<hbm>>) target(%arg9 : memref<128x128xf32, #tpu.memory_space<vmem>>) offsets(%dma_start3A_78 : memref<128xi32, #tpu.memory_space<vmem>>) semaphore(%arg12 : memref<!tpu.dma_semaphore, #tpu.memory_space<semaphore_mem>>)
      } else {
      }
      %dma_wait3A_61 = arith.constant 0 : i32
      %dma_wait3A_62 = tpu.memref_slice %arg7[%add3A_51, %dma_wait3A_61] : memref<40x128xi32, #tpu.memory_space<vmem>> -> memref<1x128xi32, #tpu.memory_space<vmem>>
      %dma_wait3A_63 = tpu.memref_squeeze %dma_wait3A_62 : memref<1x128xi32, #tpu.memory_space<vmem>> -> memref<128xi32, #tpu.memory_space<vmem>>
      %dma_wait3A_64 = arith.constant 0 : i32
      %dma_wait3A_65 = arith.constant 0 : i32
      %dma_wait3A_66 = tpu.memref_slice %arg2[%dma_wait3A_64, %dma_wait3A_65] : memref<10000x128xf32, #tpu.memory_space<hbm>> -> memref<10000x128xf32, #tpu.memory_space<hbm>>
      tpu.wait_indirect_dma semaphore(%arg13 : memref<!tpu.dma_semaphore, #tpu.memory_space<semaphore_mem>>) src(%dma_wait3A_66 : memref<10000x128xf32, #tpu.memory_space<hbm>>) dst(%arg10 : memref<128x128xf32, #tpu.memory_space<vmem>>)
      "tpu.region"() ({
        %run_scoped3A_74 = tpu.sem_alloc : memref<!tpu.dma_semaphore, #tpu.memory_space<semaphore_mem>>
        %dma_start3A_75 = arith.constant 0 : i32
        %dma_start3A_76 = tpu.memref_slice %arg8[%add3A_51, %dma_start3A_75] : memref<40x128xi32, #tpu.memory_space<vmem>> -> memref<1x128xi32, #tpu.memory_space<vmem>>
        %dma_start3A_77 = tpu.memref_squeeze %dma_start3A_76 : memref<1x128xi32, #tpu.memory_space<vmem>> -> memref<128xi32, #tpu.memory_space<vmem>>
        %dma_start3A_78 = arith.constant 0 : i32
        %dma_start3A_79 = arith.constant 0 : i32
        %dma_start3A_80 = tpu.memref_slice %arg11[%dma_start3A_78, %dma_start3A_79] : memref<10016x128xf32, #tpu.memory_space<vmem_shared>> -> memref<10016x128xf32, #tpu.memory_space<vmem_shared>>
        tpu.enqueue_indirect_dma source(%arg10 : memref<128x128xf32, #tpu.memory_space<vmem>>) target(%dma_start3A_80 : memref<10016x128xf32, #tpu.memory_space<vmem_shared>>) offsets(%dma_start3A_77 : memref<128xi32, #tpu.memory_space<vmem>>) semaphore(%run_scoped3A_74 : memref<!tpu.dma_semaphore, #tpu.memory_space<semaphore_mem>>) {add = true}
        %dma_wait3A_81 = arith.constant 0 : i32
        %dma_wait3A_82 = tpu.memref_slice %arg8[%add3A_51, %dma_wait3A_81] : memref<40x128xi32, #tpu.memory_space<vmem>> -> memref<1x128xi32, #tpu.memory_space<vmem>>
        %dma_wait3A_83 = tpu.memref_squeeze %dma_wait3A_82 : memref<1x128xi32, #tpu.memory_space<vmem>> -> memref<128xi32, #tpu.memory_space<vmem>>
        %dma_wait3A_84 = arith.constant 0 : i32
        %dma_wait3A_85 = arith.constant 0 : i32
        %dma_wait3A_86 = tpu.memref_slice %arg11[%dma_wait3A_84, %dma_wait3A_85] : memref<10016x128xf32, #tpu.memory_space<vmem_shared>> -> memref<10016x128xf32, #tpu.memory_space<vmem_shared>>
        tpu.wait_indirect_dma semaphore(%run_scoped3A_74 : memref<!tpu.dma_semaphore, #tpu.memory_space<semaphore_mem>>) src(%arg10 : memref<128x128xf32, #tpu.memory_space<vmem>>) dst(%dma_wait3A_86 : memref<10016x128xf32, #tpu.memory_space<vmem_shared>>)
        tpu.yield
      }) : () -> ()
      %add3A_67 = arith.constant 2 : i32
      %add3A_68 = arith.addi %add3A_51, %add3A_67 : i32
      %lt3A_69 = arith.constant 40 : i32
      %lt3A_70 = arith.cmpi slt, %add3A_68, %lt3A_69 : i32
      %convert_element_type3A_71 = arith.extui %lt3A_70 : i1 to i32
      %cond3A_72 = arith.constant 0 : i32
      %cond3A_73 = arith.cmpi ne, %convert_element_type3A_71, %cond3A_72 : i32
      scf.if %cond3A_73 {
        %add3A_74 = arith.constant 2 : i32
        %add3A_75 = arith.addi %add3A_51, %add3A_74 : i32
        %dma_start3A_76 = arith.constant 0 : i32
        %dma_start3A_77 = tpu.memref_slice %arg7[%add3A_75, %dma_start3A_76] : memref<40x128xi32, #tpu.memory_space<vmem>> -> memref<1x128xi32, #tpu.memory_space<vmem>>
        %dma_start3A_78 = tpu.memref_squeeze %dma_start3A_77 : memref<1x128xi32, #tpu.memory_space<vmem>> -> memref<128xi32, #tpu.memory_space<vmem>>
        %dma_start3A_79 = arith.constant 0 : i32
        %dma_start3A_80 = arith.constant 0 : i32
        %dma_start3A_81 = tpu.memref_slice %arg2[%dma_start3A_79, %dma_start3A_80] : memref<10000x128xf32, #tpu.memory_space<hbm>> -> memref<10000x128xf32, #tpu.memory_space<hbm>>
        tpu.enqueue_indirect_dma source(%dma_start3A_81 : memref<10000x128xf32, #tpu.memory_space<hbm>>) target(%arg10 : memref<128x128xf32, #tpu.memory_space<vmem>>) offsets(%dma_start3A_78 : memref<128xi32, #tpu.memory_space<vmem>>) semaphore(%arg13 : memref<!tpu.dma_semaphore, #tpu.memory_space<semaphore_mem>>)
      } else {
      }
    }
    %scan3A_41 = arith.constant 20 : i32
    %barrier3A_42 = arith.constant 0 : index
    tpu.barrier barrier_id(%barrier3A_42)
    %mul3A_43 = arith.constant 626 : i32
    %mul3A_44 = arith.muli %arg1, %mul3A_43 : i32
    "tpu.region"() ({
      %run_scoped3A_45 = tpu.sem_alloc : memref<!tpu.dma_semaphore, #tpu.memory_space<semaphore_mem>>
      %dma_start3A_46 = arith.constant 0 : i32
      %dma_start3A_47 = arith.constant 0 : i32
      %dma_start3A_48 = tpu.memref_slice %arg6[%add3A, %dma_start3A_46, %dma_start3A_47] : memref<32x626x128xf32, #tpu.memory_space<hbm>> -> memref<1x626x128xf32, #tpu.memory_space<hbm>>
      %dma_start3A_49 = tpu.memref_squeeze %dma_start3A_48 : memref<1x626x128xf32, #tpu.memory_space<hbm>> -> memref<626x128xf32, #tpu.memory_space<hbm>>
      %dma_start3A_50 = arith.constant 0 : i32
      %dma_start3A_51 = tpu.memref_slice %arg11[%mul3A_44, %dma_start3A_50] : memref<10016x128xf32, #tpu.memory_space<vmem_shared>> -> memref<626x128xf32, #tpu.memory_space<vmem_shared>>
      tpu.enqueue_dma source(%dma_start3A_51 : memref<626x128xf32, #tpu.memory_space<vmem_shared>>) target(%dma_start3A_49 : memref<626x128xf32, #tpu.memory_space<hbm>>) target_semaphore(%run_scoped3A_45 : memref<!tpu.dma_semaphore, #tpu.memory_space<semaphore_mem>>)
      %dma_wait3A = arith.constant 0 : i32
      %dma_wait3A_52 = arith.constant 0 : i32
      %dma_wait3A_53 = tpu.memref_slice %arg6[%add3A, %dma_wait3A, %dma_wait3A_52] : memref<32x626x128xf32, #tpu.memory_space<hbm>> -> memref<1x626x128xf32, #tpu.memory_space<hbm>>
      %dma_wait3A_54 = tpu.memref_squeeze %dma_wait3A_53 : memref<1x626x128xf32, #tpu.memory_space<hbm>> -> memref<626x128xf32, #tpu.memory_space<hbm>>
      %dma_wait3A_55 = arith.constant 0 : i32
      %dma_wait3A_56 = tpu.memref_slice %arg11[%mul3A_44, %dma_wait3A_55] : memref<10016x128xf32, #tpu.memory_space<vmem_shared>> -> memref<626x128xf32, #tpu.memory_space<vmem_shared>>
      tpu.wait_dma2 semaphore(%run_scoped3A_45 : memref<!tpu.dma_semaphore, #tpu.memory_space<semaphore_mem>>) src(%dma_wait3A_56 : memref<626x128xf32, #tpu.memory_space<vmem_shared>>) dst(%dma_wait3A_54 : memref<626x128xf32, #tpu.memory_space<hbm>>)
      tpu.yield
    }) : () -> ()
    return
  }
}

#map = affine_map<(d0, d1) -> (0, 0)>
#map1 = affine_map<(d0, d1) -> (0, 0, 0, 0)>
#map2 = affine_map<(d0, d1) -> (0, 0, 0)>
module attributes {stable_mosaic.version = 14 : i64} {
  func.func @_sc_aggr_body(%arg0: i32, %arg1: i32, %arg2: memref<10000x128xf32, #tpu.memory_space<hbm>>, %arg3: memref<32x2x40x128xi32, #tpu.memory_space<hbm>>, %arg4: memref<32x2x40x128xi32, #tpu.memory_space<hbm>>, %arg5: memref<626x128xf32, #tpu.memory_space<hbm>>, %arg6: memref<32x626x128xf32, #tpu.memory_space<hbm>>, %arg7: memref<40x128xi32, #tpu.memory_space<vmem>>, %arg8: memref<40x128xi32, #tpu.memory_space<vmem>>, %arg9: memref<128x128xf32, #tpu.memory_space<vmem>>, %arg10: memref<128x128xf32, #tpu.memory_space<vmem>>, %arg11: memref<10016x128xf32, #tpu.memory_space<vmem_shared>>, %arg12: memref<!tpu.dma_semaphore, #tpu.memory_space<semaphore_mem>>, %arg13: memref<!tpu.dma_semaphore, #tpu.memory_space<semaphore_mem>>) attributes {dimension_semantics = [#tpu.dimension_semantics<core_parallel>, #tpu.dimension_semantics<subcore_parallel>], iteration_bounds = array<i64: 2, 16>, scalar_prefetch = 0 : i64, scratch_operands = 7 : i64, tpu.core_type = #tpu.core_type<sc_vector_subcore>, window_params = [{transform_indices = #map}, {transform_indices = #map1}, {transform_indices = #map1}, {transform_indices = #map}, {transform_indices = #map2}]} {
    %mul3A = arith.constant 16 : i32
    %mul3A_0 = arith.muli %arg0, %mul3A : i32
    %add3A = arith.addi %mul3A_0, %arg1 : i32
    %mul3A_1 = arith.constant 626 : i32
    %mul3A_2 = arith.muli %arg1, %mul3A_1 : i32
    "tpu.region"() ({
      %run_scoped3A_45 = tpu.sem_alloc : memref<!tpu.dma_semaphore, #tpu.memory_space<semaphore_mem>>
      %dma_start3A_46 = arith.constant 0 : i32
      %dma_start3A_47 = tpu.memref_slice %arg11[%mul3A_2, %dma_start3A_46] : memref<10016x128xf32, #tpu.memory_space<vmem_shared>> -> memref<626x128xf32, #tpu.memory_space<vmem_shared>>
      tpu.enqueue_dma source(%arg5 : memref<626x128xf32, #tpu.memory_space<hbm>>) target(%dma_start3A_47 : memref<626x128xf32, #tpu.memory_space<vmem_shared>>) target_semaphore(%run_scoped3A_45 : memref<!tpu.dma_semaphore, #tpu.memory_space<semaphore_mem>>)
      %dma_wait3A = arith.constant 0 : i32
      %dma_wait3A_48 = tpu.memref_slice %arg11[%mul3A_2, %dma_wait3A] : memref<10016x128xf32, #tpu.memory_space<vmem_shared>> -> memref<626x128xf32, #tpu.memory_space<vmem_shared>>
      tpu.wait_dma2 semaphore(%run_scoped3A_45 : memref<!tpu.dma_semaphore, #tpu.memory_space<semaphore_mem>>) src(%arg5 : memref<626x128xf32, #tpu.memory_space<hbm>>) dst(%dma_wait3A_48 : memref<626x128xf32, #tpu.memory_space<vmem_shared>>)
      tpu.yield
    }) : () -> ()
    %barrier3A = arith.constant 0 : index
    tpu.barrier barrier_id(%barrier3A)
    %run_scoped3A = arith.constant 0 : i32
    "tpu.region"() ({
      %run_scoped3A_45 = tpu.sem_alloc : memref<!tpu.dma_semaphore, #tpu.memory_space<semaphore_mem>>
      %dma_start3A_46 = arith.constant 0 : i32
      %dma_start3A_47 = arith.constant 0 : i32
      %dma_start3A_48 = tpu.memref_slice %arg3[%add3A, %run_scoped3A, %dma_start3A_46, %dma_start3A_47] : memref<32x2x40x128xi32, #tpu.memory_space<hbm>> -> memref<1x1x40x128xi32, #tpu.memory_space<hbm>>
      %dma_start3A_49 = tpu.memref_squeeze %dma_start3A_48 : memref<1x1x40x128xi32, #tpu.memory_space<hbm>> -> memref<40x128xi32, #tpu.memory_space<hbm>>
      %dma_start3A_50 = arith.constant 0 : i32
      %dma_start3A_51 = arith.constant 0 : i32
      %dma_start3A_52 = tpu.memref_slice %arg3[%add3A, %run_scoped3A, %dma_start3A_50, %dma_start3A_51] : memref<32x2x40x128xi32, #tpu.memory_space<hbm>> -> memref<1x1x40x128xi32, #tpu.memory_space<hbm>>
      %dma_start3A_53 = tpu.memref_squeeze %dma_start3A_52 : memref<1x1x40x128xi32, #tpu.memory_space<hbm>> -> memref<40x128xi32, #tpu.memory_space<hbm>>
      tpu.enqueue_dma source(%dma_start3A_53 : memref<40x128xi32, #tpu.memory_space<hbm>>) target(%arg7 : memref<40x128xi32, #tpu.memory_space<vmem>>) target_semaphore(%run_scoped3A_45 : memref<!tpu.dma_semaphore, #tpu.memory_space<semaphore_mem>>)
      %dma_wait3A = arith.constant 0 : i32
      %dma_wait3A_54 = arith.constant 0 : i32
      %dma_wait3A_55 = tpu.memref_slice %arg3[%add3A, %run_scoped3A, %dma_wait3A, %dma_wait3A_54] : memref<32x2x40x128xi32, #tpu.memory_space<hbm>> -> memref<1x1x40x128xi32, #tpu.memory_space<hbm>>
      %dma_wait3A_56 = tpu.memref_squeeze %dma_wait3A_55 : memref<1x1x40x128xi32, #tpu.memory_space<hbm>> -> memref<40x128xi32, #tpu.memory_space<hbm>>
      %dma_wait3A_57 = arith.constant 0 : i32
      %dma_wait3A_58 = arith.constant 0 : i32
      %dma_wait3A_59 = tpu.memref_slice %arg3[%add3A, %run_scoped3A, %dma_wait3A_57, %dma_wait3A_58] : memref<32x2x40x128xi32, #tpu.memory_space<hbm>> -> memref<1x1x40x128xi32, #tpu.memory_space<hbm>>
      %dma_wait3A_60 = tpu.memref_squeeze %dma_wait3A_59 : memref<1x1x40x128xi32, #tpu.memory_space<hbm>> -> memref<40x128xi32, #tpu.memory_space<hbm>>
      tpu.wait_dma2 semaphore(%run_scoped3A_45 : memref<!tpu.dma_semaphore, #tpu.memory_space<semaphore_mem>>) src(%dma_wait3A_60 : memref<40x128xi32, #tpu.memory_space<hbm>>) dst(%arg7 : memref<40x128xi32, #tpu.memory_space<vmem>>)
      tpu.yield
    }) : () -> ()
    %run_scoped3A_3 = arith.constant 0 : i32
    "tpu.region"() ({
      %run_scoped3A_45 = tpu.sem_alloc : memref<!tpu.dma_semaphore, #tpu.memory_space<semaphore_mem>>
      %dma_start3A_46 = arith.constant 0 : i32
      %dma_start3A_47 = arith.constant 0 : i32
      %dma_start3A_48 = tpu.memref_slice %arg4[%add3A, %run_scoped3A_3, %dma_start3A_46, %dma_start3A_47] : memref<32x2x40x128xi32, #tpu.memory_space<hbm>> -> memref<1x1x40x128xi32, #tpu.memory_space<hbm>>
      %dma_start3A_49 = tpu.memref_squeeze %dma_start3A_48 : memref<1x1x40x128xi32, #tpu.memory_space<hbm>> -> memref<40x128xi32, #tpu.memory_space<hbm>>
      %dma_start3A_50 = arith.constant 0 : i32
      %dma_start3A_51 = arith.constant 0 : i32
      %dma_start3A_52 = tpu.memref_slice %arg4[%add3A, %run_scoped3A_3, %dma_start3A_50, %dma_start3A_51] : memref<32x2x40x128xi32, #tpu.memory_space<hbm>> -> memref<1x1x40x128xi32, #tpu.memory_space<hbm>>
      %dma_start3A_53 = tpu.memref_squeeze %dma_start3A_52 : memref<1x1x40x128xi32, #tpu.memory_space<hbm>> -> memref<40x128xi32, #tpu.memory_space<hbm>>
      tpu.enqueue_dma source(%dma_start3A_53 : memref<40x128xi32, #tpu.memory_space<hbm>>) target(%arg8 : memref<40x128xi32, #tpu.memory_space<vmem>>) target_semaphore(%run_scoped3A_45 : memref<!tpu.dma_semaphore, #tpu.memory_space<semaphore_mem>>)
      %dma_wait3A = arith.constant 0 : i32
      %dma_wait3A_54 = arith.constant 0 : i32
      %dma_wait3A_55 = tpu.memref_slice %arg4[%add3A, %run_scoped3A_3, %dma_wait3A, %dma_wait3A_54] : memref<32x2x40x128xi32, #tpu.memory_space<hbm>> -> memref<1x1x40x128xi32, #tpu.memory_space<hbm>>
      %dma_wait3A_56 = tpu.memref_squeeze %dma_wait3A_55 : memref<1x1x40x128xi32, #tpu.memory_space<hbm>> -> memref<40x128xi32, #tpu.memory_space<hbm>>
      %dma_wait3A_57 = arith.constant 0 : i32
      %dma_wait3A_58 = arith.constant 0 : i32
      %dma_wait3A_59 = tpu.memref_slice %arg4[%add3A, %run_scoped3A_3, %dma_wait3A_57, %dma_wait3A_58] : memref<32x2x40x128xi32, #tpu.memory_space<hbm>> -> memref<1x1x40x128xi32, #tpu.memory_space<hbm>>
      %dma_wait3A_60 = tpu.memref_squeeze %dma_wait3A_59 : memref<1x1x40x128xi32, #tpu.memory_space<hbm>> -> memref<40x128xi32, #tpu.memory_space<hbm>>
      tpu.wait_dma2 semaphore(%run_scoped3A_45 : memref<!tpu.dma_semaphore, #tpu.memory_space<semaphore_mem>>) src(%dma_wait3A_60 : memref<40x128xi32, #tpu.memory_space<hbm>>) dst(%arg8 : memref<40x128xi32, #tpu.memory_space<vmem>>)
      tpu.yield
    }) : () -> ()
    %dma_start3A = arith.constant 0 : i32
    %dma_start3A_4 = arith.constant 0 : i32
    %dma_start3A_5 = tpu.memref_slice %arg7[%dma_start3A, %dma_start3A_4] : memref<40x128xi32, #tpu.memory_space<vmem>> -> memref<1x128xi32, #tpu.memory_space<vmem>>
    %dma_start3A_6 = tpu.memref_squeeze %dma_start3A_5 : memref<1x128xi32, #tpu.memory_space<vmem>> -> memref<128xi32, #tpu.memory_space<vmem>>
    %dma_start3A_7 = arith.constant 0 : i32
    %dma_start3A_8 = arith.constant 0 : i32
    %dma_start3A_9 = tpu.memref_slice %arg2[%dma_start3A_7, %dma_start3A_8] : memref<10000x128xf32, #tpu.memory_space<hbm>> -> memref<10000x128xf32, #tpu.memory_space<hbm>>
    tpu.enqueue_indirect_dma source(%dma_start3A_9 : memref<10000x128xf32, #tpu.memory_space<hbm>>) target(%arg9 : memref<128x128xf32, #tpu.memory_space<vmem>>) offsets(%dma_start3A_6 : memref<128xi32, #tpu.memory_space<vmem>>) semaphore(%arg12 : memref<!tpu.dma_semaphore, #tpu.memory_space<semaphore_mem>>)
    %dma_start3A_10 = arith.constant 1 : i32
    %dma_start3A_11 = arith.constant 0 : i32
    %dma_start3A_12 = tpu.memref_slice %arg7[%dma_start3A_10, %dma_start3A_11] : memref<40x128xi32, #tpu.memory_space<vmem>> -> memref<1x128xi32, #tpu.memory_space<vmem>>
    %dma_start3A_13 = tpu.memref_squeeze %dma_start3A_12 : memref<1x128xi32, #tpu.memory_space<vmem>> -> memref<128xi32, #tpu.memory_space<vmem>>
    %dma_start3A_14 = arith.constant 0 : i32
    %dma_start3A_15 = arith.constant 0 : i32
    %dma_start3A_16 = tpu.memref_slice %arg2[%dma_start3A_14, %dma_start3A_15] : memref<10000x128xf32, #tpu.memory_space<hbm>> -> memref<10000x128xf32, #tpu.memory_space<hbm>>
    tpu.enqueue_indirect_dma source(%dma_start3A_16 : memref<10000x128xf32, #tpu.memory_space<hbm>>) target(%arg10 : memref<128x128xf32, #tpu.memory_space<vmem>>) offsets(%dma_start3A_13 : memref<128xi32, #tpu.memory_space<vmem>>) semaphore(%arg13 : memref<!tpu.dma_semaphore, #tpu.memory_space<semaphore_mem>>)
    %scan3A = arith.constant 0 : i32
    %scan3A_17 = arith.constant 20 : i32
    %scan3A_18 = arith.addi %scan3A, %scan3A_17 : i32
    %scan3A_19 = arith.constant 1 : i32
    scf.for %scan3A_45 = %scan3A to %scan3A_18 step %scan3A_19  : i32 {
      %mul3A_46 = arith.constant 2 : i32
      %mul3A_47 = arith.muli %mul3A_46, %scan3A_45 : i32
      %mul3A_48 = arith.constant 2 : i32
      %mul3A_49 = arith.muli %mul3A_48, %scan3A_45 : i32
      %add3A_50 = arith.constant 1 : i32
      %add3A_51 = arith.addi %mul3A_49, %add3A_50 : i32
      %dma_wait3A = arith.constant 0 : i32
      %dma_wait3A_52 = tpu.memref_slice %arg7[%mul3A_47, %dma_wait3A] : memref<40x128xi32, #tpu.memory_space<vmem>> -> memref<1x128xi32, #tpu.memory_space<vmem>>
      %dma_wait3A_53 = tpu.memref_squeeze %dma_wait3A_52 : memref<1x128xi32, #tpu.memory_space<vmem>> -> memref<128xi32, #tpu.memory_space<vmem>>
      %dma_wait3A_54 = arith.constant 0 : i32
      %dma_wait3A_55 = arith.constant 0 : i32
      %dma_wait3A_56 = tpu.memref_slice %arg2[%dma_wait3A_54, %dma_wait3A_55] : memref<10000x128xf32, #tpu.memory_space<hbm>> -> memref<10000x128xf32, #tpu.memory_space<hbm>>
      tpu.wait_indirect_dma semaphore(%arg12 : memref<!tpu.dma_semaphore, #tpu.memory_space<semaphore_mem>>) src(%dma_wait3A_56 : memref<10000x128xf32, #tpu.memory_space<hbm>>) dst(%arg9 : memref<128x128xf32, #tpu.memory_space<vmem>>)
      "tpu.region"() ({
        %run_scoped3A_74 = tpu.sem_alloc : memref<!tpu.dma_semaphore, #tpu.memory_space<semaphore_mem>>
        %dma_start3A_75 = arith.constant 0 : i32
        %dma_start3A_76 = tpu.memref_slice %arg8[%mul3A_47, %dma_start3A_75] : memref<40x128xi32, #tpu.memory_space<vmem>> -> memref<1x128xi32, #tpu.memory_space<vmem>>
        %dma_start3A_77 = tpu.memref_squeeze %dma_start3A_76 : memref<1x128xi32, #tpu.memory_space<vmem>> -> memref<128xi32, #tpu.memory_space<vmem>>
        %dma_start3A_78 = arith.constant 0 : i32
        %dma_start3A_79 = arith.constant 0 : i32
        %dma_start3A_80 = tpu.memref_slice %arg11[%dma_start3A_78, %dma_start3A_79] : memref<10016x128xf32, #tpu.memory_space<vmem_shared>> -> memref<10016x128xf32, #tpu.memory_space<vmem_shared>>
        tpu.enqueue_indirect_dma source(%arg9 : memref<128x128xf32, #tpu.memory_space<vmem>>) target(%dma_start3A_80 : memref<10016x128xf32, #tpu.memory_space<vmem_shared>>) offsets(%dma_start3A_77 : memref<128xi32, #tpu.memory_space<vmem>>) semaphore(%run_scoped3A_74 : memref<!tpu.dma_semaphore, #tpu.memory_space<semaphore_mem>>) {add = true}
        %dma_wait3A_81 = arith.constant 0 : i32
        %dma_wait3A_82 = tpu.memref_slice %arg8[%mul3A_47, %dma_wait3A_81] : memref<40x128xi32, #tpu.memory_space<vmem>> -> memref<1x128xi32, #tpu.memory_space<vmem>>
        %dma_wait3A_83 = tpu.memref_squeeze %dma_wait3A_82 : memref<1x128xi32, #tpu.memory_space<vmem>> -> memref<128xi32, #tpu.memory_space<vmem>>
        %dma_wait3A_84 = arith.constant 0 : i32
        %dma_wait3A_85 = arith.constant 0 : i32
        %dma_wait3A_86 = tpu.memref_slice %arg11[%dma_wait3A_84, %dma_wait3A_85] : memref<10016x128xf32, #tpu.memory_space<vmem_shared>> -> memref<10016x128xf32, #tpu.memory_space<vmem_shared>>
        tpu.wait_indirect_dma semaphore(%run_scoped3A_74 : memref<!tpu.dma_semaphore, #tpu.memory_space<semaphore_mem>>) src(%arg9 : memref<128x128xf32, #tpu.memory_space<vmem>>) dst(%dma_wait3A_86 : memref<10016x128xf32, #tpu.memory_space<vmem_shared>>)
        tpu.yield
      }) : () -> ()
      %add3A_57 = arith.constant 2 : i32
      %add3A_58 = arith.addi %mul3A_47, %add3A_57 : i32
      %lt3A = arith.constant 40 : i32
      %lt3A_59 = arith.cmpi slt, %add3A_58, %lt3A : i32
      %convert_element_type3A = arith.extui %lt3A_59 : i1 to i32
      %cond3A = arith.constant 0 : i32
      %cond3A_60 = arith.cmpi ne, %convert_element_type3A, %cond3A : i32
      scf.if %cond3A_60 {
        %add3A_74 = arith.constant 2 : i32
        %add3A_75 = arith.addi %mul3A_47, %add3A_74 : i32
        %dma_start3A_76 = arith.constant 0 : i32
        %dma_start3A_77 = tpu.memref_slice %arg7[%add3A_75, %dma_start3A_76] : memref<40x128xi32, #tpu.memory_space<vmem>> -> memref<1x128xi32, #tpu.memory_space<vmem>>
        %dma_start3A_78 = tpu.memref_squeeze %dma_start3A_77 : memref<1x128xi32, #tpu.memory_space<vmem>> -> memref<128xi32, #tpu.memory_space<vmem>>
        %dma_start3A_79 = arith.constant 0 : i32
        %dma_start3A_80 = arith.constant 0 : i32
        %dma_start3A_81 = tpu.memref_slice %arg2[%dma_start3A_79, %dma_start3A_80] : memref<10000x128xf32, #tpu.memory_space<hbm>> -> memref<10000x128xf32, #tpu.memory_space<hbm>>
        tpu.enqueue_indirect_dma source(%dma_start3A_81 : memref<10000x128xf32, #tpu.memory_space<hbm>>) target(%arg9 : memref<128x128xf32, #tpu.memory_space<vmem>>) offsets(%dma_start3A_78 : memref<128xi32, #tpu.memory_space<vmem>>) semaphore(%arg12 : memref<!tpu.dma_semaphore, #tpu.memory_space<semaphore_mem>>)
      } else {
      }
      %dma_wait3A_61 = arith.constant 0 : i32
      %dma_wait3A_62 = tpu.memref_slice %arg7[%add3A_51, %dma_wait3A_61] : memref<40x128xi32, #tpu.memory_space<vmem>> -> memref<1x128xi32, #tpu.memory_space<vmem>>
      %dma_wait3A_63 = tpu.memref_squeeze %dma_wait3A_62 : memref<1x128xi32, #tpu.memory_space<vmem>> -> memref<128xi32, #tpu.memory_space<vmem>>
      %dma_wait3A_64 = arith.constant 0 : i32
      %dma_wait3A_65 = arith.constant 0 : i32
      %dma_wait3A_66 = tpu.memref_slice %arg2[%dma_wait3A_64, %dma_wait3A_65] : memref<10000x128xf32, #tpu.memory_space<hbm>> -> memref<10000x128xf32, #tpu.memory_space<hbm>>
      tpu.wait_indirect_dma semaphore(%arg13 : memref<!tpu.dma_semaphore, #tpu.memory_space<semaphore_mem>>) src(%dma_wait3A_66 : memref<10000x128xf32, #tpu.memory_space<hbm>>) dst(%arg10 : memref<128x128xf32, #tpu.memory_space<vmem>>)
      "tpu.region"() ({
        %run_scoped3A_74 = tpu.sem_alloc : memref<!tpu.dma_semaphore, #tpu.memory_space<semaphore_mem>>
        %dma_start3A_75 = arith.constant 0 : i32
        %dma_start3A_76 = tpu.memref_slice %arg8[%add3A_51, %dma_start3A_75] : memref<40x128xi32, #tpu.memory_space<vmem>> -> memref<1x128xi32, #tpu.memory_space<vmem>>
        %dma_start3A_77 = tpu.memref_squeeze %dma_start3A_76 : memref<1x128xi32, #tpu.memory_space<vmem>> -> memref<128xi32, #tpu.memory_space<vmem>>
        %dma_start3A_78 = arith.constant 0 : i32
        %dma_start3A_79 = arith.constant 0 : i32
        %dma_start3A_80 = tpu.memref_slice %arg11[%dma_start3A_78, %dma_start3A_79] : memref<10016x128xf32, #tpu.memory_space<vmem_shared>> -> memref<10016x128xf32, #tpu.memory_space<vmem_shared>>
        tpu.enqueue_indirect_dma source(%arg10 : memref<128x128xf32, #tpu.memory_space<vmem>>) target(%dma_start3A_80 : memref<10016x128xf32, #tpu.memory_space<vmem_shared>>) offsets(%dma_start3A_77 : memref<128xi32, #tpu.memory_space<vmem>>) semaphore(%run_scoped3A_74 : memref<!tpu.dma_semaphore, #tpu.memory_space<semaphore_mem>>) {add = true}
        %dma_wait3A_81 = arith.constant 0 : i32
        %dma_wait3A_82 = tpu.memref_slice %arg8[%add3A_51, %dma_wait3A_81] : memref<40x128xi32, #tpu.memory_space<vmem>> -> memref<1x128xi32, #tpu.memory_space<vmem>>
        %dma_wait3A_83 = tpu.memref_squeeze %dma_wait3A_82 : memref<1x128xi32, #tpu.memory_space<vmem>> -> memref<128xi32, #tpu.memory_space<vmem>>
        %dma_wait3A_84 = arith.constant 0 : i32
        %dma_wait3A_85 = arith.constant 0 : i32
        %dma_wait3A_86 = tpu.memref_slice %arg11[%dma_wait3A_84, %dma_wait3A_85] : memref<10016x128xf32, #tpu.memory_space<vmem_shared>> -> memref<10016x128xf32, #tpu.memory_space<vmem_shared>>
        tpu.wait_indirect_dma semaphore(%run_scoped3A_74 : memref<!tpu.dma_semaphore, #tpu.memory_space<semaphore_mem>>) src(%arg10 : memref<128x128xf32, #tpu.memory_space<vmem>>) dst(%dma_wait3A_86 : memref<10016x128xf32, #tpu.memory_space<vmem_shared>>)
        tpu.yield
      }) : () -> ()
      %add3A_67 = arith.constant 2 : i32
      %add3A_68 = arith.addi %add3A_51, %add3A_67 : i32
      %lt3A_69 = arith.constant 40 : i32
      %lt3A_70 = arith.cmpi slt, %add3A_68, %lt3A_69 : i32
      %convert_element_type3A_71 = arith.extui %lt3A_70 : i1 to i32
      %cond3A_72 = arith.constant 0 : i32
      %cond3A_73 = arith.cmpi ne, %convert_element_type3A_71, %cond3A_72 : i32
      scf.if %cond3A_73 {
        %add3A_74 = arith.constant 2 : i32
        %add3A_75 = arith.addi %add3A_51, %add3A_74 : i32
        %dma_start3A_76 = arith.constant 0 : i32
        %dma_start3A_77 = tpu.memref_slice %arg7[%add3A_75, %dma_start3A_76] : memref<40x128xi32, #tpu.memory_space<vmem>> -> memref<1x128xi32, #tpu.memory_space<vmem>>
        %dma_start3A_78 = tpu.memref_squeeze %dma_start3A_77 : memref<1x128xi32, #tpu.memory_space<vmem>> -> memref<128xi32, #tpu.memory_space<vmem>>
        %dma_start3A_79 = arith.constant 0 : i32
        %dma_start3A_80 = arith.constant 0 : i32
        %dma_start3A_81 = tpu.memref_slice %arg2[%dma_start3A_79, %dma_start3A_80] : memref<10000x128xf32, #tpu.memory_space<hbm>> -> memref<10000x128xf32, #tpu.memory_space<hbm>>
        tpu.enqueue_indirect_dma source(%dma_start3A_81 : memref<10000x128xf32, #tpu.memory_space<hbm>>) target(%arg10 : memref<128x128xf32, #tpu.memory_space<vmem>>) offsets(%dma_start3A_78 : memref<128xi32, #tpu.memory_space<vmem>>) semaphore(%arg13 : memref<!tpu.dma_semaphore, #tpu.memory_space<semaphore_mem>>)
      } else {
      }
    }
    %scan3A_20 = arith.constant 20 : i32
    %run_scoped3A_21 = arith.constant 1 : i32
    "tpu.region"() ({
      %run_scoped3A_45 = tpu.sem_alloc : memref<!tpu.dma_semaphore, #tpu.memory_space<semaphore_mem>>
      %dma_start3A_46 = arith.constant 0 : i32
      %dma_start3A_47 = arith.constant 0 : i32
      %dma_start3A_48 = tpu.memref_slice %arg3[%add3A, %run_scoped3A_21, %dma_start3A_46, %dma_start3A_47] : memref<32x2x40x128xi32, #tpu.memory_space<hbm>> -> memref<1x1x40x128xi32, #tpu.memory_space<hbm>>
      %dma_start3A_49 = tpu.memref_squeeze %dma_start3A_48 : memref<1x1x40x128xi32, #tpu.memory_space<hbm>> -> memref<40x128xi32, #tpu.memory_space<hbm>>
      %dma_start3A_50 = arith.constant 0 : i32
      %dma_start3A_51 = arith.constant 0 : i32
      %dma_start3A_52 = tpu.memref_slice %arg3[%add3A, %run_scoped3A_21, %dma_start3A_50, %dma_start3A_51] : memref<32x2x40x128xi32, #tpu.memory_space<hbm>> -> memref<1x1x40x128xi32, #tpu.memory_space<hbm>>
      %dma_start3A_53 = tpu.memref_squeeze %dma_start3A_52 : memref<1x1x40x128xi32, #tpu.memory_space<hbm>> -> memref<40x128xi32, #tpu.memory_space<hbm>>
      tpu.enqueue_dma source(%dma_start3A_53 : memref<40x128xi32, #tpu.memory_space<hbm>>) target(%arg7 : memref<40x128xi32, #tpu.memory_space<vmem>>) target_semaphore(%run_scoped3A_45 : memref<!tpu.dma_semaphore, #tpu.memory_space<semaphore_mem>>)
      %dma_wait3A = arith.constant 0 : i32
      %dma_wait3A_54 = arith.constant 0 : i32
      %dma_wait3A_55 = tpu.memref_slice %arg3[%add3A, %run_scoped3A_21, %dma_wait3A, %dma_wait3A_54] : memref<32x2x40x128xi32, #tpu.memory_space<hbm>> -> memref<1x1x40x128xi32, #tpu.memory_space<hbm>>
      %dma_wait3A_56 = tpu.memref_squeeze %dma_wait3A_55 : memref<1x1x40x128xi32, #tpu.memory_space<hbm>> -> memref<40x128xi32, #tpu.memory_space<hbm>>
      %dma_wait3A_57 = arith.constant 0 : i32
      %dma_wait3A_58 = arith.constant 0 : i32
      %dma_wait3A_59 = tpu.memref_slice %arg3[%add3A, %run_scoped3A_21, %dma_wait3A_57, %dma_wait3A_58] : memref<32x2x40x128xi32, #tpu.memory_space<hbm>> -> memref<1x1x40x128xi32, #tpu.memory_space<hbm>>
      %dma_wait3A_60 = tpu.memref_squeeze %dma_wait3A_59 : memref<1x1x40x128xi32, #tpu.memory_space<hbm>> -> memref<40x128xi32, #tpu.memory_space<hbm>>
      tpu.wait_dma2 semaphore(%run_scoped3A_45 : memref<!tpu.dma_semaphore, #tpu.memory_space<semaphore_mem>>) src(%dma_wait3A_60 : memref<40x128xi32, #tpu.memory_space<hbm>>) dst(%arg7 : memref<40x128xi32, #tpu.memory_space<vmem>>)
      tpu.yield
    }) : () -> ()
    %run_scoped3A_22 = arith.constant 1 : i32
    "tpu.region"() ({
      %run_scoped3A_45 = tpu.sem_alloc : memref<!tpu.dma_semaphore, #tpu.memory_space<semaphore_mem>>
      %dma_start3A_46 = arith.constant 0 : i32
      %dma_start3A_47 = arith.constant 0 : i32
      %dma_start3A_48 = tpu.memref_slice %arg4[%add3A, %run_scoped3A_22, %dma_start3A_46, %dma_start3A_47] : memref<32x2x40x128xi32, #tpu.memory_space<hbm>> -> memref<1x1x40x128xi32, #tpu.memory_space<hbm>>
      %dma_start3A_49 = tpu.memref_squeeze %dma_start3A_48 : memref<1x1x40x128xi32, #tpu.memory_space<hbm>> -> memref<40x128xi32, #tpu.memory_space<hbm>>
      %dma_start3A_50 = arith.constant 0 : i32
      %dma_start3A_51 = arith.constant 0 : i32
      %dma_start3A_52 = tpu.memref_slice %arg4[%add3A, %run_scoped3A_22, %dma_start3A_50, %dma_start3A_51] : memref<32x2x40x128xi32, #tpu.memory_space<hbm>> -> memref<1x1x40x128xi32, #tpu.memory_space<hbm>>
      %dma_start3A_53 = tpu.memref_squeeze %dma_start3A_52 : memref<1x1x40x128xi32, #tpu.memory_space<hbm>> -> memref<40x128xi32, #tpu.memory_space<hbm>>
      tpu.enqueue_dma source(%dma_start3A_53 : memref<40x128xi32, #tpu.memory_space<hbm>>) target(%arg8 : memref<40x128xi32, #tpu.memory_space<vmem>>) target_semaphore(%run_scoped3A_45 : memref<!tpu.dma_semaphore, #tpu.memory_space<semaphore_mem>>)
      %dma_wait3A = arith.constant 0 : i32
      %dma_wait3A_54 = arith.constant 0 : i32
      %dma_wait3A_55 = tpu.memref_slice %arg4[%add3A, %run_scoped3A_22, %dma_wait3A, %dma_wait3A_54] : memref<32x2x40x128xi32, #tpu.memory_space<hbm>> -> memref<1x1x40x128xi32, #tpu.memory_space<hbm>>
      %dma_wait3A_56 = tpu.memref_squeeze %dma_wait3A_55 : memref<1x1x40x128xi32, #tpu.memory_space<hbm>> -> memref<40x128xi32, #tpu.memory_space<hbm>>
      %dma_wait3A_57 = arith.constant 0 : i32
      %dma_wait3A_58 = arith.constant 0 : i32
      %dma_wait3A_59 = tpu.memref_slice %arg4[%add3A, %run_scoped3A_22, %dma_wait3A_57, %dma_wait3A_58] : memref<32x2x40x128xi32, #tpu.memory_space<hbm>> -> memref<1x1x40x128xi32, #tpu.memory_space<hbm>>
      %dma_wait3A_60 = tpu.memref_squeeze %dma_wait3A_59 : memref<1x1x40x128xi32, #tpu.memory_space<hbm>> -> memref<40x128xi32, #tpu.memory_space<hbm>>
      tpu.wait_dma2 semaphore(%run_scoped3A_45 : memref<!tpu.dma_semaphore, #tpu.memory_space<semaphore_mem>>) src(%dma_wait3A_60 : memref<40x128xi32, #tpu.memory_space<hbm>>) dst(%arg8 : memref<40x128xi32, #tpu.memory_space<vmem>>)
      tpu.yield
    }) : () -> ()
    %dma_start3A_23 = arith.constant 0 : i32
    %dma_start3A_24 = arith.constant 0 : i32
    %dma_start3A_25 = tpu.memref_slice %arg7[%dma_start3A_23, %dma_start3A_24] : memref<40x128xi32, #tpu.memory_space<vmem>> -> memref<1x128xi32, #tpu.memory_space<vmem>>
    %dma_start3A_26 = tpu.memref_squeeze %dma_start3A_25 : memref<1x128xi32, #tpu.memory_space<vmem>> -> memref<128xi32, #tpu.memory_space<vmem>>
    %dma_start3A_27 = arith.constant 0 : i32
    %dma_start3A_28 = arith.constant 0 : i32
    %dma_start3A_29 = tpu.memref_slice %arg2[%dma_start3A_27, %dma_start3A_28] : memref<10000x128xf32, #tpu.memory_space<hbm>> -> memref<10000x128xf32, #tpu.memory_space<hbm>>
    tpu.enqueue_indirect_dma source(%dma_start3A_29 : memref<10000x128xf32, #tpu.memory_space<hbm>>) target(%arg9 : memref<128x128xf32, #tpu.memory_space<vmem>>) offsets(%dma_start3A_26 : memref<128xi32, #tpu.memory_space<vmem>>) semaphore(%arg12 : memref<!tpu.dma_semaphore, #tpu.memory_space<semaphore_mem>>)
    %dma_start3A_30 = arith.constant 1 : i32
    %dma_start3A_31 = arith.constant 0 : i32
    %dma_start3A_32 = tpu.memref_slice %arg7[%dma_start3A_30, %dma_start3A_31] : memref<40x128xi32, #tpu.memory_space<vmem>> -> memref<1x128xi32, #tpu.memory_space<vmem>>
    %dma_start3A_33 = tpu.memref_squeeze %dma_start3A_32 : memref<1x128xi32, #tpu.memory_space<vmem>> -> memref<128xi32, #tpu.memory_space<vmem>>
    %dma_start3A_34 = arith.constant 0 : i32
    %dma_start3A_35 = arith.constant 0 : i32
    %dma_start3A_36 = tpu.memref_slice %arg2[%dma_start3A_34, %dma_start3A_35] : memref<10000x128xf32, #tpu.memory_space<hbm>> -> memref<10000x128xf32, #tpu.memory_space<hbm>>
    tpu.enqueue_indirect_dma source(%dma_start3A_36 : memref<10000x128xf32, #tpu.memory_space<hbm>>) target(%arg10 : memref<128x128xf32, #tpu.memory_space<vmem>>) offsets(%dma_start3A_33 : memref<128xi32, #tpu.memory_space<vmem>>) semaphore(%arg13 : memref<!tpu.dma_semaphore, #tpu.memory_space<semaphore_mem>>)
    %scan3A_37 = arith.constant 0 : i32
    %scan3A_38 = arith.constant 20 : i32
    %scan3A_39 = arith.addi %scan3A_37, %scan3A_38 : i32
    %scan3A_40 = arith.constant 1 : i32
    scf.for %scan3A_45 = %scan3A_37 to %scan3A_39 step %scan3A_40  : i32 {
      %mul3A_46 = arith.constant 2 : i32
      %mul3A_47 = arith.muli %mul3A_46, %scan3A_45 : i32
      %mul3A_48 = arith.constant 2 : i32
      %mul3A_49 = arith.muli %mul3A_48, %scan3A_45 : i32
      %add3A_50 = arith.constant 1 : i32
      %add3A_51 = arith.addi %mul3A_49, %add3A_50 : i32
      %dma_wait3A = arith.constant 0 : i32
      %dma_wait3A_52 = tpu.memref_slice %arg7[%mul3A_47, %dma_wait3A] : memref<40x128xi32, #tpu.memory_space<vmem>> -> memref<1x128xi32, #tpu.memory_space<vmem>>
      %dma_wait3A_53 = tpu.memref_squeeze %dma_wait3A_52 : memref<1x128xi32, #tpu.memory_space<vmem>> -> memref<128xi32, #tpu.memory_space<vmem>>
      %dma_wait3A_54 = arith.constant 0 : i32
      %dma_wait3A_55 = arith.constant 0 : i32
      %dma_wait3A_56 = tpu.memref_slice %arg2[%dma_wait3A_54, %dma_wait3A_55] : memref<10000x128xf32, #tpu.memory_space<hbm>> -> memref<10000x128xf32, #tpu.memory_space<hbm>>
      tpu.wait_indirect_dma semaphore(%arg12 : memref<!tpu.dma_semaphore, #tpu.memory_space<semaphore_mem>>) src(%dma_wait3A_56 : memref<10000x128xf32, #tpu.memory_space<hbm>>) dst(%arg9 : memref<128x128xf32, #tpu.memory_space<vmem>>)
      "tpu.region"() ({
        %run_scoped3A_74 = tpu.sem_alloc : memref<!tpu.dma_semaphore, #tpu.memory_space<semaphore_mem>>
        %dma_start3A_75 = arith.constant 0 : i32
        %dma_start3A_76 = tpu.memref_slice %arg8[%mul3A_47, %dma_start3A_75] : memref<40x128xi32, #tpu.memory_space<vmem>> -> memref<1x128xi32, #tpu.memory_space<vmem>>
        %dma_start3A_77 = tpu.memref_squeeze %dma_start3A_76 : memref<1x128xi32, #tpu.memory_space<vmem>> -> memref<128xi32, #tpu.memory_space<vmem>>
        %dma_start3A_78 = arith.constant 0 : i32
        %dma_start3A_79 = arith.constant 0 : i32
        %dma_start3A_80 = tpu.memref_slice %arg11[%dma_start3A_78, %dma_start3A_79] : memref<10016x128xf32, #tpu.memory_space<vmem_shared>> -> memref<10016x128xf32, #tpu.memory_space<vmem_shared>>
        tpu.enqueue_indirect_dma source(%arg9 : memref<128x128xf32, #tpu.memory_space<vmem>>) target(%dma_start3A_80 : memref<10016x128xf32, #tpu.memory_space<vmem_shared>>) offsets(%dma_start3A_77 : memref<128xi32, #tpu.memory_space<vmem>>) semaphore(%run_scoped3A_74 : memref<!tpu.dma_semaphore, #tpu.memory_space<semaphore_mem>>) {add = true}
        %dma_wait3A_81 = arith.constant 0 : i32
        %dma_wait3A_82 = tpu.memref_slice %arg8[%mul3A_47, %dma_wait3A_81] : memref<40x128xi32, #tpu.memory_space<vmem>> -> memref<1x128xi32, #tpu.memory_space<vmem>>
        %dma_wait3A_83 = tpu.memref_squeeze %dma_wait3A_82 : memref<1x128xi32, #tpu.memory_space<vmem>> -> memref<128xi32, #tpu.memory_space<vmem>>
        %dma_wait3A_84 = arith.constant 0 : i32
        %dma_wait3A_85 = arith.constant 0 : i32
        %dma_wait3A_86 = tpu.memref_slice %arg11[%dma_wait3A_84, %dma_wait3A_85] : memref<10016x128xf32, #tpu.memory_space<vmem_shared>> -> memref<10016x128xf32, #tpu.memory_space<vmem_shared>>
        tpu.wait_indirect_dma semaphore(%run_scoped3A_74 : memref<!tpu.dma_semaphore, #tpu.memory_space<semaphore_mem>>) src(%arg9 : memref<128x128xf32, #tpu.memory_space<vmem>>) dst(%dma_wait3A_86 : memref<10016x128xf32, #tpu.memory_space<vmem_shared>>)
        tpu.yield
      }) : () -> ()
      %add3A_57 = arith.constant 2 : i32
      %add3A_58 = arith.addi %mul3A_47, %add3A_57 : i32
      %lt3A = arith.constant 40 : i32
      %lt3A_59 = arith.cmpi slt, %add3A_58, %lt3A : i32
      %convert_element_type3A = arith.extui %lt3A_59 : i1 to i32
      %cond3A = arith.constant 0 : i32
      %cond3A_60 = arith.cmpi ne, %convert_element_type3A, %cond3A : i32
      scf.if %cond3A_60 {
        %add3A_74 = arith.constant 2 : i32
        %add3A_75 = arith.addi %mul3A_47, %add3A_74 : i32
        %dma_start3A_76 = arith.constant 0 : i32
        %dma_start3A_77 = tpu.memref_slice %arg7[%add3A_75, %dma_start3A_76] : memref<40x128xi32, #tpu.memory_space<vmem>> -> memref<1x128xi32, #tpu.memory_space<vmem>>
        %dma_start3A_78 = tpu.memref_squeeze %dma_start3A_77 : memref<1x128xi32, #tpu.memory_space<vmem>> -> memref<128xi32, #tpu.memory_space<vmem>>
        %dma_start3A_79 = arith.constant 0 : i32
        %dma_start3A_80 = arith.constant 0 : i32
        %dma_start3A_81 = tpu.memref_slice %arg2[%dma_start3A_79, %dma_start3A_80] : memref<10000x128xf32, #tpu.memory_space<hbm>> -> memref<10000x128xf32, #tpu.memory_space<hbm>>
        tpu.enqueue_indirect_dma source(%dma_start3A_81 : memref<10000x128xf32, #tpu.memory_space<hbm>>) target(%arg9 : memref<128x128xf32, #tpu.memory_space<vmem>>) offsets(%dma_start3A_78 : memref<128xi32, #tpu.memory_space<vmem>>) semaphore(%arg12 : memref<!tpu.dma_semaphore, #tpu.memory_space<semaphore_mem>>)
      } else {
      }
      %dma_wait3A_61 = arith.constant 0 : i32
      %dma_wait3A_62 = tpu.memref_slice %arg7[%add3A_51, %dma_wait3A_61] : memref<40x128xi32, #tpu.memory_space<vmem>> -> memref<1x128xi32, #tpu.memory_space<vmem>>
      %dma_wait3A_63 = tpu.memref_squeeze %dma_wait3A_62 : memref<1x128xi32, #tpu.memory_space<vmem>> -> memref<128xi32, #tpu.memory_space<vmem>>
      %dma_wait3A_64 = arith.constant 0 : i32
      %dma_wait3A_65 = arith.constant 0 : i32
      %dma_wait3A_66 = tpu.memref_slice %arg2[%dma_wait3A_64, %dma_wait3A_65] : memref<10000x128xf32, #tpu.memory_space<hbm>> -> memref<10000x128xf32, #tpu.memory_space<hbm>>
      tpu.wait_indirect_dma semaphore(%arg13 : memref<!tpu.dma_semaphore, #tpu.memory_space<semaphore_mem>>) src(%dma_wait3A_66 : memref<10000x128xf32, #tpu.memory_space<hbm>>) dst(%arg10 : memref<128x128xf32, #tpu.memory_space<vmem>>)
      "tpu.region"() ({
        %run_scoped3A_74 = tpu.sem_alloc : memref<!tpu.dma_semaphore, #tpu.memory_space<semaphore_mem>>
        %dma_start3A_75 = arith.constant 0 : i32
        %dma_start3A_76 = tpu.memref_slice %arg8[%add3A_51, %dma_start3A_75] : memref<40x128xi32, #tpu.memory_space<vmem>> -> memref<1x128xi32, #tpu.memory_space<vmem>>
        %dma_start3A_77 = tpu.memref_squeeze %dma_start3A_76 : memref<1x128xi32, #tpu.memory_space<vmem>> -> memref<128xi32, #tpu.memory_space<vmem>>
        %dma_start3A_78 = arith.constant 0 : i32
        %dma_start3A_79 = arith.constant 0 : i32
        %dma_start3A_80 = tpu.memref_slice %arg11[%dma_start3A_78, %dma_start3A_79] : memref<10016x128xf32, #tpu.memory_space<vmem_shared>> -> memref<10016x128xf32, #tpu.memory_space<vmem_shared>>
        tpu.enqueue_indirect_dma source(%arg10 : memref<128x128xf32, #tpu.memory_space<vmem>>) target(%dma_start3A_80 : memref<10016x128xf32, #tpu.memory_space<vmem_shared>>) offsets(%dma_start3A_77 : memref<128xi32, #tpu.memory_space<vmem>>) semaphore(%run_scoped3A_74 : memref<!tpu.dma_semaphore, #tpu.memory_space<semaphore_mem>>) {add = true}
        %dma_wait3A_81 = arith.constant 0 : i32
        %dma_wait3A_82 = tpu.memref_slice %arg8[%add3A_51, %dma_wait3A_81] : memref<40x128xi32, #tpu.memory_space<vmem>> -> memref<1x128xi32, #tpu.memory_space<vmem>>
        %dma_wait3A_83 = tpu.memref_squeeze %dma_wait3A_82 : memref<1x128xi32, #tpu.memory_space<vmem>> -> memref<128xi32, #tpu.memory_space<vmem>>
        %dma_wait3A_84 = arith.constant 0 : i32
        %dma_wait3A_85 = arith.constant 0 : i32
        %dma_wait3A_86 = tpu.memref_slice %arg11[%dma_wait3A_84, %dma_wait3A_85] : memref<10016x128xf32, #tpu.memory_space<vmem_shared>> -> memref<10016x128xf32, #tpu.memory_space<vmem_shared>>
        tpu.wait_indirect_dma semaphore(%run_scoped3A_74 : memref<!tpu.dma_semaphore, #tpu.memory_space<semaphore_mem>>) src(%arg10 : memref<128x128xf32, #tpu.memory_space<vmem>>) dst(%dma_wait3A_86 : memref<10016x128xf32, #tpu.memory_space<vmem_shared>>)
        tpu.yield
      }) : () -> ()
      %add3A_67 = arith.constant 2 : i32
      %add3A_68 = arith.addi %add3A_51, %add3A_67 : i32
      %lt3A_69 = arith.constant 40 : i32
      %lt3A_70 = arith.cmpi slt, %add3A_68, %lt3A_69 : i32
      %convert_element_type3A_71 = arith.extui %lt3A_70 : i1 to i32
      %cond3A_72 = arith.constant 0 : i32
      %cond3A_73 = arith.cmpi ne, %convert_element_type3A_71, %cond3A_72 : i32
      scf.if %cond3A_73 {
        %add3A_74 = arith.constant 2 : i32
        %add3A_75 = arith.addi %add3A_51, %add3A_74 : i32
        %dma_start3A_76 = arith.constant 0 : i32
        %dma_start3A_77 = tpu.memref_slice %arg7[%add3A_75, %dma_start3A_76] : memref<40x128xi32, #tpu.memory_space<vmem>> -> memref<1x128xi32, #tpu.memory_space<vmem>>
        %dma_start3A_78 = tpu.memref_squeeze %dma_start3A_77 : memref<1x128xi32, #tpu.memory_space<vmem>> -> memref<128xi32, #tpu.memory_space<vmem>>
        %dma_start3A_79 = arith.constant 0 : i32
        %dma_start3A_80 = arith.constant 0 : i32
        %dma_start3A_81 = tpu.memref_slice %arg2[%dma_start3A_79, %dma_start3A_80] : memref<10000x128xf32, #tpu.memory_space<hbm>> -> memref<10000x128xf32, #tpu.memory_space<hbm>>
        tpu.enqueue_indirect_dma source(%dma_start3A_81 : memref<10000x128xf32, #tpu.memory_space<hbm>>) target(%arg10 : memref<128x128xf32, #tpu.memory_space<vmem>>) offsets(%dma_start3A_78 : memref<128xi32, #tpu.memory_space<vmem>>) semaphore(%arg13 : memref<!tpu.dma_semaphore, #tpu.memory_space<semaphore_mem>>)
      } else {
      }
    }
    %scan3A_41 = arith.constant 20 : i32
    %barrier3A_42 = arith.constant 0 : index
    tpu.barrier barrier_id(%barrier3A_42)
    %mul3A_43 = arith.constant 626 : i32
    %mul3A_44 = arith.muli %arg1, %mul3A_43 : i32
    "tpu.region"() ({
      %run_scoped3A_45 = tpu.sem_alloc : memref<!tpu.dma_semaphore, #tpu.memory_space<semaphore_mem>>
      %dma_start3A_46 = arith.constant 0 : i32
      %dma_start3A_47 = arith.constant 0 : i32
      %dma_start3A_48 = tpu.memref_slice %arg6[%add3A, %dma_start3A_46, %dma_start3A_47] : memref<32x626x128xf32, #tpu.memory_space<hbm>> -> memref<1x626x128xf32, #tpu.memory_space<hbm>>
      %dma_start3A_49 = tpu.memref_squeeze %dma_start3A_48 : memref<1x626x128xf32, #tpu.memory_space<hbm>> -> memref<626x128xf32, #tpu.memory_space<hbm>>
      %dma_start3A_50 = arith.constant 0 : i32
      %dma_start3A_51 = tpu.memref_slice %arg11[%mul3A_44, %dma_start3A_50] : memref<10016x128xf32, #tpu.memory_space<vmem_shared>> -> memref<626x128xf32, #tpu.memory_space<vmem_shared>>
      tpu.enqueue_dma source(%dma_start3A_51 : memref<626x128xf32, #tpu.memory_space<vmem_shared>>) target(%dma_start3A_49 : memref<626x128xf32, #tpu.memory_space<hbm>>) target_semaphore(%run_scoped3A_45 : memref<!tpu.dma_semaphore, #tpu.memory_space<semaphore_mem>>)
      %dma_wait3A = arith.constant 0 : i32
      %dma_wait3A_52 = arith.constant 0 : i32
      %dma_wait3A_53 = tpu.memref_slice %arg6[%add3A, %dma_wait3A, %dma_wait3A_52] : memref<32x626x128xf32, #tpu.memory_space<hbm>> -> memref<1x626x128xf32, #tpu.memory_space<hbm>>
      %dma_wait3A_54 = tpu.memref_squeeze %dma_wait3A_53 : memref<1x626x128xf32, #tpu.memory_space<hbm>> -> memref<626x128xf32, #tpu.memory_space<hbm>>
      %dma_wait3A_55 = arith.constant 0 : i32
      %dma_wait3A_56 = tpu.memref_slice %arg11[%mul3A_44, %dma_wait3A_55] : memref<10016x128xf32, #tpu.memory_space<vmem_shared>> -> memref<626x128xf32, #tpu.memory_space<vmem_shared>>
      tpu.wait_dma2 semaphore(%run_scoped3A_45 : memref<!tpu.dma_semaphore, #tpu.memory_space<semaphore_mem>>) src(%dma_wait3A_56 : memref<626x128xf32, #tpu.memory_space<vmem_shared>>) dst(%dma_wait3A_54 : memref<626x128xf32, #tpu.memory_space<hbm>>)
      tpu.yield
    }) : () -> ()
    return
  }
}

#map = affine_map<(d0, d1) -> (0, 0)>
#map1 = affine_map<(d0, d1) -> (0, 0, 0, 0)>
#map2 = affine_map<(d0, d1) -> (0, 0, 0)>
module attributes {stable_mosaic.version = 14 : i64} {
  func.func @_sc_aggr_body(%arg0: i32, %arg1: i32, %arg2: memref<10000x128xf32, #tpu.memory_space<hbm>>, %arg3: memref<32x2x40x128xi32, #tpu.memory_space<hbm>>, %arg4: memref<32x2x40x128xi32, #tpu.memory_space<hbm>>, %arg5: memref<626x128xf32, #tpu.memory_space<hbm>>, %arg6: memref<32x626x128xf32, #tpu.memory_space<hbm>>, %arg7: memref<40x128xi32, #tpu.memory_space<vmem>>, %arg8: memref<40x128xi32, #tpu.memory_space<vmem>>, %arg9: memref<128x128xf32, #tpu.memory_space<vmem>>, %arg10: memref<128x128xf32, #tpu.memory_space<vmem>>, %arg11: memref<10016x128xf32, #tpu.memory_space<vmem_shared>>, %arg12: memref<!tpu.dma_semaphore, #tpu.memory_space<semaphore_mem>>, %arg13: memref<!tpu.dma_semaphore, #tpu.memory_space<semaphore_mem>>) attributes {dimension_semantics = [#tpu.dimension_semantics<core_parallel>, #tpu.dimension_semantics<subcore_parallel>], iteration_bounds = array<i64: 2, 16>, scalar_prefetch = 0 : i64, scratch_operands = 7 : i64, tpu.core_type = #tpu.core_type<sc_vector_subcore>, window_params = [{transform_indices = #map}, {transform_indices = #map1}, {transform_indices = #map1}, {transform_indices = #map}, {transform_indices = #map2}]} {
    %mul3A = arith.constant 16 : i32
    %mul3A_0 = arith.muli %arg0, %mul3A : i32
    %add3A = arith.addi %mul3A_0, %arg1 : i32
    %mul3A_1 = arith.constant 626 : i32
    %mul3A_2 = arith.muli %arg1, %mul3A_1 : i32
    "tpu.region"() ({
      %run_scoped3A_45 = tpu.sem_alloc : memref<!tpu.dma_semaphore, #tpu.memory_space<semaphore_mem>>
      %dma_start3A_46 = arith.constant 0 : i32
      %dma_start3A_47 = tpu.memref_slice %arg11[%mul3A_2, %dma_start3A_46] : memref<10016x128xf32, #tpu.memory_space<vmem_shared>> -> memref<626x128xf32, #tpu.memory_space<vmem_shared>>
      tpu.enqueue_dma source(%arg5 : memref<626x128xf32, #tpu.memory_space<hbm>>) target(%dma_start3A_47 : memref<626x128xf32, #tpu.memory_space<vmem_shared>>) target_semaphore(%run_scoped3A_45 : memref<!tpu.dma_semaphore, #tpu.memory_space<semaphore_mem>>)
      %dma_wait3A = arith.constant 0 : i32
      %dma_wait3A_48 = tpu.memref_slice %arg11[%mul3A_2, %dma_wait3A] : memref<10016x128xf32, #tpu.memory_space<vmem_shared>> -> memref<626x128xf32, #tpu.memory_space<vmem_shared>>
      tpu.wait_dma2 semaphore(%run_scoped3A_45 : memref<!tpu.dma_semaphore, #tpu.memory_space<semaphore_mem>>) src(%arg5 : memref<626x128xf32, #tpu.memory_space<hbm>>) dst(%dma_wait3A_48 : memref<626x128xf32, #tpu.memory_space<vmem_shared>>)
      tpu.yield
    }) : () -> ()
    %barrier3A = arith.constant 0 : index
    tpu.barrier barrier_id(%barrier3A)
    %run_scoped3A = arith.constant 0 : i32
    "tpu.region"() ({
      %run_scoped3A_45 = tpu.sem_alloc : memref<!tpu.dma_semaphore, #tpu.memory_space<semaphore_mem>>
      %dma_start3A_46 = arith.constant 0 : i32
      %dma_start3A_47 = arith.constant 0 : i32
      %dma_start3A_48 = tpu.memref_slice %arg3[%add3A, %run_scoped3A, %dma_start3A_46, %dma_start3A_47] : memref<32x2x40x128xi32, #tpu.memory_space<hbm>> -> memref<1x1x40x128xi32, #tpu.memory_space<hbm>>
      %dma_start3A_49 = tpu.memref_squeeze %dma_start3A_48 : memref<1x1x40x128xi32, #tpu.memory_space<hbm>> -> memref<40x128xi32, #tpu.memory_space<hbm>>
      %dma_start3A_50 = arith.constant 0 : i32
      %dma_start3A_51 = arith.constant 0 : i32
      %dma_start3A_52 = tpu.memref_slice %arg3[%add3A, %run_scoped3A, %dma_start3A_50, %dma_start3A_51] : memref<32x2x40x128xi32, #tpu.memory_space<hbm>> -> memref<1x1x40x128xi32, #tpu.memory_space<hbm>>
      %dma_start3A_53 = tpu.memref_squeeze %dma_start3A_52 : memref<1x1x40x128xi32, #tpu.memory_space<hbm>> -> memref<40x128xi32, #tpu.memory_space<hbm>>
      tpu.enqueue_dma source(%dma_start3A_53 : memref<40x128xi32, #tpu.memory_space<hbm>>) target(%arg7 : memref<40x128xi32, #tpu.memory_space<vmem>>) target_semaphore(%run_scoped3A_45 : memref<!tpu.dma_semaphore, #tpu.memory_space<semaphore_mem>>)
      %dma_wait3A = arith.constant 0 : i32
      %dma_wait3A_54 = arith.constant 0 : i32
      %dma_wait3A_55 = tpu.memref_slice %arg3[%add3A, %run_scoped3A, %dma_wait3A, %dma_wait3A_54] : memref<32x2x40x128xi32, #tpu.memory_space<hbm>> -> memref<1x1x40x128xi32, #tpu.memory_space<hbm>>
      %dma_wait3A_56 = tpu.memref_squeeze %dma_wait3A_55 : memref<1x1x40x128xi32, #tpu.memory_space<hbm>> -> memref<40x128xi32, #tpu.memory_space<hbm>>
      %dma_wait3A_57 = arith.constant 0 : i32
      %dma_wait3A_58 = arith.constant 0 : i32
      %dma_wait3A_59 = tpu.memref_slice %arg3[%add3A, %run_scoped3A, %dma_wait3A_57, %dma_wait3A_58] : memref<32x2x40x128xi32, #tpu.memory_space<hbm>> -> memref<1x1x40x128xi32, #tpu.memory_space<hbm>>
      %dma_wait3A_60 = tpu.memref_squeeze %dma_wait3A_59 : memref<1x1x40x128xi32, #tpu.memory_space<hbm>> -> memref<40x128xi32, #tpu.memory_space<hbm>>
      tpu.wait_dma2 semaphore(%run_scoped3A_45 : memref<!tpu.dma_semaphore, #tpu.memory_space<semaphore_mem>>) src(%dma_wait3A_60 : memref<40x128xi32, #tpu.memory_space<hbm>>) dst(%arg7 : memref<40x128xi32, #tpu.memory_space<vmem>>)
      tpu.yield
    }) : () -> ()
    %run_scoped3A_3 = arith.constant 0 : i32
    "tpu.region"() ({
      %run_scoped3A_45 = tpu.sem_alloc : memref<!tpu.dma_semaphore, #tpu.memory_space<semaphore_mem>>
      %dma_start3A_46 = arith.constant 0 : i32
      %dma_start3A_47 = arith.constant 0 : i32
      %dma_start3A_48 = tpu.memref_slice %arg4[%add3A, %run_scoped3A_3, %dma_start3A_46, %dma_start3A_47] : memref<32x2x40x128xi32, #tpu.memory_space<hbm>> -> memref<1x1x40x128xi32, #tpu.memory_space<hbm>>
      %dma_start3A_49 = tpu.memref_squeeze %dma_start3A_48 : memref<1x1x40x128xi32, #tpu.memory_space<hbm>> -> memref<40x128xi32, #tpu.memory_space<hbm>>
      %dma_start3A_50 = arith.constant 0 : i32
      %dma_start3A_51 = arith.constant 0 : i32
      %dma_start3A_52 = tpu.memref_slice %arg4[%add3A, %run_scoped3A_3, %dma_start3A_50, %dma_start3A_51] : memref<32x2x40x128xi32, #tpu.memory_space<hbm>> -> memref<1x1x40x128xi32, #tpu.memory_space<hbm>>
      %dma_start3A_53 = tpu.memref_squeeze %dma_start3A_52 : memref<1x1x40x128xi32, #tpu.memory_space<hbm>> -> memref<40x128xi32, #tpu.memory_space<hbm>>
      tpu.enqueue_dma source(%dma_start3A_53 : memref<40x128xi32, #tpu.memory_space<hbm>>) target(%arg8 : memref<40x128xi32, #tpu.memory_space<vmem>>) target_semaphore(%run_scoped3A_45 : memref<!tpu.dma_semaphore, #tpu.memory_space<semaphore_mem>>)
      %dma_wait3A = arith.constant 0 : i32
      %dma_wait3A_54 = arith.constant 0 : i32
      %dma_wait3A_55 = tpu.memref_slice %arg4[%add3A, %run_scoped3A_3, %dma_wait3A, %dma_wait3A_54] : memref<32x2x40x128xi32, #tpu.memory_space<hbm>> -> memref<1x1x40x128xi32, #tpu.memory_space<hbm>>
      %dma_wait3A_56 = tpu.memref_squeeze %dma_wait3A_55 : memref<1x1x40x128xi32, #tpu.memory_space<hbm>> -> memref<40x128xi32, #tpu.memory_space<hbm>>
      %dma_wait3A_57 = arith.constant 0 : i32
      %dma_wait3A_58 = arith.constant 0 : i32
      %dma_wait3A_59 = tpu.memref_slice %arg4[%add3A, %run_scoped3A_3, %dma_wait3A_57, %dma_wait3A_58] : memref<32x2x40x128xi32, #tpu.memory_space<hbm>> -> memref<1x1x40x128xi32, #tpu.memory_space<hbm>>
      %dma_wait3A_60 = tpu.memref_squeeze %dma_wait3A_59 : memref<1x1x40x128xi32, #tpu.memory_space<hbm>> -> memref<40x128xi32, #tpu.memory_space<hbm>>
      tpu.wait_dma2 semaphore(%run_scoped3A_45 : memref<!tpu.dma_semaphore, #tpu.memory_space<semaphore_mem>>) src(%dma_wait3A_60 : memref<40x128xi32, #tpu.memory_space<hbm>>) dst(%arg8 : memref<40x128xi32, #tpu.memory_space<vmem>>)
      tpu.yield
    }) : () -> ()
    %dma_start3A = arith.constant 0 : i32
    %dma_start3A_4 = arith.constant 0 : i32
    %dma_start3A_5 = tpu.memref_slice %arg7[%dma_start3A, %dma_start3A_4] : memref<40x128xi32, #tpu.memory_space<vmem>> -> memref<1x128xi32, #tpu.memory_space<vmem>>
    %dma_start3A_6 = tpu.memref_squeeze %dma_start3A_5 : memref<1x128xi32, #tpu.memory_space<vmem>> -> memref<128xi32, #tpu.memory_space<vmem>>
    %dma_start3A_7 = arith.constant 0 : i32
    %dma_start3A_8 = arith.constant 0 : i32
    %dma_start3A_9 = tpu.memref_slice %arg2[%dma_start3A_7, %dma_start3A_8] : memref<10000x128xf32, #tpu.memory_space<hbm>> -> memref<10000x128xf32, #tpu.memory_space<hbm>>
    tpu.enqueue_indirect_dma source(%dma_start3A_9 : memref<10000x128xf32, #tpu.memory_space<hbm>>) target(%arg9 : memref<128x128xf32, #tpu.memory_space<vmem>>) offsets(%dma_start3A_6 : memref<128xi32, #tpu.memory_space<vmem>>) semaphore(%arg12 : memref<!tpu.dma_semaphore, #tpu.memory_space<semaphore_mem>>)
    %dma_start3A_10 = arith.constant 1 : i32
    %dma_start3A_11 = arith.constant 0 : i32
    %dma_start3A_12 = tpu.memref_slice %arg7[%dma_start3A_10, %dma_start3A_11] : memref<40x128xi32, #tpu.memory_space<vmem>> -> memref<1x128xi32, #tpu.memory_space<vmem>>
    %dma_start3A_13 = tpu.memref_squeeze %dma_start3A_12 : memref<1x128xi32, #tpu.memory_space<vmem>> -> memref<128xi32, #tpu.memory_space<vmem>>
    %dma_start3A_14 = arith.constant 0 : i32
    %dma_start3A_15 = arith.constant 0 : i32
    %dma_start3A_16 = tpu.memref_slice %arg2[%dma_start3A_14, %dma_start3A_15] : memref<10000x128xf32, #tpu.memory_space<hbm>> -> memref<10000x128xf32, #tpu.memory_space<hbm>>
    tpu.enqueue_indirect_dma source(%dma_start3A_16 : memref<10000x128xf32, #tpu.memory_space<hbm>>) target(%arg10 : memref<128x128xf32, #tpu.memory_space<vmem>>) offsets(%dma_start3A_13 : memref<128xi32, #tpu.memory_space<vmem>>) semaphore(%arg13 : memref<!tpu.dma_semaphore, #tpu.memory_space<semaphore_mem>>)
    %scan3A = arith.constant 0 : i32
    %scan3A_17 = arith.constant 20 : i32
    %scan3A_18 = arith.addi %scan3A, %scan3A_17 : i32
    %scan3A_19 = arith.constant 1 : i32
    scf.for %scan3A_45 = %scan3A to %scan3A_18 step %scan3A_19  : i32 {
      %mul3A_46 = arith.constant 2 : i32
      %mul3A_47 = arith.muli %mul3A_46, %scan3A_45 : i32
      %mul3A_48 = arith.constant 2 : i32
      %mul3A_49 = arith.muli %mul3A_48, %scan3A_45 : i32
      %add3A_50 = arith.constant 1 : i32
      %add3A_51 = arith.addi %mul3A_49, %add3A_50 : i32
      %dma_wait3A = arith.constant 0 : i32
      %dma_wait3A_52 = tpu.memref_slice %arg7[%mul3A_47, %dma_wait3A] : memref<40x128xi32, #tpu.memory_space<vmem>> -> memref<1x128xi32, #tpu.memory_space<vmem>>
      %dma_wait3A_53 = tpu.memref_squeeze %dma_wait3A_52 : memref<1x128xi32, #tpu.memory_space<vmem>> -> memref<128xi32, #tpu.memory_space<vmem>>
      %dma_wait3A_54 = arith.constant 0 : i32
      %dma_wait3A_55 = arith.constant 0 : i32
      %dma_wait3A_56 = tpu.memref_slice %arg2[%dma_wait3A_54, %dma_wait3A_55] : memref<10000x128xf32, #tpu.memory_space<hbm>> -> memref<10000x128xf32, #tpu.memory_space<hbm>>
      tpu.wait_indirect_dma semaphore(%arg12 : memref<!tpu.dma_semaphore, #tpu.memory_space<semaphore_mem>>) src(%dma_wait3A_56 : memref<10000x128xf32, #tpu.memory_space<hbm>>) dst(%arg9 : memref<128x128xf32, #tpu.memory_space<vmem>>)
      "tpu.region"() ({
        %run_scoped3A_74 = tpu.sem_alloc : memref<!tpu.dma_semaphore, #tpu.memory_space<semaphore_mem>>
        %dma_start3A_75 = arith.constant 0 : i32
        %dma_start3A_76 = tpu.memref_slice %arg8[%mul3A_47, %dma_start3A_75] : memref<40x128xi32, #tpu.memory_space<vmem>> -> memref<1x128xi32, #tpu.memory_space<vmem>>
        %dma_start3A_77 = tpu.memref_squeeze %dma_start3A_76 : memref<1x128xi32, #tpu.memory_space<vmem>> -> memref<128xi32, #tpu.memory_space<vmem>>
        %dma_start3A_78 = arith.constant 0 : i32
        %dma_start3A_79 = arith.constant 0 : i32
        %dma_start3A_80 = tpu.memref_slice %arg11[%dma_start3A_78, %dma_start3A_79] : memref<10016x128xf32, #tpu.memory_space<vmem_shared>> -> memref<10016x128xf32, #tpu.memory_space<vmem_shared>>
        tpu.enqueue_indirect_dma source(%arg9 : memref<128x128xf32, #tpu.memory_space<vmem>>) target(%dma_start3A_80 : memref<10016x128xf32, #tpu.memory_space<vmem_shared>>) offsets(%dma_start3A_77 : memref<128xi32, #tpu.memory_space<vmem>>) semaphore(%run_scoped3A_74 : memref<!tpu.dma_semaphore, #tpu.memory_space<semaphore_mem>>) {add = true}
        %dma_wait3A_81 = arith.constant 0 : i32
        %dma_wait3A_82 = tpu.memref_slice %arg8[%mul3A_47, %dma_wait3A_81] : memref<40x128xi32, #tpu.memory_space<vmem>> -> memref<1x128xi32, #tpu.memory_space<vmem>>
        %dma_wait3A_83 = tpu.memref_squeeze %dma_wait3A_82 : memref<1x128xi32, #tpu.memory_space<vmem>> -> memref<128xi32, #tpu.memory_space<vmem>>
        %dma_wait3A_84 = arith.constant 0 : i32
        %dma_wait3A_85 = arith.constant 0 : i32
        %dma_wait3A_86 = tpu.memref_slice %arg11[%dma_wait3A_84, %dma_wait3A_85] : memref<10016x128xf32, #tpu.memory_space<vmem_shared>> -> memref<10016x128xf32, #tpu.memory_space<vmem_shared>>
        tpu.wait_indirect_dma semaphore(%run_scoped3A_74 : memref<!tpu.dma_semaphore, #tpu.memory_space<semaphore_mem>>) src(%arg9 : memref<128x128xf32, #tpu.memory_space<vmem>>) dst(%dma_wait3A_86 : memref<10016x128xf32, #tpu.memory_space<vmem_shared>>)
        tpu.yield
      }) : () -> ()
      %add3A_57 = arith.constant 2 : i32
      %add3A_58 = arith.addi %mul3A_47, %add3A_57 : i32
      %lt3A = arith.constant 40 : i32
      %lt3A_59 = arith.cmpi slt, %add3A_58, %lt3A : i32
      %convert_element_type3A = arith.extui %lt3A_59 : i1 to i32
      %cond3A = arith.constant 0 : i32
      %cond3A_60 = arith.cmpi ne, %convert_element_type3A, %cond3A : i32
      scf.if %cond3A_60 {
        %add3A_74 = arith.constant 2 : i32
        %add3A_75 = arith.addi %mul3A_47, %add3A_74 : i32
        %dma_start3A_76 = arith.constant 0 : i32
        %dma_start3A_77 = tpu.memref_slice %arg7[%add3A_75, %dma_start3A_76] : memref<40x128xi32, #tpu.memory_space<vmem>> -> memref<1x128xi32, #tpu.memory_space<vmem>>
        %dma_start3A_78 = tpu.memref_squeeze %dma_start3A_77 : memref<1x128xi32, #tpu.memory_space<vmem>> -> memref<128xi32, #tpu.memory_space<vmem>>
        %dma_start3A_79 = arith.constant 0 : i32
        %dma_start3A_80 = arith.constant 0 : i32
        %dma_start3A_81 = tpu.memref_slice %arg2[%dma_start3A_79, %dma_start3A_80] : memref<10000x128xf32, #tpu.memory_space<hbm>> -> memref<10000x128xf32, #tpu.memory_space<hbm>>
        tpu.enqueue_indirect_dma source(%dma_start3A_81 : memref<10000x128xf32, #tpu.memory_space<hbm>>) target(%arg9 : memref<128x128xf32, #tpu.memory_space<vmem>>) offsets(%dma_start3A_78 : memref<128xi32, #tpu.memory_space<vmem>>) semaphore(%arg12 : memref<!tpu.dma_semaphore, #tpu.memory_space<semaphore_mem>>)
      } else {
      }
      %dma_wait3A_61 = arith.constant 0 : i32
      %dma_wait3A_62 = tpu.memref_slice %arg7[%add3A_51, %dma_wait3A_61] : memref<40x128xi32, #tpu.memory_space<vmem>> -> memref<1x128xi32, #tpu.memory_space<vmem>>
      %dma_wait3A_63 = tpu.memref_squeeze %dma_wait3A_62 : memref<1x128xi32, #tpu.memory_space<vmem>> -> memref<128xi32, #tpu.memory_space<vmem>>
      %dma_wait3A_64 = arith.constant 0 : i32
      %dma_wait3A_65 = arith.constant 0 : i32
      %dma_wait3A_66 = tpu.memref_slice %arg2[%dma_wait3A_64, %dma_wait3A_65] : memref<10000x128xf32, #tpu.memory_space<hbm>> -> memref<10000x128xf32, #tpu.memory_space<hbm>>
      tpu.wait_indirect_dma semaphore(%arg13 : memref<!tpu.dma_semaphore, #tpu.memory_space<semaphore_mem>>) src(%dma_wait3A_66 : memref<10000x128xf32, #tpu.memory_space<hbm>>) dst(%arg10 : memref<128x128xf32, #tpu.memory_space<vmem>>)
      "tpu.region"() ({
        %run_scoped3A_74 = tpu.sem_alloc : memref<!tpu.dma_semaphore, #tpu.memory_space<semaphore_mem>>
        %dma_start3A_75 = arith.constant 0 : i32
        %dma_start3A_76 = tpu.memref_slice %arg8[%add3A_51, %dma_start3A_75] : memref<40x128xi32, #tpu.memory_space<vmem>> -> memref<1x128xi32, #tpu.memory_space<vmem>>
        %dma_start3A_77 = tpu.memref_squeeze %dma_start3A_76 : memref<1x128xi32, #tpu.memory_space<vmem>> -> memref<128xi32, #tpu.memory_space<vmem>>
        %dma_start3A_78 = arith.constant 0 : i32
        %dma_start3A_79 = arith.constant 0 : i32
        %dma_start3A_80 = tpu.memref_slice %arg11[%dma_start3A_78, %dma_start3A_79] : memref<10016x128xf32, #tpu.memory_space<vmem_shared>> -> memref<10016x128xf32, #tpu.memory_space<vmem_shared>>
        tpu.enqueue_indirect_dma source(%arg10 : memref<128x128xf32, #tpu.memory_space<vmem>>) target(%dma_start3A_80 : memref<10016x128xf32, #tpu.memory_space<vmem_shared>>) offsets(%dma_start3A_77 : memref<128xi32, #tpu.memory_space<vmem>>) semaphore(%run_scoped3A_74 : memref<!tpu.dma_semaphore, #tpu.memory_space<semaphore_mem>>) {add = true}
        %dma_wait3A_81 = arith.constant 0 : i32
        %dma_wait3A_82 = tpu.memref_slice %arg8[%add3A_51, %dma_wait3A_81] : memref<40x128xi32, #tpu.memory_space<vmem>> -> memref<1x128xi32, #tpu.memory_space<vmem>>
        %dma_wait3A_83 = tpu.memref_squeeze %dma_wait3A_82 : memref<1x128xi32, #tpu.memory_space<vmem>> -> memref<128xi32, #tpu.memory_space<vmem>>
        %dma_wait3A_84 = arith.constant 0 : i32
        %dma_wait3A_85 = arith.constant 0 : i32
        %dma_wait3A_86 = tpu.memref_slice %arg11[%dma_wait3A_84, %dma_wait3A_85] : memref<10016x128xf32, #tpu.memory_space<vmem_shared>> -> memref<10016x128xf32, #tpu.memory_space<vmem_shared>>
        tpu.wait_indirect_dma semaphore(%run_scoped3A_74 : memref<!tpu.dma_semaphore, #tpu.memory_space<semaphore_mem>>) src(%arg10 : memref<128x128xf32, #tpu.memory_space<vmem>>) dst(%dma_wait3A_86 : memref<10016x128xf32, #tpu.memory_space<vmem_shared>>)
        tpu.yield
      }) : () -> ()
      %add3A_67 = arith.constant 2 : i32
      %add3A_68 = arith.addi %add3A_51, %add3A_67 : i32
      %lt3A_69 = arith.constant 40 : i32
      %lt3A_70 = arith.cmpi slt, %add3A_68, %lt3A_69 : i32
      %convert_element_type3A_71 = arith.extui %lt3A_70 : i1 to i32
      %cond3A_72 = arith.constant 0 : i32
      %cond3A_73 = arith.cmpi ne, %convert_element_type3A_71, %cond3A_72 : i32
      scf.if %cond3A_73 {
        %add3A_74 = arith.constant 2 : i32
        %add3A_75 = arith.addi %add3A_51, %add3A_74 : i32
        %dma_start3A_76 = arith.constant 0 : i32
        %dma_start3A_77 = tpu.memref_slice %arg7[%add3A_75, %dma_start3A_76] : memref<40x128xi32, #tpu.memory_space<vmem>> -> memref<1x128xi32, #tpu.memory_space<vmem>>
        %dma_start3A_78 = tpu.memref_squeeze %dma_start3A_77 : memref<1x128xi32, #tpu.memory_space<vmem>> -> memref<128xi32, #tpu.memory_space<vmem>>
        %dma_start3A_79 = arith.constant 0 : i32
        %dma_start3A_80 = arith.constant 0 : i32
        %dma_start3A_81 = tpu.memref_slice %arg2[%dma_start3A_79, %dma_start3A_80] : memref<10000x128xf32, #tpu.memory_space<hbm>> -> memref<10000x128xf32, #tpu.memory_space<hbm>>
        tpu.enqueue_indirect_dma source(%dma_start3A_81 : memref<10000x128xf32, #tpu.memory_space<hbm>>) target(%arg10 : memref<128x128xf32, #tpu.memory_space<vmem>>) offsets(%dma_start3A_78 : memref<128xi32, #tpu.memory_space<vmem>>) semaphore(%arg13 : memref<!tpu.dma_semaphore, #tpu.memory_space<semaphore_mem>>)
      } else {
      }
    }
    %scan3A_20 = arith.constant 20 : i32
    %run_scoped3A_21 = arith.constant 1 : i32
    "tpu.region"() ({
      %run_scoped3A_45 = tpu.sem_alloc : memref<!tpu.dma_semaphore, #tpu.memory_space<semaphore_mem>>
      %dma_start3A_46 = arith.constant 0 : i32
      %dma_start3A_47 = arith.constant 0 : i32
      %dma_start3A_48 = tpu.memref_slice %arg3[%add3A, %run_scoped3A_21, %dma_start3A_46, %dma_start3A_47] : memref<32x2x40x128xi32, #tpu.memory_space<hbm>> -> memref<1x1x40x128xi32, #tpu.memory_space<hbm>>
      %dma_start3A_49 = tpu.memref_squeeze %dma_start3A_48 : memref<1x1x40x128xi32, #tpu.memory_space<hbm>> -> memref<40x128xi32, #tpu.memory_space<hbm>>
      %dma_start3A_50 = arith.constant 0 : i32
      %dma_start3A_51 = arith.constant 0 : i32
      %dma_start3A_52 = tpu.memref_slice %arg3[%add3A, %run_scoped3A_21, %dma_start3A_50, %dma_start3A_51] : memref<32x2x40x128xi32, #tpu.memory_space<hbm>> -> memref<1x1x40x128xi32, #tpu.memory_space<hbm>>
      %dma_start3A_53 = tpu.memref_squeeze %dma_start3A_52 : memref<1x1x40x128xi32, #tpu.memory_space<hbm>> -> memref<40x128xi32, #tpu.memory_space<hbm>>
      tpu.enqueue_dma source(%dma_start3A_53 : memref<40x128xi32, #tpu.memory_space<hbm>>) target(%arg7 : memref<40x128xi32, #tpu.memory_space<vmem>>) target_semaphore(%run_scoped3A_45 : memref<!tpu.dma_semaphore, #tpu.memory_space<semaphore_mem>>)
      %dma_wait3A = arith.constant 0 : i32
      %dma_wait3A_54 = arith.constant 0 : i32
      %dma_wait3A_55 = tpu.memref_slice %arg3[%add3A, %run_scoped3A_21, %dma_wait3A, %dma_wait3A_54] : memref<32x2x40x128xi32, #tpu.memory_space<hbm>> -> memref<1x1x40x128xi32, #tpu.memory_space<hbm>>
      %dma_wait3A_56 = tpu.memref_squeeze %dma_wait3A_55 : memref<1x1x40x128xi32, #tpu.memory_space<hbm>> -> memref<40x128xi32, #tpu.memory_space<hbm>>
      %dma_wait3A_57 = arith.constant 0 : i32
      %dma_wait3A_58 = arith.constant 0 : i32
      %dma_wait3A_59 = tpu.memref_slice %arg3[%add3A, %run_scoped3A_21, %dma_wait3A_57, %dma_wait3A_58] : memref<32x2x40x128xi32, #tpu.memory_space<hbm>> -> memref<1x1x40x128xi32, #tpu.memory_space<hbm>>
      %dma_wait3A_60 = tpu.memref_squeeze %dma_wait3A_59 : memref<1x1x40x128xi32, #tpu.memory_space<hbm>> -> memref<40x128xi32, #tpu.memory_space<hbm>>
      tpu.wait_dma2 semaphore(%run_scoped3A_45 : memref<!tpu.dma_semaphore, #tpu.memory_space<semaphore_mem>>) src(%dma_wait3A_60 : memref<40x128xi32, #tpu.memory_space<hbm>>) dst(%arg7 : memref<40x128xi32, #tpu.memory_space<vmem>>)
      tpu.yield
    }) : () -> ()
    %run_scoped3A_22 = arith.constant 1 : i32
    "tpu.region"() ({
      %run_scoped3A_45 = tpu.sem_alloc : memref<!tpu.dma_semaphore, #tpu.memory_space<semaphore_mem>>
      %dma_start3A_46 = arith.constant 0 : i32
      %dma_start3A_47 = arith.constant 0 : i32
      %dma_start3A_48 = tpu.memref_slice %arg4[%add3A, %run_scoped3A_22, %dma_start3A_46, %dma_start3A_47] : memref<32x2x40x128xi32, #tpu.memory_space<hbm>> -> memref<1x1x40x128xi32, #tpu.memory_space<hbm>>
      %dma_start3A_49 = tpu.memref_squeeze %dma_start3A_48 : memref<1x1x40x128xi32, #tpu.memory_space<hbm>> -> memref<40x128xi32, #tpu.memory_space<hbm>>
      %dma_start3A_50 = arith.constant 0 : i32
      %dma_start3A_51 = arith.constant 0 : i32
      %dma_start3A_52 = tpu.memref_slice %arg4[%add3A, %run_scoped3A_22, %dma_start3A_50, %dma_start3A_51] : memref<32x2x40x128xi32, #tpu.memory_space<hbm>> -> memref<1x1x40x128xi32, #tpu.memory_space<hbm>>
      %dma_start3A_53 = tpu.memref_squeeze %dma_start3A_52 : memref<1x1x40x128xi32, #tpu.memory_space<hbm>> -> memref<40x128xi32, #tpu.memory_space<hbm>>
      tpu.enqueue_dma source(%dma_start3A_53 : memref<40x128xi32, #tpu.memory_space<hbm>>) target(%arg8 : memref<40x128xi32, #tpu.memory_space<vmem>>) target_semaphore(%run_scoped3A_45 : memref<!tpu.dma_semaphore, #tpu.memory_space<semaphore_mem>>)
      %dma_wait3A = arith.constant 0 : i32
      %dma_wait3A_54 = arith.constant 0 : i32
      %dma_wait3A_55 = tpu.memref_slice %arg4[%add3A, %run_scoped3A_22, %dma_wait3A, %dma_wait3A_54] : memref<32x2x40x128xi32, #tpu.memory_space<hbm>> -> memref<1x1x40x128xi32, #tpu.memory_space<hbm>>
      %dma_wait3A_56 = tpu.memref_squeeze %dma_wait3A_55 : memref<1x1x40x128xi32, #tpu.memory_space<hbm>> -> memref<40x128xi32, #tpu.memory_space<hbm>>
      %dma_wait3A_57 = arith.constant 0 : i32
      %dma_wait3A_58 = arith.constant 0 : i32
      %dma_wait3A_59 = tpu.memref_slice %arg4[%add3A, %run_scoped3A_22, %dma_wait3A_57, %dma_wait3A_58] : memref<32x2x40x128xi32, #tpu.memory_space<hbm>> -> memref<1x1x40x128xi32, #tpu.memory_space<hbm>>
      %dma_wait3A_60 = tpu.memref_squeeze %dma_wait3A_59 : memref<1x1x40x128xi32, #tpu.memory_space<hbm>> -> memref<40x128xi32, #tpu.memory_space<hbm>>
      tpu.wait_dma2 semaphore(%run_scoped3A_45 : memref<!tpu.dma_semaphore, #tpu.memory_space<semaphore_mem>>) src(%dma_wait3A_60 : memref<40x128xi32, #tpu.memory_space<hbm>>) dst(%arg8 : memref<40x128xi32, #tpu.memory_space<vmem>>)
      tpu.yield
    }) : () -> ()
    %dma_start3A_23 = arith.constant 0 : i32
    %dma_start3A_24 = arith.constant 0 : i32
    %dma_start3A_25 = tpu.memref_slice %arg7[%dma_start3A_23, %dma_start3A_24] : memref<40x128xi32, #tpu.memory_space<vmem>> -> memref<1x128xi32, #tpu.memory_space<vmem>>
    %dma_start3A_26 = tpu.memref_squeeze %dma_start3A_25 : memref<1x128xi32, #tpu.memory_space<vmem>> -> memref<128xi32, #tpu.memory_space<vmem>>
    %dma_start3A_27 = arith.constant 0 : i32
    %dma_start3A_28 = arith.constant 0 : i32
    %dma_start3A_29 = tpu.memref_slice %arg2[%dma_start3A_27, %dma_start3A_28] : memref<10000x128xf32, #tpu.memory_space<hbm>> -> memref<10000x128xf32, #tpu.memory_space<hbm>>
    tpu.enqueue_indirect_dma source(%dma_start3A_29 : memref<10000x128xf32, #tpu.memory_space<hbm>>) target(%arg9 : memref<128x128xf32, #tpu.memory_space<vmem>>) offsets(%dma_start3A_26 : memref<128xi32, #tpu.memory_space<vmem>>) semaphore(%arg12 : memref<!tpu.dma_semaphore, #tpu.memory_space<semaphore_mem>>)
    %dma_start3A_30 = arith.constant 1 : i32
    %dma_start3A_31 = arith.constant 0 : i32
    %dma_start3A_32 = tpu.memref_slice %arg7[%dma_start3A_30, %dma_start3A_31] : memref<40x128xi32, #tpu.memory_space<vmem>> -> memref<1x128xi32, #tpu.memory_space<vmem>>
    %dma_start3A_33 = tpu.memref_squeeze %dma_start3A_32 : memref<1x128xi32, #tpu.memory_space<vmem>> -> memref<128xi32, #tpu.memory_space<vmem>>
    %dma_start3A_34 = arith.constant 0 : i32
    %dma_start3A_35 = arith.constant 0 : i32
    %dma_start3A_36 = tpu.memref_slice %arg2[%dma_start3A_34, %dma_start3A_35] : memref<10000x128xf32, #tpu.memory_space<hbm>> -> memref<10000x128xf32, #tpu.memory_space<hbm>>
    tpu.enqueue_indirect_dma source(%dma_start3A_36 : memref<10000x128xf32, #tpu.memory_space<hbm>>) target(%arg10 : memref<128x128xf32, #tpu.memory_space<vmem>>) offsets(%dma_start3A_33 : memref<128xi32, #tpu.memory_space<vmem>>) semaphore(%arg13 : memref<!tpu.dma_semaphore, #tpu.memory_space<semaphore_mem>>)
    %scan3A_37 = arith.constant 0 : i32
    %scan3A_38 = arith.constant 20 : i32
    %scan3A_39 = arith.addi %scan3A_37, %scan3A_38 : i32
    %scan3A_40 = arith.constant 1 : i32
    scf.for %scan3A_45 = %scan3A_37 to %scan3A_39 step %scan3A_40  : i32 {
      %mul3A_46 = arith.constant 2 : i32
      %mul3A_47 = arith.muli %mul3A_46, %scan3A_45 : i32
      %mul3A_48 = arith.constant 2 : i32
      %mul3A_49 = arith.muli %mul3A_48, %scan3A_45 : i32
      %add3A_50 = arith.constant 1 : i32
      %add3A_51 = arith.addi %mul3A_49, %add3A_50 : i32
      %dma_wait3A = arith.constant 0 : i32
      %dma_wait3A_52 = tpu.memref_slice %arg7[%mul3A_47, %dma_wait3A] : memref<40x128xi32, #tpu.memory_space<vmem>> -> memref<1x128xi32, #tpu.memory_space<vmem>>
      %dma_wait3A_53 = tpu.memref_squeeze %dma_wait3A_52 : memref<1x128xi32, #tpu.memory_space<vmem>> -> memref<128xi32, #tpu.memory_space<vmem>>
      %dma_wait3A_54 = arith.constant 0 : i32
      %dma_wait3A_55 = arith.constant 0 : i32
      %dma_wait3A_56 = tpu.memref_slice %arg2[%dma_wait3A_54, %dma_wait3A_55] : memref<10000x128xf32, #tpu.memory_space<hbm>> -> memref<10000x128xf32, #tpu.memory_space<hbm>>
      tpu.wait_indirect_dma semaphore(%arg12 : memref<!tpu.dma_semaphore, #tpu.memory_space<semaphore_mem>>) src(%dma_wait3A_56 : memref<10000x128xf32, #tpu.memory_space<hbm>>) dst(%arg9 : memref<128x128xf32, #tpu.memory_space<vmem>>)
      "tpu.region"() ({
        %run_scoped3A_74 = tpu.sem_alloc : memref<!tpu.dma_semaphore, #tpu.memory_space<semaphore_mem>>
        %dma_start3A_75 = arith.constant 0 : i32
        %dma_start3A_76 = tpu.memref_slice %arg8[%mul3A_47, %dma_start3A_75] : memref<40x128xi32, #tpu.memory_space<vmem>> -> memref<1x128xi32, #tpu.memory_space<vmem>>
        %dma_start3A_77 = tpu.memref_squeeze %dma_start3A_76 : memref<1x128xi32, #tpu.memory_space<vmem>> -> memref<128xi32, #tpu.memory_space<vmem>>
        %dma_start3A_78 = arith.constant 0 : i32
        %dma_start3A_79 = arith.constant 0 : i32
        %dma_start3A_80 = tpu.memref_slice %arg11[%dma_start3A_78, %dma_start3A_79] : memref<10016x128xf32, #tpu.memory_space<vmem_shared>> -> memref<10016x128xf32, #tpu.memory_space<vmem_shared>>
        tpu.enqueue_indirect_dma source(%arg9 : memref<128x128xf32, #tpu.memory_space<vmem>>) target(%dma_start3A_80 : memref<10016x128xf32, #tpu.memory_space<vmem_shared>>) offsets(%dma_start3A_77 : memref<128xi32, #tpu.memory_space<vmem>>) semaphore(%run_scoped3A_74 : memref<!tpu.dma_semaphore, #tpu.memory_space<semaphore_mem>>) {add = true}
        %dma_wait3A_81 = arith.constant 0 : i32
        %dma_wait3A_82 = tpu.memref_slice %arg8[%mul3A_47, %dma_wait3A_81] : memref<40x128xi32, #tpu.memory_space<vmem>> -> memref<1x128xi32, #tpu.memory_space<vmem>>
        %dma_wait3A_83 = tpu.memref_squeeze %dma_wait3A_82 : memref<1x128xi32, #tpu.memory_space<vmem>> -> memref<128xi32, #tpu.memory_space<vmem>>
        %dma_wait3A_84 = arith.constant 0 : i32
        %dma_wait3A_85 = arith.constant 0 : i32
        %dma_wait3A_86 = tpu.memref_slice %arg11[%dma_wait3A_84, %dma_wait3A_85] : memref<10016x128xf32, #tpu.memory_space<vmem_shared>> -> memref<10016x128xf32, #tpu.memory_space<vmem_shared>>
        tpu.wait_indirect_dma semaphore(%run_scoped3A_74 : memref<!tpu.dma_semaphore, #tpu.memory_space<semaphore_mem>>) src(%arg9 : memref<128x128xf32, #tpu.memory_space<vmem>>) dst(%dma_wait3A_86 : memref<10016x128xf32, #tpu.memory_space<vmem_shared>>)
        tpu.yield
      }) : () -> ()
      %add3A_57 = arith.constant 2 : i32
      %add3A_58 = arith.addi %mul3A_47, %add3A_57 : i32
      %lt3A = arith.constant 40 : i32
      %lt3A_59 = arith.cmpi slt, %add3A_58, %lt3A : i32
      %convert_element_type3A = arith.extui %lt3A_59 : i1 to i32
      %cond3A = arith.constant 0 : i32
      %cond3A_60 = arith.cmpi ne, %convert_element_type3A, %cond3A : i32
      scf.if %cond3A_60 {
        %add3A_74 = arith.constant 2 : i32
        %add3A_75 = arith.addi %mul3A_47, %add3A_74 : i32
        %dma_start3A_76 = arith.constant 0 : i32
        %dma_start3A_77 = tpu.memref_slice %arg7[%add3A_75, %dma_start3A_76] : memref<40x128xi32, #tpu.memory_space<vmem>> -> memref<1x128xi32, #tpu.memory_space<vmem>>
        %dma_start3A_78 = tpu.memref_squeeze %dma_start3A_77 : memref<1x128xi32, #tpu.memory_space<vmem>> -> memref<128xi32, #tpu.memory_space<vmem>>
        %dma_start3A_79 = arith.constant 0 : i32
        %dma_start3A_80 = arith.constant 0 : i32
        %dma_start3A_81 = tpu.memref_slice %arg2[%dma_start3A_79, %dma_start3A_80] : memref<10000x128xf32, #tpu.memory_space<hbm>> -> memref<10000x128xf32, #tpu.memory_space<hbm>>
        tpu.enqueue_indirect_dma source(%dma_start3A_81 : memref<10000x128xf32, #tpu.memory_space<hbm>>) target(%arg9 : memref<128x128xf32, #tpu.memory_space<vmem>>) offsets(%dma_start3A_78 : memref<128xi32, #tpu.memory_space<vmem>>) semaphore(%arg12 : memref<!tpu.dma_semaphore, #tpu.memory_space<semaphore_mem>>)
      } else {
      }
      %dma_wait3A_61 = arith.constant 0 : i32
      %dma_wait3A_62 = tpu.memref_slice %arg7[%add3A_51, %dma_wait3A_61] : memref<40x128xi32, #tpu.memory_space<vmem>> -> memref<1x128xi32, #tpu.memory_space<vmem>>
      %dma_wait3A_63 = tpu.memref_squeeze %dma_wait3A_62 : memref<1x128xi32, #tpu.memory_space<vmem>> -> memref<128xi32, #tpu.memory_space<vmem>>
      %dma_wait3A_64 = arith.constant 0 : i32
      %dma_wait3A_65 = arith.constant 0 : i32
      %dma_wait3A_66 = tpu.memref_slice %arg2[%dma_wait3A_64, %dma_wait3A_65] : memref<10000x128xf32, #tpu.memory_space<hbm>> -> memref<10000x128xf32, #tpu.memory_space<hbm>>
      tpu.wait_indirect_dma semaphore(%arg13 : memref<!tpu.dma_semaphore, #tpu.memory_space<semaphore_mem>>) src(%dma_wait3A_66 : memref<10000x128xf32, #tpu.memory_space<hbm>>) dst(%arg10 : memref<128x128xf32, #tpu.memory_space<vmem>>)
      "tpu.region"() ({
        %run_scoped3A_74 = tpu.sem_alloc : memref<!tpu.dma_semaphore, #tpu.memory_space<semaphore_mem>>
        %dma_start3A_75 = arith.constant 0 : i32
        %dma_start3A_76 = tpu.memref_slice %arg8[%add3A_51, %dma_start3A_75] : memref<40x128xi32, #tpu.memory_space<vmem>> -> memref<1x128xi32, #tpu.memory_space<vmem>>
        %dma_start3A_77 = tpu.memref_squeeze %dma_start3A_76 : memref<1x128xi32, #tpu.memory_space<vmem>> -> memref<128xi32, #tpu.memory_space<vmem>>
        %dma_start3A_78 = arith.constant 0 : i32
        %dma_start3A_79 = arith.constant 0 : i32
        %dma_start3A_80 = tpu.memref_slice %arg11[%dma_start3A_78, %dma_start3A_79] : memref<10016x128xf32, #tpu.memory_space<vmem_shared>> -> memref<10016x128xf32, #tpu.memory_space<vmem_shared>>
        tpu.enqueue_indirect_dma source(%arg10 : memref<128x128xf32, #tpu.memory_space<vmem>>) target(%dma_start3A_80 : memref<10016x128xf32, #tpu.memory_space<vmem_shared>>) offsets(%dma_start3A_77 : memref<128xi32, #tpu.memory_space<vmem>>) semaphore(%run_scoped3A_74 : memref<!tpu.dma_semaphore, #tpu.memory_space<semaphore_mem>>) {add = true}
        %dma_wait3A_81 = arith.constant 0 : i32
        %dma_wait3A_82 = tpu.memref_slice %arg8[%add3A_51, %dma_wait3A_81] : memref<40x128xi32, #tpu.memory_space<vmem>> -> memref<1x128xi32, #tpu.memory_space<vmem>>
        %dma_wait3A_83 = tpu.memref_squeeze %dma_wait3A_82 : memref<1x128xi32, #tpu.memory_space<vmem>> -> memref<128xi32, #tpu.memory_space<vmem>>
        %dma_wait3A_84 = arith.constant 0 : i32
        %dma_wait3A_85 = arith.constant 0 : i32
        %dma_wait3A_86 = tpu.memref_slice %arg11[%dma_wait3A_84, %dma_wait3A_85] : memref<10016x128xf32, #tpu.memory_space<vmem_shared>> -> memref<10016x128xf32, #tpu.memory_space<vmem_shared>>
        tpu.wait_indirect_dma semaphore(%run_scoped3A_74 : memref<!tpu.dma_semaphore, #tpu.memory_space<semaphore_mem>>) src(%arg10 : memref<128x128xf32, #tpu.memory_space<vmem>>) dst(%dma_wait3A_86 : memref<10016x128xf32, #tpu.memory_space<vmem_shared>>)
        tpu.yield
      }) : () -> ()
      %add3A_67 = arith.constant 2 : i32
      %add3A_68 = arith.addi %add3A_51, %add3A_67 : i32
      %lt3A_69 = arith.constant 40 : i32
      %lt3A_70 = arith.cmpi slt, %add3A_68, %lt3A_69 : i32
      %convert_element_type3A_71 = arith.extui %lt3A_70 : i1 to i32
      %cond3A_72 = arith.constant 0 : i32
      %cond3A_73 = arith.cmpi ne, %convert_element_type3A_71, %cond3A_72 : i32
      scf.if %cond3A_73 {
        %add3A_74 = arith.constant 2 : i32
        %add3A_75 = arith.addi %add3A_51, %add3A_74 : i32
        %dma_start3A_76 = arith.constant 0 : i32
        %dma_start3A_77 = tpu.memref_slice %arg7[%add3A_75, %dma_start3A_76] : memref<40x128xi32, #tpu.memory_space<vmem>> -> memref<1x128xi32, #tpu.memory_space<vmem>>
        %dma_start3A_78 = tpu.memref_squeeze %dma_start3A_77 : memref<1x128xi32, #tpu.memory_space<vmem>> -> memref<128xi32, #tpu.memory_space<vmem>>
        %dma_start3A_79 = arith.constant 0 : i32
        %dma_start3A_80 = arith.constant 0 : i32
        %dma_start3A_81 = tpu.memref_slice %arg2[%dma_start3A_79, %dma_start3A_80] : memref<10000x128xf32, #tpu.memory_space<hbm>> -> memref<10000x128xf32, #tpu.memory_space<hbm>>
        tpu.enqueue_indirect_dma source(%dma_start3A_81 : memref<10000x128xf32, #tpu.memory_space<hbm>>) target(%arg10 : memref<128x128xf32, #tpu.memory_space<vmem>>) offsets(%dma_start3A_78 : memref<128xi32, #tpu.memory_space<vmem>>) semaphore(%arg13 : memref<!tpu.dma_semaphore, #tpu.memory_space<semaphore_mem>>)
      } else {
      }
    }
    %scan3A_41 = arith.constant 20 : i32
    %barrier3A_42 = arith.constant 0 : index
    tpu.barrier barrier_id(%barrier3A_42)
    %mul3A_43 = arith.constant 626 : i32
    %mul3A_44 = arith.muli %arg1, %mul3A_43 : i32
    "tpu.region"() ({
      %run_scoped3A_45 = tpu.sem_alloc : memref<!tpu.dma_semaphore, #tpu.memory_space<semaphore_mem>>
      %dma_start3A_46 = arith.constant 0 : i32
      %dma_start3A_47 = arith.constant 0 : i32
      %dma_start3A_48 = tpu.memref_slice %arg6[%add3A, %dma_start3A_46, %dma_start3A_47] : memref<32x626x128xf32, #tpu.memory_space<hbm>> -> memref<1x626x128xf32, #tpu.memory_space<hbm>>
      %dma_start3A_49 = tpu.memref_squeeze %dma_start3A_48 : memref<1x626x128xf32, #tpu.memory_space<hbm>> -> memref<626x128xf32, #tpu.memory_space<hbm>>
      %dma_start3A_50 = arith.constant 0 : i32
      %dma_start3A_51 = tpu.memref_slice %arg11[%mul3A_44, %dma_start3A_50] : memref<10016x128xf32, #tpu.memory_space<vmem_shared>> -> memref<626x128xf32, #tpu.memory_space<vmem_shared>>
      tpu.enqueue_dma source(%dma_start3A_51 : memref<626x128xf32, #tpu.memory_space<vmem_shared>>) target(%dma_start3A_49 : memref<626x128xf32, #tpu.memory_space<hbm>>) target_semaphore(%run_scoped3A_45 : memref<!tpu.dma_semaphore, #tpu.memory_space<semaphore_mem>>)
      %dma_wait3A = arith.constant 0 : i32
      %dma_wait3A_52 = arith.constant 0 : i32
      %dma_wait3A_53 = tpu.memref_slice %arg6[%add3A, %dma_wait3A, %dma_wait3A_52] : memref<32x626x128xf32, #tpu.memory_space<hbm>> -> memref<1x626x128xf32, #tpu.memory_space<hbm>>
      %dma_wait3A_54 = tpu.memref_squeeze %dma_wait3A_53 : memref<1x626x128xf32, #tpu.memory_space<hbm>> -> memref<626x128xf32, #tpu.memory_space<hbm>>
      %dma_wait3A_55 = arith.constant 0 : i32
      %dma_wait3A_56 = tpu.memref_slice %arg11[%mul3A_44, %dma_wait3A_55] : memref<10016x128xf32, #tpu.memory_space<vmem_shared>> -> memref<626x128xf32, #tpu.memory_space<vmem_shared>>
      tpu.wait_dma2 semaphore(%run_scoped3A_45 : memref<!tpu.dma_semaphore, #tpu.memory_space<semaphore_mem>>) src(%dma_wait3A_56 : memref<626x128xf32, #tpu.memory_space<vmem_shared>>) dst(%dma_wait3A_54 : memref<626x128xf32, #tpu.memory_space<hbm>>)
      tpu.yield
    }) : () -> ()
    return
  }
}

#map = affine_map<(d0, d1) -> (0, 0)>
#map1 = affine_map<(d0, d1) -> (0, 0, 0, 0)>
#map2 = affine_map<(d0, d1) -> (0, 0, 0)>
module attributes {stable_mosaic.version = 14 : i64} {
  func.func @_sc_aggr_body(%arg0: i32, %arg1: i32, %arg2: memref<10000x128xf32, #tpu.memory_space<hbm>>, %arg3: memref<32x2x40x128xi32, #tpu.memory_space<hbm>>, %arg4: memref<32x2x40x128xi32, #tpu.memory_space<hbm>>, %arg5: memref<626x128xf32, #tpu.memory_space<hbm>>, %arg6: memref<32x626x128xf32, #tpu.memory_space<hbm>>, %arg7: memref<40x128xi32, #tpu.memory_space<vmem>>, %arg8: memref<40x128xi32, #tpu.memory_space<vmem>>, %arg9: memref<128x128xf32, #tpu.memory_space<vmem>>, %arg10: memref<128x128xf32, #tpu.memory_space<vmem>>, %arg11: memref<10016x128xf32, #tpu.memory_space<vmem_shared>>, %arg12: memref<!tpu.dma_semaphore, #tpu.memory_space<semaphore_mem>>, %arg13: memref<!tpu.dma_semaphore, #tpu.memory_space<semaphore_mem>>) attributes {dimension_semantics = [#tpu.dimension_semantics<core_parallel>, #tpu.dimension_semantics<subcore_parallel>], iteration_bounds = array<i64: 2, 16>, scalar_prefetch = 0 : i64, scratch_operands = 7 : i64, tpu.core_type = #tpu.core_type<sc_vector_subcore>, window_params = [{transform_indices = #map}, {transform_indices = #map1}, {transform_indices = #map1}, {transform_indices = #map}, {transform_indices = #map2}]} {
    %mul3A = arith.constant 16 : i32
    %mul3A_0 = arith.muli %arg0, %mul3A : i32
    %add3A = arith.addi %mul3A_0, %arg1 : i32
    %mul3A_1 = arith.constant 626 : i32
    %mul3A_2 = arith.muli %arg1, %mul3A_1 : i32
    "tpu.region"() ({
      %run_scoped3A_45 = tpu.sem_alloc : memref<!tpu.dma_semaphore, #tpu.memory_space<semaphore_mem>>
      %dma_start3A_46 = arith.constant 0 : i32
      %dma_start3A_47 = tpu.memref_slice %arg11[%mul3A_2, %dma_start3A_46] : memref<10016x128xf32, #tpu.memory_space<vmem_shared>> -> memref<626x128xf32, #tpu.memory_space<vmem_shared>>
      tpu.enqueue_dma source(%arg5 : memref<626x128xf32, #tpu.memory_space<hbm>>) target(%dma_start3A_47 : memref<626x128xf32, #tpu.memory_space<vmem_shared>>) target_semaphore(%run_scoped3A_45 : memref<!tpu.dma_semaphore, #tpu.memory_space<semaphore_mem>>)
      %dma_wait3A = arith.constant 0 : i32
      %dma_wait3A_48 = tpu.memref_slice %arg11[%mul3A_2, %dma_wait3A] : memref<10016x128xf32, #tpu.memory_space<vmem_shared>> -> memref<626x128xf32, #tpu.memory_space<vmem_shared>>
      tpu.wait_dma2 semaphore(%run_scoped3A_45 : memref<!tpu.dma_semaphore, #tpu.memory_space<semaphore_mem>>) src(%arg5 : memref<626x128xf32, #tpu.memory_space<hbm>>) dst(%dma_wait3A_48 : memref<626x128xf32, #tpu.memory_space<vmem_shared>>)
      tpu.yield
    }) : () -> ()
    %barrier3A = arith.constant 0 : index
    tpu.barrier barrier_id(%barrier3A)
    %run_scoped3A = arith.constant 0 : i32
    "tpu.region"() ({
      %run_scoped3A_45 = tpu.sem_alloc : memref<!tpu.dma_semaphore, #tpu.memory_space<semaphore_mem>>
      %dma_start3A_46 = arith.constant 0 : i32
      %dma_start3A_47 = arith.constant 0 : i32
      %dma_start3A_48 = tpu.memref_slice %arg3[%add3A, %run_scoped3A, %dma_start3A_46, %dma_start3A_47] : memref<32x2x40x128xi32, #tpu.memory_space<hbm>> -> memref<1x1x40x128xi32, #tpu.memory_space<hbm>>
      %dma_start3A_49 = tpu.memref_squeeze %dma_start3A_48 : memref<1x1x40x128xi32, #tpu.memory_space<hbm>> -> memref<40x128xi32, #tpu.memory_space<hbm>>
      %dma_start3A_50 = arith.constant 0 : i32
      %dma_start3A_51 = arith.constant 0 : i32
      %dma_start3A_52 = tpu.memref_slice %arg3[%add3A, %run_scoped3A, %dma_start3A_50, %dma_start3A_51] : memref<32x2x40x128xi32, #tpu.memory_space<hbm>> -> memref<1x1x40x128xi32, #tpu.memory_space<hbm>>
      %dma_start3A_53 = tpu.memref_squeeze %dma_start3A_52 : memref<1x1x40x128xi32, #tpu.memory_space<hbm>> -> memref<40x128xi32, #tpu.memory_space<hbm>>
      tpu.enqueue_dma source(%dma_start3A_53 : memref<40x128xi32, #tpu.memory_space<hbm>>) target(%arg7 : memref<40x128xi32, #tpu.memory_space<vmem>>) target_semaphore(%run_scoped3A_45 : memref<!tpu.dma_semaphore, #tpu.memory_space<semaphore_mem>>)
      %dma_wait3A = arith.constant 0 : i32
      %dma_wait3A_54 = arith.constant 0 : i32
      %dma_wait3A_55 = tpu.memref_slice %arg3[%add3A, %run_scoped3A, %dma_wait3A, %dma_wait3A_54] : memref<32x2x40x128xi32, #tpu.memory_space<hbm>> -> memref<1x1x40x128xi32, #tpu.memory_space<hbm>>
      %dma_wait3A_56 = tpu.memref_squeeze %dma_wait3A_55 : memref<1x1x40x128xi32, #tpu.memory_space<hbm>> -> memref<40x128xi32, #tpu.memory_space<hbm>>
      %dma_wait3A_57 = arith.constant 0 : i32
      %dma_wait3A_58 = arith.constant 0 : i32
      %dma_wait3A_59 = tpu.memref_slice %arg3[%add3A, %run_scoped3A, %dma_wait3A_57, %dma_wait3A_58] : memref<32x2x40x128xi32, #tpu.memory_space<hbm>> -> memref<1x1x40x128xi32, #tpu.memory_space<hbm>>
      %dma_wait3A_60 = tpu.memref_squeeze %dma_wait3A_59 : memref<1x1x40x128xi32, #tpu.memory_space<hbm>> -> memref<40x128xi32, #tpu.memory_space<hbm>>
      tpu.wait_dma2 semaphore(%run_scoped3A_45 : memref<!tpu.dma_semaphore, #tpu.memory_space<semaphore_mem>>) src(%dma_wait3A_60 : memref<40x128xi32, #tpu.memory_space<hbm>>) dst(%arg7 : memref<40x128xi32, #tpu.memory_space<vmem>>)
      tpu.yield
    }) : () -> ()
    %run_scoped3A_3 = arith.constant 0 : i32
    "tpu.region"() ({
      %run_scoped3A_45 = tpu.sem_alloc : memref<!tpu.dma_semaphore, #tpu.memory_space<semaphore_mem>>
      %dma_start3A_46 = arith.constant 0 : i32
      %dma_start3A_47 = arith.constant 0 : i32
      %dma_start3A_48 = tpu.memref_slice %arg4[%add3A, %run_scoped3A_3, %dma_start3A_46, %dma_start3A_47] : memref<32x2x40x128xi32, #tpu.memory_space<hbm>> -> memref<1x1x40x128xi32, #tpu.memory_space<hbm>>
      %dma_start3A_49 = tpu.memref_squeeze %dma_start3A_48 : memref<1x1x40x128xi32, #tpu.memory_space<hbm>> -> memref<40x128xi32, #tpu.memory_space<hbm>>
      %dma_start3A_50 = arith.constant 0 : i32
      %dma_start3A_51 = arith.constant 0 : i32
      %dma_start3A_52 = tpu.memref_slice %arg4[%add3A, %run_scoped3A_3, %dma_start3A_50, %dma_start3A_51] : memref<32x2x40x128xi32, #tpu.memory_space<hbm>> -> memref<1x1x40x128xi32, #tpu.memory_space<hbm>>
      %dma_start3A_53 = tpu.memref_squeeze %dma_start3A_52 : memref<1x1x40x128xi32, #tpu.memory_space<hbm>> -> memref<40x128xi32, #tpu.memory_space<hbm>>
      tpu.enqueue_dma source(%dma_start3A_53 : memref<40x128xi32, #tpu.memory_space<hbm>>) target(%arg8 : memref<40x128xi32, #tpu.memory_space<vmem>>) target_semaphore(%run_scoped3A_45 : memref<!tpu.dma_semaphore, #tpu.memory_space<semaphore_mem>>)
      %dma_wait3A = arith.constant 0 : i32
      %dma_wait3A_54 = arith.constant 0 : i32
      %dma_wait3A_55 = tpu.memref_slice %arg4[%add3A, %run_scoped3A_3, %dma_wait3A, %dma_wait3A_54] : memref<32x2x40x128xi32, #tpu.memory_space<hbm>> -> memref<1x1x40x128xi32, #tpu.memory_space<hbm>>
      %dma_wait3A_56 = tpu.memref_squeeze %dma_wait3A_55 : memref<1x1x40x128xi32, #tpu.memory_space<hbm>> -> memref<40x128xi32, #tpu.memory_space<hbm>>
      %dma_wait3A_57 = arith.constant 0 : i32
      %dma_wait3A_58 = arith.constant 0 : i32
      %dma_wait3A_59 = tpu.memref_slice %arg4[%add3A, %run_scoped3A_3, %dma_wait3A_57, %dma_wait3A_58] : memref<32x2x40x128xi32, #tpu.memory_space<hbm>> -> memref<1x1x40x128xi32, #tpu.memory_space<hbm>>
      %dma_wait3A_60 = tpu.memref_squeeze %dma_wait3A_59 : memref<1x1x40x128xi32, #tpu.memory_space<hbm>> -> memref<40x128xi32, #tpu.memory_space<hbm>>
      tpu.wait_dma2 semaphore(%run_scoped3A_45 : memref<!tpu.dma_semaphore, #tpu.memory_space<semaphore_mem>>) src(%dma_wait3A_60 : memref<40x128xi32, #tpu.memory_space<hbm>>) dst(%arg8 : memref<40x128xi32, #tpu.memory_space<vmem>>)
      tpu.yield
    }) : () -> ()
    %dma_start3A = arith.constant 0 : i32
    %dma_start3A_4 = arith.constant 0 : i32
    %dma_start3A_5 = tpu.memref_slice %arg7[%dma_start3A, %dma_start3A_4] : memref<40x128xi32, #tpu.memory_space<vmem>> -> memref<1x128xi32, #tpu.memory_space<vmem>>
    %dma_start3A_6 = tpu.memref_squeeze %dma_start3A_5 : memref<1x128xi32, #tpu.memory_space<vmem>> -> memref<128xi32, #tpu.memory_space<vmem>>
    %dma_start3A_7 = arith.constant 0 : i32
    %dma_start3A_8 = arith.constant 0 : i32
    %dma_start3A_9 = tpu.memref_slice %arg2[%dma_start3A_7, %dma_start3A_8] : memref<10000x128xf32, #tpu.memory_space<hbm>> -> memref<10000x128xf32, #tpu.memory_space<hbm>>
    tpu.enqueue_indirect_dma source(%dma_start3A_9 : memref<10000x128xf32, #tpu.memory_space<hbm>>) target(%arg9 : memref<128x128xf32, #tpu.memory_space<vmem>>) offsets(%dma_start3A_6 : memref<128xi32, #tpu.memory_space<vmem>>) semaphore(%arg12 : memref<!tpu.dma_semaphore, #tpu.memory_space<semaphore_mem>>)
    %dma_start3A_10 = arith.constant 1 : i32
    %dma_start3A_11 = arith.constant 0 : i32
    %dma_start3A_12 = tpu.memref_slice %arg7[%dma_start3A_10, %dma_start3A_11] : memref<40x128xi32, #tpu.memory_space<vmem>> -> memref<1x128xi32, #tpu.memory_space<vmem>>
    %dma_start3A_13 = tpu.memref_squeeze %dma_start3A_12 : memref<1x128xi32, #tpu.memory_space<vmem>> -> memref<128xi32, #tpu.memory_space<vmem>>
    %dma_start3A_14 = arith.constant 0 : i32
    %dma_start3A_15 = arith.constant 0 : i32
    %dma_start3A_16 = tpu.memref_slice %arg2[%dma_start3A_14, %dma_start3A_15] : memref<10000x128xf32, #tpu.memory_space<hbm>> -> memref<10000x128xf32, #tpu.memory_space<hbm>>
    tpu.enqueue_indirect_dma source(%dma_start3A_16 : memref<10000x128xf32, #tpu.memory_space<hbm>>) target(%arg10 : memref<128x128xf32, #tpu.memory_space<vmem>>) offsets(%dma_start3A_13 : memref<128xi32, #tpu.memory_space<vmem>>) semaphore(%arg13 : memref<!tpu.dma_semaphore, #tpu.memory_space<semaphore_mem>>)
    %scan3A = arith.constant 0 : i32
    %scan3A_17 = arith.constant 20 : i32
    %scan3A_18 = arith.addi %scan3A, %scan3A_17 : i32
    %scan3A_19 = arith.constant 1 : i32
    scf.for %scan3A_45 = %scan3A to %scan3A_18 step %scan3A_19  : i32 {
      %mul3A_46 = arith.constant 2 : i32
      %mul3A_47 = arith.muli %mul3A_46, %scan3A_45 : i32
      %mul3A_48 = arith.constant 2 : i32
      %mul3A_49 = arith.muli %mul3A_48, %scan3A_45 : i32
      %add3A_50 = arith.constant 1 : i32
      %add3A_51 = arith.addi %mul3A_49, %add3A_50 : i32
      %dma_wait3A = arith.constant 0 : i32
      %dma_wait3A_52 = tpu.memref_slice %arg7[%mul3A_47, %dma_wait3A] : memref<40x128xi32, #tpu.memory_space<vmem>> -> memref<1x128xi32, #tpu.memory_space<vmem>>
      %dma_wait3A_53 = tpu.memref_squeeze %dma_wait3A_52 : memref<1x128xi32, #tpu.memory_space<vmem>> -> memref<128xi32, #tpu.memory_space<vmem>>
      %dma_wait3A_54 = arith.constant 0 : i32
      %dma_wait3A_55 = arith.constant 0 : i32
      %dma_wait3A_56 = tpu.memref_slice %arg2[%dma_wait3A_54, %dma_wait3A_55] : memref<10000x128xf32, #tpu.memory_space<hbm>> -> memref<10000x128xf32, #tpu.memory_space<hbm>>
      tpu.wait_indirect_dma semaphore(%arg12 : memref<!tpu.dma_semaphore, #tpu.memory_space<semaphore_mem>>) src(%dma_wait3A_56 : memref<10000x128xf32, #tpu.memory_space<hbm>>) dst(%arg9 : memref<128x128xf32, #tpu.memory_space<vmem>>)
      "tpu.region"() ({
        %run_scoped3A_74 = tpu.sem_alloc : memref<!tpu.dma_semaphore, #tpu.memory_space<semaphore_mem>>
        %dma_start3A_75 = arith.constant 0 : i32
        %dma_start3A_76 = tpu.memref_slice %arg8[%mul3A_47, %dma_start3A_75] : memref<40x128xi32, #tpu.memory_space<vmem>> -> memref<1x128xi32, #tpu.memory_space<vmem>>
        %dma_start3A_77 = tpu.memref_squeeze %dma_start3A_76 : memref<1x128xi32, #tpu.memory_space<vmem>> -> memref<128xi32, #tpu.memory_space<vmem>>
        %dma_start3A_78 = arith.constant 0 : i32
        %dma_start3A_79 = arith.constant 0 : i32
        %dma_start3A_80 = tpu.memref_slice %arg11[%dma_start3A_78, %dma_start3A_79] : memref<10016x128xf32, #tpu.memory_space<vmem_shared>> -> memref<10016x128xf32, #tpu.memory_space<vmem_shared>>
        tpu.enqueue_indirect_dma source(%arg9 : memref<128x128xf32, #tpu.memory_space<vmem>>) target(%dma_start3A_80 : memref<10016x128xf32, #tpu.memory_space<vmem_shared>>) offsets(%dma_start3A_77 : memref<128xi32, #tpu.memory_space<vmem>>) semaphore(%run_scoped3A_74 : memref<!tpu.dma_semaphore, #tpu.memory_space<semaphore_mem>>) {add = true}
        %dma_wait3A_81 = arith.constant 0 : i32
        %dma_wait3A_82 = tpu.memref_slice %arg8[%mul3A_47, %dma_wait3A_81] : memref<40x128xi32, #tpu.memory_space<vmem>> -> memref<1x128xi32, #tpu.memory_space<vmem>>
        %dma_wait3A_83 = tpu.memref_squeeze %dma_wait3A_82 : memref<1x128xi32, #tpu.memory_space<vmem>> -> memref<128xi32, #tpu.memory_space<vmem>>
        %dma_wait3A_84 = arith.constant 0 : i32
        %dma_wait3A_85 = arith.constant 0 : i32
        %dma_wait3A_86 = tpu.memref_slice %arg11[%dma_wait3A_84, %dma_wait3A_85] : memref<10016x128xf32, #tpu.memory_space<vmem_shared>> -> memref<10016x128xf32, #tpu.memory_space<vmem_shared>>
        tpu.wait_indirect_dma semaphore(%run_scoped3A_74 : memref<!tpu.dma_semaphore, #tpu.memory_space<semaphore_mem>>) src(%arg9 : memref<128x128xf32, #tpu.memory_space<vmem>>) dst(%dma_wait3A_86 : memref<10016x128xf32, #tpu.memory_space<vmem_shared>>)
        tpu.yield
      }) : () -> ()
      %add3A_57 = arith.constant 2 : i32
      %add3A_58 = arith.addi %mul3A_47, %add3A_57 : i32
      %lt3A = arith.constant 40 : i32
      %lt3A_59 = arith.cmpi slt, %add3A_58, %lt3A : i32
      %convert_element_type3A = arith.extui %lt3A_59 : i1 to i32
      %cond3A = arith.constant 0 : i32
      %cond3A_60 = arith.cmpi ne, %convert_element_type3A, %cond3A : i32
      scf.if %cond3A_60 {
        %add3A_74 = arith.constant 2 : i32
        %add3A_75 = arith.addi %mul3A_47, %add3A_74 : i32
        %dma_start3A_76 = arith.constant 0 : i32
        %dma_start3A_77 = tpu.memref_slice %arg7[%add3A_75, %dma_start3A_76] : memref<40x128xi32, #tpu.memory_space<vmem>> -> memref<1x128xi32, #tpu.memory_space<vmem>>
        %dma_start3A_78 = tpu.memref_squeeze %dma_start3A_77 : memref<1x128xi32, #tpu.memory_space<vmem>> -> memref<128xi32, #tpu.memory_space<vmem>>
        %dma_start3A_79 = arith.constant 0 : i32
        %dma_start3A_80 = arith.constant 0 : i32
        %dma_start3A_81 = tpu.memref_slice %arg2[%dma_start3A_79, %dma_start3A_80] : memref<10000x128xf32, #tpu.memory_space<hbm>> -> memref<10000x128xf32, #tpu.memory_space<hbm>>
        tpu.enqueue_indirect_dma source(%dma_start3A_81 : memref<10000x128xf32, #tpu.memory_space<hbm>>) target(%arg9 : memref<128x128xf32, #tpu.memory_space<vmem>>) offsets(%dma_start3A_78 : memref<128xi32, #tpu.memory_space<vmem>>) semaphore(%arg12 : memref<!tpu.dma_semaphore, #tpu.memory_space<semaphore_mem>>)
      } else {
      }
      %dma_wait3A_61 = arith.constant 0 : i32
      %dma_wait3A_62 = tpu.memref_slice %arg7[%add3A_51, %dma_wait3A_61] : memref<40x128xi32, #tpu.memory_space<vmem>> -> memref<1x128xi32, #tpu.memory_space<vmem>>
      %dma_wait3A_63 = tpu.memref_squeeze %dma_wait3A_62 : memref<1x128xi32, #tpu.memory_space<vmem>> -> memref<128xi32, #tpu.memory_space<vmem>>
      %dma_wait3A_64 = arith.constant 0 : i32
      %dma_wait3A_65 = arith.constant 0 : i32
      %dma_wait3A_66 = tpu.memref_slice %arg2[%dma_wait3A_64, %dma_wait3A_65] : memref<10000x128xf32, #tpu.memory_space<hbm>> -> memref<10000x128xf32, #tpu.memory_space<hbm>>
      tpu.wait_indirect_dma semaphore(%arg13 : memref<!tpu.dma_semaphore, #tpu.memory_space<semaphore_mem>>) src(%dma_wait3A_66 : memref<10000x128xf32, #tpu.memory_space<hbm>>) dst(%arg10 : memref<128x128xf32, #tpu.memory_space<vmem>>)
      "tpu.region"() ({
        %run_scoped3A_74 = tpu.sem_alloc : memref<!tpu.dma_semaphore, #tpu.memory_space<semaphore_mem>>
        %dma_start3A_75 = arith.constant 0 : i32
        %dma_start3A_76 = tpu.memref_slice %arg8[%add3A_51, %dma_start3A_75] : memref<40x128xi32, #tpu.memory_space<vmem>> -> memref<1x128xi32, #tpu.memory_space<vmem>>
        %dma_start3A_77 = tpu.memref_squeeze %dma_start3A_76 : memref<1x128xi32, #tpu.memory_space<vmem>> -> memref<128xi32, #tpu.memory_space<vmem>>
        %dma_start3A_78 = arith.constant 0 : i32
        %dma_start3A_79 = arith.constant 0 : i32
        %dma_start3A_80 = tpu.memref_slice %arg11[%dma_start3A_78, %dma_start3A_79] : memref<10016x128xf32, #tpu.memory_space<vmem_shared>> -> memref<10016x128xf32, #tpu.memory_space<vmem_shared>>
        tpu.enqueue_indirect_dma source(%arg10 : memref<128x128xf32, #tpu.memory_space<vmem>>) target(%dma_start3A_80 : memref<10016x128xf32, #tpu.memory_space<vmem_shared>>) offsets(%dma_start3A_77 : memref<128xi32, #tpu.memory_space<vmem>>) semaphore(%run_scoped3A_74 : memref<!tpu.dma_semaphore, #tpu.memory_space<semaphore_mem>>) {add = true}
        %dma_wait3A_81 = arith.constant 0 : i32
        %dma_wait3A_82 = tpu.memref_slice %arg8[%add3A_51, %dma_wait3A_81] : memref<40x128xi32, #tpu.memory_space<vmem>> -> memref<1x128xi32, #tpu.memory_space<vmem>>
        %dma_wait3A_83 = tpu.memref_squeeze %dma_wait3A_82 : memref<1x128xi32, #tpu.memory_space<vmem>> -> memref<128xi32, #tpu.memory_space<vmem>>
        %dma_wait3A_84 = arith.constant 0 : i32
        %dma_wait3A_85 = arith.constant 0 : i32
        %dma_wait3A_86 = tpu.memref_slice %arg11[%dma_wait3A_84, %dma_wait3A_85] : memref<10016x128xf32, #tpu.memory_space<vmem_shared>> -> memref<10016x128xf32, #tpu.memory_space<vmem_shared>>
        tpu.wait_indirect_dma semaphore(%run_scoped3A_74 : memref<!tpu.dma_semaphore, #tpu.memory_space<semaphore_mem>>) src(%arg10 : memref<128x128xf32, #tpu.memory_space<vmem>>) dst(%dma_wait3A_86 : memref<10016x128xf32, #tpu.memory_space<vmem_shared>>)
        tpu.yield
      }) : () -> ()
      %add3A_67 = arith.constant 2 : i32
      %add3A_68 = arith.addi %add3A_51, %add3A_67 : i32
      %lt3A_69 = arith.constant 40 : i32
      %lt3A_70 = arith.cmpi slt, %add3A_68, %lt3A_69 : i32
      %convert_element_type3A_71 = arith.extui %lt3A_70 : i1 to i32
      %cond3A_72 = arith.constant 0 : i32
      %cond3A_73 = arith.cmpi ne, %convert_element_type3A_71, %cond3A_72 : i32
      scf.if %cond3A_73 {
        %add3A_74 = arith.constant 2 : i32
        %add3A_75 = arith.addi %add3A_51, %add3A_74 : i32
        %dma_start3A_76 = arith.constant 0 : i32
        %dma_start3A_77 = tpu.memref_slice %arg7[%add3A_75, %dma_start3A_76] : memref<40x128xi32, #tpu.memory_space<vmem>> -> memref<1x128xi32, #tpu.memory_space<vmem>>
        %dma_start3A_78 = tpu.memref_squeeze %dma_start3A_77 : memref<1x128xi32, #tpu.memory_space<vmem>> -> memref<128xi32, #tpu.memory_space<vmem>>
        %dma_start3A_79 = arith.constant 0 : i32
        %dma_start3A_80 = arith.constant 0 : i32
        %dma_start3A_81 = tpu.memref_slice %arg2[%dma_start3A_79, %dma_start3A_80] : memref<10000x128xf32, #tpu.memory_space<hbm>> -> memref<10000x128xf32, #tpu.memory_space<hbm>>
        tpu.enqueue_indirect_dma source(%dma_start3A_81 : memref<10000x128xf32, #tpu.memory_space<hbm>>) target(%arg10 : memref<128x128xf32, #tpu.memory_space<vmem>>) offsets(%dma_start3A_78 : memref<128xi32, #tpu.memory_space<vmem>>) semaphore(%arg13 : memref<!tpu.dma_semaphore, #tpu.memory_space<semaphore_mem>>)
      } else {
      }
    }
    %scan3A_20 = arith.constant 20 : i32
    %run_scoped3A_21 = arith.constant 1 : i32
    "tpu.region"() ({
      %run_scoped3A_45 = tpu.sem_alloc : memref<!tpu.dma_semaphore, #tpu.memory_space<semaphore_mem>>
      %dma_start3A_46 = arith.constant 0 : i32
      %dma_start3A_47 = arith.constant 0 : i32
      %dma_start3A_48 = tpu.memref_slice %arg3[%add3A, %run_scoped3A_21, %dma_start3A_46, %dma_start3A_47] : memref<32x2x40x128xi32, #tpu.memory_space<hbm>> -> memref<1x1x40x128xi32, #tpu.memory_space<hbm>>
      %dma_start3A_49 = tpu.memref_squeeze %dma_start3A_48 : memref<1x1x40x128xi32, #tpu.memory_space<hbm>> -> memref<40x128xi32, #tpu.memory_space<hbm>>
      %dma_start3A_50 = arith.constant 0 : i32
      %dma_start3A_51 = arith.constant 0 : i32
      %dma_start3A_52 = tpu.memref_slice %arg3[%add3A, %run_scoped3A_21, %dma_start3A_50, %dma_start3A_51] : memref<32x2x40x128xi32, #tpu.memory_space<hbm>> -> memref<1x1x40x128xi32, #tpu.memory_space<hbm>>
      %dma_start3A_53 = tpu.memref_squeeze %dma_start3A_52 : memref<1x1x40x128xi32, #tpu.memory_space<hbm>> -> memref<40x128xi32, #tpu.memory_space<hbm>>
      tpu.enqueue_dma source(%dma_start3A_53 : memref<40x128xi32, #tpu.memory_space<hbm>>) target(%arg7 : memref<40x128xi32, #tpu.memory_space<vmem>>) target_semaphore(%run_scoped3A_45 : memref<!tpu.dma_semaphore, #tpu.memory_space<semaphore_mem>>)
      %dma_wait3A = arith.constant 0 : i32
      %dma_wait3A_54 = arith.constant 0 : i32
      %dma_wait3A_55 = tpu.memref_slice %arg3[%add3A, %run_scoped3A_21, %dma_wait3A, %dma_wait3A_54] : memref<32x2x40x128xi32, #tpu.memory_space<hbm>> -> memref<1x1x40x128xi32, #tpu.memory_space<hbm>>
      %dma_wait3A_56 = tpu.memref_squeeze %dma_wait3A_55 : memref<1x1x40x128xi32, #tpu.memory_space<hbm>> -> memref<40x128xi32, #tpu.memory_space<hbm>>
      %dma_wait3A_57 = arith.constant 0 : i32
      %dma_wait3A_58 = arith.constant 0 : i32
      %dma_wait3A_59 = tpu.memref_slice %arg3[%add3A, %run_scoped3A_21, %dma_wait3A_57, %dma_wait3A_58] : memref<32x2x40x128xi32, #tpu.memory_space<hbm>> -> memref<1x1x40x128xi32, #tpu.memory_space<hbm>>
      %dma_wait3A_60 = tpu.memref_squeeze %dma_wait3A_59 : memref<1x1x40x128xi32, #tpu.memory_space<hbm>> -> memref<40x128xi32, #tpu.memory_space<hbm>>
      tpu.wait_dma2 semaphore(%run_scoped3A_45 : memref<!tpu.dma_semaphore, #tpu.memory_space<semaphore_mem>>) src(%dma_wait3A_60 : memref<40x128xi32, #tpu.memory_space<hbm>>) dst(%arg7 : memref<40x128xi32, #tpu.memory_space<vmem>>)
      tpu.yield
    }) : () -> ()
    %run_scoped3A_22 = arith.constant 1 : i32
    "tpu.region"() ({
      %run_scoped3A_45 = tpu.sem_alloc : memref<!tpu.dma_semaphore, #tpu.memory_space<semaphore_mem>>
      %dma_start3A_46 = arith.constant 0 : i32
      %dma_start3A_47 = arith.constant 0 : i32
      %dma_start3A_48 = tpu.memref_slice %arg4[%add3A, %run_scoped3A_22, %dma_start3A_46, %dma_start3A_47] : memref<32x2x40x128xi32, #tpu.memory_space<hbm>> -> memref<1x1x40x128xi32, #tpu.memory_space<hbm>>
      %dma_start3A_49 = tpu.memref_squeeze %dma_start3A_48 : memref<1x1x40x128xi32, #tpu.memory_space<hbm>> -> memref<40x128xi32, #tpu.memory_space<hbm>>
      %dma_start3A_50 = arith.constant 0 : i32
      %dma_start3A_51 = arith.constant 0 : i32
      %dma_start3A_52 = tpu.memref_slice %arg4[%add3A, %run_scoped3A_22, %dma_start3A_50, %dma_start3A_51] : memref<32x2x40x128xi32, #tpu.memory_space<hbm>> -> memref<1x1x40x128xi32, #tpu.memory_space<hbm>>
      %dma_start3A_53 = tpu.memref_squeeze %dma_start3A_52 : memref<1x1x40x128xi32, #tpu.memory_space<hbm>> -> memref<40x128xi32, #tpu.memory_space<hbm>>
      tpu.enqueue_dma source(%dma_start3A_53 : memref<40x128xi32, #tpu.memory_space<hbm>>) target(%arg8 : memref<40x128xi32, #tpu.memory_space<vmem>>) target_semaphore(%run_scoped3A_45 : memref<!tpu.dma_semaphore, #tpu.memory_space<semaphore_mem>>)
      %dma_wait3A = arith.constant 0 : i32
      %dma_wait3A_54 = arith.constant 0 : i32
      %dma_wait3A_55 = tpu.memref_slice %arg4[%add3A, %run_scoped3A_22, %dma_wait3A, %dma_wait3A_54] : memref<32x2x40x128xi32, #tpu.memory_space<hbm>> -> memref<1x1x40x128xi32, #tpu.memory_space<hbm>>
      %dma_wait3A_56 = tpu.memref_squeeze %dma_wait3A_55 : memref<1x1x40x128xi32, #tpu.memory_space<hbm>> -> memref<40x128xi32, #tpu.memory_space<hbm>>
      %dma_wait3A_57 = arith.constant 0 : i32
      %dma_wait3A_58 = arith.constant 0 : i32
      %dma_wait3A_59 = tpu.memref_slice %arg4[%add3A, %run_scoped3A_22, %dma_wait3A_57, %dma_wait3A_58] : memref<32x2x40x128xi32, #tpu.memory_space<hbm>> -> memref<1x1x40x128xi32, #tpu.memory_space<hbm>>
      %dma_wait3A_60 = tpu.memref_squeeze %dma_wait3A_59 : memref<1x1x40x128xi32, #tpu.memory_space<hbm>> -> memref<40x128xi32, #tpu.memory_space<hbm>>
      tpu.wait_dma2 semaphore(%run_scoped3A_45 : memref<!tpu.dma_semaphore, #tpu.memory_space<semaphore_mem>>) src(%dma_wait3A_60 : memref<40x128xi32, #tpu.memory_space<hbm>>) dst(%arg8 : memref<40x128xi32, #tpu.memory_space<vmem>>)
      tpu.yield
    }) : () -> ()
    %dma_start3A_23 = arith.constant 0 : i32
    %dma_start3A_24 = arith.constant 0 : i32
    %dma_start3A_25 = tpu.memref_slice %arg7[%dma_start3A_23, %dma_start3A_24] : memref<40x128xi32, #tpu.memory_space<vmem>> -> memref<1x128xi32, #tpu.memory_space<vmem>>
    %dma_start3A_26 = tpu.memref_squeeze %dma_start3A_25 : memref<1x128xi32, #tpu.memory_space<vmem>> -> memref<128xi32, #tpu.memory_space<vmem>>
    %dma_start3A_27 = arith.constant 0 : i32
    %dma_start3A_28 = arith.constant 0 : i32
    %dma_start3A_29 = tpu.memref_slice %arg2[%dma_start3A_27, %dma_start3A_28] : memref<10000x128xf32, #tpu.memory_space<hbm>> -> memref<10000x128xf32, #tpu.memory_space<hbm>>
    tpu.enqueue_indirect_dma source(%dma_start3A_29 : memref<10000x128xf32, #tpu.memory_space<hbm>>) target(%arg9 : memref<128x128xf32, #tpu.memory_space<vmem>>) offsets(%dma_start3A_26 : memref<128xi32, #tpu.memory_space<vmem>>) semaphore(%arg12 : memref<!tpu.dma_semaphore, #tpu.memory_space<semaphore_mem>>)
    %dma_start3A_30 = arith.constant 1 : i32
    %dma_start3A_31 = arith.constant 0 : i32
    %dma_start3A_32 = tpu.memref_slice %arg7[%dma_start3A_30, %dma_start3A_31] : memref<40x128xi32, #tpu.memory_space<vmem>> -> memref<1x128xi32, #tpu.memory_space<vmem>>
    %dma_start3A_33 = tpu.memref_squeeze %dma_start3A_32 : memref<1x128xi32, #tpu.memory_space<vmem>> -> memref<128xi32, #tpu.memory_space<vmem>>
    %dma_start3A_34 = arith.constant 0 : i32
    %dma_start3A_35 = arith.constant 0 : i32
    %dma_start3A_36 = tpu.memref_slice %arg2[%dma_start3A_34, %dma_start3A_35] : memref<10000x128xf32, #tpu.memory_space<hbm>> -> memref<10000x128xf32, #tpu.memory_space<hbm>>
    tpu.enqueue_indirect_dma source(%dma_start3A_36 : memref<10000x128xf32, #tpu.memory_space<hbm>>) target(%arg10 : memref<128x128xf32, #tpu.memory_space<vmem>>) offsets(%dma_start3A_33 : memref<128xi32, #tpu.memory_space<vmem>>) semaphore(%arg13 : memref<!tpu.dma_semaphore, #tpu.memory_space<semaphore_mem>>)
    %scan3A_37 = arith.constant 0 : i32
    %scan3A_38 = arith.constant 20 : i32
    %scan3A_39 = arith.addi %scan3A_37, %scan3A_38 : i32
    %scan3A_40 = arith.constant 1 : i32
    scf.for %scan3A_45 = %scan3A_37 to %scan3A_39 step %scan3A_40  : i32 {
      %mul3A_46 = arith.constant 2 : i32
      %mul3A_47 = arith.muli %mul3A_46, %scan3A_45 : i32
      %mul3A_48 = arith.constant 2 : i32
      %mul3A_49 = arith.muli %mul3A_48, %scan3A_45 : i32
      %add3A_50 = arith.constant 1 : i32
      %add3A_51 = arith.addi %mul3A_49, %add3A_50 : i32
      %dma_wait3A = arith.constant 0 : i32
      %dma_wait3A_52 = tpu.memref_slice %arg7[%mul3A_47, %dma_wait3A] : memref<40x128xi32, #tpu.memory_space<vmem>> -> memref<1x128xi32, #tpu.memory_space<vmem>>
      %dma_wait3A_53 = tpu.memref_squeeze %dma_wait3A_52 : memref<1x128xi32, #tpu.memory_space<vmem>> -> memref<128xi32, #tpu.memory_space<vmem>>
      %dma_wait3A_54 = arith.constant 0 : i32
      %dma_wait3A_55 = arith.constant 0 : i32
      %dma_wait3A_56 = tpu.memref_slice %arg2[%dma_wait3A_54, %dma_wait3A_55] : memref<10000x128xf32, #tpu.memory_space<hbm>> -> memref<10000x128xf32, #tpu.memory_space<hbm>>
      tpu.wait_indirect_dma semaphore(%arg12 : memref<!tpu.dma_semaphore, #tpu.memory_space<semaphore_mem>>) src(%dma_wait3A_56 : memref<10000x128xf32, #tpu.memory_space<hbm>>) dst(%arg9 : memref<128x128xf32, #tpu.memory_space<vmem>>)
      "tpu.region"() ({
        %run_scoped3A_74 = tpu.sem_alloc : memref<!tpu.dma_semaphore, #tpu.memory_space<semaphore_mem>>
        %dma_start3A_75 = arith.constant 0 : i32
        %dma_start3A_76 = tpu.memref_slice %arg8[%mul3A_47, %dma_start3A_75] : memref<40x128xi32, #tpu.memory_space<vmem>> -> memref<1x128xi32, #tpu.memory_space<vmem>>
        %dma_start3A_77 = tpu.memref_squeeze %dma_start3A_76 : memref<1x128xi32, #tpu.memory_space<vmem>> -> memref<128xi32, #tpu.memory_space<vmem>>
        %dma_start3A_78 = arith.constant 0 : i32
        %dma_start3A_79 = arith.constant 0 : i32
        %dma_start3A_80 = tpu.memref_slice %arg11[%dma_start3A_78, %dma_start3A_79] : memref<10016x128xf32, #tpu.memory_space<vmem_shared>> -> memref<10016x128xf32, #tpu.memory_space<vmem_shared>>
        tpu.enqueue_indirect_dma source(%arg9 : memref<128x128xf32, #tpu.memory_space<vmem>>) target(%dma_start3A_80 : memref<10016x128xf32, #tpu.memory_space<vmem_shared>>) offsets(%dma_start3A_77 : memref<128xi32, #tpu.memory_space<vmem>>) semaphore(%run_scoped3A_74 : memref<!tpu.dma_semaphore, #tpu.memory_space<semaphore_mem>>) {add = true}
        %dma_wait3A_81 = arith.constant 0 : i32
        %dma_wait3A_82 = tpu.memref_slice %arg8[%mul3A_47, %dma_wait3A_81] : memref<40x128xi32, #tpu.memory_space<vmem>> -> memref<1x128xi32, #tpu.memory_space<vmem>>
        %dma_wait3A_83 = tpu.memref_squeeze %dma_wait3A_82 : memref<1x128xi32, #tpu.memory_space<vmem>> -> memref<128xi32, #tpu.memory_space<vmem>>
        %dma_wait3A_84 = arith.constant 0 : i32
        %dma_wait3A_85 = arith.constant 0 : i32
        %dma_wait3A_86 = tpu.memref_slice %arg11[%dma_wait3A_84, %dma_wait3A_85] : memref<10016x128xf32, #tpu.memory_space<vmem_shared>> -> memref<10016x128xf32, #tpu.memory_space<vmem_shared>>
        tpu.wait_indirect_dma semaphore(%run_scoped3A_74 : memref<!tpu.dma_semaphore, #tpu.memory_space<semaphore_mem>>) src(%arg9 : memref<128x128xf32, #tpu.memory_space<vmem>>) dst(%dma_wait3A_86 : memref<10016x128xf32, #tpu.memory_space<vmem_shared>>)
        tpu.yield
      }) : () -> ()
      %add3A_57 = arith.constant 2 : i32
      %add3A_58 = arith.addi %mul3A_47, %add3A_57 : i32
      %lt3A = arith.constant 40 : i32
      %lt3A_59 = arith.cmpi slt, %add3A_58, %lt3A : i32
      %convert_element_type3A = arith.extui %lt3A_59 : i1 to i32
      %cond3A = arith.constant 0 : i32
      %cond3A_60 = arith.cmpi ne, %convert_element_type3A, %cond3A : i32
      scf.if %cond3A_60 {
        %add3A_74 = arith.constant 2 : i32
        %add3A_75 = arith.addi %mul3A_47, %add3A_74 : i32
        %dma_start3A_76 = arith.constant 0 : i32
        %dma_start3A_77 = tpu.memref_slice %arg7[%add3A_75, %dma_start3A_76] : memref<40x128xi32, #tpu.memory_space<vmem>> -> memref<1x128xi32, #tpu.memory_space<vmem>>
        %dma_start3A_78 = tpu.memref_squeeze %dma_start3A_77 : memref<1x128xi32, #tpu.memory_space<vmem>> -> memref<128xi32, #tpu.memory_space<vmem>>
        %dma_start3A_79 = arith.constant 0 : i32
        %dma_start3A_80 = arith.constant 0 : i32
        %dma_start3A_81 = tpu.memref_slice %arg2[%dma_start3A_79, %dma_start3A_80] : memref<10000x128xf32, #tpu.memory_space<hbm>> -> memref<10000x128xf32, #tpu.memory_space<hbm>>
        tpu.enqueue_indirect_dma source(%dma_start3A_81 : memref<10000x128xf32, #tpu.memory_space<hbm>>) target(%arg9 : memref<128x128xf32, #tpu.memory_space<vmem>>) offsets(%dma_start3A_78 : memref<128xi32, #tpu.memory_space<vmem>>) semaphore(%arg12 : memref<!tpu.dma_semaphore, #tpu.memory_space<semaphore_mem>>)
      } else {
      }
      %dma_wait3A_61 = arith.constant 0 : i32
      %dma_wait3A_62 = tpu.memref_slice %arg7[%add3A_51, %dma_wait3A_61] : memref<40x128xi32, #tpu.memory_space<vmem>> -> memref<1x128xi32, #tpu.memory_space<vmem>>
      %dma_wait3A_63 = tpu.memref_squeeze %dma_wait3A_62 : memref<1x128xi32, #tpu.memory_space<vmem>> -> memref<128xi32, #tpu.memory_space<vmem>>
      %dma_wait3A_64 = arith.constant 0 : i32
      %dma_wait3A_65 = arith.constant 0 : i32
      %dma_wait3A_66 = tpu.memref_slice %arg2[%dma_wait3A_64, %dma_wait3A_65] : memref<10000x128xf32, #tpu.memory_space<hbm>> -> memref<10000x128xf32, #tpu.memory_space<hbm>>
      tpu.wait_indirect_dma semaphore(%arg13 : memref<!tpu.dma_semaphore, #tpu.memory_space<semaphore_mem>>) src(%dma_wait3A_66 : memref<10000x128xf32, #tpu.memory_space<hbm>>) dst(%arg10 : memref<128x128xf32, #tpu.memory_space<vmem>>)
      "tpu.region"() ({
        %run_scoped3A_74 = tpu.sem_alloc : memref<!tpu.dma_semaphore, #tpu.memory_space<semaphore_mem>>
        %dma_start3A_75 = arith.constant 0 : i32
        %dma_start3A_76 = tpu.memref_slice %arg8[%add3A_51, %dma_start3A_75] : memref<40x128xi32, #tpu.memory_space<vmem>> -> memref<1x128xi32, #tpu.memory_space<vmem>>
        %dma_start3A_77 = tpu.memref_squeeze %dma_start3A_76 : memref<1x128xi32, #tpu.memory_space<vmem>> -> memref<128xi32, #tpu.memory_space<vmem>>
        %dma_start3A_78 = arith.constant 0 : i32
        %dma_start3A_79 = arith.constant 0 : i32
        %dma_start3A_80 = tpu.memref_slice %arg11[%dma_start3A_78, %dma_start3A_79] : memref<10016x128xf32, #tpu.memory_space<vmem_shared>> -> memref<10016x128xf32, #tpu.memory_space<vmem_shared>>
        tpu.enqueue_indirect_dma source(%arg10 : memref<128x128xf32, #tpu.memory_space<vmem>>) target(%dma_start3A_80 : memref<10016x128xf32, #tpu.memory_space<vmem_shared>>) offsets(%dma_start3A_77 : memref<128xi32, #tpu.memory_space<vmem>>) semaphore(%run_scoped3A_74 : memref<!tpu.dma_semaphore, #tpu.memory_space<semaphore_mem>>) {add = true}
        %dma_wait3A_81 = arith.constant 0 : i32
        %dma_wait3A_82 = tpu.memref_slice %arg8[%add3A_51, %dma_wait3A_81] : memref<40x128xi32, #tpu.memory_space<vmem>> -> memref<1x128xi32, #tpu.memory_space<vmem>>
        %dma_wait3A_83 = tpu.memref_squeeze %dma_wait3A_82 : memref<1x128xi32, #tpu.memory_space<vmem>> -> memref<128xi32, #tpu.memory_space<vmem>>
        %dma_wait3A_84 = arith.constant 0 : i32
        %dma_wait3A_85 = arith.constant 0 : i32
        %dma_wait3A_86 = tpu.memref_slice %arg11[%dma_wait3A_84, %dma_wait3A_85] : memref<10016x128xf32, #tpu.memory_space<vmem_shared>> -> memref<10016x128xf32, #tpu.memory_space<vmem_shared>>
        tpu.wait_indirect_dma semaphore(%run_scoped3A_74 : memref<!tpu.dma_semaphore, #tpu.memory_space<semaphore_mem>>) src(%arg10 : memref<128x128xf32, #tpu.memory_space<vmem>>) dst(%dma_wait3A_86 : memref<10016x128xf32, #tpu.memory_space<vmem_shared>>)
        tpu.yield
      }) : () -> ()
      %add3A_67 = arith.constant 2 : i32
      %add3A_68 = arith.addi %add3A_51, %add3A_67 : i32
      %lt3A_69 = arith.constant 40 : i32
      %lt3A_70 = arith.cmpi slt, %add3A_68, %lt3A_69 : i32
      %convert_element_type3A_71 = arith.extui %lt3A_70 : i1 to i32
      %cond3A_72 = arith.constant 0 : i32
      %cond3A_73 = arith.cmpi ne, %convert_element_type3A_71, %cond3A_72 : i32
      scf.if %cond3A_73 {
        %add3A_74 = arith.constant 2 : i32
        %add3A_75 = arith.addi %add3A_51, %add3A_74 : i32
        %dma_start3A_76 = arith.constant 0 : i32
        %dma_start3A_77 = tpu.memref_slice %arg7[%add3A_75, %dma_start3A_76] : memref<40x128xi32, #tpu.memory_space<vmem>> -> memref<1x128xi32, #tpu.memory_space<vmem>>
        %dma_start3A_78 = tpu.memref_squeeze %dma_start3A_77 : memref<1x128xi32, #tpu.memory_space<vmem>> -> memref<128xi32, #tpu.memory_space<vmem>>
        %dma_start3A_79 = arith.constant 0 : i32
        %dma_start3A_80 = arith.constant 0 : i32
        %dma_start3A_81 = tpu.memref_slice %arg2[%dma_start3A_79, %dma_start3A_80] : memref<10000x128xf32, #tpu.memory_space<hbm>> -> memref<10000x128xf32, #tpu.memory_space<hbm>>
        tpu.enqueue_indirect_dma source(%dma_start3A_81 : memref<10000x128xf32, #tpu.memory_space<hbm>>) target(%arg10 : memref<128x128xf32, #tpu.memory_space<vmem>>) offsets(%dma_start3A_78 : memref<128xi32, #tpu.memory_space<vmem>>) semaphore(%arg13 : memref<!tpu.dma_semaphore, #tpu.memory_space<semaphore_mem>>)
      } else {
      }
    }
    %scan3A_41 = arith.constant 20 : i32
    %barrier3A_42 = arith.constant 0 : index
    tpu.barrier barrier_id(%barrier3A_42)
    %mul3A_43 = arith.constant 626 : i32
    %mul3A_44 = arith.muli %arg1, %mul3A_43 : i32
    "tpu.region"() ({
      %run_scoped3A_45 = tpu.sem_alloc : memref<!tpu.dma_semaphore, #tpu.memory_space<semaphore_mem>>
      %dma_start3A_46 = arith.constant 0 : i32
      %dma_start3A_47 = arith.constant 0 : i32
      %dma_start3A_48 = tpu.memref_slice %arg6[%add3A, %dma_start3A_46, %dma_start3A_47] : memref<32x626x128xf32, #tpu.memory_space<hbm>> -> memref<1x626x128xf32, #tpu.memory_space<hbm>>
      %dma_start3A_49 = tpu.memref_squeeze %dma_start3A_48 : memref<1x626x128xf32, #tpu.memory_space<hbm>> -> memref<626x128xf32, #tpu.memory_space<hbm>>
      %dma_start3A_50 = arith.constant 0 : i32
      %dma_start3A_51 = tpu.memref_slice %arg11[%mul3A_44, %dma_start3A_50] : memref<10016x128xf32, #tpu.memory_space<vmem_shared>> -> memref<626x128xf32, #tpu.memory_space<vmem_shared>>
      tpu.enqueue_dma source(%dma_start3A_51 : memref<626x128xf32, #tpu.memory_space<vmem_shared>>) target(%dma_start3A_49 : memref<626x128xf32, #tpu.memory_space<hbm>>) target_semaphore(%run_scoped3A_45 : memref<!tpu.dma_semaphore, #tpu.memory_space<semaphore_mem>>)
      %dma_wait3A = arith.constant 0 : i32
      %dma_wait3A_52 = arith.constant 0 : i32
      %dma_wait3A_53 = tpu.memref_slice %arg6[%add3A, %dma_wait3A, %dma_wait3A_52] : memref<32x626x128xf32, #tpu.memory_space<hbm>> -> memref<1x626x128xf32, #tpu.memory_space<hbm>>
      %dma_wait3A_54 = tpu.memref_squeeze %dma_wait3A_53 : memref<1x626x128xf32, #tpu.memory_space<hbm>> -> memref<626x128xf32, #tpu.memory_space<hbm>>
      %dma_wait3A_55 = arith.constant 0 : i32
      %dma_wait3A_56 = tpu.memref_slice %arg11[%mul3A_44, %dma_wait3A_55] : memref<10016x128xf32, #tpu.memory_space<vmem_shared>> -> memref<626x128xf32, #tpu.memory_space<vmem_shared>>
      tpu.wait_dma2 semaphore(%run_scoped3A_45 : memref<!tpu.dma_semaphore, #tpu.memory_space<semaphore_mem>>) src(%dma_wait3A_56 : memref<626x128xf32, #tpu.memory_space<vmem_shared>>) dst(%dma_wait3A_54 : memref<626x128xf32, #tpu.memory_space<hbm>>)
      tpu.yield
    }) : () -> ()
    return
  }
}

module attributes {stable_mosaic.version = 14 : i64} {
  func.func @body(%arg0: i32, %arg1: memref<1000x2xi32, #tpu.memory_space<vmem>>, %arg2: memref<128x128xf32, #tpu.memory_space<vmem>>, %arg3: memref<128x128xf32, #tpu.memory_space<vmem>>, %arg4: memref<1000x128xf32, #tpu.memory_space<vmem>>) attributes {dimension_semantics = [#tpu.dimension_semantics<arbitrary>], iteration_bounds = array<i64: 10>, scalar_prefetch = 0 : i64, scratch_operands = 0 : i64, tpu.core_type = #tpu.core_type<tc>, window_params = [{transform_indices = @transform_0, window_bounds = array<i64: 1000, 2>}, {pipeline_mode = #tpu.pipeline_mode<synchronous>, transform_indices = @transform_1, window_bounds = array<i64: 128, 128>}, {pipeline_mode = #tpu.pipeline_mode<synchronous>, transform_indices = @transform_2, window_bounds = array<i64: 128, 128>}, {transform_indices = @transform_3, window_bounds = array<i64: 1000, 128>}]} {
    %get3A = arith.constant 0 : index
    %get3A_0 = arith.constant 0 : index
    %get3A_1 = vector.load %arg1[%get3A, %get3A_0] : memref<1000x2xi32, #tpu.memory_space<vmem>>, vector<1000x2xi32>
    %iota3A = tpu.iota {dimensions = array<i32: 1>} : vector<1000x128xi32>
    %slice3A = vector.extract_strided_slice %get3A_1 {offsets = [0, 0], sizes = [1000, 1], strides = [1, 1]} : vector<1000x2xi32> to vector<1000x1xi32>
    %eq3A = vector.broadcast %slice3A : vector<1000x1xi32> to vector<1000x128xi32>
    %eq3A_2 = arith.cmpi eq, %iota3A, %eq3A : vector<1000x128xi32>
    %convert_element_type3A = arith.extui %eq3A_2 : vector<1000x128xi1> to vector<1000x128xi32>
    %convert_element_type3A_3 = arith.sitofp %convert_element_type3A : vector<1000x128xi32> to vector<1000x128xf32>
    %slice3A_4 = vector.extract_strided_slice %get3A_1 {offsets = [0, 1], sizes = [1000, 1], strides = [1, 1]} : vector<1000x2xi32> to vector<1000x1xi32>
    %eq3A_5 = vector.broadcast %slice3A_4 : vector<1000x1xi32> to vector<1000x128xi32>
    %eq3A_6 = arith.cmpi eq, %iota3A, %eq3A_5 : vector<1000x128xi32>
    %convert_element_type3A_7 = arith.extui %eq3A_6 : vector<1000x128xi1> to vector<1000x128xi32>
    %convert_element_type3A_8 = arith.sitofp %convert_element_type3A_7 : vector<1000x128xi32> to vector<1000x128xf32>
    %get3A_9 = arith.constant 0 : index
    %get3A_10 = arith.constant 0 : index
    %get3A_11 = vector.load %arg2[%get3A_9, %get3A_10] : memref<128x128xf32, #tpu.memory_space<vmem>>, vector<128x128xf32>
    %dot_general3A = arith.constant dense<0.000000e+00> : vector<1000x128xf32>
    %dot_general3A_12 = tpu.matmul %convert_element_type3A_3, %get3A_11, %dot_general3A {dimension_numbers = #tpu.dot_dimension_numbers<[1], [0], [0], [1], [0, 0, 1, 1], [], []>, precision = #tpu.contract_precision<fp32>, transpose_lhs_hint = false} : vector<1000x128xf32>, vector<128x128xf32>, vector<1000x128xf32> -> vector<1000x128xf32>
    %get3A_13 = arith.constant 0 : index
    %get3A_14 = arith.constant 0 : index
    %get3A_15 = vector.load %arg3[%get3A_13, %get3A_14] : memref<128x128xf32, #tpu.memory_space<vmem>>, vector<128x128xf32>
    %dot_general3A_16 = arith.constant dense<0.000000e+00> : vector<1000x128xf32>
    %dot_general3A_17 = tpu.matmul %convert_element_type3A_8, %get3A_15, %dot_general3A_16 {dimension_numbers = #tpu.dot_dimension_numbers<[1], [0], [0], [1], [0, 0, 1, 1], [], []>, precision = #tpu.contract_precision<fp32>, transpose_lhs_hint = false} : vector<1000x128xf32>, vector<128x128xf32>, vector<1000x128xf32> -> vector<1000x128xf32>
    %add3A = arith.addf %dot_general3A_12, %dot_general3A_17 : vector<1000x128xf32>
    %swap3A = arith.constant 0 : index
    %swap3A_18 = arith.constant 0 : index
    %swap3A_19 = vector.load %arg4[%swap3A, %swap3A_18] : memref<1000x128xf32, #tpu.memory_space<vmem>>, vector<1000x128xf32>
    tpu.vector_store %arg4[%swap3A, %swap3A_18], %add3A {strides = array<i32>} : memref<1000x128xf32, #tpu.memory_space<vmem>>, vector<1000x128xf32>,
    return
  }
  func.func @transform_0(%arg0: i32) -> (i32, i32) {
    %c0_i32 = arith.constant 0 : i32
    %c0_i32_0 = arith.constant 0 : i32
    return %arg0, %c0_i32 : i32, i32
  }
  func.func @transform_1(%arg0: i32) -> (i32, i32) {
    %c0_i32 = arith.constant 0 : i32
    %c0_i32_0 = arith.constant 0 : i32
    %c0_i32_1 = arith.constant 0 : i32
    return %c0_i32, %c0_i32_0 : i32, i32
  }
  func.func @transform_2(%arg0: i32) -> (i32, i32) {
    %c0_i32 = arith.constant 0 : i32
    %c0_i32_0 = arith.constant 0 : i32
    %c0_i32_1 = arith.constant 0 : i32
    return %c0_i32, %c0_i32_0 : i32, i32
  }
  func.func @transform_3(%arg0: i32) -> (i32, i32) {
    %c0_i32 = arith.constant 0 : i32
    %c0_i32_0 = arith.constant 0 : i32
    return %arg0, %c0_i32 : i32, i32
  }
}

module attributes {stable_mosaic.version = 14 : i64} {
  func.func @body(%arg0: i32, %arg1: i32, %arg2: memref<2x1000x128xf32, #tpu.memory_space<vmem>>, %arg3: memref<1000x128xf32, #tpu.memory_space<vmem>>, %arg4: memref<2x1000x16xf32, #tpu.memory_space<vmem>>, %arg5: memref<16x128xf32, #tpu.memory_space<vmem>>, %arg6: memref<128x256xf32, #tpu.memory_space<vmem>>, %arg7: memref<1x256xf32, #tpu.memory_space<vmem>>, %arg8: memref<256x128xf32, #tpu.memory_space<vmem>>, %arg9: memref<1x128xf32, #tpu.memory_space<vmem>>, %arg10: memref<1x128xf32, #tpu.memory_space<vmem>>, %arg11: memref<1x128xf32, #tpu.memory_space<vmem>>, %arg12: memref<1000x128xf32, #tpu.memory_space<vmem>>, %arg13: memref<1x128xf32, #tpu.memory_space<vmem>>, %arg14: memref<1x128xf32, #tpu.memory_space<vmem>>) attributes {dimension_semantics = [#tpu.dimension_semantics<arbitrary>, #tpu.dimension_semantics<arbitrary>], iteration_bounds = array<i64: 2, 10>, scalar_prefetch = 0 : i64, scratch_operands = 2 : i64, tpu.core_type = #tpu.core_type<tc>, window_params = [{transform_indices = @transform_0, window_bounds = array<i64: 2, 1000, 128>}, {transform_indices = @transform_1, window_bounds = array<i64: 1000, 128>}, {transform_indices = @transform_2, window_bounds = array<i64: 2, 1000, 16>}, {pipeline_mode = #tpu.pipeline_mode<synchronous>, transform_indices = @transform_3, window_bounds = array<i64: 16, 128>}, {pipeline_mode = #tpu.pipeline_mode<synchronous>, transform_indices = @transform_4, window_bounds = array<i64: 128, 256>}, {pipeline_mode = #tpu.pipeline_mode<synchronous>, transform_indices = @transform_5, window_bounds = array<i64: 1, 256>}, {pipeline_mode = #tpu.pipeline_mode<synchronous>, transform_indices = @transform_6, window_bounds = array<i64: 256, 128>}, {pipeline_mode = #tpu.pipeline_mode<synchronous>, transform_indices = @transform_7, window_bounds = array<i64: 1, 128>}, {pipeline_mode = #tpu.pipeline_mode<synchronous>, transform_indices = @transform_8, window_bounds = array<i64: 1, 128>}, {pipeline_mode = #tpu.pipeline_mode<synchronous>, transform_indices = @transform_9, window_bounds = array<i64: 1, 128>}, {transform_indices = @transform_10, window_bounds = array<i64: 1000, 128>}]} {
    %eq3A = arith.constant 0 : i32
    %eq3A_0 = arith.cmpi eq, %arg0, %eq3A : i32
    %convert_element_type3A = arith.extui %eq3A_0 : i1 to i32
    %cond3A = arith.constant 0 : i32
    %cond3A_1 = arith.cmpi ne, %convert_element_type3A, %cond3A : i32
    scf.if %cond3A_1 {
      %get3A = arith.constant 0 : index
      %get3A_7 = arith.constant 0 : index
      %get3A_8 = vector.load %arg5[%get3A, %get3A_7] : memref<16x128xf32, #tpu.memory_space<vmem>>, vector<16x128xf32>
      %slice3A = vector.extract_strided_slice %get3A_8 {offsets = [4, 0], sizes = [1, 128], strides = [1, 1]} : vector<16x128xf32> to vector<1x128xf32>
      %slice3A_9 = vector.extract_strided_slice %get3A_8 {offsets = [8, 0], sizes = [1, 128], strides = [1, 1]} : vector<16x128xf32> to vector<1x128xf32>
      %add3A = arith.addf %slice3A, %slice3A_9 : vector<1x128xf32>
      %get3A_10 = arith.constant 0 : index
      %get3A_11 = arith.constant 0 : index
      %get3A_12 = arith.constant 0 : index
      %get3A_13 = vector.load %arg2[%get3A_10, %get3A_11, %get3A_12] : memref<2x1000x128xf32, #tpu.memory_space<vmem>>, vector<1x1000x128xf32>
      %get3A_14 = vector.shape_cast %get3A_13 : vector<1x1000x128xf32> to vector<1000x128xf32>
      %get3A_15 = arith.constant 1 : index
      %get3A_16 = arith.constant 0 : index
      %get3A_17 = arith.constant 0 : index
      %get3A_18 = vector.load %arg2[%get3A_15, %get3A_16, %get3A_17] : memref<2x1000x128xf32, #tpu.memory_space<vmem>>, vector<1x1000x128xf32>
      %get3A_19 = vector.shape_cast %get3A_18 : vector<1x1000x128xf32> to vector<1000x128xf32>
      %add3A_20 = arith.addf %get3A_14, %get3A_19 : vector<1000x128xf32>
      %get3A_21 = arith.constant 0 : index
      %get3A_22 = arith.constant 0 : index
      %get3A_23 = vector.load %arg3[%get3A_21, %get3A_22] : memref<1000x128xf32, #tpu.memory_space<vmem>>, vector<1000x128xf32>
      %add3A_24 = arith.addf %add3A_20, %get3A_23 : vector<1000x128xf32>
      %add3A_25 = vector.broadcast %add3A : vector<1x128xf32> to vector<1000x128xf32>
      %add3A_26 = arith.addf %add3A_24, %add3A_25 : vector<1000x128xf32>
      %get3A_27 = arith.constant 0 : index
      %get3A_28 = arith.constant 0 : index
      %get3A_29 = arith.constant 0 : index
      %get3A_30 = vector.load %arg4[%get3A_27, %get3A_28, %get3A_29] : memref<2x1000x16xf32, #tpu.memory_space<vmem>>, vector<1x1000x16xf32>
      %get3A_31 = vector.shape_cast %get3A_30 : vector<1x1000x16xf32> to vector<1000x16xf32>
      %get3A_32 = arith.constant 1 : index
      %get3A_33 = arith.constant 0 : index
      %get3A_34 = arith.constant 0 : index
      %get3A_35 = vector.load %arg4[%get3A_32, %get3A_33, %get3A_34] : memref<2x1000x16xf32, #tpu.memory_space<vmem>>, vector<1x1000x16xf32>
      %get3A_36 = vector.shape_cast %get3A_35 : vector<1x1000x16xf32> to vector<1000x16xf32>
      %add3A_37 = arith.addf %get3A_31, %get3A_36 : vector<1000x16xf32>
      %dot_general3A = arith.constant dense<0.000000e+00> : vector<1000x128xf32>
      %dot_general3A_38 = tpu.matmul %add3A_37, %get3A_8, %dot_general3A {dimension_numbers = #tpu.dot_dimension_numbers<[1], [0], [0], [1], [0, 0, 1, 1], [], []>, precision = #tpu.contract_precision<fp32>, transpose_lhs_hint = false} : vector<1000x16xf32>, vector<16x128xf32>, vector<1000x128xf32> -> vector<1000x128xf32>
      %add3A_39 = arith.addf %add3A_26, %dot_general3A_38 : vector<1000x128xf32>
      %convert_element_type3A_40 = arith.truncf %add3A_39 : vector<1000x128xf32> to vector<1000x128xbf16>
      %get3A_41 = arith.constant 0 : index
      %get3A_42 = arith.constant 0 : index
      %get3A_43 = vector.load %arg6[%get3A_41, %get3A_42] : memref<128x256xf32, #tpu.memory_space<vmem>>, vector<128x256xf32>
      %convert_element_type3A_44 = arith.truncf %get3A_43 : vector<128x256xf32> to vector<128x256xbf16>
      %dot_general3A_45 = arith.constant dense<0.000000e+00> : vector<1000x256xf32>
      %dot_general3A_46 = tpu.matmul %convert_element_type3A_40, %convert_element_type3A_44, %dot_general3A_45 {dimension_numbers = #tpu.dot_dimension_numbers<[1], [0], [0], [1], [0, 0, 1, 1], [], []>, transpose_lhs_hint = false} : vector<1000x128xbf16>, vector<128x256xbf16>, vector<1000x256xf32> -> vector<1000x256xf32>
      %get3A_47 = arith.constant 0 : index
      %get3A_48 = arith.constant 0 : index
      %get3A_49 = vector.load %arg7[%get3A_47, %get3A_48] : memref<1x256xf32, #tpu.memory_space<vmem>>, vector<1x256xf32>
      %add3A_50 = vector.broadcast %get3A_49 : vector<1x256xf32> to vector<1000x256xf32>
      %add3A_51 = arith.addf %dot_general3A_46, %add3A_50 : vector<1000x256xf32>
      %max3A = arith.constant 0.000000e+00 : f32
      %max3A_52 = vector.broadcast %max3A : f32 to vector<1000x256xf32>
      %max3A_53 = arith.maximumf %add3A_51, %max3A_52 : vector<1000x256xf32>
      %convert_element_type3A_54 = arith.truncf %max3A_53 : vector<1000x256xf32> to vector<1000x256xbf16>
      %get3A_55 = arith.constant 0 : index
      %get3A_56 = arith.constant 0 : index
      %get3A_57 = vector.load %arg8[%get3A_55, %get3A_56] : memref<256x128xf32, #tpu.memory_space<vmem>>, vector<256x128xf32>
      %convert_element_type3A_58 = arith.truncf %get3A_57 : vector<256x128xf32> to vector<256x128xbf16>
      %dot_general3A_59 = arith.constant dense<0.000000e+00> : vector<1000x128xf32>
      %dot_general3A_60 = tpu.matmul %convert_element_type3A_54, %convert_element_type3A_58, %dot_general3A_59 {dimension_numbers = #tpu.dot_dimension_numbers<[1], [0], [0], [1], [0, 0, 1, 1], [], []>, transpose_lhs_hint = false} : vector<1000x256xbf16>, vector<256x128xbf16>, vector<1000x128xf32> -> vector<1000x128xf32>
      %get3A_61 = arith.constant 0 : index
      %get3A_62 = arith.constant 0 : index
      %get3A_63 = vector.load %arg9[%get3A_61, %get3A_62] : memref<1x128xf32, #tpu.memory_space<vmem>>, vector<1x128xf32>
      %add3A_64 = vector.broadcast %get3A_63 : vector<1x128xf32> to vector<1000x128xf32>
      %add3A_65 = arith.addf %dot_general3A_60, %add3A_64 : vector<1000x128xf32>
      %reduce_sum3A = arith.constant dense<0.000000e+00> : vector<128xf32>
      %reduce_sum3A_66 = vector.multi_reduction <add>, %add3A_65, %reduce_sum3A [0] : vector<1000x128xf32> to vector<128xf32>
      %broadcast_in_dim3A = vector.shape_cast %reduce_sum3A_66 : vector<128xf32> to vector<1x128xf32>
      %mul3A = arith.mulf %add3A_65, %add3A_65 : vector<1000x128xf32>
      %reduce_sum3A_67 = arith.constant dense<0.000000e+00> : vector<128xf32>
      %reduce_sum3A_68 = vector.multi_reduction <add>, %mul3A, %reduce_sum3A_67 [0] : vector<1000x128xf32> to vector<128xf32>
      %broadcast_in_dim3A_69 = vector.shape_cast %reduce_sum3A_68 : vector<128xf32> to vector<1x128xf32>
      %eq3A_70 = arith.constant 0 : i32
      %eq3A_71 = arith.cmpi eq, %arg1, %eq3A_70 : i32
      %convert_element_type3A_72 = arith.extui %eq3A_71 : i1 to i32
      %cond3A_73 = arith.constant 0 : i32
      %cond3A_74 = arith.cmpi ne, %convert_element_type3A_72, %cond3A_73 : i32
      scf.if %cond3A_74 {
        %swap3A = arith.constant 0 : index
        %swap3A_79 = arith.constant 0 : index
        %swap3A_80 = vector.load %arg13[%swap3A, %swap3A_79] : memref<1x128xf32, #tpu.memory_space<vmem>>, vector<1x128xf32>
        tpu.vector_store %arg13[%swap3A, %swap3A_79], %broadcast_in_dim3A {strides = array<i32>} : memref<1x128xf32, #tpu.memory_space<vmem>>, vector<1x128xf32>,
        %swap3A_81 = arith.constant 0 : index
        %swap3A_82 = arith.constant 0 : index
        %swap3A_83 = vector.load %arg14[%swap3A_81, %swap3A_82] : memref<1x128xf32, #tpu.memory_space<vmem>>, vector<1x128xf32>
        tpu.vector_store %arg14[%swap3A_81, %swap3A_82], %broadcast_in_dim3A_69 {strides = array<i32>} : memref<1x128xf32, #tpu.memory_space<vmem>>, vector<1x128xf32>,
      } else {
      }
      %gt3A = arith.constant 0 : i32
      %gt3A_75 = arith.cmpi sgt, %arg1, %gt3A : i32
      %convert_element_type3A_76 = arith.extui %gt3A_75 : i1 to i32
      %cond3A_77 = arith.constant 0 : i32
      %cond3A_78 = arith.cmpi ne, %convert_element_type3A_76, %cond3A_77 : i32
      scf.if %cond3A_78 {
        %get3A_79 = arith.constant 0 : index
        %get3A_80 = arith.constant 0 : index
        %get3A_81 = vector.load %arg13[%get3A_79, %get3A_80] : memref<1x128xf32, #tpu.memory_space<vmem>>, vector<1x128xf32>
        %add3A_82 = arith.addf %get3A_81, %broadcast_in_dim3A : vector<1x128xf32>
        %swap3A = arith.constant 0 : index
        %swap3A_83 = arith.constant 0 : index
        %swap3A_84 = vector.load %arg13[%swap3A, %swap3A_83] : memref<1x128xf32, #tpu.memory_space<vmem>>, vector<1x128xf32>
        tpu.vector_store %arg13[%swap3A, %swap3A_83], %add3A_82 {strides = array<i32>} : memref<1x128xf32, #tpu.memory_space<vmem>>, vector<1x128xf32>,
        %get3A_85 = arith.constant 0 : index
        %get3A_86 = arith.constant 0 : index
        %get3A_87 = vector.load %arg14[%get3A_85, %get3A_86] : memref<1x128xf32, #tpu.memory_space<vmem>>, vector<1x128xf32>
        %add3A_88 = arith.addf %get3A_87, %broadcast_in_dim3A_69 : vector<1x128xf32>
        %swap3A_89 = arith.constant 0 : index
        %swap3A_90 = arith.constant 0 : index
        %swap3A_91 = vector.load %arg14[%swap3A_89, %swap3A_90] : memref<1x128xf32, #tpu.memory_space<vmem>>, vector<1x128xf32>
        tpu.vector_store %arg14[%swap3A_89, %swap3A_90], %add3A_88 {strides = array<i32>} : memref<1x128xf32, #tpu.memory_space<vmem>>, vector<1x128xf32>,
      } else {
      }
    } else {
    }
    %eq3A_2 = arith.constant 1 : i32
    %eq3A_3 = arith.cmpi eq, %arg0, %eq3A_2 : i32
    %convert_element_type3A_4 = arith.extui %eq3A_3 : i1 to i32
    %cond3A_5 = arith.constant 0 : i32
    %cond3A_6 = arith.cmpi ne, %convert_element_type3A_4, %cond3A_5 : i32
    scf.if %cond3A_6 {
      %get3A = arith.constant 0 : index
      %get3A_7 = arith.constant 0 : index
      %get3A_8 = vector.load %arg5[%get3A, %get3A_7] : memref<16x128xf32, #tpu.memory_space<vmem>>, vector<16x128xf32>
      %slice3A = vector.extract_strided_slice %get3A_8 {offsets = [4, 0], sizes = [1, 128], strides = [1, 1]} : vector<16x128xf32> to vector<1x128xf32>
      %slice3A_9 = vector.extract_strided_slice %get3A_8 {offsets = [8, 0], sizes = [1, 128], strides = [1, 1]} : vector<16x128xf32> to vector<1x128xf32>
      %add3A = arith.addf %slice3A, %slice3A_9 : vector<1x128xf32>
      %get3A_10 = arith.constant 0 : index
      %get3A_11 = arith.constant 0 : index
      %get3A_12 = arith.constant 0 : index
      %get3A_13 = vector.load %arg2[%get3A_10, %get3A_11, %get3A_12] : memref<2x1000x128xf32, #tpu.memory_space<vmem>>, vector<1x1000x128xf32>
      %get3A_14 = vector.shape_cast %get3A_13 : vector<1x1000x128xf32> to vector<1000x128xf32>
      %get3A_15 = arith.constant 1 : index
      %get3A_16 = arith.constant 0 : index
      %get3A_17 = arith.constant 0 : index
      %get3A_18 = vector.load %arg2[%get3A_15, %get3A_16, %get3A_17] : memref<2x1000x128xf32, #tpu.memory_space<vmem>>, vector<1x1000x128xf32>
      %get3A_19 = vector.shape_cast %get3A_18 : vector<1x1000x128xf32> to vector<1000x128xf32>
      %add3A_20 = arith.addf %get3A_14, %get3A_19 : vector<1000x128xf32>
      %get3A_21 = arith.constant 0 : index
      %get3A_22 = arith.constant 0 : index
      %get3A_23 = vector.load %arg3[%get3A_21, %get3A_22] : memref<1000x128xf32, #tpu.memory_space<vmem>>, vector<1000x128xf32>
      %add3A_24 = arith.addf %add3A_20, %get3A_23 : vector<1000x128xf32>
      %add3A_25 = vector.broadcast %add3A : vector<1x128xf32> to vector<1000x128xf32>
      %add3A_26 = arith.addf %add3A_24, %add3A_25 : vector<1000x128xf32>
      %get3A_27 = arith.constant 0 : index
      %get3A_28 = arith.constant 0 : index
      %get3A_29 = arith.constant 0 : index
      %get3A_30 = vector.load %arg4[%get3A_27, %get3A_28, %get3A_29] : memref<2x1000x16xf32, #tpu.memory_space<vmem>>, vector<1x1000x16xf32>
      %get3A_31 = vector.shape_cast %get3A_30 : vector<1x1000x16xf32> to vector<1000x16xf32>
      %get3A_32 = arith.constant 1 : index
      %get3A_33 = arith.constant 0 : index
      %get3A_34 = arith.constant 0 : index
      %get3A_35 = vector.load %arg4[%get3A_32, %get3A_33, %get3A_34] : memref<2x1000x16xf32, #tpu.memory_space<vmem>>, vector<1x1000x16xf32>
      %get3A_36 = vector.shape_cast %get3A_35 : vector<1x1000x16xf32> to vector<1000x16xf32>
      %add3A_37 = arith.addf %get3A_31, %get3A_36 : vector<1000x16xf32>
      %dot_general3A = arith.constant dense<0.000000e+00> : vector<1000x128xf32>
      %dot_general3A_38 = tpu.matmul %add3A_37, %get3A_8, %dot_general3A {dimension_numbers = #tpu.dot_dimension_numbers<[1], [0], [0], [1], [0, 0, 1, 1], [], []>, precision = #tpu.contract_precision<fp32>, transpose_lhs_hint = false} : vector<1000x16xf32>, vector<16x128xf32>, vector<1000x128xf32> -> vector<1000x128xf32>
      %add3A_39 = arith.addf %add3A_26, %dot_general3A_38 : vector<1000x128xf32>
      %convert_element_type3A_40 = arith.truncf %add3A_39 : vector<1000x128xf32> to vector<1000x128xbf16>
      %get3A_41 = arith.constant 0 : index
      %get3A_42 = arith.constant 0 : index
      %get3A_43 = vector.load %arg6[%get3A_41, %get3A_42] : memref<128x256xf32, #tpu.memory_space<vmem>>, vector<128x256xf32>
      %convert_element_type3A_44 = arith.truncf %get3A_43 : vector<128x256xf32> to vector<128x256xbf16>
      %dot_general3A_45 = arith.constant dense<0.000000e+00> : vector<1000x256xf32>
      %dot_general3A_46 = tpu.matmul %convert_element_type3A_40, %convert_element_type3A_44, %dot_general3A_45 {dimension_numbers = #tpu.dot_dimension_numbers<[1], [0], [0], [1], [0, 0, 1, 1], [], []>, transpose_lhs_hint = false} : vector<1000x128xbf16>, vector<128x256xbf16>, vector<1000x256xf32> -> vector<1000x256xf32>
      %get3A_47 = arith.constant 0 : index
      %get3A_48 = arith.constant 0 : index
      %get3A_49 = vector.load %arg7[%get3A_47, %get3A_48] : memref<1x256xf32, #tpu.memory_space<vmem>>, vector<1x256xf32>
      %add3A_50 = vector.broadcast %get3A_49 : vector<1x256xf32> to vector<1000x256xf32>
      %add3A_51 = arith.addf %dot_general3A_46, %add3A_50 : vector<1000x256xf32>
      %max3A = arith.constant 0.000000e+00 : f32
      %max3A_52 = vector.broadcast %max3A : f32 to vector<1000x256xf32>
      %max3A_53 = arith.maximumf %add3A_51, %max3A_52 : vector<1000x256xf32>
      %convert_element_type3A_54 = arith.truncf %max3A_53 : vector<1000x256xf32> to vector<1000x256xbf16>
      %get3A_55 = arith.constant 0 : index
      %get3A_56 = arith.constant 0 : index
      %get3A_57 = vector.load %arg8[%get3A_55, %get3A_56] : memref<256x128xf32, #tpu.memory_space<vmem>>, vector<256x128xf32>
      %convert_element_type3A_58 = arith.truncf %get3A_57 : vector<256x128xf32> to vector<256x128xbf16>
      %dot_general3A_59 = arith.constant dense<0.000000e+00> : vector<1000x128xf32>
      %dot_general3A_60 = tpu.matmul %convert_element_type3A_54, %convert_element_type3A_58, %dot_general3A_59 {dimension_numbers = #tpu.dot_dimension_numbers<[1], [0], [0], [1], [0, 0, 1, 1], [], []>, transpose_lhs_hint = false} : vector<1000x256xbf16>, vector<256x128xbf16>, vector<1000x128xf32> -> vector<1000x128xf32>
      %get3A_61 = arith.constant 0 : index
      %get3A_62 = arith.constant 0 : index
      %get3A_63 = vector.load %arg9[%get3A_61, %get3A_62] : memref<1x128xf32, #tpu.memory_space<vmem>>, vector<1x128xf32>
      %add3A_64 = vector.broadcast %get3A_63 : vector<1x128xf32> to vector<1000x128xf32>
      %add3A_65 = arith.addf %dot_general3A_60, %add3A_64 : vector<1000x128xf32>
      %get3A_66 = arith.constant 0 : index
      %get3A_67 = arith.constant 0 : index
      %get3A_68 = vector.load %arg13[%get3A_66, %get3A_67] : memref<1x128xf32, #tpu.memory_space<vmem>>, vector<1x128xf32>
      %mul3A = arith.constant 9.99999974E-5 : f32
      %mul3A_69 = vector.broadcast %mul3A : f32 to vector<1x128xf32>
      %mul3A_70 = arith.mulf %get3A_68, %mul3A_69 : vector<1x128xf32>
      %get3A_71 = arith.constant 0 : index
      %get3A_72 = arith.constant 0 : index
      %get3A_73 = vector.load %arg14[%get3A_71, %get3A_72] : memref<1x128xf32, #tpu.memory_space<vmem>>, vector<1x128xf32>
      %mul3A_74 = arith.constant 9.99999974E-5 : f32
      %mul3A_75 = vector.broadcast %mul3A_74 : f32 to vector<1x128xf32>
      %mul3A_76 = arith.mulf %get3A_73, %mul3A_75 : vector<1x128xf32>
      %mul3A_77 = arith.mulf %mul3A_70, %mul3A_70 : vector<1x128xf32>
      %sub3A = arith.subf %mul3A_76, %mul3A_77 : vector<1x128xf32>
      %sub3A_78 = vector.broadcast %mul3A_70 : vector<1x128xf32> to vector<1000x128xf32>
      %sub3A_79 = arith.subf %add3A_65, %sub3A_78 : vector<1000x128xf32>
      %add3A_80 = arith.constant 9.99999974E-6 : f32
      %add3A_81 = vector.broadcast %add3A_80 : f32 to vector<1x128xf32>
      %add3A_82 = arith.addf %sub3A, %add3A_81 : vector<1x128xf32>
      %sqrt3A = math.sqrt %add3A_82 : vector<1x128xf32>
      %div3A = vector.broadcast %sqrt3A : vector<1x128xf32> to vector<1000x128xf32>
      %div3A_83 = arith.divf %sub3A_79, %div3A : vector<1000x128xf32>
      %get3A_84 = arith.constant 0 : index
      %get3A_85 = arith.constant 0 : index
      %get3A_86 = vector.load %arg10[%get3A_84, %get3A_85] : memref<1x128xf32, #tpu.memory_space<vmem>>, vector<1x128xf32>
      %mul3A_87 = vector.broadcast %get3A_86 : vector<1x128xf32> to vector<1000x128xf32>
      %mul3A_88 = arith.mulf %div3A_83, %mul3A_87 : vector<1000x128xf32>
      %get3A_89 = arith.constant 0 : index
      %get3A_90 = arith.constant 0 : index
      %get3A_91 = vector.load %arg11[%get3A_89, %get3A_90] : memref<1x128xf32, #tpu.memory_space<vmem>>, vector<1x128xf32>
      %add3A_92 = vector.broadcast %get3A_91 : vector<1x128xf32> to vector<1000x128xf32>
      %add3A_93 = arith.addf %mul3A_88, %add3A_92 : vector<1000x128xf32>
      %max3A_94 = arith.constant 0.000000e+00 : f32
      %max3A_95 = vector.broadcast %max3A_94 : f32 to vector<1000x128xf32>
      %max3A_96 = arith.maximumf %add3A_93, %max3A_95 : vector<1000x128xf32>
      %swap3A = arith.constant 0 : index
      %swap3A_97 = arith.constant 0 : index
      %swap3A_98 = vector.load %arg12[%swap3A, %swap3A_97] : memref<1000x128xf32, #tpu.memory_space<vmem>>, vector<1000x128xf32>
      tpu.vector_store %arg12[%swap3A, %swap3A_97], %max3A_96 {strides = array<i32>} : memref<1000x128xf32, #tpu.memory_space<vmem>>, vector<1000x128xf32>,
    } else {
    }
    return
  }
  func.func @transform_0(%arg0: i32, %arg1: i32) -> (i32, i32, i32) {
    %c0_i32 = arith.constant 0 : i32
    %c0_i32_0 = arith.constant 0 : i32
    %c0_i32_1 = arith.constant 0 : i32
    return %c0_i32, %arg1, %c0_i32_0 : i32, i32, i32
  }
  func.func @transform_1(%arg0: i32, %arg1: i32) -> (i32, i32) {
    %c0_i32 = arith.constant 0 : i32
    %c0_i32_0 = arith.constant 0 : i32
    return %arg1, %c0_i32 : i32, i32
  }
  func.func @transform_2(%arg0: i32, %arg1: i32) -> (i32, i32, i32) {
    %c0_i32 = arith.constant 0 : i32
    %c0_i32_0 = arith.constant 0 : i32
    %c0_i32_1 = arith.constant 0 : i32
    return %c0_i32, %arg1, %c0_i32_0 : i32, i32, i32
  }
  func.func @transform_3(%arg0: i32, %arg1: i32) -> (i32, i32) {
    %c0_i32 = arith.constant 0 : i32
    %c0_i32_0 = arith.constant 0 : i32
    %c0_i32_1 = arith.constant 0 : i32
    return %c0_i32, %c0_i32_0 : i32, i32
  }
  func.func @transform_4(%arg0: i32, %arg1: i32) -> (i32, i32) {
    %c0_i32 = arith.constant 0 : i32
    %c0_i32_0 = arith.constant 0 : i32
    %c0_i32_1 = arith.constant 0 : i32
    return %c0_i32, %c0_i32_0 : i32, i32
  }
  func.func @transform_5(%arg0: i32, %arg1: i32) -> (i32, i32) {
    %c0_i32 = arith.constant 0 : i32
    %c0_i32_0 = arith.constant 0 : i32
    %c0_i32_1 = arith.constant 0 : i32
    return %c0_i32, %c0_i32_0 : i32, i32
  }
  func.func @transform_6(%arg0: i32, %arg1: i32) -> (i32, i32) {
    %c0_i32 = arith.constant 0 : i32
    %c0_i32_0 = arith.constant 0 : i32
    %c0_i32_1 = arith.constant 0 : i32
    return %c0_i32, %c0_i32_0 : i32, i32
  }
  func.func @transform_7(%arg0: i32, %arg1: i32) -> (i32, i32) {
    %c0_i32 = arith.constant 0 : i32
    %c0_i32_0 = arith.constant 0 : i32
    %c0_i32_1 = arith.constant 0 : i32
    return %c0_i32, %c0_i32_0 : i32, i32
  }
  func.func @transform_8(%arg0: i32, %arg1: i32) -> (i32, i32) {
    %c0_i32 = arith.constant 0 : i32
    %c0_i32_0 = arith.constant 0 : i32
    %c0_i32_1 = arith.constant 0 : i32
    return %c0_i32, %c0_i32_0 : i32, i32
  }
  func.func @transform_9(%arg0: i32, %arg1: i32) -> (i32, i32) {
    %c0_i32 = arith.constant 0 : i32
    %c0_i32_0 = arith.constant 0 : i32
    %c0_i32_1 = arith.constant 0 : i32
    return %c0_i32, %c0_i32_0 : i32, i32
  }
  func.func @transform_10(%arg0: i32, %arg1: i32) -> (i32, i32) {
    %c0_i32 = arith.constant 0 : i32
    %c0_i32_0 = arith.constant 0 : i32
    return %arg1, %c0_i32 : i32, i32
  }
}

module attributes {stable_mosaic.version = 14 : i64} {
  func.func @body(%arg0: i32, %arg1: i32, %arg2: memref<2x1000x128xf32, #tpu.memory_space<vmem>>, %arg3: memref<1000x128xf32, #tpu.memory_space<vmem>>, %arg4: memref<2x1000x16xf32, #tpu.memory_space<vmem>>, %arg5: memref<16x128xf32, #tpu.memory_space<vmem>>, %arg6: memref<128x256xf32, #tpu.memory_space<vmem>>, %arg7: memref<1x256xf32, #tpu.memory_space<vmem>>, %arg8: memref<256x128xf32, #tpu.memory_space<vmem>>, %arg9: memref<1x128xf32, #tpu.memory_space<vmem>>, %arg10: memref<1x128xf32, #tpu.memory_space<vmem>>, %arg11: memref<1x128xf32, #tpu.memory_space<vmem>>, %arg12: memref<1000x128xf32, #tpu.memory_space<vmem>>, %arg13: memref<1x128xf32, #tpu.memory_space<vmem>>, %arg14: memref<1x128xf32, #tpu.memory_space<vmem>>) attributes {dimension_semantics = [#tpu.dimension_semantics<arbitrary>, #tpu.dimension_semantics<arbitrary>], iteration_bounds = array<i64: 2, 10>, scalar_prefetch = 0 : i64, scratch_operands = 2 : i64, tpu.core_type = #tpu.core_type<tc>, window_params = [{transform_indices = @transform_0, window_bounds = array<i64: 2, 1000, 128>}, {transform_indices = @transform_1, window_bounds = array<i64: 1000, 128>}, {transform_indices = @transform_2, window_bounds = array<i64: 2, 1000, 16>}, {pipeline_mode = #tpu.pipeline_mode<synchronous>, transform_indices = @transform_3, window_bounds = array<i64: 16, 128>}, {pipeline_mode = #tpu.pipeline_mode<synchronous>, transform_indices = @transform_4, window_bounds = array<i64: 128, 256>}, {pipeline_mode = #tpu.pipeline_mode<synchronous>, transform_indices = @transform_5, window_bounds = array<i64: 1, 256>}, {pipeline_mode = #tpu.pipeline_mode<synchronous>, transform_indices = @transform_6, window_bounds = array<i64: 256, 128>}, {pipeline_mode = #tpu.pipeline_mode<synchronous>, transform_indices = @transform_7, window_bounds = array<i64: 1, 128>}, {pipeline_mode = #tpu.pipeline_mode<synchronous>, transform_indices = @transform_8, window_bounds = array<i64: 1, 128>}, {pipeline_mode = #tpu.pipeline_mode<synchronous>, transform_indices = @transform_9, window_bounds = array<i64: 1, 128>}, {transform_indices = @transform_10, window_bounds = array<i64: 1000, 128>}]} {
    %eq3A = arith.constant 0 : i32
    %eq3A_0 = arith.cmpi eq, %arg0, %eq3A : i32
    %convert_element_type3A = arith.extui %eq3A_0 : i1 to i32
    %cond3A = arith.constant 0 : i32
    %cond3A_1 = arith.cmpi ne, %convert_element_type3A, %cond3A : i32
    scf.if %cond3A_1 {
      %get3A = arith.constant 0 : index
      %get3A_7 = arith.constant 0 : index
      %get3A_8 = vector.load %arg5[%get3A, %get3A_7] : memref<16x128xf32, #tpu.memory_space<vmem>>, vector<16x128xf32>
      %slice3A = vector.extract_strided_slice %get3A_8 {offsets = [4, 0], sizes = [1, 128], strides = [1, 1]} : vector<16x128xf32> to vector<1x128xf32>
      %slice3A_9 = vector.extract_strided_slice %get3A_8 {offsets = [8, 0], sizes = [1, 128], strides = [1, 1]} : vector<16x128xf32> to vector<1x128xf32>
      %add3A = arith.addf %slice3A, %slice3A_9 : vector<1x128xf32>
      %get3A_10 = arith.constant 0 : index
      %get3A_11 = arith.constant 0 : index
      %get3A_12 = arith.constant 0 : index
      %get3A_13 = vector.load %arg2[%get3A_10, %get3A_11, %get3A_12] : memref<2x1000x128xf32, #tpu.memory_space<vmem>>, vector<1x1000x128xf32>
      %get3A_14 = vector.shape_cast %get3A_13 : vector<1x1000x128xf32> to vector<1000x128xf32>
      %get3A_15 = arith.constant 1 : index
      %get3A_16 = arith.constant 0 : index
      %get3A_17 = arith.constant 0 : index
      %get3A_18 = vector.load %arg2[%get3A_15, %get3A_16, %get3A_17] : memref<2x1000x128xf32, #tpu.memory_space<vmem>>, vector<1x1000x128xf32>
      %get3A_19 = vector.shape_cast %get3A_18 : vector<1x1000x128xf32> to vector<1000x128xf32>
      %add3A_20 = arith.addf %get3A_14, %get3A_19 : vector<1000x128xf32>
      %get3A_21 = arith.constant 0 : index
      %get3A_22 = arith.constant 0 : index
      %get3A_23 = vector.load %arg3[%get3A_21, %get3A_22] : memref<1000x128xf32, #tpu.memory_space<vmem>>, vector<1000x128xf32>
      %add3A_24 = arith.addf %add3A_20, %get3A_23 : vector<1000x128xf32>
      %add3A_25 = vector.broadcast %add3A : vector<1x128xf32> to vector<1000x128xf32>
      %add3A_26 = arith.addf %add3A_24, %add3A_25 : vector<1000x128xf32>
      %get3A_27 = arith.constant 0 : index
      %get3A_28 = arith.constant 0 : index
      %get3A_29 = arith.constant 0 : index
      %get3A_30 = vector.load %arg4[%get3A_27, %get3A_28, %get3A_29] : memref<2x1000x16xf32, #tpu.memory_space<vmem>>, vector<1x1000x16xf32>
      %get3A_31 = vector.shape_cast %get3A_30 : vector<1x1000x16xf32> to vector<1000x16xf32>
      %get3A_32 = arith.constant 1 : index
      %get3A_33 = arith.constant 0 : index
      %get3A_34 = arith.constant 0 : index
      %get3A_35 = vector.load %arg4[%get3A_32, %get3A_33, %get3A_34] : memref<2x1000x16xf32, #tpu.memory_space<vmem>>, vector<1x1000x16xf32>
      %get3A_36 = vector.shape_cast %get3A_35 : vector<1x1000x16xf32> to vector<1000x16xf32>
      %add3A_37 = arith.addf %get3A_31, %get3A_36 : vector<1000x16xf32>
      %dot_general3A = arith.constant dense<0.000000e+00> : vector<1000x128xf32>
      %dot_general3A_38 = tpu.matmul %add3A_37, %get3A_8, %dot_general3A {dimension_numbers = #tpu.dot_dimension_numbers<[1], [0], [0], [1], [0, 0, 1, 1], [], []>, precision = #tpu.contract_precision<fp32>, transpose_lhs_hint = false} : vector<1000x16xf32>, vector<16x128xf32>, vector<1000x128xf32> -> vector<1000x128xf32>
      %add3A_39 = arith.addf %add3A_26, %dot_general3A_38 : vector<1000x128xf32>
      %convert_element_type3A_40 = arith.truncf %add3A_39 : vector<1000x128xf32> to vector<1000x128xbf16>
      %get3A_41 = arith.constant 0 : index
      %get3A_42 = arith.constant 0 : index
      %get3A_43 = vector.load %arg6[%get3A_41, %get3A_42] : memref<128x256xf32, #tpu.memory_space<vmem>>, vector<128x256xf32>
      %convert_element_type3A_44 = arith.truncf %get3A_43 : vector<128x256xf32> to vector<128x256xbf16>
      %dot_general3A_45 = arith.constant dense<0.000000e+00> : vector<1000x256xf32>
      %dot_general3A_46 = tpu.matmul %convert_element_type3A_40, %convert_element_type3A_44, %dot_general3A_45 {dimension_numbers = #tpu.dot_dimension_numbers<[1], [0], [0], [1], [0, 0, 1, 1], [], []>, transpose_lhs_hint = false} : vector<1000x128xbf16>, vector<128x256xbf16>, vector<1000x256xf32> -> vector<1000x256xf32>
      %get3A_47 = arith.constant 0 : index
      %get3A_48 = arith.constant 0 : index
      %get3A_49 = vector.load %arg7[%get3A_47, %get3A_48] : memref<1x256xf32, #tpu.memory_space<vmem>>, vector<1x256xf32>
      %add3A_50 = vector.broadcast %get3A_49 : vector<1x256xf32> to vector<1000x256xf32>
      %add3A_51 = arith.addf %dot_general3A_46, %add3A_50 : vector<1000x256xf32>
      %max3A = arith.constant 0.000000e+00 : f32
      %max3A_52 = vector.broadcast %max3A : f32 to vector<1000x256xf32>
      %max3A_53 = arith.maximumf %add3A_51, %max3A_52 : vector<1000x256xf32>
      %convert_element_type3A_54 = arith.truncf %max3A_53 : vector<1000x256xf32> to vector<1000x256xbf16>
      %get3A_55 = arith.constant 0 : index
      %get3A_56 = arith.constant 0 : index
      %get3A_57 = vector.load %arg8[%get3A_55, %get3A_56] : memref<256x128xf32, #tpu.memory_space<vmem>>, vector<256x128xf32>
      %convert_element_type3A_58 = arith.truncf %get3A_57 : vector<256x128xf32> to vector<256x128xbf16>
      %dot_general3A_59 = arith.constant dense<0.000000e+00> : vector<1000x128xf32>
      %dot_general3A_60 = tpu.matmul %convert_element_type3A_54, %convert_element_type3A_58, %dot_general3A_59 {dimension_numbers = #tpu.dot_dimension_numbers<[1], [0], [0], [1], [0, 0, 1, 1], [], []>, transpose_lhs_hint = false} : vector<1000x256xbf16>, vector<256x128xbf16>, vector<1000x128xf32> -> vector<1000x128xf32>
      %get3A_61 = arith.constant 0 : index
      %get3A_62 = arith.constant 0 : index
      %get3A_63 = vector.load %arg9[%get3A_61, %get3A_62] : memref<1x128xf32, #tpu.memory_space<vmem>>, vector<1x128xf32>
      %add3A_64 = vector.broadcast %get3A_63 : vector<1x128xf32> to vector<1000x128xf32>
      %add3A_65 = arith.addf %dot_general3A_60, %add3A_64 : vector<1000x128xf32>
      %reduce_sum3A = arith.constant dense<0.000000e+00> : vector<128xf32>
      %reduce_sum3A_66 = vector.multi_reduction <add>, %add3A_65, %reduce_sum3A [0] : vector<1000x128xf32> to vector<128xf32>
      %broadcast_in_dim3A = vector.shape_cast %reduce_sum3A_66 : vector<128xf32> to vector<1x128xf32>
      %mul3A = arith.mulf %add3A_65, %add3A_65 : vector<1000x128xf32>
      %reduce_sum3A_67 = arith.constant dense<0.000000e+00> : vector<128xf32>
      %reduce_sum3A_68 = vector.multi_reduction <add>, %mul3A, %reduce_sum3A_67 [0] : vector<1000x128xf32> to vector<128xf32>
      %broadcast_in_dim3A_69 = vector.shape_cast %reduce_sum3A_68 : vector<128xf32> to vector<1x128xf32>
      %eq3A_70 = arith.constant 0 : i32
      %eq3A_71 = arith.cmpi eq, %arg1, %eq3A_70 : i32
      %convert_element_type3A_72 = arith.extui %eq3A_71 : i1 to i32
      %cond3A_73 = arith.constant 0 : i32
      %cond3A_74 = arith.cmpi ne, %convert_element_type3A_72, %cond3A_73 : i32
      scf.if %cond3A_74 {
        %swap3A = arith.constant 0 : index
        %swap3A_79 = arith.constant 0 : index
        %swap3A_80 = vector.load %arg13[%swap3A, %swap3A_79] : memref<1x128xf32, #tpu.memory_space<vmem>>, vector<1x128xf32>
        tpu.vector_store %arg13[%swap3A, %swap3A_79], %broadcast_in_dim3A {strides = array<i32>} : memref<1x128xf32, #tpu.memory_space<vmem>>, vector<1x128xf32>,
        %swap3A_81 = arith.constant 0 : index
        %swap3A_82 = arith.constant 0 : index
        %swap3A_83 = vector.load %arg14[%swap3A_81, %swap3A_82] : memref<1x128xf32, #tpu.memory_space<vmem>>, vector<1x128xf32>
        tpu.vector_store %arg14[%swap3A_81, %swap3A_82], %broadcast_in_dim3A_69 {strides = array<i32>} : memref<1x128xf32, #tpu.memory_space<vmem>>, vector<1x128xf32>,
      } else {
      }
      %gt3A = arith.constant 0 : i32
      %gt3A_75 = arith.cmpi sgt, %arg1, %gt3A : i32
      %convert_element_type3A_76 = arith.extui %gt3A_75 : i1 to i32
      %cond3A_77 = arith.constant 0 : i32
      %cond3A_78 = arith.cmpi ne, %convert_element_type3A_76, %cond3A_77 : i32
      scf.if %cond3A_78 {
        %get3A_79 = arith.constant 0 : index
        %get3A_80 = arith.constant 0 : index
        %get3A_81 = vector.load %arg13[%get3A_79, %get3A_80] : memref<1x128xf32, #tpu.memory_space<vmem>>, vector<1x128xf32>
        %add3A_82 = arith.addf %get3A_81, %broadcast_in_dim3A : vector<1x128xf32>
        %swap3A = arith.constant 0 : index
        %swap3A_83 = arith.constant 0 : index
        %swap3A_84 = vector.load %arg13[%swap3A, %swap3A_83] : memref<1x128xf32, #tpu.memory_space<vmem>>, vector<1x128xf32>
        tpu.vector_store %arg13[%swap3A, %swap3A_83], %add3A_82 {strides = array<i32>} : memref<1x128xf32, #tpu.memory_space<vmem>>, vector<1x128xf32>,
        %get3A_85 = arith.constant 0 : index
        %get3A_86 = arith.constant 0 : index
        %get3A_87 = vector.load %arg14[%get3A_85, %get3A_86] : memref<1x128xf32, #tpu.memory_space<vmem>>, vector<1x128xf32>
        %add3A_88 = arith.addf %get3A_87, %broadcast_in_dim3A_69 : vector<1x128xf32>
        %swap3A_89 = arith.constant 0 : index
        %swap3A_90 = arith.constant 0 : index
        %swap3A_91 = vector.load %arg14[%swap3A_89, %swap3A_90] : memref<1x128xf32, #tpu.memory_space<vmem>>, vector<1x128xf32>
        tpu.vector_store %arg14[%swap3A_89, %swap3A_90], %add3A_88 {strides = array<i32>} : memref<1x128xf32, #tpu.memory_space<vmem>>, vector<1x128xf32>,
      } else {
      }
    } else {
    }
    %eq3A_2 = arith.constant 1 : i32
    %eq3A_3 = arith.cmpi eq, %arg0, %eq3A_2 : i32
    %convert_element_type3A_4 = arith.extui %eq3A_3 : i1 to i32
    %cond3A_5 = arith.constant 0 : i32
    %cond3A_6 = arith.cmpi ne, %convert_element_type3A_4, %cond3A_5 : i32
    scf.if %cond3A_6 {
      %get3A = arith.constant 0 : index
      %get3A_7 = arith.constant 0 : index
      %get3A_8 = vector.load %arg5[%get3A, %get3A_7] : memref<16x128xf32, #tpu.memory_space<vmem>>, vector<16x128xf32>
      %slice3A = vector.extract_strided_slice %get3A_8 {offsets = [4, 0], sizes = [1, 128], strides = [1, 1]} : vector<16x128xf32> to vector<1x128xf32>
      %slice3A_9 = vector.extract_strided_slice %get3A_8 {offsets = [8, 0], sizes = [1, 128], strides = [1, 1]} : vector<16x128xf32> to vector<1x128xf32>
      %add3A = arith.addf %slice3A, %slice3A_9 : vector<1x128xf32>
      %get3A_10 = arith.constant 0 : index
      %get3A_11 = arith.constant 0 : index
      %get3A_12 = arith.constant 0 : index
      %get3A_13 = vector.load %arg2[%get3A_10, %get3A_11, %get3A_12] : memref<2x1000x128xf32, #tpu.memory_space<vmem>>, vector<1x1000x128xf32>
      %get3A_14 = vector.shape_cast %get3A_13 : vector<1x1000x128xf32> to vector<1000x128xf32>
      %get3A_15 = arith.constant 1 : index
      %get3A_16 = arith.constant 0 : index
      %get3A_17 = arith.constant 0 : index
      %get3A_18 = vector.load %arg2[%get3A_15, %get3A_16, %get3A_17] : memref<2x1000x128xf32, #tpu.memory_space<vmem>>, vector<1x1000x128xf32>
      %get3A_19 = vector.shape_cast %get3A_18 : vector<1x1000x128xf32> to vector<1000x128xf32>
      %add3A_20 = arith.addf %get3A_14, %get3A_19 : vector<1000x128xf32>
      %get3A_21 = arith.constant 0 : index
      %get3A_22 = arith.constant 0 : index
      %get3A_23 = vector.load %arg3[%get3A_21, %get3A_22] : memref<1000x128xf32, #tpu.memory_space<vmem>>, vector<1000x128xf32>
      %add3A_24 = arith.addf %add3A_20, %get3A_23 : vector<1000x128xf32>
      %add3A_25 = vector.broadcast %add3A : vector<1x128xf32> to vector<1000x128xf32>
      %add3A_26 = arith.addf %add3A_24, %add3A_25 : vector<1000x128xf32>
      %get3A_27 = arith.constant 0 : index
      %get3A_28 = arith.constant 0 : index
      %get3A_29 = arith.constant 0 : index
      %get3A_30 = vector.load %arg4[%get3A_27, %get3A_28, %get3A_29] : memref<2x1000x16xf32, #tpu.memory_space<vmem>>, vector<1x1000x16xf32>
      %get3A_31 = vector.shape_cast %get3A_30 : vector<1x1000x16xf32> to vector<1000x16xf32>
      %get3A_32 = arith.constant 1 : index
      %get3A_33 = arith.constant 0 : index
      %get3A_34 = arith.constant 0 : index
      %get3A_35 = vector.load %arg4[%get3A_32, %get3A_33, %get3A_34] : memref<2x1000x16xf32, #tpu.memory_space<vmem>>, vector<1x1000x16xf32>
      %get3A_36 = vector.shape_cast %get3A_35 : vector<1x1000x16xf32> to vector<1000x16xf32>
      %add3A_37 = arith.addf %get3A_31, %get3A_36 : vector<1000x16xf32>
      %dot_general3A = arith.constant dense<0.000000e+00> : vector<1000x128xf32>
      %dot_general3A_38 = tpu.matmul %add3A_37, %get3A_8, %dot_general3A {dimension_numbers = #tpu.dot_dimension_numbers<[1], [0], [0], [1], [0, 0, 1, 1], [], []>, precision = #tpu.contract_precision<fp32>, transpose_lhs_hint = false} : vector<1000x16xf32>, vector<16x128xf32>, vector<1000x128xf32> -> vector<1000x128xf32>
      %add3A_39 = arith.addf %add3A_26, %dot_general3A_38 : vector<1000x128xf32>
      %convert_element_type3A_40 = arith.truncf %add3A_39 : vector<1000x128xf32> to vector<1000x128xbf16>
      %get3A_41 = arith.constant 0 : index
      %get3A_42 = arith.constant 0 : index
      %get3A_43 = vector.load %arg6[%get3A_41, %get3A_42] : memref<128x256xf32, #tpu.memory_space<vmem>>, vector<128x256xf32>
      %convert_element_type3A_44 = arith.truncf %get3A_43 : vector<128x256xf32> to vector<128x256xbf16>
      %dot_general3A_45 = arith.constant dense<0.000000e+00> : vector<1000x256xf32>
      %dot_general3A_46 = tpu.matmul %convert_element_type3A_40, %convert_element_type3A_44, %dot_general3A_45 {dimension_numbers = #tpu.dot_dimension_numbers<[1], [0], [0], [1], [0, 0, 1, 1], [], []>, transpose_lhs_hint = false} : vector<1000x128xbf16>, vector<128x256xbf16>, vector<1000x256xf32> -> vector<1000x256xf32>
      %get3A_47 = arith.constant 0 : index
      %get3A_48 = arith.constant 0 : index
      %get3A_49 = vector.load %arg7[%get3A_47, %get3A_48] : memref<1x256xf32, #tpu.memory_space<vmem>>, vector<1x256xf32>
      %add3A_50 = vector.broadcast %get3A_49 : vector<1x256xf32> to vector<1000x256xf32>
      %add3A_51 = arith.addf %dot_general3A_46, %add3A_50 : vector<1000x256xf32>
      %max3A = arith.constant 0.000000e+00 : f32
      %max3A_52 = vector.broadcast %max3A : f32 to vector<1000x256xf32>
      %max3A_53 = arith.maximumf %add3A_51, %max3A_52 : vector<1000x256xf32>
      %convert_element_type3A_54 = arith.truncf %max3A_53 : vector<1000x256xf32> to vector<1000x256xbf16>
      %get3A_55 = arith.constant 0 : index
      %get3A_56 = arith.constant 0 : index
      %get3A_57 = vector.load %arg8[%get3A_55, %get3A_56] : memref<256x128xf32, #tpu.memory_space<vmem>>, vector<256x128xf32>
      %convert_element_type3A_58 = arith.truncf %get3A_57 : vector<256x128xf32> to vector<256x128xbf16>
      %dot_general3A_59 = arith.constant dense<0.000000e+00> : vector<1000x128xf32>
      %dot_general3A_60 = tpu.matmul %convert_element_type3A_54, %convert_element_type3A_58, %dot_general3A_59 {dimension_numbers = #tpu.dot_dimension_numbers<[1], [0], [0], [1], [0, 0, 1, 1], [], []>, transpose_lhs_hint = false} : vector<1000x256xbf16>, vector<256x128xbf16>, vector<1000x128xf32> -> vector<1000x128xf32>
      %get3A_61 = arith.constant 0 : index
      %get3A_62 = arith.constant 0 : index
      %get3A_63 = vector.load %arg9[%get3A_61, %get3A_62] : memref<1x128xf32, #tpu.memory_space<vmem>>, vector<1x128xf32>
      %add3A_64 = vector.broadcast %get3A_63 : vector<1x128xf32> to vector<1000x128xf32>
      %add3A_65 = arith.addf %dot_general3A_60, %add3A_64 : vector<1000x128xf32>
      %get3A_66 = arith.constant 0 : index
      %get3A_67 = arith.constant 0 : index
      %get3A_68 = vector.load %arg13[%get3A_66, %get3A_67] : memref<1x128xf32, #tpu.memory_space<vmem>>, vector<1x128xf32>
      %mul3A = arith.constant 9.99999974E-5 : f32
      %mul3A_69 = vector.broadcast %mul3A : f32 to vector<1x128xf32>
      %mul3A_70 = arith.mulf %get3A_68, %mul3A_69 : vector<1x128xf32>
      %get3A_71 = arith.constant 0 : index
      %get3A_72 = arith.constant 0 : index
      %get3A_73 = vector.load %arg14[%get3A_71, %get3A_72] : memref<1x128xf32, #tpu.memory_space<vmem>>, vector<1x128xf32>
      %mul3A_74 = arith.constant 9.99999974E-5 : f32
      %mul3A_75 = vector.broadcast %mul3A_74 : f32 to vector<1x128xf32>
      %mul3A_76 = arith.mulf %get3A_73, %mul3A_75 : vector<1x128xf32>
      %mul3A_77 = arith.mulf %mul3A_70, %mul3A_70 : vector<1x128xf32>
      %sub3A = arith.subf %mul3A_76, %mul3A_77 : vector<1x128xf32>
      %sub3A_78 = vector.broadcast %mul3A_70 : vector<1x128xf32> to vector<1000x128xf32>
      %sub3A_79 = arith.subf %add3A_65, %sub3A_78 : vector<1000x128xf32>
      %add3A_80 = arith.constant 9.99999974E-6 : f32
      %add3A_81 = vector.broadcast %add3A_80 : f32 to vector<1x128xf32>
      %add3A_82 = arith.addf %sub3A, %add3A_81 : vector<1x128xf32>
      %sqrt3A = math.sqrt %add3A_82 : vector<1x128xf32>
      %div3A = vector.broadcast %sqrt3A : vector<1x128xf32> to vector<1000x128xf32>
      %div3A_83 = arith.divf %sub3A_79, %div3A : vector<1000x128xf32>
      %get3A_84 = arith.constant 0 : index
      %get3A_85 = arith.constant 0 : index
      %get3A_86 = vector.load %arg10[%get3A_84, %get3A_85] : memref<1x128xf32, #tpu.memory_space<vmem>>, vector<1x128xf32>
      %mul3A_87 = vector.broadcast %get3A_86 : vector<1x128xf32> to vector<1000x128xf32>
      %mul3A_88 = arith.mulf %div3A_83, %mul3A_87 : vector<1000x128xf32>
      %get3A_89 = arith.constant 0 : index
      %get3A_90 = arith.constant 0 : index
      %get3A_91 = vector.load %arg11[%get3A_89, %get3A_90] : memref<1x128xf32, #tpu.memory_space<vmem>>, vector<1x128xf32>
      %add3A_92 = vector.broadcast %get3A_91 : vector<1x128xf32> to vector<1000x128xf32>
      %add3A_93 = arith.addf %mul3A_88, %add3A_92 : vector<1000x128xf32>
      %swap3A = arith.constant 0 : index
      %swap3A_94 = arith.constant 0 : index
      %swap3A_95 = vector.load %arg12[%swap3A, %swap3A_94] : memref<1000x128xf32, #tpu.memory_space<vmem>>, vector<1000x128xf32>
      tpu.vector_store %arg12[%swap3A, %swap3A_94], %add3A_93 {strides = array<i32>} : memref<1000x128xf32, #tpu.memory_space<vmem>>, vector<1000x128xf32>,
    } else {
    }
    return
  }
  func.func @transform_0(%arg0: i32, %arg1: i32) -> (i32, i32, i32) {
    %c0_i32 = arith.constant 0 : i32
    %c0_i32_0 = arith.constant 0 : i32
    %c0_i32_1 = arith.constant 0 : i32
    return %c0_i32, %arg1, %c0_i32_0 : i32, i32, i32
  }
  func.func @transform_1(%arg0: i32, %arg1: i32) -> (i32, i32) {
    %c0_i32 = arith.constant 0 : i32
    %c0_i32_0 = arith.constant 0 : i32
    return %arg1, %c0_i32 : i32, i32
  }
  func.func @transform_2(%arg0: i32, %arg1: i32) -> (i32, i32, i32) {
    %c0_i32 = arith.constant 0 : i32
    %c0_i32_0 = arith.constant 0 : i32
    %c0_i32_1 = arith.constant 0 : i32
    return %c0_i32, %arg1, %c0_i32_0 : i32, i32, i32
  }
  func.func @transform_3(%arg0: i32, %arg1: i32) -> (i32, i32) {
    %c0_i32 = arith.constant 0 : i32
    %c0_i32_0 = arith.constant 0 : i32
    %c0_i32_1 = arith.constant 0 : i32
    return %c0_i32, %c0_i32_0 : i32, i32
  }
  func.func @transform_4(%arg0: i32, %arg1: i32) -> (i32, i32) {
    %c0_i32 = arith.constant 0 : i32
    %c0_i32_0 = arith.constant 0 : i32
    %c0_i32_1 = arith.constant 0 : i32
    return %c0_i32, %c0_i32_0 : i32, i32
  }
  func.func @transform_5(%arg0: i32, %arg1: i32) -> (i32, i32) {
    %c0_i32 = arith.constant 0 : i32
    %c0_i32_0 = arith.constant 0 : i32
    %c0_i32_1 = arith.constant 0 : i32
    return %c0_i32, %c0_i32_0 : i32, i32
  }
  func.func @transform_6(%arg0: i32, %arg1: i32) -> (i32, i32) {
    %c0_i32 = arith.constant 0 : i32
    %c0_i32_0 = arith.constant 0 : i32
    %c0_i32_1 = arith.constant 0 : i32
    return %c0_i32, %c0_i32_0 : i32, i32
  }
  func.func @transform_7(%arg0: i32, %arg1: i32) -> (i32, i32) {
    %c0_i32 = arith.constant 0 : i32
    %c0_i32_0 = arith.constant 0 : i32
    %c0_i32_1 = arith.constant 0 : i32
    return %c0_i32, %c0_i32_0 : i32, i32
  }
  func.func @transform_8(%arg0: i32, %arg1: i32) -> (i32, i32) {
    %c0_i32 = arith.constant 0 : i32
    %c0_i32_0 = arith.constant 0 : i32
    %c0_i32_1 = arith.constant 0 : i32
    return %c0_i32, %c0_i32_0 : i32, i32
  }
  func.func @transform_9(%arg0: i32, %arg1: i32) -> (i32, i32) {
    %c0_i32 = arith.constant 0 : i32
    %c0_i32_0 = arith.constant 0 : i32
    %c0_i32_1 = arith.constant 0 : i32
    return %c0_i32, %c0_i32_0 : i32, i32
  }
  func.func @transform_10(%arg0: i32, %arg1: i32) -> (i32, i32) {
    %c0_i32 = arith.constant 0 : i32
    %c0_i32_0 = arith.constant 0 : i32
    return %arg1, %c0_i32 : i32, i32
  }
}

</mosaic_0001>

<sc_bundles>
// kernel: kernel.14.cloned.1.call-start
scs
__scs_entry_jumppad:
0x0: {  	(pc) =	sbr.rel $0x88, $3  }
0x1: {  	(tag) =	ssettag $0x0;
	lr =	simm.s32 $0x1  }
0x2: {  	[smem:$0x3F94] =	sst lr;
	_ =	strace $0xD0000000  }
0x3: {  	_ = 	snop  }
0x4: {  	_ = 	snop  }
0x5: {  	_ = 	snop  }
0x6: {  	_ = 	snop  }
0x7: {  	_ = 	snop  }
__scs_overlays_trampoline_lowered:
0x8: {  	[smem:$0x3FA3] =	sst s0  }
0x9: {  	[smem:$0x3FA4] =	sst s1  }
0xa: {  	[smem:$0x3FA5] =	sst s2  }
0xb: {  	[smem:$0x3FA6] =	sst s3  }
0xc: {  	[smem:$0x3FA7] =	sst s4  }
0xd: {  	[smem:$0x3FA8] =	sst s5  }
0xe: {  	[smem:$0x3FA9] =	sst s6  }
0xf: {  	[smem:$0x3FAA] =	sst s7  }
0x10: {  	[smem:$0x3FAB] =	sst s8  }
0x11: {  	[smem:$0x3FAC] =	sst s9;
	s0 =	simm.s32 @!p0 $0x0  }
0x12: {  	s1 =	sld [smem:$0x3F92];
	s0 =	simm.s32 @p0 $0x1  }
0x13: {  	[smem:$0x3FAD] =	sst s0;
	s0 =	simm.s32 @!p1 $0x0  }
0x14: {  	s2 =	sld [smem:$0x3F91];
	s0 =	simm.s32 @p1 $0x1  }
0x15: {  	[smem:$0x3FAE] =	sst s0;
	s0 =	simm.s32 @!p2 $0x0  }
0x16: {  	s3 =	sld [smem:$0x3FDB];
	s0 =	simm.s32 @p2 $0x1  }
0x17: {  	s4 =	simm.s32 $0x1BF5;
	[smem:$0x3FB0] =	sst s0  }
0x18: {  	s0 =	sld [smem:$0x3F93];
	_ =	swait.ge [sflag:s4], $0x0  }
0x19: {  	s7 =	sld [smem:$0x3F94]  }
0x1a: {  	s8 =	sadd.s32 $0xFFFFE003, lr  }
0x1b: {  	s9 =	sadd.s32 $0xFFFFFEF7, lr;
	s5 =	simm.s32 $0xFFFFFFFF;
	p2 =	slt.u32 s8, $0xFFFFF086  }
0x1c: {  	p1 =	slt.u32 s9, $0xF7A;
	s5 =	simm.s32 @!p2 $0x0  }
0x1d: {  	s5 =	simm.s32 @p1 $0x1;
	p0 =	seq.s32 s7, s2  }
0x1e: {  	s7 =	smul.u32 @!p0 $0xF7A, s2;
	p2 =	seq.s32 @!p0 s5, $0x0  }
0x1f: {  	s9 =	smul.u32 $0xF7A, s1;
	s8 =	simm.s32 @!p0 $0x1BF5;
	p2 =	por !p2, p0  }
0x20: {  	[sflag:s8] =	ssyncset.s32 @!p0 $0xFFFFF086;
	s6 =	sadd.s32 @!p0 s3, s7;
	s7 =	simm.s32 @!p0 $0x108  }
0x21: {  	s3 =	sadd.s32 s3, s9;
	s6 =	sadd.s32 @!p0 $0x88, s6;
	s7 =	simm.s32 @p2 $0x1082  }
0x22: {  	[simem:s7], [sflag:s8] =	dma.local @!p0 [hbm:s6], $0xF7A  }
0x23: {  	s9 =	sor.u32 $0xD0000000, s2;
	s6 =	simm.s32 $0x108;
	_ =	swait.ge @!p0 [sflag:s8], $0x0  }
0x24: {  	s3 =	sadd.s32 $0x88, s3;
	s6 =	simm.s32 @!p1 $0x1082;
	[sflag:s4] =	ssyncset.s32 $0xFFFFF086  }
0x25: {  	[simem:s6], [sflag:s4] =	dma.local [hbm:s3], $0xF7A  }
0x26: {  	[smem:$0x3F94] =	sst s1;
	(tag) =	ssettag s2;
	_ =	strace s9  }
0x27: {  	s1 =	sld [smem:$0x3FA4]  }
0x28: {  	s2 =	sld [smem:$0x3FA5]  }
0x29: {  	s4 =	sld [smem:$0x3FA7]  }
0x2a: {  	p0 =	seq.s32 s5, $0x0;
	s5 =	sld [smem:$0x3FA8]  }
0x2b: {  	s6 =	sld [smem:$0x3FA9]  }
0x2c: {  	s7 =	sld [smem:$0x3FAA]  }
0x2d: {  	s3 =	simm.s32 $0x108;
	s8 =	sld [smem:$0x3FAB]  }
0x2e: {  	s3 =	simm.s32 @!p0 $0x1082;
	s9 =	sld [smem:$0x3FAC]  }
0x2f: {  	lr =	sadd.s32 s0, s3;
	s0 =	sld [smem:$0x3FA3]  }
0x30: {  	s3 =	sld [smem:$0x3FA6]  }
0x31: {  	[smem:$0x3FAF] =	sst s10  }
0x32: {  	s10 =	sld [smem:$0x3FAD];
	_ =	sdelay $0x3  }
0x33: {  	p0 =	seq.s32 s10, $0x1;
	s10 =	sld [smem:$0x3FAF];
	_ =	sdelay $0x3  }
0x34: {  	[smem:$0x3FAF] =	sst s10  }
0x35: {  	s10 =	sld [smem:$0x3FAE];
	_ =	sdelay $0x3  }
0x36: {  	p1 =	seq.s32 s10, $0x1;
	s10 =	sld [smem:$0x3FAF];
	_ =	sdelay $0x3  }
0x37: {  	[smem:$0x3FAF] =	sst s10  }
0x38: {  	s10 =	sld [smem:$0x3FB0]  }
0x39: {  	_ = 	snop;
	(pc) =	sbr.ind lr, $3  }
0x3a: {  	_ = 	snop  }
0x3b: {  	_ = 	snop  }
0x3c: {  	p2 =	seq.s32 s10, $0x1;
	s10 =	sld [smem:$0x3FAF]  }
0x3d: {  	_ =	shalt  }
0x3e: {  	_ =	shalt  }
0x3f: {  	_ =	shalt  }
0x40: {  	_ =	shalt  }
0x41: {  	_ =	shalt  }
0x42: {  	_ =	shalt  }
0x43: {  	_ =	shalt  }
0x44: {  	_ =	shalt  }
0x45: {  	_ =	shalt  }
0x46: {  	_ =	shalt  }
0x47: {  	_ =	shalt  }
0x48: {  	_ =	shalt  }
0x49: {  	_ =	shalt  }
0x4a: {  	_ =	shalt  }
0x4b: {  	_ =	shalt  }
0x4c: {  	_ =	shalt  }
0x4d: {  	_ =	shalt  }
0x4e: {  	_ =	shalt  }
0x4f: {  	_ =	shalt  }
0x50: {  	_ =	shalt  }
0x51: {  	_ =	shalt  }
0x52: {  	_ =	shalt  }
0x53: {  	_ =	shalt  }
0x54: {  	_ =	shalt  }
0x55: {  	_ =	shalt  }
0x56: {  	_ =	shalt  }
0x57: {  	_ =	shalt  }
0x58: {  	_ =	shalt  }
0x59: {  	_ =	shalt  }
0x5a: {  	_ =	shalt  }
0x5b: {  	_ =	shalt  }
0x5c: {  	_ =	shalt  }
0x5d: {  	_ =	shalt  }
0x5e: {  	_ =	shalt  }
0x5f: {  	_ =	shalt  }
0x60: {  	_ =	shalt  }
0x61: {  	_ =	shalt  }
0x62: {  	_ =	shalt  }
0x63: {  	_ =	shalt  }
0x64: {  	_ =	shalt  }
0x65: {  	_ =	shalt  }
0x66: {  	_ =	shalt  }
0x67: {  	_ =	shalt  }
0x68: {  	_ =	shalt  }
0x69: {  	_ =	shalt  }
0x6a: {  	_ =	shalt  }
0x6b: {  	_ =	shalt  }
0x6c: {  	_ =	shalt  }
0x6d: {  	_ =	shalt  }
0x6e: {  	_ =	shalt  }
0x6f: {  	_ =	shalt  }
0x70: {  	_ =	shalt  }
0x71: {  	_ =	shalt  }
0x72: {  	_ =	shalt  }
0x73: {  	_ =	shalt  }
0x74: {  	_ =	shalt  }
0x75: {  	_ =	shalt  }
0x76: {  	_ =	shalt  }
0x77: {  	_ =	shalt  }
0x78: {  	_ =	shalt  }
0x79: {  	_ =	shalt  }
0x7a: {  	_ =	shalt  }
0x7b: {  	_ =	shalt  }
0x7c: {  	_ =	shalt  }
0x7d: {  	_ =	shalt  }
0x7e: {  	_ =	shalt  }
0x7f: {  	_ =	shalt  }
0x80: {  	_ =	shalt  }
0x81: {  	_ =	shalt  }
0x82: {  	_ =	shalt  }
0x83: {  	_ =	shalt  }
0x84: {  	_ =	shalt  }
0x85: {  	_ =	shalt  }
0x86: {  	_ =	shalt  }
0x87: {  	_ =	shalt  }
.Lfunc_end0:
.L_simem_size_0:
called_computation_lowered:
.L_overlay_start_0:
0x88: {  	s2 =	sld [smem:$0x3FD9]  }
0x89: {  	s3 =	sld [smem:$0x3FFE];
	_ =	sdelay $0x1  }
0x8a: {  	s1 =	srdreg.scid  }
0x8b: {  	s0 =	sand.u32 $0x1, s1  }
0x8c: {  	s16 =	sshll.u32 s0, $0xA;
	s2 =	sadd.s32 s3, s2  }
0x8d: {  	s2 =	sadd.s32 s2, s16  }
0x8e: {  	[smem:$0x3FBB] =	sst s2  }
0x8f: {  	_ = 	snop  }
0x90: {  	(tm) =	ssettm $0x1  }
0x91: {  	s17 =	sld [smem:$0x3FFB];
	_ =	sdelay $0x3  }
0x92: {  	_ =	strace s17  }
0x93: {  	s2 =	sld [smem:$0x3FFC];
	_ =	sdelay $0x3  }
0x94: {  	_ =	strace s2  }
0x95: {  	s2 =	sld [smem:$0x3FFD];
	_ =	sdelay $0x3  }
0x96: {  	_ =	strace s2  }
0x97: {  	_ =	strace $0x8FFFFFFF  }
0x98: {  	s18 =	sld [smem:$0x3FDB];
	_ =	sdelay $0x1  }
0x99: {  	s19 =	simm.s32 $_scs_section_size  }
0x9a: {  	s4 =	simm.s32 $_size__tile_overlayer_lowered;
	s5 =	simm.s32 $_tile_overlayer_lowered  }
0x9b: {  	s22 =	simm.s32 $0x1BFF;
	s21 =	sshll.u32 s5, $0x1;
	s2 =	sadd.s32 s19, s18  }
0x9c: {  	s6 =	simm.s32 $0x0;
	s20 =	sshll.u32 s4, $0x1;
	s4 =	sadd.s32 s21, s2  }
0x9d: {  	[timem:s6], [sflag:s22] =	dma.local [hbm:s4], s20  }
0x9e: {  	_ =	swait.ge [sflag:s22], s20  }
0x9f: {  	s3 =	ssub.s32 $0x0, s20;
	[sflag:s22] =	ssyncset.done $0x0  }
0xa0: {  	[sflag:s22] =	ssyncadd.s32 s3;
	_ =	sdelay $0x1  }
0xa1: {  	s23 =	simm.s32 $0x1B8B  }
0xa2: {  	_ =	swait.ge [sflag:s23], $0x1  }
0xa3: {  	[sflag:s23] =	ssyncset.done $0x0  }
0xa4: {  	s25 =	simm.s32 $0x1B8E;
	s24 =	sld [smem:$0x3FFE];
	[sflag:s23] =	ssyncadd.s32 $0xFFFFFFFF  }
0xa5: {  	s26 =	simm.s32 $execute0_lowered;
	[smem:$0x3FD2] =	sst s25  }
0xa6: {  	s4 =	sshll.u32 s26, $0x1;
	_ =	strace $0x80000046;
	[dreg:$0x1] =	wrdreg $0xFFFFFFFF  }
0xa7: {  	s28 =	simm.s32 $_size_execute0_lowered;
	s2 =	sadd.s32 s2, s4;
	[dreg:$0x0] =	wrdreg $0x0  }
0xa8: {  	s4 =	sshll.u32 s28, $0x1;
	[dreg:$0x2] =	wrdreg s2  }
0xa9: {  	[dreg:$0x3] =	wrdreg s4  }
0xaa: {  	[dreg:$0x4] =	wrdreg $0xC0  }
0xab: {  	_ =	task [dreg:s6], $0x5FFFF  }
0xac: {  	[dreg:$0x1] =	wrdreg $0xFFFFFFFF  }
0xad: {  	[dreg:$0x0] =	wrdreg $0x60  }
0xae: {  	[dreg:$0x2] =	wrdreg s24  }
0xaf: {  	[dreg:$0x3] =	wrdreg $0x79800  }
0xb0: {  	[dreg:$0x4] =	wrdreg $0x9  }
0xb1: {  	_ =	task.clear_ibuf [dreg:s6], $0x5FFFF;
	_ =	strace $0x90000046  }
0xb2: {  	s29 =	simm.s32 $0x9;
	_ =	strace $0x80000048  }
0xb3: {  	_ =	swait.ge [sflag:s29], $0x1  }
0xb4: {  	[sflag:s29] =	ssyncadd.s32 $0xFFFFFFFF  }
0xb5: {  	_ =	strace $0x90000048  }
0xb6: {  	_ =	sfence  }
0xb7: {  	s30 =	sld [smem:$0x0];
	_ =	sdelay $0x2  }
0xb8: {  	s31 =	sshll.u32 s1, $0xD;
	s1 =	sshrl.u32 s1, $0x2  }
0xb9: {  	s3 =	sand.u32 $0x4000, s31;
	s1 =	sadd.s32 s1, s30  }
0xba: {  	s0 =	sor.u32 s3, s0;
	s1 =	sshll.u32 s1, $0x11  }
0xbb: {  	s0 =	sor.u32 s1, s0  }
0xbc: {  	s0 =	sadd.s32 $0x8F2B, s0  }
0xbd: {  	[sflag:s0] =	ssyncadd.remote.s32 $0x1  }
0xbe: {  	_ =	sfence.sel $0xFFFF  }
0xbf: {  	[dreg:$0x0] =	wrdreg $0xFFFFFFFF;
	(pc) =	sbr.abs _section_cstart, $3  }
0xc0: {  	[dreg:$0x1] =	wrdreg $0xFFFFFFFF  }
0xc1: {  	_ =	task.clear_ibuf [dreg:s6], $0x2FFFF;
	_ =	strace $0x9FFFFFFF  }
0xc2: {  	(tm) =	ssettm $0x7FFFFFFF  }
0xc3: {  	_ =	shalt  }
tec
execute0_lowered:
.L_overlay_start_1:
0x0: {  	(tag) =	ssettag $0x1  }
0x1: {  	s0 =	srdreg.scid;
	s5 =	rddreg [dreg:$0x0]  }
0x2: {  	s2 =	rddreg [dreg:$0x1];
	s1 =	stileid.u32;
	s11 =	simm.s32 $0x2800  }
0x3: {  	s12 =	simm.s32 $0x5000;
	s15 =	simm.s32 $0x80;
	s16 =	simm.s32 $0x7800  }
0x4: {  	s17 =	simm.s32 $0x7900;
	s18 =	simm.s32 $0x7880;
	s19 =	simm.s32 $0x10  }
0x5: {  	s20 =	simm.s32 $0x0;
	s6 =	sand.u32 $0x1, s0;
	s0 =	rddreg [dreg:$0x2]  }
0x6: {  	s30 =	sshll.u32 s1, $0x7;
	s10 =	smul.u32 $0xA000, s1;
	s13 =	sshll.u32 s1, $0x6  }
0x7: {  	s3 =	sshll.u32 s6, $0x4;
	s9 =	sand.u32 $0x380, s30;
	s6 =	ssub.s32 $0x2, s6  }
0x8: {  	s13 =	sor.u32 $0x1C01, s13;
	s4 =	sor.u32 s1, s3;
	s3 =	simm.s32 $0x0  }
0x9: {  	s31 =	sshrl.u32 s6, $0x1;
	s7 =	smul.u32 $0x500, s4;
	s4 =	sshrl.u32 s4, $0x3  }
0xa: {  	s10 =	sshrl.u32 s10, $0x2;
	[smem:$0x7FF] =	sst s3;
	s8 =	smul.u32 $0x14000, s4  }
0xb: {  	s14 =	sadd.s32 s10, s2;
	s10 =	simm.s32 $0x1;
	_ =	strace $0x80000047  }
0xc: {  	s4 =	sadd.s32 $0x2DC00, s5;
	s14 =	sshrl.u32 s14, $0x3;
	s8 =	sor.u32 s9, s8  }
0xd: {  	s7 =	sadd.s32 s7, s5;
	s9 =	ssub.s32 s6, s31;
	s8 =	sshrl.u32 s8, $0x3  }
0xe: {  	s6 =	sadd.s32 $0x5C00, s7;
	s9 =	smax.u32 s9, $0x1;
	s8 =	sadd.s32 s8, s5  }
0xf: {  	v0 =	vimm.f32 $1.000000000e+00;
	s5 =	sadd.s32 $0x23C00, s7;
	s7 =	sadd.s32 $0xFC00, s7;
	s8 =	sadd.s32 $0x2E200, s8  }
.LBB2_1:
0x10: {  	[tilespmem:s3], [sflag:$0x1] =	stream.linear.gather [hbm4b:s5+s3], $0x2800, $0x38;
	[tilespmem:$0xA180] =	vst v63  }
0x11: {  	_ =	swait.ge [sflag:s10], $0x2800  }
0x12: {  	[sflag:s10] =	ssyncset.done $0x0  }
0x13: {  	[sflag:s10] =	ssyncadd.s32 $0xFFFFD800  }
0x14: {  	[tilespmem:s11], [sflag:$0x1] =	stream.linear.gather [hbm4b:s6+s3], $0x2800, $0x38;
	[tilespmem:$0xA180] =	vst v63  }
0x15: {  	_ =	swait.ge [sflag:s10], $0x2800  }
0x16: {  	[sflag:s10] =	ssyncset.done $0x0  }
0x17: {  	[sflag:s10] =	ssyncadd.s32 $0xFFFFD800  }
0x18: {  	[tilespmem:s12], [sflag:$0x1] =	stream.linear.gather [hbm4b:s7+s3], $0x2800, $0x38;
	[tilespmem:$0xA180] =	vst v63  }
0x19: {  	_ =	swait.ge [sflag:s10], $0x2800  }
0x1a: {  	[sflag:s10] =	ssyncset.done $0x0  }
0x1b: {  	[sflag:s10] =	ssyncadd.s32 $0xFFFFD800  }
0x1c: {  	[spmem:s14], [sflag:s13] =	dma.local [hbm:s4], $0x500  }
0x1d: {  	_ =	swait.ge [sflag:s10], $0x500  }
0x1e: {  	[sflag:s10] =	ssyncset.done $0x0  }
0x1f: {  	[sflag:s10] =	ssyncadd.s32 $0xFFFFFB00  }
0x20: {  	[tilespmem:$0x7900] =	vst v0  }
0x21: {  	[tilespmem:$0x7910] =	vst v0  }
0x22: {  	[tilespmem:$0x7920] =	vst v0  }
0x23: {  	[tilespmem:$0x7930] =	vst v0  }
0x24: {  	[tilespmem:$0x7940] =	vst v0  }
0x25: {  	[tilespmem:$0x7950] =	vst v0  }
0x26: {  	[tilespmem:$0x7960] =	vst v0  }
0x27: {  	[tilespmem:$0x7970] =	vst v0  }
0x28: {  	s21 =	simm.s32 $0x0;
	[bflag:$0x0] =	sbarrier.arrive $0xFFFF  }
0x29: {  	v1 =	vld [tilespmem:s21+$0x0]  }
0x2a: {  	v2 =	vld [tilespmem:s21+$0x2800];
	_ =	sdelay $0x3  }
0x2b: {  	v1 =	vshll.u32 v1, $0x4  }
0x2c: {  	v2 =	vadd.s32 v2, v1  }
0x2d: {  	[tilespmem:$0x7800] =	vst v2  }
0x2e: {  	v2 =	vld [tilespmem:s21+$0x5000];
	_ =	sdelay $0x4  }
0x2f: {  	v1 =	vadd.s32 v1, v2  }
0x30: {  	v1 =	vadd.s32 $0x8, v1  }
0x31: {  	[tilespmem:$0x7880] =	vst v1  }
0x32: {  	v1 =	vld [tilespmem:s21+$0x10]  }
0x33: {  	v2 =	vld [tilespmem:s21+$0x2810];
	_ =	sdelay $0x3  }
0x34: {  	v1 =	vshll.u32 v1, $0x4  }
0x35: {  	v2 =	vadd.s32 v2, v1  }
0x36: {  	[tilespmem:$0x7810] =	vst v2  }
0x37: {  	v2 =	vld [tilespmem:s21+$0x5010];
	_ =	sdelay $0x4  }
0x38: {  	v1 =	vadd.s32 v1, v2  }
0x39: {  	v1 =	vadd.s32 $0x8, v1  }
0x3a: {  	[tilespmem:$0x7890] =	vst v1  }
0x3b: {  	v1 =	vld [tilespmem:s21+$0x20]  }
0x3c: {  	v2 =	vld [tilespmem:s21+$0x2820];
	_ =	sdelay $0x3  }
0x3d: {  	v1 =	vshll.u32 v1, $0x4  }
0x3e: {  	v2 =	vadd.s32 v2, v1  }
0x3f: {  	[tilespmem:$0x7820] =	vst v2  }
0x40: {  	v2 =	vld [tilespmem:s21+$0x5020];
	_ =	sdelay $0x4  }
0x41: {  	v1 =	vadd.s32 v1, v2  }
0x42: {  	v1 =	vadd.s32 $0x8, v1  }
0x43: {  	[tilespmem:$0x78A0] =	vst v1  }
0x44: {  	v1 =	vld [tilespmem:s21+$0x30]  }
0x45: {  	v2 =	vld [tilespmem:s21+$0x2830];
	_ =	sdelay $0x3  }
0x46: {  	v1 =	vshll.u32 v1, $0x4  }
0x47: {  	v2 =	vadd.s32 v2, v1  }
0x48: {  	[tilespmem:$0x7830] =	vst v2  }
0x49: {  	v2 =	vld [tilespmem:s21+$0x5030];
	_ =	sdelay $0x4  }
0x4a: {  	v1 =	vadd.s32 v1, v2  }
0x4b: {  	v1 =	vadd.s32 $0x8, v1  }
0x4c: {  	[tilespmem:$0x78B0] =	vst v1  }
0x4d: {  	v1 =	vld [tilespmem:s21+$0x40]  }
0x4e: {  	v2 =	vld [tilespmem:s21+$0x2840];
	_ =	sdelay $0x3  }
0x4f: {  	v1 =	vshll.u32 v1, $0x4  }
0x50: {  	v2 =	vadd.s32 v2, v1  }
0x51: {  	[tilespmem:$0x7840] =	vst v2  }
0x52: {  	v2 =	vld [tilespmem:s21+$0x5040];
	_ =	sdelay $0x4  }
0x53: {  	v1 =	vadd.s32 v1, v2  }
0x54: {  	v1 =	vadd.s32 $0x8, v1  }
0x55: {  	[tilespmem:$0x78C0] =	vst v1  }
0x56: {  	v1 =	vld [tilespmem:s21+$0x50]  }
0x57: {  	v2 =	vld [tilespmem:s21+$0x2850];
	_ =	sdelay $0x3  }
0x58: {  	v1 =	vshll.u32 v1, $0x4  }
0x59: {  	v2 =	vadd.s32 v2, v1  }
0x5a: {  	[tilespmem:$0x7850] =	vst v2  }
0x5b: {  	v2 =	vld [tilespmem:s21+$0x5050];
	_ =	sdelay $0x4  }
0x5c: {  	v1 =	vadd.s32 v1, v2  }
0x5d: {  	v1 =	vadd.s32 $0x8, v1  }
0x5e: {  	[tilespmem:$0x78D0] =	vst v1  }
0x5f: {  	v1 =	vld [tilespmem:s21+$0x60]  }
0x60: {  	v2 =	vld [tilespmem:s21+$0x2860];
	_ =	sdelay $0x3  }
0x61: {  	v1 =	vshll.u32 v1, $0x4  }
0x62: {  	v2 =	vadd.s32 v2, v1  }
0x63: {  	[tilespmem:$0x7860] =	vst v2  }
0x64: {  	v2 =	vld [tilespmem:s21+$0x5060];
	_ =	sdelay $0x4  }
0x65: {  	v1 =	vadd.s32 v1, v2  }
0x66: {  	v1 =	vadd.s32 $0x8, v1  }
0x67: {  	[tilespmem:$0x78E0] =	vst v1  }
0x68: {  	v1 =	vld [tilespmem:s21+$0x70]  }
0x69: {  	v2 =	vld [tilespmem:s21+$0x2870];
	_ =	sdelay $0x3  }
0x6a: {  	v1 =	vshll.u32 v1, $0x4  }
0x6b: {  	v2 =	vadd.s32 v2, v1  }
0x6c: {  	[tilespmem:$0x7870] =	vst v2  }
0x6d: {  	v2 =	vld [tilespmem:s21+$0x5070];
	_ =	sdelay $0x4  }
0x6e: {  	v1 =	vadd.s32 v1, v2  }
0x6f: {  	v1 =	vadd.s32 $0x8, v1  }
0x70: {  	[tilespmem:$0x78F0] =	vst v1  }
0x71: {  	[spmem:s2] =	stream.indirect.scatter.add.f32 [tilespmem:s17], [sflag:$0x1], $0x1, s16, s15, $0xb8;
	[tilespmem:$0xA180] =	vst v63  }
0x72: {  	_ =	swait.ge [sflag:s10], $0x80  }
0x73: {  	[sflag:s10] =	ssyncset.done $0x0  }
0x74: {  	[sflag:s10] =	ssyncadd.s32 $0xFFFFFF80  }
0x75: {  	[spmem:s2] =	stream.indirect.scatter.add.f32 [tilespmem:s17], [sflag:$0x1], $0x1, s18, s15, $0xb8;
	[tilespmem:$0xA180] =	vst v63  }
0x76: {  	_ =	swait.ge [sflag:s10], $0x80  }
0x77: {  	s24 =	simm.s32 $0x400;
	s21 =	simm.s32 $0x200;
	[sflag:s10] =	ssyncset.done $0x0  }
.LBB2_2:
0x78: {  	s23 =	sshra.s32 s21, $0x2  }
0x79: {  	[sflag:s10] =	ssyncadd.s32 $0xFFFFFF80;
	s21 =	smov.u32 s24;
	s22 =	sadd.s32 $0x200, s24  }
0x7a: {  	p0 =	sne.s32 s24, $0x9E00;
	v1 =	vld [tilespmem:s23+$0x0]  }
0x7b: {  	v2 =	vld [tilespmem:s23+$0x2800];
	_ =	sdelay $0x3  }
0x7c: {  	v1 =	vshll.u32 v1, $0x4  }
0x7d: {  	v2 =	vadd.s32 v2, v1  }
0x7e: {  	[tilespmem:$0x7800] =	vst v2  }
0x7f: {  	v2 =	vld [tilespmem:s23+$0x5000];
	_ =	sdelay $0x4  }
0x80: {  	v1 =	vadd.s32 v1, v2  }
0x81: {  	v1 =	vadd.s32 $0x8, v1  }
0x82: {  	[tilespmem:$0x7880] =	vst v1  }
0x83: {  	v1 =	vld [tilespmem:s23+$0x10]  }
0x84: {  	v2 =	vld [tilespmem:s23+$0x2810];
	_ =	sdelay $0x3  }
0x85: {  	v1 =	vshll.u32 v1, $0x4  }
0x86: {  	v2 =	vadd.s32 v2, v1  }
0x87: {  	[tilespmem:$0x7810] =	vst v2  }
0x88: {  	v2 =	vld [tilespmem:s23+$0x5010];
	_ =	sdelay $0x4  }
0x89: {  	v1 =	vadd.s32 v1, v2  }
0x8a: {  	v1 =	vadd.s32 $0x8, v1  }
0x8b: {  	[tilespmem:$0x7890] =	vst v1  }
0x8c: {  	v1 =	vld [tilespmem:s23+$0x20]  }
0x8d: {  	v2 =	vld [tilespmem:s23+$0x2820];
	_ =	sdelay $0x3  }
0x8e: {  	v1 =	vshll.u32 v1, $0x4  }
0x8f: {  	v2 =	vadd.s32 v2, v1  }
0x90: {  	[tilespmem:$0x7820] =	vst v2  }
0x91: {  	v2 =	vld [tilespmem:s23+$0x5020];
	_ =	sdelay $0x4  }
0x92: {  	v1 =	vadd.s32 v1, v2  }
0x93: {  	v1 =	vadd.s32 $0x8, v1  }
0x94: {  	[tilespmem:$0x78A0] =	vst v1  }
0x95: {  	v1 =	vld [tilespmem:s23+$0x30]  }
0x96: {  	v2 =	vld [tilespmem:s23+$0x2830];
	_ =	sdelay $0x3  }
0x97: {  	v1 =	vshll.u32 v1, $0x4  }
0x98: {  	v2 =	vadd.s32 v2, v1  }
0x99: {  	[tilespmem:$0x7830] =	vst v2  }
0x9a: {  	v2 =	vld [tilespmem:s23+$0x5030];
	_ =	sdelay $0x4  }
0x9b: {  	v1 =	vadd.s32 v1, v2  }
0x9c: {  	v1 =	vadd.s32 $0x8, v1  }
0x9d: {  	[tilespmem:$0x78B0] =	vst v1  }
0x9e: {  	v1 =	vld [tilespmem:s23+$0x40]  }
0x9f: {  	v2 =	vld [tilespmem:s23+$0x2840];
	_ =	sdelay $0x3  }
0xa0: {  	v1 =	vshll.u32 v1, $0x4  }
0xa1: {  	v2 =	vadd.s32 v2, v1  }
0xa2: {  	[tilespmem:$0x7840] =	vst v2  }
0xa3: {  	v2 =	vld [tilespmem:s23+$0x5040];
	_ =	sdelay $0x4  }
0xa4: {  	v1 =	vadd.s32 v1, v2  }
0xa5: {  	v1 =	vadd.s32 $0x8, v1  }
0xa6: {  	[tilespmem:$0x78C0] =	vst v1  }
0xa7: {  	v1 =	vld [tilespmem:s23+$0x50]  }
0xa8: {  	v2 =	vld [tilespmem:s23+$0x2850];
	_ =	sdelay $0x3  }
0xa9: {  	v1 =	vshll.u32 v1, $0x4  }
0xaa: {  	v2 =	vadd.s32 v2, v1  }
0xab: {  	[tilespmem:$0x7850] =	vst v2  }
0xac: {  	v2 =	vld [tilespmem:s23+$0x5050];
	_ =	sdelay $0x4  }
0xad: {  	v1 =	vadd.s32 v1, v2  }
0xae: {  	v1 =	vadd.s32 $0x8, v1  }
0xaf: {  	[tilespmem:$0x78D0] =	vst v1  }
0xb0: {  	v1 =	vld [tilespmem:s23+$0x60]  }
0xb1: {  	v2 =	vld [tilespmem:s23+$0x2860];
	_ =	sdelay $0x3  }
0xb2: {  	v1 =	vshll.u32 v1, $0x4  }
0xb3: {  	v2 =	vadd.s32 v2, v1  }
0xb4: {  	[tilespmem:$0x7860] =	vst v2  }
0xb5: {  	v2 =	vld [tilespmem:s23+$0x5060];
	_ =	sdelay $0x4  }
0xb6: {  	v1 =	vadd.s32 v1, v2  }
0xb7: {  	v1 =	vadd.s32 $0x8, v1  }
0xb8: {  	[tilespmem:$0x78E0] =	vst v1  }
0xb9: {  	v1 =	vld [tilespmem:s23+$0x70]  }
0xba: {  	v2 =	vld [tilespmem:s23+$0x2870];
	_ =	sdelay $0x3  }
0xbb: {  	v1 =	vshll.u32 v1, $0x4  }
0xbc: {  	v2 =	vadd.s32 v2, v1  }
0xbd: {  	[tilespmem:$0x7870] =	vst v2  }
0xbe: {  	v2 =	vld [tilespmem:s23+$0x5070];
	_ =	sdelay $0x4  }
0xbf: {  	v1 =	vadd.s32 v1, v2  }
0xc0: {  	v1 =	vadd.s32 $0x8, v1  }
0xc1: {  	[tilespmem:$0x78F0] =	vst v1  }
0xc2: {  	[spmem:s2] =	stream.indirect.scatter.add.f32 [tilespmem:s17], [sflag:$0x1], $0x1, s16, s15, $0xb8;
	[tilespmem:$0xA180] =	vst v63  }
0xc3: {  	_ =	swait.ge [sflag:s10], $0x80  }
.Ltmp0:
0xc4: {  	[sflag:s10] =	ssyncset.done $0x0;
	(pc) =	sbr.rel @p0 .LBB2_2-.Ltmp0, $4  }
0xc5: {  	[sflag:s10] =	ssyncadd.s32 $0xFFFFFF80  }
0xc6: {  	[spmem:s2] =	stream.indirect.scatter.add.f32 [tilespmem:s17], [sflag:$0x1], $0x1, s18, s15, $0xb8;
	[tilespmem:$0xA180] =	vst v63  }
0xc7: {  	_ =	swait.ge [sflag:s10], $0x80  }
0xc8: {  	s24 =	smov.u32 s22;
	[sflag:s10] =	ssyncset.done $0x0  }
0xc9: {  	s21 =	sshra.s32 s21, $0x2;
	[sflag:s10] =	ssyncadd.s32 $0xFFFFFF80  }
0xca: {  	v1 =	vld [tilespmem:s21+$0x0]  }
0xcb: {  	v2 =	vld [tilespmem:s21+$0x2800];
	_ =	sdelay $0x3  }
0xcc: {  	v1 =	vshll.u32 v1, $0x4  }
0xcd: {  	v2 =	vadd.s32 v2, v1  }
0xce: {  	[tilespmem:$0x7800] =	vst v2  }
0xcf: {  	v2 =	vld [tilespmem:s21+$0x5000];
	_ =	sdelay $0x4  }
0xd0: {  	v1 =	vadd.s32 v1, v2  }
0xd1: {  	v1 =	vadd.s32 $0x8, v1  }
0xd2: {  	[tilespmem:$0x7880] =	vst v1  }
0xd3: {  	v1 =	vld [tilespmem:s21+$0x10]  }
0xd4: {  	v2 =	vld [tilespmem:s21+$0x2810];
	_ =	sdelay $0x3  }
0xd5: {  	v1 =	vshll.u32 v1, $0x4  }
0xd6: {  	v2 =	vadd.s32 v2, v1  }
0xd7: {  	[tilespmem:$0x7810] =	vst v2  }
0xd8: {  	v2 =	vld [tilespmem:s21+$0x5010];
	_ =	sdelay $0x4  }
0xd9: {  	v1 =	vadd.s32 v1, v2  }
0xda: {  	v1 =	vadd.s32 $0x8, v1  }
0xdb: {  	[tilespmem:$0x7890] =	vst v1  }
0xdc: {  	v1 =	vld [tilespmem:s21+$0x20]  }
0xdd: {  	v2 =	vld [tilespmem:s21+$0x2820];
	_ =	sdelay $0x3  }
0xde: {  	v1 =	vshll.u32 v1, $0x4  }
0xdf: {  	v2 =	vadd.s32 v2, v1  }
0xe0: {  	[tilespmem:$0x7820] =	vst v2  }
0xe1: {  	v2 =	vld [tilespmem:s21+$0x5020];
	_ =	sdelay $0x4  }
0xe2: {  	v1 =	vadd.s32 v1, v2  }
0xe3: {  	v1 =	vadd.s32 $0x8, v1  }
0xe4: {  	[tilespmem:$0x78A0] =	vst v1  }
0xe5: {  	v1 =	vld [tilespmem:s21+$0x30]  }
0xe6: {  	v2 =	vld [tilespmem:s21+$0x2830];
	_ =	sdelay $0x3  }
0xe7: {  	v1 =	vshll.u32 v1, $0x4  }
0xe8: {  	v2 =	vadd.s32 v2, v1  }
0xe9: {  	[tilespmem:$0x7830] =	vst v2  }
0xea: {  	v2 =	vld [tilespmem:s21+$0x5030];
	_ =	sdelay $0x4  }
0xeb: {  	v1 =	vadd.s32 v1, v2  }
0xec: {  	v1 =	vadd.s32 $0x8, v1  }
0xed: {  	[tilespmem:$0x78B0] =	vst v1  }
0xee: {  	v1 =	vld [tilespmem:s21+$0x40]  }
0xef: {  	v2 =	vld [tilespmem:s21+$0x2840];
	_ =	sdelay $0x3  }
0xf0: {  	v1 =	vshll.u32 v1, $0x4  }
0xf1: {  	v2 =	vadd.s32 v2, v1  }
0xf2: {  	[tilespmem:$0x7840] =	vst v2  }
0xf3: {  	v2 =	vld [tilespmem:s21+$0x5040];
	_ =	sdelay $0x4  }
0xf4: {  	v1 =	vadd.s32 v1, v2  }
0xf5: {  	v1 =	vadd.s32 $0x8, v1  }
0xf6: {  	[tilespmem:$0x78C0] =	vst v1  }
0xf7: {  	v1 =	vld [tilespmem:s21+$0x50]  }
0xf8: {  	v2 =	vld [tilespmem:s21+$0x2850];
	_ =	sdelay $0x3  }
0xf9: {  	v1 =	vshll.u32 v1, $0x4  }
0xfa: {  	v2 =	vadd.s32 v2, v1  }
0xfb: {  	[tilespmem:$0x7850] =	vst v2  }
0xfc: {  	v2 =	vld [tilespmem:s21+$0x5050];
	_ =	sdelay $0x4  }
0xfd: {  	v1 =	vadd.s32 v1, v2  }
0xfe: {  	v1 =	vadd.s32 $0x8, v1  }
0xff: {  	[tilespmem:$0x78D0] =	vst v1  }
0x100: {  	v1 =	vld [tilespmem:s21+$0x60]  }
0x101: {  	v2 =	vld [tilespmem:s21+$0x2860];
	_ =	sdelay $0x3  }
0x102: {  	v1 =	vshll.u32 v1, $0x4  }
0x103: {  	v2 =	vadd.s32 v2, v1  }
0x104: {  	[tilespmem:$0x7860] =	vst v2  }
0x105: {  	v2 =	vld [tilespmem:s21+$0x5060];
	_ =	sdelay $0x4  }
0x106: {  	v1 =	vadd.s32 v1, v2  }
0x107: {  	v1 =	vadd.s32 $0x8, v1  }
0x108: {  	[tilespmem:$0x78E0] =	vst v1  }
0x109: {  	v1 =	vld [tilespmem:s21+$0x70]  }
0x10a: {  	v2 =	vld [tilespmem:s21+$0x2870];
	_ =	sdelay $0x3  }
0x10b: {  	v1 =	vshll.u32 v1, $0x4  }
0x10c: {  	v2 =	vadd.s32 v2, v1  }
0x10d: {  	[tilespmem:$0x7870] =	vst v2  }
0x10e: {  	v2 =	vld [tilespmem:s21+$0x5070];
	_ =	sdelay $0x4  }
0x10f: {  	v1 =	vadd.s32 v1, v2  }
0x110: {  	v1 =	vadd.s32 $0x8, v1  }
0x111: {  	[tilespmem:$0x78F0] =	vst v1  }
0x112: {  	[spmem:s2] =	stream.indirect.scatter.add.f32 [tilespmem:s17], [sflag:$0x1], $0x1, s16, s15, $0xb8;
	[tilespmem:$0xA180] =	vst v63  }
0x113: {  	_ =	swait.ge [sflag:s10], $0x80  }
0x114: {  	[sflag:s10] =	ssyncset.done $0x0  }
0x115: {  	[sflag:s10] =	ssyncadd.s32 $0xFFFFFF80  }
0x116: {  	[spmem:s2] =	stream.indirect.scatter.add.f32 [tilespmem:s17], [sflag:$0x1], $0x1, s18, s15, $0xb8;
	[tilespmem:$0xA180] =	vst v63  }
0x117: {  	_ =	swait.ge [sflag:s10], $0x80  }
0x118: {  	s20 =	sadd.s32 $0x1, s20;
	[sflag:s10] =	ssyncset.done $0x0  }
0x119: {  	p0 =	sne.s32 s20, s9;
	[sflag:s10] =	ssyncadd.s32 $0xFFFFFF80  }
.Ltmp1:
0x11a: {  	[bflag:$0x0] =	sbarrier.arrive $0xFFFF;
	(pc) =	sbr.rel @p0 .LBB2_1-.Ltmp1, $4  }
0x11b: {  	[hbm:s8@s15], [sflag:s13] =	dma.strided [spmem:s14@s19], $0x500, s10, $0x10   }
0x11c: {  	_ =	swait.ge [sflag:s10], $0x500  }
0x11d: {  	[sflag:s10] =	ssyncset.done $0x0  }
0x11e: {  	[sflag:s10] =	ssyncadd.s32 $0xFFFFFB00  }
0x11f: {  	_ =	sfence.sel $0x180000  }
0x120: {  	[bflag:$0x0] =	sbarrier.arrive $0xFFFF  }
0x121: {  	p0 =	sne.s32 s1, $0x0;
	_ =	strace $0x90000047  }
0x122: {  	s0 =	sadd.s32 @!p0 $0x100000, s0;
	[bflag:$0x2] =	sbarrier.arrive $0xFFFF  }
0x123: {  	[sflag:s0] =	ssyncadd.tile.s32 @!p0 $0x1;
	_ =	shalt  }
.Lfunc_end2:
_tile_overlayer_lowered:
.L_overlay_start_2:
0x124: {  	(tag) =	ssettag $0x2  }
0x125: {  	s0 =	rddreg [dreg:$0x0];
	s2 =	stileid.u32  }
0x126: {  	s1 =	rddreg [dreg:$0x1];
	p0 =	sne.s32 s2, $0x0  }
0x127: {  	s3 =	rddreg [dreg:$0x2];
	[bflag:$0x3] =	sbarrier.arrive $0xFFFF;
	s2 =	simm.s32 @!p0 $0x1C01  }
0x128: {  	[timem:s3], [sflag:s2] =	dma.local @!p0 [hbm:s0], s1  }
0x129: {  	s0 =	simm.s32 @!p0 $0x1  }
0x12a: {  	_ =	swait.ge @!p0 [sflag:s0], s1  }
0x12b: {  	s1 =	ssub.s32 @!p0 $0x0, s1;
	[sflag:s0] =	ssyncset.done @!p0 $0x0  }
0x12c: {  	[sflag:s0] =	ssyncadd.s32 @!p0 s1  }
0x12d: {  	[bflag:$0x3] =	sbarrier.arrive $0xFFFF  }
0x12e: {  	_ =	shalt  }

// kernel: kernel.17.cloned.1.call-start
scs
__scs_entry_jumppad:
0x0: {  	(pc) =	sbr.rel $0x88, $3  }
0x1: {  	(tag) =	ssettag $0x0;
	lr =	simm.s32 $0x1  }
0x2: {  	[smem:$0x3F94] =	sst lr;
	_ =	strace $0xD0000000  }
0x3: {  	_ = 	snop  }
0x4: {  	_ = 	snop  }
0x5: {  	_ = 	snop  }
0x6: {  	_ = 	snop  }
0x7: {  	_ = 	snop  }
__scs_overlays_trampoline_lowered:
0x8: {  	[smem:$0x3FA3] =	sst s0  }
0x9: {  	[smem:$0x3FA4] =	sst s1  }
0xa: {  	[smem:$0x3FA5] =	sst s2  }
0xb: {  	[smem:$0x3FA6] =	sst s3  }
0xc: {  	[smem:$0x3FA7] =	sst s4  }
0xd: {  	[smem:$0x3FA8] =	sst s5  }
0xe: {  	[smem:$0x3FA9] =	sst s6  }
0xf: {  	[smem:$0x3FAA] =	sst s7  }
0x10: {  	[smem:$0x3FAB] =	sst s8  }
0x11: {  	[smem:$0x3FAC] =	sst s9;
	s0 =	simm.s32 @!p0 $0x0  }
0x12: {  	s1 =	sld [smem:$0x3F92];
	s0 =	simm.s32 @p0 $0x1  }
0x13: {  	[smem:$0x3FAD] =	sst s0;
	s0 =	simm.s32 @!p1 $0x0  }
0x14: {  	s2 =	sld [smem:$0x3F91];
	s0 =	simm.s32 @p1 $0x1  }
0x15: {  	[smem:$0x3FAE] =	sst s0;
	s0 =	simm.s32 @!p2 $0x0  }
0x16: {  	s3 =	sld [smem:$0x3FDB];
	s0 =	simm.s32 @p2 $0x1  }
0x17: {  	s4 =	simm.s32 $0x1BF5;
	[smem:$0x3FB0] =	sst s0  }
0x18: {  	s0 =	sld [smem:$0x3F93];
	_ =	swait.ge [sflag:s4], $0x0  }
0x19: {  	s7 =	sld [smem:$0x3F94]  }
0x1a: {  	s8 =	sadd.s32 $0xFFFFE003, lr  }
0x1b: {  	s9 =	sadd.s32 $0xFFFFFEF7, lr;
	s5 =	simm.s32 $0xFFFFFFFF;
	p2 =	slt.u32 s8, $0xFFFFF086  }
0x1c: {  	p1 =	slt.u32 s9, $0xF7A;
	s5 =	simm.s32 @!p2 $0x0  }
0x1d: {  	s5 =	simm.s32 @p1 $0x1;
	p0 =	seq.s32 s7, s2  }
0x1e: {  	s7 =	smul.u32 @!p0 $0xF7A, s2;
	p2 =	seq.s32 @!p0 s5, $0x0  }
0x1f: {  	s9 =	smul.u32 $0xF7A, s1;
	s8 =	simm.s32 @!p0 $0x1BF5;
	p2 =	por !p2, p0  }
0x20: {  	[sflag:s8] =	ssyncset.s32 @!p0 $0xFFFFF086;
	s6 =	sadd.s32 @!p0 s3, s7;
	s7 =	simm.s32 @!p0 $0x108  }
0x21: {  	s3 =	sadd.s32 s3, s9;
	s6 =	sadd.s32 @!p0 $0x88, s6;
	s7 =	simm.s32 @p2 $0x1082  }
0x22: {  	[simem:s7], [sflag:s8] =	dma.local @!p0 [hbm:s6], $0xF7A  }
0x23: {  	s9 =	sor.u32 $0xD0000000, s2;
	s6 =	simm.s32 $0x108;
	_ =	swait.ge @!p0 [sflag:s8], $0x0  }
0x24: {  	s3 =	sadd.s32 $0x88, s3;
	s6 =	simm.s32 @!p1 $0x1082;
	[sflag:s4] =	ssyncset.s32 $0xFFFFF086  }
0x25: {  	[simem:s6], [sflag:s4] =	dma.local [hbm:s3], $0xF7A  }
0x26: {  	[smem:$0x3F94] =	sst s1;
	(tag) =	ssettag s2;
	_ =	strace s9  }
0x27: {  	s1 =	sld [smem:$0x3FA4]  }
0x28: {  	s2 =	sld [smem:$0x3FA5]  }
0x29: {  	s4 =	sld [smem:$0x3FA7]  }
0x2a: {  	p0 =	seq.s32 s5, $0x0;
	s5 =	sld [smem:$0x3FA8]  }
0x2b: {  	s6 =	sld [smem:$0x3FA9]  }
0x2c: {  	s7 =	sld [smem:$0x3FAA]  }
0x2d: {  	s3 =	simm.s32 $0x108;
	s8 =	sld [smem:$0x3FAB]  }
0x2e: {  	s3 =	simm.s32 @!p0 $0x1082;
	s9 =	sld [smem:$0x3FAC]  }
0x2f: {  	lr =	sadd.s32 s0, s3;
	s0 =	sld [smem:$0x3FA3]  }
0x30: {  	s3 =	sld [smem:$0x3FA6]  }
0x31: {  	[smem:$0x3FAF] =	sst s10  }
0x32: {  	s10 =	sld [smem:$0x3FAD];
	_ =	sdelay $0x3  }
0x33: {  	p0 =	seq.s32 s10, $0x1;
	s10 =	sld [smem:$0x3FAF];
	_ =	sdelay $0x3  }
0x34: {  	[smem:$0x3FAF] =	sst s10  }
0x35: {  	s10 =	sld [smem:$0x3FAE];
	_ =	sdelay $0x3  }
0x36: {  	p1 =	seq.s32 s10, $0x1;
	s10 =	sld [smem:$0x3FAF];
	_ =	sdelay $0x3  }
0x37: {  	[smem:$0x3FAF] =	sst s10  }
0x38: {  	s10 =	sld [smem:$0x3FB0]  }
0x39: {  	_ = 	snop;
	(pc) =	sbr.ind lr, $3  }
0x3a: {  	_ = 	snop  }
0x3b: {  	_ = 	snop  }
0x3c: {  	p2 =	seq.s32 s10, $0x1;
	s10 =	sld [smem:$0x3FAF]  }
0x3d: {  	_ =	shalt  }
0x3e: {  	_ =	shalt  }
0x3f: {  	_ =	shalt  }
0x40: {  	_ =	shalt  }
0x41: {  	_ =	shalt  }
0x42: {  	_ =	shalt  }
0x43: {  	_ =	shalt  }
0x44: {  	_ =	shalt  }
0x45: {  	_ =	shalt  }
0x46: {  	_ =	shalt  }
0x47: {  	_ =	shalt  }
0x48: {  	_ =	shalt  }
0x49: {  	_ =	shalt  }
0x4a: {  	_ =	shalt  }
0x4b: {  	_ =	shalt  }
0x4c: {  	_ =	shalt  }
0x4d: {  	_ =	shalt  }
0x4e: {  	_ =	shalt  }
0x4f: {  	_ =	shalt  }
0x50: {  	_ =	shalt  }
0x51: {  	_ =	shalt  }
0x52: {  	_ =	shalt  }
0x53: {  	_ =	shalt  }
0x54: {  	_ =	shalt  }
0x55: {  	_ =	shalt  }
0x56: {  	_ =	shalt  }
0x57: {  	_ =	shalt  }
0x58: {  	_ =	shalt  }
0x59: {  	_ =	shalt  }
0x5a: {  	_ =	shalt  }
0x5b: {  	_ =	shalt  }
0x5c: {  	_ =	shalt  }
0x5d: {  	_ =	shalt  }
0x5e: {  	_ =	shalt  }
0x5f: {  	_ =	shalt  }
0x60: {  	_ =	shalt  }
0x61: {  	_ =	shalt  }
0x62: {  	_ =	shalt  }
0x63: {  	_ =	shalt  }
0x64: {  	_ =	shalt  }
0x65: {  	_ =	shalt  }
0x66: {  	_ =	shalt  }
0x67: {  	_ =	shalt  }
0x68: {  	_ =	shalt  }
0x69: {  	_ =	shalt  }
0x6a: {  	_ =	shalt  }
0x6b: {  	_ =	shalt  }
0x6c: {  	_ =	shalt  }
0x6d: {  	_ =	shalt  }
0x6e: {  	_ =	shalt  }
0x6f: {  	_ =	shalt  }
0x70: {  	_ =	shalt  }
0x71: {  	_ =	shalt  }
0x72: {  	_ =	shalt  }
0x73: {  	_ =	shalt  }
0x74: {  	_ =	shalt  }
0x75: {  	_ =	shalt  }
0x76: {  	_ =	shalt  }
0x77: {  	_ =	shalt  }
0x78: {  	_ =	shalt  }
0x79: {  	_ =	shalt  }
0x7a: {  	_ =	shalt  }
0x7b: {  	_ =	shalt  }
0x7c: {  	_ =	shalt  }
0x7d: {  	_ =	shalt  }
0x7e: {  	_ =	shalt  }
0x7f: {  	_ =	shalt  }
0x80: {  	_ =	shalt  }
0x81: {  	_ =	shalt  }
0x82: {  	_ =	shalt  }
0x83: {  	_ =	shalt  }
0x84: {  	_ =	shalt  }
0x85: {  	_ =	shalt  }
0x86: {  	_ =	shalt  }
0x87: {  	_ =	shalt  }
.Lfunc_end0:
.L_simem_size_0:
called_computation.1_lowered:
.L_overlay_start_0:
0x88: {  	s2 =	sld [smem:$0x3FD9]  }
0x89: {  	s3 =	sld [smem:$0x3FFE];
	_ =	sdelay $0x1  }
0x8a: {  	s1 =	srdreg.scid  }
0x8b: {  	s0 =	sand.u32 $0x1, s1  }
0x8c: {  	s17 =	sshll.u32 s0, $0xA;
	s2 =	sadd.s32 s3, s2  }
0x8d: {  	s2 =	sadd.s32 s2, s17  }
0x8e: {  	[smem:$0x3FBB] =	sst s2  }
0x8f: {  	_ = 	snop  }
0x90: {  	s18 =	sld [smem:$0x3FD0];
	(tm) =	ssettm $0x1  }
0x91: {  	s19 =	sld [smem:$0x3FFB];
	_ =	sdelay $0x3  }
0x92: {  	_ =	strace s19  }
0x93: {  	s2 =	sld [smem:$0x3FFC];
	_ =	sdelay $0x3  }
0x94: {  	_ =	strace s2  }
0x95: {  	s2 =	sld [smem:$0x3FFD];
	_ =	sdelay $0x3  }
0x96: {  	_ =	strace s2  }
0x97: {  	_ =	strace $0x8FFFFFFF  }
0x98: {  	s20 =	sld [smem:$0x3FDB];
	_ =	sdelay $0x1  }
0x99: {  	s4 =	simm.s32 $_scs_section_size  }
0x9a: {  	s5 =	simm.s32 $_size__tile_overlayer_lowered;
	s6 =	simm.s32 $_tile_overlayer_lowered  }
0x9b: {  	s7 =	simm.s32 $0x1BFF;
	s21 =	sshll.u32 s6, $0x1;
	s4 =	sadd.s32 s4, s20  }
0x9c: {  	s22 =	simm.s32 $0x0;
	s5 =	sshll.u32 s5, $0x1;
	s6 =	sadd.s32 s21, s4  }
0x9d: {  	[timem:s22], [sflag:s7] =	dma.local [hbm:s6], s5  }
0x9e: {  	_ =	swait.ge [sflag:s7], s5  }
0x9f: {  	s5 =	ssub.s32 $0x0, s5;
	[sflag:s7] =	ssyncset.done $0x0  }
0xa0: {  	[sflag:s7] =	ssyncadd.s32 s5;
	_ =	sdelay $0x1  }
0xa1: {  	s23 =	simm.s32 $0x1B8B  }
0xa2: {  	_ =	swait.ge [sflag:s23], $0x1  }
0xa3: {  	[sflag:s23] =	ssyncset.done $0x0  }
0xa4: {  	[sflag:s23] =	ssyncadd.s32 $0xFFFFFFFF  }
0xa5: {  	s5 =	sld [smem:$0x0]  }
0xa6: {  	s6 =	sand.u32 $0xFFFFFFFE, s1  }
0xa7: {  	p0 =	sne.s32 s1, s6  }
0xa8: {  	s6 =	sshll.u32 @p0 s6, $0xE  }
0xa9: {  	s6 =	sadd.s32 @p0 $0x11B8D, s6;
	s7 =	sshll.u32 @p0 s5, $0x11  }
0xaa: {  	s6 =	sor.u32 @p0 s7, s6  }
0xab: {  	[sflag:s6] =	ssyncadd.remote.s32 @p0 $0x1;
	_ =	sdelay $0x1  }
0xac: {  	s6 =	simm.s32 @p0 $0x1B8D  }
0xad: {  	_ =	swait.eq @p0 [sflag:s6], $0x1  }
0xae: {  	[sflag:s6] =	ssyncadd.s32 @p0 $0xFFFFFFFF  }
0xaf: {  	s7 =	sshll.u32 @!p0 s1, $0xE  }
0xb0: {  	s7 =	sor.u32 @!p0 $0x4000, s7;
	s6 =	simm.s32 @!p0 $0x1B8D  }
0xb1: {  	s5 =	sshll.u32 @!p0 s5, $0x11;
	s7 =	sadd.s32 @!p0 $0x11B8D, s7;
	_ =	swait.eq @!p0 [sflag:s6], $0x1  }
0xb2: {  	s5 =	sor.u32 @!p0 s5, s7;
	[sflag:s6] =	ssyncadd.s32 @!p0 $0xFFFFFFFF  }
0xb3: {  	s25 =	simm.s32 $0x1B8E;
	s24 =	sld [smem:$0x3FFE];
	[sflag:s5] =	ssyncadd.remote.s32 @!p0 $0x1  }
0xb4: {  	s26 =	simm.s32 $execute0_lowered;
	[smem:$0x3FD2] =	sst s25  }
0xb5: {  	s6 =	sshll.u32 s26, $0x1;
	_ =	strace $0x80000049;
	[dreg:$0x1] =	wrdreg $0xFFFFFFFF  }
0xb6: {  	s28 =	simm.s32 $_size_execute0_lowered;
	s4 =	sadd.s32 s4, s6;
	[dreg:$0x0] =	wrdreg $0x0  }
0xb7: {  	s6 =	sshll.u32 s28, $0x1;
	[dreg:$0x2] =	wrdreg s4  }
0xb8: {  	[dreg:$0x3] =	wrdreg s6  }
0xb9: {  	[dreg:$0x4] =	wrdreg $0xC0  }
0xba: {  	_ =	task [dreg:s22], $0x5FFFF  }
0xbb: {  	[dreg:$0x1] =	wrdreg $0xFFFFFFFF  }
0xbc: {  	[dreg:$0x0] =	wrdreg $0x60  }
0xbd: {  	[dreg:$0x2] =	wrdreg s18  }
0xbe: {  	[dreg:$0x3] =	wrdreg s24  }
0xbf: {  	[dreg:$0x4] =	wrdreg $0xA8000  }
0xc0: {  	[dreg:$0x5] =	wrdreg $0xA  }
0xc1: {  	_ =	task.clear_ibuf [dreg:s22], $0x6FFFF;
	_ =	strace $0x90000049  }
0xc2: {  	s29 =	simm.s32 $0xA;
	_ =	strace $0x8000004B  }
0xc3: {  	_ =	swait.ge [sflag:s29], $0x1  }
0xc4: {  	[sflag:s29] =	ssyncadd.s32 $0xFFFFFFFF  }
0xc5: {  	_ =	strace $0x9000004B  }
0xc6: {  	_ =	sfence  }
0xc7: {  	s30 =	sld [smem:$0x0];
	_ =	sdelay $0x2  }
0xc8: {  	s31 =	sshll.u32 s1, $0xD;
	s1 =	sshrl.u32 s1, $0x2  }
0xc9: {  	s4 =	sand.u32 $0x4000, s31;
	s1 =	sadd.s32 s1, s30  }
0xca: {  	s0 =	sor.u32 s4, s0;
	s1 =	sshll.u32 s1, $0x11  }
0xcb: {  	s0 =	sor.u32 s1, s0  }
0xcc: {  	s0 =	sadd.s32 $0x8F2B, s0  }
0xcd: {  	[sflag:s0] =	ssyncadd.remote.s32 $0x1  }
0xce: {  	_ =	sfence.sel $0xFFFF  }
0xcf: {  	[dreg:$0x0] =	wrdreg $0xFFFFFFFF;
	(pc) =	sbr.abs _section_cstart, $3  }
0xd0: {  	[dreg:$0x1] =	wrdreg $0xFFFFFFFF  }
0xd1: {  	_ =	task.clear_ibuf [dreg:s22], $0x2FFFF;
	_ =	strace $0x9FFFFFFF  }
0xd2: {  	(tm) =	ssettm $0x7FFFFFFF  }
0xd3: {  	_ =	shalt  }
tec
execute0_lowered:
.L_overlay_start_1:
0x0: {  	(tag) =	ssettag $0x1  }
0x1: {  	s1 =	rddreg [dreg:$0x0]  }
0x2: {  	s6 =	rddreg [dreg:$0x1]  }
0x3: {  	s2 =	rddreg [dreg:$0x2]  }
0x4: {  	s3 =	srdreg.scid;
	s0 =	rddreg [dreg:$0x3];
	s4 =	simm.s32 $0x0  }
0x5: {  	s15 =	simm.s32 $0x1400;
	s16 =	simm.s32 $0x80;
	s17 =	simm.s32 $0x2800  }
0x6: {  	s18 =	simm.s32 $0x6800;
	s19 =	simm.s32 $0x1;
	s20 =	simm.s32 $0x2  }
0x7: {  	s21 =	simm.s32 $0x2700;
	s22 =	simm.s32 $0x2780;
	s23 =	simm.s32 $0x0  }
0x8: {  	s7 =	sand.u32 $0x1, s3;
	[smem:$0x7FF] =	sst s4;
	s3 =	stileid.u32  }
0x9: {  	s9 =	sadd.s32 $0x19C00, s6;
	s10 =	sadd.s32 $0x23C00, s6;
	s5 =	sshll.u32 s7, $0x4  }
0xa: {  	_ =	strace $0x8000004A;
	s12 =	smul.u32 $0x4E400, s3;
	s8 =	sor.u32 s3, s5  }
0xb: {  	s7 =	ssub.s32 $0x2, s7;
	s30 =	sshll.u32 s3, $0x6;
	s11 =	smul.u32 $0x2780, s8  }
0xc: {  	s28 =	sshrl.u32 s7, $0x1;
	s8 =	smul.u32 $0x2800, s8;
	s29 =	sshrl.u32 s12, $0x2  }
0xd: {  	s5 =	sadd.s32 $0x38200, s6;
	s13 =	ssub.s32 s7, s28;
	s14 =	sadd.s32 s29, s2  }
0xe: {  	s11 =	sadd.s32 s11, s6;
	s6 =	sor.u32 $0x1C03, s30;
	s31 =	sshrl.u32 s8, $0x3  }
0xf: {  	s7 =	sadd.s32 s9, s31;
	s8 =	sadd.s32 s10, s31;
	s12 =	sadd.s32 $0x280, s31  }
0x10: {  	s11 =	sadd.s32 $0x3AA00, s11;
	s9 =	sadd.s32 s9, s12;
	s10 =	sadd.s32 s10, s12  }
0x11: {  	s12 =	smax.u32 s13, $0x1;
	s13 =	sshrl.u32 s14, $0x3;
	s14 =	simm.s32 $0x3  }
.LBB2_1:
0x12: {  	[spmem:s13], [sflag:s6] =	dma.local [hbm:s5], $0x2720  }
0x13: {  	_ =	swait.ge [sflag:s14], $0x2720  }
0x14: {  	[sflag:s14] =	ssyncset.done $0x0  }
0x15: {  	[sflag:s14] =	ssyncadd.s32 $0xFFFFD8E0  }
0x16: {  	[bflag:$0x0] =	sbarrier.arrive $0xFFFF  }
0x17: {  	[tilespmem:s4], [sflag:$0x3] =	stream.linear.gather [hbm4b:s7+s4], $0x1400, $0x38;
	[tilespmem:$0x1E100] =	vst v63  }
0x18: {  	_ =	swait.ge [sflag:s14], $0x1400  }
0x19: {  	[sflag:s14] =	ssyncset.done $0x0  }
0x1a: {  	[sflag:s14] =	ssyncadd.s32 $0xFFFFEC00  }
0x1b: {  	[tilespmem:s15], [sflag:$0x3] =	stream.linear.gather [hbm4b:s8+s4], $0x1400, $0x38;
	[tilespmem:$0x1E100] =	vst v63  }
0x1c: {  	_ =	swait.ge [sflag:s14], $0x1400  }
0x1d: {  	[sflag:s14] =	ssyncset.done $0x0  }
0x1e: {  	[sflag:s14] =	ssyncadd.s32 $0xFFFFEC00  }
0x1f: {  	[tilespmem:s17], [sflag:$0x1] =	stream.indirect.gather [hbm4b:s1+s16], $0x80, s4, s16, $0xb8;
	[tilespmem:$0x1E100] =	vst v63  }
0x20: {  	_ = 	snop  }
0x21: {  	[tilespmem:s18], [sflag:$0x2] =	stream.indirect.gather [hbm4b:s1+s16], $0x80, s16, s16, $0xb8;
	[tilespmem:$0x1E100] =	vst v63  }
0x22: {  	_ =	swait.ge [sflag:s19], $0x4000  }
0x23: {  	[sflag:s19] =	ssyncset.done $0x0  }
0x24: {  	s24 =	simm.s32 $0x1400;
	[sflag:s19] =	ssyncadd.s32 $0xFFFFC000  }
0x25: {  	[spmem:s2] =	stream.indirect.scatter.add.f32 [tilespmem:s17], [sflag:$0x3], $0x80, s24, s16, $0xb8;
	[tilespmem:$0x1E100] =	vst v63  }
0x26: {  	_ =	swait.ge [sflag:s14], $0x4000  }
0x27: {  	[sflag:s14] =	ssyncset.done $0x0  }
0x28: {  	s30 =	simm.s32 $0x100;
	[sflag:s14] =	ssyncadd.s32 $0xFFFFC000  }
0x29: {  	[tilespmem:s17], [sflag:$0x1] =	stream.indirect.gather [hbm4b:s1+s16], $0x80, s30, s16, $0xb8;
	[tilespmem:$0x1E100] =	vst v63  }
0x2a: {  	_ =	swait.ge [sflag:s20], $0x4000  }
0x2b: {  	[sflag:s20] =	ssyncset.done $0x0  }
0x2c: {  	s31 =	simm.s32 $0x1480;
	[sflag:s20] =	ssyncadd.s32 $0xFFFFC000  }
0x2d: {  	[spmem:s2] =	stream.indirect.scatter.add.f32 [tilespmem:s18], [sflag:$0x3], $0x80, s31, s16, $0xb8;
	[tilespmem:$0x1E100] =	vst v63  }
0x2e: {  	_ =	swait.ge [sflag:s14], $0x4000  }
0x2f: {  	[sflag:s14] =	ssyncset.done $0x0  }
0x30: {  	s25 =	simm.s32 $0x180;
	s24 =	simm.s32 $0x400;
	[sflag:s14] =	ssyncadd.s32 $0xFFFFC000  }
.LBB2_2:
0x31: {  	[tilespmem:s18], [sflag:$0x2] =	stream.indirect.gather [hbm4b:s1+s16], $0x80, s25, s16, $0xb8;
	[tilespmem:$0x1E100] =	vst v63  }
0x32: {  	s25 =	smov.u32 s24  }
0x33: {  	p0 =	sne.s32 s24, $0x4800;
	s24 =	sadd.s32 $0x400, s24;
	_ =	swait.ge [sflag:s19], $0x4000  }
0x34: {  	s25 =	sshra.s32 s25, $0x2;
	[sflag:s19] =	ssyncset.done $0x0  }
0x35: {  	s26 =	sadd.s32 $0x1400, s25;
	[sflag:s19] =	ssyncadd.s32 $0xFFFFC000  }
0x36: {  	[spmem:s2] =	stream.indirect.scatter.add.f32 [tilespmem:s17], [sflag:$0x3], $0x80, s26, s16, $0xb8;
	[tilespmem:$0x1E100] =	vst v63  }
0x37: {  	_ =	swait.ge [sflag:s14], $0x4000  }
0x38: {  	[sflag:s14] =	ssyncset.done $0x0  }
0x39: {  	s26 =	sadd.s32 $0x100, s25;
	[sflag:s14] =	ssyncadd.s32 $0xFFFFC000  }
0x3a: {  	[tilespmem:s17], [sflag:$0x1] =	stream.indirect.gather [hbm4b:s1+s16], $0x80, s26, s16, $0xb8;
	[tilespmem:$0x1E100] =	vst v63  }
0x3b: {  	_ =	swait.ge [sflag:s20], $0x4000  }
0x3c: {  	[sflag:s20] =	ssyncset.done $0x0  }
.Ltmp0:
0x3d: {  	s26 =	sadd.s32 $0x1480, s25;
	[sflag:s20] =	ssyncadd.s32 $0xFFFFC000;
	(pc) =	sbr.rel @p0 .LBB2_2-.Ltmp0, $4  }
0x3e: {  	[spmem:s2] =	stream.indirect.scatter.add.f32 [tilespmem:s18], [sflag:$0x3], $0x80, s26, s16, $0xb8;
	[tilespmem:$0x1E100] =	vst v63  }
0x3f: {  	_ =	swait.ge [sflag:s14], $0x4000  }
0x40: {  	[sflag:s14] =	ssyncset.done $0x0  }
0x41: {  	s25 =	sadd.s32 $0x180, s25;
	[sflag:s14] =	ssyncadd.s32 $0xFFFFC000  }
0x42: {  	[tilespmem:s18], [sflag:$0x2] =	stream.indirect.gather [hbm4b:s1+s16], $0x80, s25, s16, $0xb8;
	[tilespmem:$0x1E100] =	vst v63  }
0x43: {  	_ =	swait.ge [sflag:s19], $0x4000  }
0x44: {  	[sflag:s19] =	ssyncset.done $0x0  }
0x45: {  	[sflag:s19] =	ssyncadd.s32 $0xFFFFC000  }
0x46: {  	[spmem:s2] =	stream.indirect.scatter.add.f32 [tilespmem:s17], [sflag:$0x3], $0x80, s21, s16, $0xb8;
	[tilespmem:$0x1E100] =	vst v63  }
0x47: {  	_ =	swait.ge [sflag:s14], $0x4000  }
0x48: {  	[sflag:s14] =	ssyncset.done $0x0  }
0x49: {  	[sflag:s14] =	ssyncadd.s32 $0xFFFFC000  }
0x4a: {  	_ =	swait.ge [sflag:s20], $0x4000  }
0x4b: {  	[sflag:s20] =	ssyncset.done $0x0  }
0x4c: {  	[sflag:s20] =	ssyncadd.s32 $0xFFFFC000  }
0x4d: {  	[spmem:s2] =	stream.indirect.scatter.add.f32 [tilespmem:s18], [sflag:$0x3], $0x80, s22, s16, $0xb8;
	[tilespmem:$0x1E100] =	vst v63  }
0x4e: {  	_ =	swait.ge [sflag:s14], $0x4000  }
0x4f: {  	[sflag:s14] =	ssyncset.done $0x0  }
0x50: {  	s24 =	simm.s32 $0x0;
	[sflag:s14] =	ssyncadd.s32 $0xFFFFC000  }
0x51: {  	[tilespmem:s24], [sflag:$0x3] =	stream.linear.gather [hbm4b:s9+s24], $0x1400, $0x38;
	[tilespmem:$0x1E100] =	vst v63  }
0x52: {  	_ =	swait.ge [sflag:s14], $0x1400  }
0x53: {  	[sflag:s14] =	ssyncset.done $0x0  }
0x54: {  	[sflag:s14] =	ssyncadd.s32 $0xFFFFEC00  }
0x55: {  	[tilespmem:s15], [sflag:$0x3] =	stream.linear.gather [hbm4b:s10+s24], $0x1400, $0x38;
	[tilespmem:$0x1E100] =	vst v63  }
0x56: {  	_ =	swait.ge [sflag:s14], $0x1400  }
0x57: {  	[sflag:s14] =	ssyncset.done $0x0  }
0x58: {  	[sflag:s14] =	ssyncadd.s32 $0xFFFFEC00  }
0x59: {  	[tilespmem:s17], [sflag:$0x1] =	stream.indirect.gather [hbm4b:s1+s16], $0x80, s24, s16, $0xb8;
	[tilespmem:$0x1E100] =	vst v63  }
0x5a: {  	_ = 	snop  }
0x5b: {  	[tilespmem:s18], [sflag:$0x2] =	stream.indirect.gather [hbm4b:s1+s16], $0x80, s16, s16, $0xb8;
	[tilespmem:$0x1E100] =	vst v63  }
0x5c: {  	_ =	swait.ge [sflag:s19], $0x4000  }
0x5d: {  	[sflag:s19] =	ssyncset.done $0x0  }
0x5e: {  	s29 =	simm.s32 $0x1400;
	[sflag:s19] =	ssyncadd.s32 $0xFFFFC000  }
0x5f: {  	[spmem:s2] =	stream.indirect.scatter.add.f32 [tilespmem:s17], [sflag:$0x3], $0x80, s29, s16, $0xb8;
	[tilespmem:$0x1E100] =	vst v63  }
0x60: {  	_ =	swait.ge [sflag:s14], $0x4000  }
0x61: {  	[sflag:s14] =	ssyncset.done $0x0  }
0x62: {  	s30 =	simm.s32 $0x100;
	[sflag:s14] =	ssyncadd.s32 $0xFFFFC000  }
0x63: {  	[tilespmem:s17], [sflag:$0x1] =	stream.indirect.gather [hbm4b:s1+s16], $0x80, s30, s16, $0xb8;
	[tilespmem:$0x1E100] =	vst v63  }
0x64: {  	_ =	swait.ge [sflag:s20], $0x4000  }
0x65: {  	[sflag:s20] =	ssyncset.done $0x0  }
0x66: {  	s31 =	simm.s32 $0x1480;
	[sflag:s20] =	ssyncadd.s32 $0xFFFFC000  }
0x67: {  	[spmem:s2] =	stream.indirect.scatter.add.f32 [tilespmem:s18], [sflag:$0x3], $0x80, s31, s16, $0xb8;
	[tilespmem:$0x1E100] =	vst v63  }
0x68: {  	_ =	swait.ge [sflag:s14], $0x4000  }
0x69: {  	[sflag:s14] =	ssyncset.done $0x0  }
0x6a: {  	s25 =	simm.s32 $0x180;
	s24 =	simm.s32 $0x400;
	[sflag:s14] =	ssyncadd.s32 $0xFFFFC000  }
.LBB2_4:
0x6b: {  	[tilespmem:s18], [sflag:$0x2] =	stream.indirect.gather [hbm4b:s1+s16], $0x80, s25, s16, $0xb8;
	[tilespmem:$0x1E100] =	vst v63  }
0x6c: {  	s25 =	smov.u32 s24  }
0x6d: {  	p0 =	sne.s32 s24, $0x4800;
	s24 =	sadd.s32 $0x400, s24;
	_ =	swait.ge [sflag:s19], $0x4000  }
0x6e: {  	s25 =	sshra.s32 s25, $0x2;
	[sflag:s19] =	ssyncset.done $0x0  }
0x6f: {  	s26 =	sadd.s32 $0x1400, s25;
	[sflag:s19] =	ssyncadd.s32 $0xFFFFC000  }
0x70: {  	[spmem:s2] =	stream.indirect.scatter.add.f32 [tilespmem:s17], [sflag:$0x3], $0x80, s26, s16, $0xb8;
	[tilespmem:$0x1E100] =	vst v63  }
0x71: {  	_ =	swait.ge [sflag:s14], $0x4000  }
0x72: {  	[sflag:s14] =	ssyncset.done $0x0  }
0x73: {  	s26 =	sadd.s32 $0x100, s25;
	[sflag:s14] =	ssyncadd.s32 $0xFFFFC000  }
0x74: {  	[tilespmem:s17], [sflag:$0x1] =	stream.indirect.gather [hbm4b:s1+s16], $0x80, s26, s16, $0xb8;
	[tilespmem:$0x1E100] =	vst v63  }
0x75: {  	_ =	swait.ge [sflag:s20], $0x4000  }
0x76: {  	[sflag:s20] =	ssyncset.done $0x0  }
.Ltmp1:
0x77: {  	s26 =	sadd.s32 $0x1480, s25;
	[sflag:s20] =	ssyncadd.s32 $0xFFFFC000;
	(pc) =	sbr.rel @p0 .LBB2_4-.Ltmp1, $4  }
0x78: {  	[spmem:s2] =	stream.indirect.scatter.add.f32 [tilespmem:s18], [sflag:$0x3], $0x80, s26, s16, $0xb8;
	[tilespmem:$0x1E100] =	vst v63  }
0x79: {  	_ =	swait.ge [sflag:s14], $0x4000  }
0x7a: {  	[sflag:s14] =	ssyncset.done $0x0  }
0x7b: {  	s25 =	sadd.s32 $0x180, s25;
	[sflag:s14] =	ssyncadd.s32 $0xFFFFC000  }
0x7c: {  	[tilespmem:s18], [sflag:$0x2] =	stream.indirect.gather [hbm4b:s1+s16], $0x80, s25, s16, $0xb8;
	[tilespmem:$0x1E100] =	vst v63  }
0x7d: {  	_ =	swait.ge [sflag:s19], $0x4000  }
0x7e: {  	[sflag:s19] =	ssyncset.done $0x0  }
0x7f: {  	[sflag:s19] =	ssyncadd.s32 $0xFFFFC000  }
0x80: {  	[spmem:s2] =	stream.indirect.scatter.add.f32 [tilespmem:s17], [sflag:$0x3], $0x80, s21, s16, $0xb8;
	[tilespmem:$0x1E100] =	vst v63  }
0x81: {  	_ =	swait.ge [sflag:s14], $0x4000  }
0x82: {  	[sflag:s14] =	ssyncset.done $0x0  }
0x83: {  	[sflag:s14] =	ssyncadd.s32 $0xFFFFC000  }
0x84: {  	_ =	swait.ge [sflag:s20], $0x4000  }
0x85: {  	[sflag:s20] =	ssyncset.done $0x0  }
0x86: {  	[sflag:s20] =	ssyncadd.s32 $0xFFFFC000  }
0x87: {  	[spmem:s2] =	stream.indirect.scatter.add.f32 [tilespmem:s18], [sflag:$0x3], $0x80, s22, s16, $0xb8;
	[tilespmem:$0x1E100] =	vst v63  }
0x88: {  	_ =	swait.ge [sflag:s14], $0x4000  }
0x89: {  	s23 =	sadd.s32 $0x1, s23;
	[sflag:s14] =	ssyncset.done $0x0  }
0x8a: {  	p0 =	sne.s32 s23, s12;
	[sflag:s14] =	ssyncadd.s32 $0xFFFFC000  }
.Ltmp2:
0x8b: {  	[bflag:$0x0] =	sbarrier.arrive $0xFFFF;
	(pc) =	sbr.rel @p0 .LBB2_1-.Ltmp2, $4  }
0x8c: {  	[hbm:s11], [sflag:s6] =	dma.local [spmem:s13], $0x2720  }
0x8d: {  	_ =	swait.ge [sflag:s14], $0x2720  }
0x8e: {  	[sflag:s14] =	ssyncset.done $0x0  }
0x8f: {  	[sflag:s14] =	ssyncadd.s32 $0xFFFFD8E0  }
0x90: {  	_ =	sfence.sel $0x180000  }
0x91: {  	[bflag:$0x0] =	sbarrier.arrive $0xFFFF  }
0x92: {  	p0 =	sne.s32 s3, $0x0;
	_ =	strace $0x9000004A  }
0x93: {  	s0 =	sadd.s32 @!p0 $0x100000, s0;
	[bflag:$0x2] =	sbarrier.arrive $0xFFFF  }
0x94: {  	[sflag:s0] =	ssyncadd.tile.s32 @!p0 $0x1;
	_ =	shalt  }
.Lfunc_end2:
_tile_overlayer_lowered:
.L_overlay_start_2:
0x95: {  	(tag) =	ssettag $0x2  }
0x96: {  	s0 =	rddreg [dreg:$0x0];
	s2 =	stileid.u32  }
0x97: {  	s1 =	rddreg [dreg:$0x1];
	p0 =	sne.s32 s2, $0x0  }
0x98: {  	s3 =	rddreg [dreg:$0x2];
	[bflag:$0x3] =	sbarrier.arrive $0xFFFF;
	s2 =	simm.s32 @!p0 $0x1C03  }
0x99: {  	[timem:s3], [sflag:s2] =	dma.local @!p0 [hbm:s0], s1  }
0x9a: {  	s0 =	simm.s32 @!p0 $0x3  }
0x9b: {  	_ =	swait.ge @!p0 [sflag:s0], s1  }
0x9c: {  	s1 =	ssub.s32 @!p0 $0x0, s1;
	[sflag:s0] =	ssyncset.done @!p0 $0x0  }
0x9d: {  	[sflag:s0] =	ssyncadd.s32 @!p0 s1  }
0x9e: {  	[bflag:$0x3] =	sbarrier.arrive $0xFFFF  }
0x9f: {  	_ =	shalt  }

// kernel: kernel.20.cloned.1.call-start
scs
__scs_entry_jumppad:
0x0: {  	(pc) =	sbr.rel $0x88, $3  }
0x1: {  	(tag) =	ssettag $0x0;
	lr =	simm.s32 $0x1  }
0x2: {  	[smem:$0x3F94] =	sst lr;
	_ =	strace $0xD0000000  }
0x3: {  	_ = 	snop  }
0x4: {  	_ = 	snop  }
0x5: {  	_ = 	snop  }
0x6: {  	_ = 	snop  }
0x7: {  	_ = 	snop  }
__scs_overlays_trampoline_lowered:
0x8: {  	[smem:$0x3FA3] =	sst s0  }
0x9: {  	[smem:$0x3FA4] =	sst s1  }
0xa: {  	[smem:$0x3FA5] =	sst s2  }
0xb: {  	[smem:$0x3FA6] =	sst s3  }
0xc: {  	[smem:$0x3FA7] =	sst s4  }
0xd: {  	[smem:$0x3FA8] =	sst s5  }
0xe: {  	[smem:$0x3FA9] =	sst s6  }
0xf: {  	[smem:$0x3FAA] =	sst s7  }
0x10: {  	[smem:$0x3FAB] =	sst s8  }
0x11: {  	[smem:$0x3FAC] =	sst s9;
	s0 =	simm.s32 @!p0 $0x0  }
0x12: {  	s1 =	sld [smem:$0x3F92];
	s0 =	simm.s32 @p0 $0x1  }
0x13: {  	[smem:$0x3FAD] =	sst s0;
	s0 =	simm.s32 @!p1 $0x0  }
0x14: {  	s2 =	sld [smem:$0x3F91];
	s0 =	simm.s32 @p1 $0x1  }
0x15: {  	[smem:$0x3FAE] =	sst s0;
	s0 =	simm.s32 @!p2 $0x0  }
0x16: {  	s3 =	sld [smem:$0x3FDB];
	s0 =	simm.s32 @p2 $0x1  }
0x17: {  	s4 =	simm.s32 $0x1BF5;
	[smem:$0x3FB0] =	sst s0  }
0x18: {  	s0 =	sld [smem:$0x3F93];
	_ =	swait.ge [sflag:s4], $0x0  }
0x19: {  	s7 =	sld [smem:$0x3F94]  }
0x1a: {  	s8 =	sadd.s32 $0xFFFFE003, lr  }
0x1b: {  	s9 =	sadd.s32 $0xFFFFFEF7, lr;
	s5 =	simm.s32 $0xFFFFFFFF;
	p2 =	slt.u32 s8, $0xFFFFF086  }
0x1c: {  	p1 =	slt.u32 s9, $0xF7A;
	s5 =	simm.s32 @!p2 $0x0  }
0x1d: {  	s5 =	simm.s32 @p1 $0x1;
	p0 =	seq.s32 s7, s2  }
0x1e: {  	s7 =	smul.u32 @!p0 $0xF7A, s2;
	p2 =	seq.s32 @!p0 s5, $0x0  }
0x1f: {  	s9 =	smul.u32 $0xF7A, s1;
	s8 =	simm.s32 @!p0 $0x1BF5;
	p2 =	por !p2, p0  }
0x20: {  	[sflag:s8] =	ssyncset.s32 @!p0 $0xFFFFF086;
	s6 =	sadd.s32 @!p0 s3, s7;
	s7 =	simm.s32 @!p0 $0x108  }
0x21: {  	s3 =	sadd.s32 s3, s9;
	s6 =	sadd.s32 @!p0 $0x88, s6;
	s7 =	simm.s32 @p2 $0x1082  }
0x22: {  	[simem:s7], [sflag:s8] =	dma.local @!p0 [hbm:s6], $0xF7A  }
0x23: {  	s9 =	sor.u32 $0xD0000000, s2;
	s6 =	simm.s32 $0x108;
	_ =	swait.ge @!p0 [sflag:s8], $0x0  }
0x24: {  	s3 =	sadd.s32 $0x88, s3;
	s6 =	simm.s32 @!p1 $0x1082;
	[sflag:s4] =	ssyncset.s32 $0xFFFFF086  }
0x25: {  	[simem:s6], [sflag:s4] =	dma.local [hbm:s3], $0xF7A  }
0x26: {  	[smem:$0x3F94] =	sst s1;
	(tag) =	ssettag s2;
	_ =	strace s9  }
0x27: {  	s1 =	sld [smem:$0x3FA4]  }
0x28: {  	s2 =	sld [smem:$0x3FA5]  }
0x29: {  	s4 =	sld [smem:$0x3FA7]  }
0x2a: {  	p0 =	seq.s32 s5, $0x0;
	s5 =	sld [smem:$0x3FA8]  }
0x2b: {  	s6 =	sld [smem:$0x3FA9]  }
0x2c: {  	s7 =	sld [smem:$0x3FAA]  }
0x2d: {  	s3 =	simm.s32 $0x108;
	s8 =	sld [smem:$0x3FAB]  }
0x2e: {  	s3 =	simm.s32 @!p0 $0x1082;
	s9 =	sld [smem:$0x3FAC]  }
0x2f: {  	lr =	sadd.s32 s0, s3;
	s0 =	sld [smem:$0x3FA3]  }
0x30: {  	s3 =	sld [smem:$0x3FA6]  }
0x31: {  	[smem:$0x3FAF] =	sst s10  }
0x32: {  	s10 =	sld [smem:$0x3FAD];
	_ =	sdelay $0x3  }
0x33: {  	p0 =	seq.s32 s10, $0x1;
	s10 =	sld [smem:$0x3FAF];
	_ =	sdelay $0x3  }
0x34: {  	[smem:$0x3FAF] =	sst s10  }
0x35: {  	s10 =	sld [smem:$0x3FAE];
	_ =	sdelay $0x3  }
0x36: {  	p1 =	seq.s32 s10, $0x1;
	s10 =	sld [smem:$0x3FAF];
	_ =	sdelay $0x3  }
0x37: {  	[smem:$0x3FAF] =	sst s10  }
0x38: {  	s10 =	sld [smem:$0x3FB0]  }
0x39: {  	_ = 	snop;
	(pc) =	sbr.ind lr, $3  }
0x3a: {  	_ = 	snop  }
0x3b: {  	_ = 	snop  }
0x3c: {  	p2 =	seq.s32 s10, $0x1;
	s10 =	sld [smem:$0x3FAF]  }
0x3d: {  	_ =	shalt  }
0x3e: {  	_ =	shalt  }
0x3f: {  	_ =	shalt  }
0x40: {  	_ =	shalt  }
0x41: {  	_ =	shalt  }
0x42: {  	_ =	shalt  }
0x43: {  	_ =	shalt  }
0x44: {  	_ =	shalt  }
0x45: {  	_ =	shalt  }
0x46: {  	_ =	shalt  }
0x47: {  	_ =	shalt  }
0x48: {  	_ =	shalt  }
0x49: {  	_ =	shalt  }
0x4a: {  	_ =	shalt  }
0x4b: {  	_ =	shalt  }
0x4c: {  	_ =	shalt  }
0x4d: {  	_ =	shalt  }
0x4e: {  	_ =	shalt  }
0x4f: {  	_ =	shalt  }
0x50: {  	_ =	shalt  }
0x51: {  	_ =	shalt  }
0x52: {  	_ =	shalt  }
0x53: {  	_ =	shalt  }
0x54: {  	_ =	shalt  }
0x55: {  	_ =	shalt  }
0x56: {  	_ =	shalt  }
0x57: {  	_ =	shalt  }
0x58: {  	_ =	shalt  }
0x59: {  	_ =	shalt  }
0x5a: {  	_ =	shalt  }
0x5b: {  	_ =	shalt  }
0x5c: {  	_ =	shalt  }
0x5d: {  	_ =	shalt  }
0x5e: {  	_ =	shalt  }
0x5f: {  	_ =	shalt  }
0x60: {  	_ =	shalt  }
0x61: {  	_ =	shalt  }
0x62: {  	_ =	shalt  }
0x63: {  	_ =	shalt  }
0x64: {  	_ =	shalt  }
0x65: {  	_ =	shalt  }
0x66: {  	_ =	shalt  }
0x67: {  	_ =	shalt  }
0x68: {  	_ =	shalt  }
0x69: {  	_ =	shalt  }
0x6a: {  	_ =	shalt  }
0x6b: {  	_ =	shalt  }
0x6c: {  	_ =	shalt  }
0x6d: {  	_ =	shalt  }
0x6e: {  	_ =	shalt  }
0x6f: {  	_ =	shalt  }
0x70: {  	_ =	shalt  }
0x71: {  	_ =	shalt  }
0x72: {  	_ =	shalt  }
0x73: {  	_ =	shalt  }
0x74: {  	_ =	shalt  }
0x75: {  	_ =	shalt  }
0x76: {  	_ =	shalt  }
0x77: {  	_ =	shalt  }
0x78: {  	_ =	shalt  }
0x79: {  	_ =	shalt  }
0x7a: {  	_ =	shalt  }
0x7b: {  	_ =	shalt  }
0x7c: {  	_ =	shalt  }
0x7d: {  	_ =	shalt  }
0x7e: {  	_ =	shalt  }
0x7f: {  	_ =	shalt  }
0x80: {  	_ =	shalt  }
0x81: {  	_ =	shalt  }
0x82: {  	_ =	shalt  }
0x83: {  	_ =	shalt  }
0x84: {  	_ =	shalt  }
0x85: {  	_ =	shalt  }
0x86: {  	_ =	shalt  }
0x87: {  	_ =	shalt  }
.Lfunc_end0:
.L_simem_size_0:
called_computation.2_lowered:
.L_overlay_start_0:
0x88: {  	s2 =	sld [smem:$0x3FD9]  }
0x89: {  	s3 =	sld [smem:$0x3FFE];
	_ =	sdelay $0x1  }
0x8a: {  	s1 =	srdreg.scid  }
0x8b: {  	s0 =	sand.u32 $0x1, s1  }
0x8c: {  	s17 =	sshll.u32 s0, $0xA;
	s2 =	sadd.s32 s3, s2  }
0x8d: {  	s2 =	sadd.s32 s2, s17  }
0x8e: {  	[smem:$0x3FBB] =	sst s2  }
0x8f: {  	_ = 	snop  }
0x90: {  	s2 =	sld [smem:$0x3FD0];
	(tm) =	ssettm $0x1  }
0x91: {  	s18 =	sld [smem:$0x3FFB];
	_ =	sdelay $0x3  }
0x92: {  	_ =	strace s18  }
0x93: {  	s3 =	sld [smem:$0x3FFC];
	_ =	sdelay $0x3  }
0x94: {  	_ =	strace s3  }
0x95: {  	s3 =	sld [smem:$0x3FFD];
	_ =	sdelay $0x3  }
0x96: {  	_ =	strace s3  }
0x97: {  	_ =	strace $0x8FFFFFFF  }
0x98: {  	s19 =	sld [smem:$0x3FDB];
	_ =	sdelay $0x1  }
0x99: {  	s4 =	simm.s32 $_scs_section_size  }
0x9a: {  	s5 =	simm.s32 $_size__tile_overlayer_lowered;
	s6 =	simm.s32 $_tile_overlayer_lowered  }
0x9b: {  	s22 =	simm.s32 $0x1BFF;
	s21 =	sshll.u32 s6, $0x1;
	s3 =	sadd.s32 s4, s19  }
0x9c: {  	s7 =	simm.s32 $0x0;
	s20 =	sshll.u32 s5, $0x1;
	s5 =	sadd.s32 s21, s3  }
0x9d: {  	[timem:s7], [sflag:s22] =	dma.local [hbm:s5], s20  }
0x9e: {  	_ =	swait.ge [sflag:s22], s20  }
0x9f: {  	s4 =	ssub.s32 $0x0, s20;
	[sflag:s22] =	ssyncset.done $0x0  }
0xa0: {  	[sflag:s22] =	ssyncadd.s32 s4;
	_ =	sdelay $0x1  }
0xa1: {  	s23 =	simm.s32 $0x1B8B  }
0xa2: {  	_ =	swait.ge [sflag:s23], $0x1  }
0xa3: {  	[sflag:s23] =	ssyncset.done $0x0  }
0xa4: {  	s25 =	simm.s32 $0x1B8E;
	s24 =	sld [smem:$0x3FFE];
	[sflag:s23] =	ssyncadd.s32 $0xFFFFFFFF  }
0xa5: {  	s26 =	simm.s32 $execute0_lowered;
	[smem:$0x3FD2] =	sst s25  }
0xa6: {  	s5 =	sshll.u32 s26, $0x1;
	_ =	strace $0x8000004C;
	[dreg:$0x1] =	wrdreg $0xFFFFFFFF  }
0xa7: {  	s28 =	simm.s32 $_size_execute0_lowered;
	s3 =	sadd.s32 s3, s5;
	[dreg:$0x0] =	wrdreg $0x0  }
0xa8: {  	s5 =	sshll.u32 s28, $0x1;
	[dreg:$0x2] =	wrdreg s3  }
0xa9: {  	[dreg:$0x3] =	wrdreg s5  }
0xaa: {  	[dreg:$0x4] =	wrdreg $0xC0  }
0xab: {  	_ =	task [dreg:s7], $0x5FFFF  }
0xac: {  	[dreg:$0x1] =	wrdreg $0xFFFFFFFF  }
0xad: {  	[dreg:$0x0] =	wrdreg $0x60  }
0xae: {  	[dreg:$0x2] =	wrdreg s2  }
0xaf: {  	[dreg:$0x3] =	wrdreg s24  }
0xb0: {  	[dreg:$0x4] =	wrdreg $0xA8000  }
0xb1: {  	[dreg:$0x5] =	wrdreg $0x9  }
0xb2: {  	_ =	task.clear_ibuf [dreg:s7], $0x6FFFF;
	_ =	strace $0x9000004C  }
0xb3: {  	s29 =	simm.s32 $0x9;
	_ =	strace $0x8000004E  }
0xb4: {  	_ =	swait.ge [sflag:s29], $0x1  }
0xb5: {  	[sflag:s29] =	ssyncadd.s32 $0xFFFFFFFF  }
0xb6: {  	_ =	strace $0x9000004E  }
0xb7: {  	_ =	sfence  }
0xb8: {  	s30 =	sld [smem:$0x0];
	_ =	sdelay $0x2  }
0xb9: {  	s31 =	sshll.u32 s1, $0xD;
	s1 =	sshrl.u32 s1, $0x2  }
0xba: {  	s3 =	sand.u32 $0x4000, s31;
	s1 =	sadd.s32 s1, s30  }
0xbb: {  	s0 =	sor.u32 s3, s0;
	s1 =	sshll.u32 s1, $0x11  }
0xbc: {  	s0 =	sor.u32 s1, s0  }
0xbd: {  	s0 =	sadd.s32 $0x8F2B, s0  }
0xbe: {  	[sflag:s0] =	ssyncadd.remote.s32 $0x1  }
0xbf: {  	_ =	sfence.sel $0xFFFF  }
0xc0: {  	[dreg:$0x0] =	wrdreg $0xFFFFFFFF;
	(pc) =	sbr.abs _section_cstart, $3  }
0xc1: {  	[dreg:$0x1] =	wrdreg $0xFFFFFFFF  }
0xc2: {  	_ =	task.clear_ibuf [dreg:s7], $0x2FFFF;
	_ =	strace $0x9FFFFFFF  }
0xc3: {  	(tm) =	ssettm $0x7FFFFFFF  }
tec
execute0_lowered:
.L_overlay_start_1:
0x0: {  	(tag) =	ssettag $0x1  }
0x1: {  	s1 =	rddreg [dreg:$0x0]  }
0x2: {  	s6 =	rddreg [dreg:$0x1]  }
0x3: {  	s2 =	rddreg [dreg:$0x2]  }
0x4: {  	s3 =	srdreg.scid;
	s0 =	rddreg [dreg:$0x3];
	s4 =	simm.s32 $0x0  }
0x5: {  	s15 =	simm.s32 $0x1400;
	s16 =	simm.s32 $0x80;
	s17 =	simm.s32 $0x2800  }
0x6: {  	s18 =	simm.s32 $0x6800;
	s19 =	simm.s32 $0x1;
	s20 =	simm.s32 $0x2  }
0x7: {  	s21 =	simm.s32 $0x2700;
	s22 =	simm.s32 $0x2780;
	s23 =	simm.s32 $0x0  }
0x8: {  	s7 =	sand.u32 $0x1, s3;
	[smem:$0x7FF] =	sst s4;
	s3 =	stileid.u32  }
0x9: {  	s9 =	sadd.s32 $0x19C00, s6;
	s10 =	sadd.s32 $0x23C00, s6;
	s5 =	sshll.u32 s7, $0x4  }
0xa: {  	_ =	strace $0x8000004D;
	s12 =	smul.u32 $0x4E400, s3;
	s8 =	sor.u32 s3, s5  }
0xb: {  	s7 =	ssub.s32 $0x2, s7;
	s30 =	sshll.u32 s3, $0x6;
	s11 =	smul.u32 $0x2780, s8  }
0xc: {  	s28 =	sshrl.u32 s7, $0x1;
	s8 =	smul.u32 $0x2800, s8;
	s29 =	sshrl.u32 s12, $0x2  }
0xd: {  	s5 =	sadd.s32 $0x38200, s6;
	s13 =	ssub.s32 s7, s28;
	s14 =	sadd.s32 s29, s2  }
0xe: {  	s11 =	sadd.s32 s11, s6;
	s6 =	sor.u32 $0x1C03, s30;
	s31 =	sshrl.u32 s8, $0x3  }
0xf: {  	s7 =	sadd.s32 s9, s31;
	s8 =	sadd.s32 s10, s31;
	s12 =	sadd.s32 $0x280, s31  }
0x10: {  	s11 =	sadd.s32 $0x3AA00, s11;
	s9 =	sadd.s32 s9, s12;
	s10 =	sadd.s32 s10, s12  }
0x11: {  	s12 =	smax.u32 s13, $0x1;
	s13 =	sshrl.u32 s14, $0x3;
	s14 =	simm.s32 $0x3  }
.LBB2_1:
0x12: {  	[spmem:s13], [sflag:s6] =	dma.local [hbm:s5], $0x2720  }
0x13: {  	_ =	swait.ge [sflag:s14], $0x2720  }
0x14: {  	[sflag:s14] =	ssyncset.done $0x0  }
0x15: {  	[sflag:s14] =	ssyncadd.s32 $0xFFFFD8E0  }
0x16: {  	[bflag:$0x0] =	sbarrier.arrive $0xFFFF  }
0x17: {  	[tilespmem:s4], [sflag:$0x3] =	stream.linear.gather [hbm4b:s7+s4], $0x1400, $0x38;
	[tilespmem:$0x1E100] =	vst v63  }
0x18: {  	_ =	swait.ge [sflag:s14], $0x1400  }
0x19: {  	[sflag:s14] =	ssyncset.done $0x0  }
0x1a: {  	[sflag:s14] =	ssyncadd.s32 $0xFFFFEC00  }
0x1b: {  	[tilespmem:s15], [sflag:$0x3] =	stream.linear.gather [hbm4b:s8+s4], $0x1400, $0x38;
	[tilespmem:$0x1E100] =	vst v63  }
0x1c: {  	_ =	swait.ge [sflag:s14], $0x1400  }
0x1d: {  	[sflag:s14] =	ssyncset.done $0x0  }
0x1e: {  	[sflag:s14] =	ssyncadd.s32 $0xFFFFEC00  }
0x1f: {  	[tilespmem:s17], [sflag:$0x1] =	stream.indirect.gather [hbm4b:s1+s16], $0x80, s4, s16, $0xb8;
	[tilespmem:$0x1E100] =	vst v63  }
0x20: {  	_ = 	snop  }
0x21: {  	[tilespmem:s18], [sflag:$0x2] =	stream.indirect.gather [hbm4b:s1+s16], $0x80, s16, s16, $0xb8;
	[tilespmem:$0x1E100] =	vst v63  }
0x22: {  	_ =	swait.ge [sflag:s19], $0x4000  }
0x23: {  	[sflag:s19] =	ssyncset.done $0x0  }
0x24: {  	s24 =	simm.s32 $0x1400;
	[sflag:s19] =	ssyncadd.s32 $0xFFFFC000  }
0x25: {  	[spmem:s2] =	stream.indirect.scatter.add.f32 [tilespmem:s17], [sflag:$0x3], $0x80, s24, s16, $0xb8;
	[tilespmem:$0x1E100] =	vst v63  }
0x26: {  	_ =	swait.ge [sflag:s14], $0x4000  }
0x27: {  	[sflag:s14] =	ssyncset.done $0x0  }
0x28: {  	s30 =	simm.s32 $0x100;
	[sflag:s14] =	ssyncadd.s32 $0xFFFFC000  }
0x29: {  	[tilespmem:s17], [sflag:$0x1] =	stream.indirect.gather [hbm4b:s1+s16], $0x80, s30, s16, $0xb8;
	[tilespmem:$0x1E100] =	vst v63  }
0x2a: {  	_ =	swait.ge [sflag:s20], $0x4000  }
0x2b: {  	[sflag:s20] =	ssyncset.done $0x0  }
0x2c: {  	s31 =	simm.s32 $0x1480;
	[sflag:s20] =	ssyncadd.s32 $0xFFFFC000  }
0x2d: {  	[spmem:s2] =	stream.indirect.scatter.add.f32 [tilespmem:s18], [sflag:$0x3], $0x80, s31, s16, $0xb8;
	[tilespmem:$0x1E100] =	vst v63  }
0x2e: {  	_ =	swait.ge [sflag:s14], $0x4000  }
0x2f: {  	[sflag:s14] =	ssyncset.done $0x0  }
0x30: {  	s25 =	simm.s32 $0x180;
	s24 =	simm.s32 $0x400;
	[sflag:s14] =	ssyncadd.s32 $0xFFFFC000  }
.LBB2_2:
0x31: {  	[tilespmem:s18], [sflag:$0x2] =	stream.indirect.gather [hbm4b:s1+s16], $0x80, s25, s16, $0xb8;
	[tilespmem:$0x1E100] =	vst v63  }
0x32: {  	s25 =	smov.u32 s24  }
0x33: {  	p0 =	sne.s32 s24, $0x4800;
	s24 =	sadd.s32 $0x400, s24;
	_ =	swait.ge [sflag:s19], $0x4000  }
0x34: {  	s25 =	sshra.s32 s25, $0x2;
	[sflag:s19] =	ssyncset.done $0x0  }
0x35: {  	s26 =	sadd.s32 $0x1400, s25;
	[sflag:s19] =	ssyncadd.s32 $0xFFFFC000  }
0x36: {  	[spmem:s2] =	stream.indirect.scatter.add.f32 [tilespmem:s17], [sflag:$0x3], $0x80, s26, s16, $0xb8;
	[tilespmem:$0x1E100] =	vst v63  }
0x37: {  	_ =	swait.ge [sflag:s14], $0x4000  }
0x38: {  	[sflag:s14] =	ssyncset.done $0x0  }
0x39: {  	s26 =	sadd.s32 $0x100, s25;
	[sflag:s14] =	ssyncadd.s32 $0xFFFFC000  }
0x3a: {  	[tilespmem:s17], [sflag:$0x1] =	stream.indirect.gather [hbm4b:s1+s16], $0x80, s26, s16, $0xb8;
	[tilespmem:$0x1E100] =	vst v63  }
0x3b: {  	_ =	swait.ge [sflag:s20], $0x4000  }
0x3c: {  	[sflag:s20] =	ssyncset.done $0x0  }
.Ltmp0:
0x3d: {  	s26 =	sadd.s32 $0x1480, s25;
	[sflag:s20] =	ssyncadd.s32 $0xFFFFC000;
	(pc) =	sbr.rel @p0 .LBB2_2-.Ltmp0, $4  }
0x3e: {  	[spmem:s2] =	stream.indirect.scatter.add.f32 [tilespmem:s18], [sflag:$0x3], $0x80, s26, s16, $0xb8;
	[tilespmem:$0x1E100] =	vst v63  }
0x3f: {  	_ =	swait.ge [sflag:s14], $0x4000  }
0x40: {  	[sflag:s14] =	ssyncset.done $0x0  }
0x41: {  	s25 =	sadd.s32 $0x180, s25;
	[sflag:s14] =	ssyncadd.s32 $0xFFFFC000  }
0x42: {  	[tilespmem:s18], [sflag:$0x2] =	stream.indirect.gather [hbm4b:s1+s16], $0x80, s25, s16, $0xb8;
	[tilespmem:$0x1E100] =	vst v63  }
0x43: {  	_ =	swait.ge [sflag:s19], $0x4000  }
0x44: {  	[sflag:s19] =	ssyncset.done $0x0  }
0x45: {  	[sflag:s19] =	ssyncadd.s32 $0xFFFFC000  }
0x46: {  	[spmem:s2] =	stream.indirect.scatter.add.f32 [tilespmem:s17], [sflag:$0x3], $0x80, s21, s16, $0xb8;
	[tilespmem:$0x1E100] =	vst v63  }
0x47: {  	_ =	swait.ge [sflag:s14], $0x4000  }
0x48: {  	[sflag:s14] =	ssyncset.done $0x0  }
0x49: {  	[sflag:s14] =	ssyncadd.s32 $0xFFFFC000  }
0x4a: {  	_ =	swait.ge [sflag:s20], $0x4000  }
0x4b: {  	[sflag:s20] =	ssyncset.done $0x0  }
0x4c: {  	[sflag:s20] =	ssyncadd.s32 $0xFFFFC000  }
0x4d: {  	[spmem:s2] =	stream.indirect.scatter.add.f32 [tilespmem:s18], [sflag:$0x3], $0x80, s22, s16, $0xb8;
	[tilespmem:$0x1E100] =	vst v63  }
0x4e: {  	_ =	swait.ge [sflag:s14], $0x4000  }
0x4f: {  	[sflag:s14] =	ssyncset.done $0x0  }
0x50: {  	s24 =	simm.s32 $0x0;
	[sflag:s14] =	ssyncadd.s32 $0xFFFFC000  }
0x51: {  	[tilespmem:s24], [sflag:$0x3] =	stream.linear.gather [hbm4b:s9+s24], $0x1400, $0x38;
	[tilespmem:$0x1E100] =	vst v63  }
0x52: {  	_ =	swait.ge [sflag:s14], $0x1400  }
0x53: {  	[sflag:s14] =	ssyncset.done $0x0  }
0x54: {  	[sflag:s14] =	ssyncadd.s32 $0xFFFFEC00  }
0x55: {  	[tilespmem:s15], [sflag:$0x3] =	stream.linear.gather [hbm4b:s10+s24], $0x1400, $0x38;
	[tilespmem:$0x1E100] =	vst v63  }
0x56: {  	_ =	swait.ge [sflag:s14], $0x1400  }
0x57: {  	[sflag:s14] =	ssyncset.done $0x0  }
0x58: {  	[sflag:s14] =	ssyncadd.s32 $0xFFFFEC00  }
0x59: {  	[tilespmem:s17], [sflag:$0x1] =	stream.indirect.gather [hbm4b:s1+s16], $0x80, s24, s16, $0xb8;
	[tilespmem:$0x1E100] =	vst v63  }
0x5a: {  	_ = 	snop  }
0x5b: {  	[tilespmem:s18], [sflag:$0x2] =	stream.indirect.gather [hbm4b:s1+s16], $0x80, s16, s16, $0xb8;
	[tilespmem:$0x1E100] =	vst v63  }
0x5c: {  	_ =	swait.ge [sflag:s19], $0x4000  }
0x5d: {  	[sflag:s19] =	ssyncset.done $0x0  }
0x5e: {  	s29 =	simm.s32 $0x1400;
	[sflag:s19] =	ssyncadd.s32 $0xFFFFC000  }
0x5f: {  	[spmem:s2] =	stream.indirect.scatter.add.f32 [tilespmem:s17], [sflag:$0x3], $0x80, s29, s16, $0xb8;
	[tilespmem:$0x1E100] =	vst v63  }
0x60: {  	_ =	swait.ge [sflag:s14], $0x4000  }
0x61: {  	[sflag:s14] =	ssyncset.done $0x0  }
0x62: {  	s30 =	simm.s32 $0x100;
	[sflag:s14] =	ssyncadd.s32 $0xFFFFC000  }
0x63: {  	[tilespmem:s17], [sflag:$0x1] =	stream.indirect.gather [hbm4b:s1+s16], $0x80, s30, s16, $0xb8;
	[tilespmem:$0x1E100] =	vst v63  }
0x64: {  	_ =	swait.ge [sflag:s20], $0x4000  }
0x65: {  	[sflag:s20] =	ssyncset.done $0x0  }
0x66: {  	s31 =	simm.s32 $0x1480;
	[sflag:s20] =	ssyncadd.s32 $0xFFFFC000  }
0x67: {  	[spmem:s2] =	stream.indirect.scatter.add.f32 [tilespmem:s18], [sflag:$0x3], $0x80, s31, s16, $0xb8;
	[tilespmem:$0x1E100] =	vst v63  }
0x68: {  	_ =	swait.ge [sflag:s14], $0x4000  }
0x69: {  	[sflag:s14] =	ssyncset.done $0x0  }
0x6a: {  	s25 =	simm.s32 $0x180;
	s24 =	simm.s32 $0x400;
	[sflag:s14] =	ssyncadd.s32 $0xFFFFC000  }
.LBB2_4:
0x6b: {  	[tilespmem:s18], [sflag:$0x2] =	stream.indirect.gather [hbm4b:s1+s16], $0x80, s25, s16, $0xb8;
	[tilespmem:$0x1E100] =	vst v63  }
0x6c: {  	s25 =	smov.u32 s24  }
0x6d: {  	p0 =	sne.s32 s24, $0x4800;
	s24 =	sadd.s32 $0x400, s24;
	_ =	swait.ge [sflag:s19], $0x4000  }
0x6e: {  	s25 =	sshra.s32 s25, $0x2;
	[sflag:s19] =	ssyncset.done $0x0  }
0x6f: {  	s26 =	sadd.s32 $0x1400, s25;
	[sflag:s19] =	ssyncadd.s32 $0xFFFFC000  }
0x70: {  	[spmem:s2] =	stream.indirect.scatter.add.f32 [tilespmem:s17], [sflag:$0x3], $0x80, s26, s16, $0xb8;
	[tilespmem:$0x1E100] =	vst v63  }
0x71: {  	_ =	swait.ge [sflag:s14], $0x4000  }
0x72: {  	[sflag:s14] =	ssyncset.done $0x0  }
0x73: {  	s26 =	sadd.s32 $0x100, s25;
	[sflag:s14] =	ssyncadd.s32 $0xFFFFC000  }
0x74: {  	[tilespmem:s17], [sflag:$0x1] =	stream.indirect.gather [hbm4b:s1+s16], $0x80, s26, s16, $0xb8;
	[tilespmem:$0x1E100] =	vst v63  }
0x75: {  	_ =	swait.ge [sflag:s20], $0x4000  }
0x76: {  	[sflag:s20] =	ssyncset.done $0x0  }
.Ltmp1:
0x77: {  	s26 =	sadd.s32 $0x1480, s25;
	[sflag:s20] =	ssyncadd.s32 $0xFFFFC000;
	(pc) =	sbr.rel @p0 .LBB2_4-.Ltmp1, $4  }
0x78: {  	[spmem:s2] =	stream.indirect.scatter.add.f32 [tilespmem:s18], [sflag:$0x3], $0x80, s26, s16, $0xb8;
	[tilespmem:$0x1E100] =	vst v63  }
0x79: {  	_ =	swait.ge [sflag:s14], $0x4000  }
0x7a: {  	[sflag:s14] =	ssyncset.done $0x0  }
0x7b: {  	s25 =	sadd.s32 $0x180, s25;
	[sflag:s14] =	ssyncadd.s32 $0xFFFFC000  }
0x7c: {  	[tilespmem:s18], [sflag:$0x2] =	stream.indirect.gather [hbm4b:s1+s16], $0x80, s25, s16, $0xb8;
	[tilespmem:$0x1E100] =	vst v63  }
0x7d: {  	_ =	swait.ge [sflag:s19], $0x4000  }
0x7e: {  	[sflag:s19] =	ssyncset.done $0x0  }
0x7f: {  	[sflag:s19] =	ssyncadd.s32 $0xFFFFC000  }
0x80: {  	[spmem:s2] =	stream.indirect.scatter.add.f32 [tilespmem:s17], [sflag:$0x3], $0x80, s21, s16, $0xb8;
	[tilespmem:$0x1E100] =	vst v63  }
0x81: {  	_ =	swait.ge [sflag:s14], $0x4000  }
0x82: {  	[sflag:s14] =	ssyncset.done $0x0  }
0x83: {  	[sflag:s14] =	ssyncadd.s32 $0xFFFFC000  }
0x84: {  	_ =	swait.ge [sflag:s20], $0x4000  }
0x85: {  	[sflag:s20] =	ssyncset.done $0x0  }
0x86: {  	[sflag:s20] =	ssyncadd.s32 $0xFFFFC000  }
0x87: {  	[spmem:s2] =	stream.indirect.scatter.add.f32 [tilespmem:s18], [sflag:$0x3], $0x80, s22, s16, $0xb8;
	[tilespmem:$0x1E100] =	vst v63  }
0x88: {  	_ =	swait.ge [sflag:s14], $0x4000  }
0x89: {  	s23 =	sadd.s32 $0x1, s23;
	[sflag:s14] =	ssyncset.done $0x0  }
0x8a: {  	p0 =	sne.s32 s23, s12;
	[sflag:s14] =	ssyncadd.s32 $0xFFFFC000  }
.Ltmp2:
0x8b: {  	[bflag:$0x0] =	sbarrier.arrive $0xFFFF;
	(pc) =	sbr.rel @p0 .LBB2_1-.Ltmp2, $4  }
0x8c: {  	[hbm:s11], [sflag:s6] =	dma.local [spmem:s13], $0x2720  }
0x8d: {  	_ =	swait.ge [sflag:s14], $0x2720  }
0x8e: {  	[sflag:s14] =	ssyncset.done $0x0  }
0x8f: {  	[sflag:s14] =	ssyncadd.s32 $0xFFFFD8E0  }
0x90: {  	_ =	sfence.sel $0x180000  }
0x91: {  	[bflag:$0x0] =	sbarrier.arrive $0xFFFF  }
0x92: {  	p0 =	sne.s32 s3, $0x0;
	_ =	strace $0x9000004D  }
0x93: {  	s0 =	sadd.s32 @!p0 $0x100000, s0;
	[bflag:$0x2] =	sbarrier.arrive $0xFFFF  }
0x94: {  	[sflag:s0] =	ssyncadd.tile.s32 @!p0 $0x1;
	_ =	shalt  }
.Lfunc_end2:
_tile_overlayer_lowered:
.L_overlay_start_2:
0x95: {  	(tag) =	ssettag $0x2  }
0x96: {  	s0 =	rddreg [dreg:$0x0];
	s2 =	stileid.u32  }
0x97: {  	s1 =	rddreg [dreg:$0x1];
	p0 =	sne.s32 s2, $0x0  }
0x98: {  	s3 =	rddreg [dreg:$0x2];
	[bflag:$0x3] =	sbarrier.arrive $0xFFFF;
	s2 =	simm.s32 @!p0 $0x1C03  }
0x99: {  	[timem:s3], [sflag:s2] =	dma.local @!p0 [hbm:s0], s1  }
0x9a: {  	s0 =	simm.s32 @!p0 $0x3  }
0x9b: {  	_ =	swait.ge @!p0 [sflag:s0], s1  }
0x9c: {  	s1 =	ssub.s32 @!p0 $0x0, s1;
	[sflag:s0] =	ssyncset.done @!p0 $0x0  }
0x9d: {  	[sflag:s0] =	ssyncadd.s32 @!p0 s1  }
0x9e: {  	[bflag:$0x3] =	sbarrier.arrive $0xFFFF  }
0x9f: {  	_ =	shalt  }

// kernel: kernel.23.cloned.1.call-start
scs
__scs_entry_jumppad:
0x0: {  	(pc) =	sbr.rel $0x88, $3  }
0x1: {  	(tag) =	ssettag $0x0;
	lr =	simm.s32 $0x1  }
0x2: {  	[smem:$0x3F94] =	sst lr;
	_ =	strace $0xD0000000  }
0x3: {  	_ = 	snop  }
0x4: {  	_ = 	snop  }
0x5: {  	_ = 	snop  }
0x6: {  	_ = 	snop  }
0x7: {  	_ = 	snop  }
__scs_overlays_trampoline_lowered:
0x8: {  	[smem:$0x3FA3] =	sst s0  }
0x9: {  	[smem:$0x3FA4] =	sst s1  }
0xa: {  	[smem:$0x3FA5] =	sst s2  }
0xb: {  	[smem:$0x3FA6] =	sst s3  }
0xc: {  	[smem:$0x3FA7] =	sst s4  }
0xd: {  	[smem:$0x3FA8] =	sst s5  }
0xe: {  	[smem:$0x3FA9] =	sst s6  }
0xf: {  	[smem:$0x3FAA] =	sst s7  }
0x10: {  	[smem:$0x3FAB] =	sst s8  }
0x11: {  	[smem:$0x3FAC] =	sst s9;
	s0 =	simm.s32 @!p0 $0x0  }
0x12: {  	s1 =	sld [smem:$0x3F92];
	s0 =	simm.s32 @p0 $0x1  }
0x13: {  	[smem:$0x3FAD] =	sst s0;
	s0 =	simm.s32 @!p1 $0x0  }
0x14: {  	s2 =	sld [smem:$0x3F91];
	s0 =	simm.s32 @p1 $0x1  }
0x15: {  	[smem:$0x3FAE] =	sst s0;
	s0 =	simm.s32 @!p2 $0x0  }
0x16: {  	s3 =	sld [smem:$0x3FDB];
	s0 =	simm.s32 @p2 $0x1  }
0x17: {  	s4 =	simm.s32 $0x1BF5;
	[smem:$0x3FB0] =	sst s0  }
0x18: {  	s0 =	sld [smem:$0x3F93];
	_ =	swait.ge [sflag:s4], $0x0  }
0x19: {  	s7 =	sld [smem:$0x3F94]  }
0x1a: {  	s8 =	sadd.s32 $0xFFFFE003, lr  }
0x1b: {  	s9 =	sadd.s32 $0xFFFFFEF7, lr;
	s5 =	simm.s32 $0xFFFFFFFF;
	p2 =	slt.u32 s8, $0xFFFFF086  }
0x1c: {  	p1 =	slt.u32 s9, $0xF7A;
	s5 =	simm.s32 @!p2 $0x0  }
0x1d: {  	s5 =	simm.s32 @p1 $0x1;
	p0 =	seq.s32 s7, s2  }
0x1e: {  	s7 =	smul.u32 @!p0 $0xF7A, s2;
	p2 =	seq.s32 @!p0 s5, $0x0  }
0x1f: {  	s9 =	smul.u32 $0xF7A, s1;
	s8 =	simm.s32 @!p0 $0x1BF5;
	p2 =	por !p2, p0  }
0x20: {  	[sflag:s8] =	ssyncset.s32 @!p0 $0xFFFFF086;
	s6 =	sadd.s32 @!p0 s3, s7;
	s7 =	simm.s32 @!p0 $0x108  }
0x21: {  	s3 =	sadd.s32 s3, s9;
	s6 =	sadd.s32 @!p0 $0x88, s6;
	s7 =	simm.s32 @p2 $0x1082  }
0x22: {  	[simem:s7], [sflag:s8] =	dma.local @!p0 [hbm:s6], $0xF7A  }
0x23: {  	s9 =	sor.u32 $0xD0000000, s2;
	s6 =	simm.s32 $0x108;
	_ =	swait.ge @!p0 [sflag:s8], $0x0  }
0x24: {  	s3 =	sadd.s32 $0x88, s3;
	s6 =	simm.s32 @!p1 $0x1082;
	[sflag:s4] =	ssyncset.s32 $0xFFFFF086  }
0x25: {  	[simem:s6], [sflag:s4] =	dma.local [hbm:s3], $0xF7A  }
0x26: {  	[smem:$0x3F94] =	sst s1;
	(tag) =	ssettag s2;
	_ =	strace s9  }
0x27: {  	s1 =	sld [smem:$0x3FA4]  }
0x28: {  	s2 =	sld [smem:$0x3FA5]  }
0x29: {  	s4 =	sld [smem:$0x3FA7]  }
0x2a: {  	p0 =	seq.s32 s5, $0x0;
	s5 =	sld [smem:$0x3FA8]  }
0x2b: {  	s6 =	sld [smem:$0x3FA9]  }
0x2c: {  	s7 =	sld [smem:$0x3FAA]  }
0x2d: {  	s3 =	simm.s32 $0x108;
	s8 =	sld [smem:$0x3FAB]  }
0x2e: {  	s3 =	simm.s32 @!p0 $0x1082;
	s9 =	sld [smem:$0x3FAC]  }
0x2f: {  	lr =	sadd.s32 s0, s3;
	s0 =	sld [smem:$0x3FA3]  }
0x30: {  	s3 =	sld [smem:$0x3FA6]  }
0x31: {  	[smem:$0x3FAF] =	sst s10  }
0x32: {  	s10 =	sld [smem:$0x3FAD];
	_ =	sdelay $0x3  }
0x33: {  	p0 =	seq.s32 s10, $0x1;
	s10 =	sld [smem:$0x3FAF];
	_ =	sdelay $0x3  }
0x34: {  	[smem:$0x3FAF] =	sst s10  }
0x35: {  	s10 =	sld [smem:$0x3FAE];
	_ =	sdelay $0x3  }
0x36: {  	p1 =	seq.s32 s10, $0x1;
	s10 =	sld [smem:$0x3FAF];
	_ =	sdelay $0x3  }
0x37: {  	[smem:$0x3FAF] =	sst s10  }
0x38: {  	s10 =	sld [smem:$0x3FB0]  }
0x39: {  	_ = 	snop;
	(pc) =	sbr.ind lr, $3  }
0x3a: {  	_ = 	snop  }
0x3b: {  	_ = 	snop  }
0x3c: {  	p2 =	seq.s32 s10, $0x1;
	s10 =	sld [smem:$0x3FAF]  }
0x3d: {  	_ =	shalt  }
0x3e: {  	_ =	shalt  }
0x3f: {  	_ =	shalt  }
0x40: {  	_ =	shalt  }
0x41: {  	_ =	shalt  }
0x42: {  	_ =	shalt  }
0x43: {  	_ =	shalt  }
0x44: {  	_ =	shalt  }
0x45: {  	_ =	shalt  }
0x46: {  	_ =	shalt  }
0x47: {  	_ =	shalt  }
0x48: {  	_ =	shalt  }
0x49: {  	_ =	shalt  }
0x4a: {  	_ =	shalt  }
0x4b: {  	_ =	shalt  }
0x4c: {  	_ =	shalt  }
0x4d: {  	_ =	shalt  }
0x4e: {  	_ =	shalt  }
0x4f: {  	_ =	shalt  }
0x50: {  	_ =	shalt  }
0x51: {  	_ =	shalt  }
0x52: {  	_ =	shalt  }
0x53: {  	_ =	shalt  }
0x54: {  	_ =	shalt  }
0x55: {  	_ =	shalt  }
0x56: {  	_ =	shalt  }
0x57: {  	_ =	shalt  }
0x58: {  	_ =	shalt  }
0x59: {  	_ =	shalt  }
0x5a: {  	_ =	shalt  }
0x5b: {  	_ =	shalt  }
0x5c: {  	_ =	shalt  }
0x5d: {  	_ =	shalt  }
0x5e: {  	_ =	shalt  }
0x5f: {  	_ =	shalt  }
0x60: {  	_ =	shalt  }
0x61: {  	_ =	shalt  }
0x62: {  	_ =	shalt  }
0x63: {  	_ =	shalt  }
0x64: {  	_ =	shalt  }
0x65: {  	_ =	shalt  }
0x66: {  	_ =	shalt  }
0x67: {  	_ =	shalt  }
0x68: {  	_ =	shalt  }
0x69: {  	_ =	shalt  }
0x6a: {  	_ =	shalt  }
0x6b: {  	_ =	shalt  }
0x6c: {  	_ =	shalt  }
0x6d: {  	_ =	shalt  }
0x6e: {  	_ =	shalt  }
0x6f: {  	_ =	shalt  }
0x70: {  	_ =	shalt  }
0x71: {  	_ =	shalt  }
0x72: {  	_ =	shalt  }
0x73: {  	_ =	shalt  }
0x74: {  	_ =	shalt  }
0x75: {  	_ =	shalt  }
0x76: {  	_ =	shalt  }
0x77: {  	_ =	shalt  }
0x78: {  	_ =	shalt  }
0x79: {  	_ =	shalt  }
0x7a: {  	_ =	shalt  }
0x7b: {  	_ =	shalt  }
0x7c: {  	_ =	shalt  }
0x7d: {  	_ =	shalt  }
0x7e: {  	_ =	shalt  }
0x7f: {  	_ =	shalt  }
0x80: {  	_ =	shalt  }
0x81: {  	_ =	shalt  }
0x82: {  	_ =	shalt  }
0x83: {  	_ =	shalt  }
0x84: {  	_ =	shalt  }
0x85: {  	_ =	shalt  }
0x86: {  	_ =	shalt  }
0x87: {  	_ =	shalt  }
.Lfunc_end0:
.L_simem_size_0:
called_computation.3_lowered:
.L_overlay_start_0:
0x88: {  	s2 =	sld [smem:$0x3FD9]  }
0x89: {  	s3 =	sld [smem:$0x3FFE];
	_ =	sdelay $0x1  }
0x8a: {  	s1 =	srdreg.scid  }
0x8b: {  	s0 =	sand.u32 $0x1, s1  }
0x8c: {  	s17 =	sshll.u32 s0, $0xA;
	s2 =	sadd.s32 s3, s2  }
0x8d: {  	s2 =	sadd.s32 s2, s17  }
0x8e: {  	[smem:$0x3FBB] =	sst s2  }
0x8f: {  	_ = 	snop  }
0x90: {  	s2 =	sld [smem:$0x3FD0];
	(tm) =	ssettm $0x1  }
0x91: {  	s18 =	sld [smem:$0x3FFB];
	_ =	sdelay $0x3  }
0x92: {  	_ =	strace s18  }
0x93: {  	s3 =	sld [smem:$0x3FFC];
	_ =	sdelay $0x3  }
0x94: {  	_ =	strace s3  }
0x95: {  	s3 =	sld [smem:$0x3FFD];
	_ =	sdelay $0x3  }
0x96: {  	_ =	strace s3  }
0x97: {  	_ =	strace $0x8FFFFFFF  }
0x98: {  	s19 =	sld [smem:$0x3FDB];
	_ =	sdelay $0x1  }
0x99: {  	s4 =	simm.s32 $_scs_section_size  }
0x9a: {  	s5 =	simm.s32 $_size__tile_overlayer_lowered;
	s6 =	simm.s32 $_tile_overlayer_lowered  }
0x9b: {  	s22 =	simm.s32 $0x1BFF;
	s21 =	sshll.u32 s6, $0x1;
	s3 =	sadd.s32 s4, s19  }
0x9c: {  	s7 =	simm.s32 $0x0;
	s20 =	sshll.u32 s5, $0x1;
	s5 =	sadd.s32 s21, s3  }
0x9d: {  	[timem:s7], [sflag:s22] =	dma.local [hbm:s5], s20  }
0x9e: {  	_ =	swait.ge [sflag:s22], s20  }
0x9f: {  	s4 =	ssub.s32 $0x0, s20;
	[sflag:s22] =	ssyncset.done $0x0  }
0xa0: {  	[sflag:s22] =	ssyncadd.s32 s4;
	_ =	sdelay $0x1  }
0xa1: {  	s23 =	simm.s32 $0x1B8B  }
0xa2: {  	_ =	swait.ge [sflag:s23], $0x1  }
0xa3: {  	[sflag:s23] =	ssyncset.done $0x0  }
0xa4: {  	s25 =	simm.s32 $0x1B8E;
	s24 =	sld [smem:$0x3FFE];
	[sflag:s23] =	ssyncadd.s32 $0xFFFFFFFF  }
0xa5: {  	s26 =	simm.s32 $execute0_lowered;
	[smem:$0x3FD2] =	sst s25  }
0xa6: {  	s5 =	sshll.u32 s26, $0x1;
	_ =	strace $0x8000004F;
	[dreg:$0x1] =	wrdreg $0xFFFFFFFF  }
0xa7: {  	s28 =	simm.s32 $_size_execute0_lowered;
	s3 =	sadd.s32 s3, s5;
	[dreg:$0x0] =	wrdreg $0x0  }
0xa8: {  	s5 =	sshll.u32 s28, $0x1;
	[dreg:$0x2] =	wrdreg s3  }
0xa9: {  	[dreg:$0x3] =	wrdreg s5  }
0xaa: {  	[dreg:$0x4] =	wrdreg $0xC0  }
0xab: {  	_ =	task [dreg:s7], $0x5FFFF  }
0xac: {  	[dreg:$0x1] =	wrdreg $0xFFFFFFFF  }
0xad: {  	[dreg:$0x0] =	wrdreg $0x60  }
0xae: {  	[dreg:$0x2] =	wrdreg s2  }
0xaf: {  	[dreg:$0x3] =	wrdreg s24  }
0xb0: {  	[dreg:$0x4] =	wrdreg $0xA8000  }
0xb1: {  	[dreg:$0x5] =	wrdreg $0x9  }
0xb2: {  	_ =	task.clear_ibuf [dreg:s7], $0x6FFFF;
	_ =	strace $0x9000004F  }
0xb3: {  	s29 =	simm.s32 $0x9;
	_ =	strace $0x80000051  }
0xb4: {  	_ =	swait.ge [sflag:s29], $0x1  }
0xb5: {  	[sflag:s29] =	ssyncadd.s32 $0xFFFFFFFF  }
0xb6: {  	_ =	strace $0x90000051  }
0xb7: {  	_ =	sfence  }
0xb8: {  	s30 =	sld [smem:$0x0];
	_ =	sdelay $0x2  }
0xb9: {  	s31 =	sshll.u32 s1, $0xD;
	s1 =	sshrl.u32 s1, $0x2  }
0xba: {  	s3 =	sand.u32 $0x4000, s31;
	s1 =	sadd.s32 s1, s30  }
0xbb: {  	s0 =	sor.u32 s3, s0;
	s1 =	sshll.u32 s1, $0x11  }
0xbc: {  	s0 =	sor.u32 s1, s0  }
0xbd: {  	s0 =	sadd.s32 $0x8F2B, s0  }
0xbe: {  	[sflag:s0] =	ssyncadd.remote.s32 $0x1  }
0xbf: {  	_ =	sfence.sel $0xFFFF  }
0xc0: {  	[dreg:$0x0] =	wrdreg $0xFFFFFFFF;
	(pc) =	sbr.abs _section_cstart, $3  }
0xc1: {  	[dreg:$0x1] =	wrdreg $0xFFFFFFFF  }
0xc2: {  	_ =	task.clear_ibuf [dreg:s7], $0x2FFFF;
	_ =	strace $0x9FFFFFFF  }
0xc3: {  	(tm) =	ssettm $0x7FFFFFFF  }
tec
execute0_lowered:
.L_overlay_start_1:
0x0: {  	(tag) =	ssettag $0x1  }
0x1: {  	s1 =	rddreg [dreg:$0x0]  }
0x2: {  	s6 =	rddreg [dreg:$0x1]  }
0x3: {  	s2 =	rddreg [dreg:$0x2]  }
0x4: {  	s3 =	srdreg.scid;
	s0 =	rddreg [dreg:$0x3];
	s4 =	simm.s32 $0x0  }
0x5: {  	s15 =	simm.s32 $0x1400;
	s16 =	simm.s32 $0x80;
	s17 =	simm.s32 $0x2800  }
0x6: {  	s18 =	simm.s32 $0x6800;
	s19 =	simm.s32 $0x1;
	s20 =	simm.s32 $0x2  }
0x7: {  	s21 =	simm.s32 $0x2700;
	s22 =	simm.s32 $0x2780;
	s23 =	simm.s32 $0x0  }
0x8: {  	s7 =	sand.u32 $0x1, s3;
	[smem:$0x7FF] =	sst s4;
	s3 =	stileid.u32  }
0x9: {  	s9 =	sadd.s32 $0x19C00, s6;
	s10 =	sadd.s32 $0x23C00, s6;
	s5 =	sshll.u32 s7, $0x4  }
0xa: {  	_ =	strace $0x80000050;
	s12 =	smul.u32 $0x4E400, s3;
	s8 =	sor.u32 s3, s5  }
0xb: {  	s7 =	ssub.s32 $0x2, s7;
	s30 =	sshll.u32 s3, $0x6;
	s11 =	smul.u32 $0x2780, s8  }
0xc: {  	s28 =	sshrl.u32 s7, $0x1;
	s8 =	smul.u32 $0x2800, s8;
	s29 =	sshrl.u32 s12, $0x2  }
0xd: {  	s5 =	sadd.s32 $0x38200, s6;
	s13 =	ssub.s32 s7, s28;
	s14 =	sadd.s32 s29, s2  }
0xe: {  	s11 =	sadd.s32 s11, s6;
	s6 =	sor.u32 $0x1C03, s30;
	s31 =	sshrl.u32 s8, $0x3  }
0xf: {  	s7 =	sadd.s32 s9, s31;
	s8 =	sadd.s32 s10, s31;
	s12 =	sadd.s32 $0x280, s31  }
0x10: {  	s11 =	sadd.s32 $0x3AA00, s11;
	s9 =	sadd.s32 s9, s12;
	s10 =	sadd.s32 s10, s12  }
0x11: {  	s12 =	smax.u32 s13, $0x1;
	s13 =	sshrl.u32 s14, $0x3;
	s14 =	simm.s32 $0x3  }
.LBB2_1:
0x12: {  	[spmem:s13], [sflag:s6] =	dma.local [hbm:s5], $0x2720  }
0x13: {  	_ =	swait.ge [sflag:s14], $0x2720  }
0x14: {  	[sflag:s14] =	ssyncset.done $0x0  }
0x15: {  	[sflag:s14] =	ssyncadd.s32 $0xFFFFD8E0  }
0x16: {  	[bflag:$0x0] =	sbarrier.arrive $0xFFFF  }
0x17: {  	[tilespmem:s4], [sflag:$0x3] =	stream.linear.gather [hbm4b:s7+s4], $0x1400, $0x38;
	[tilespmem:$0x1E100] =	vst v63  }
0x18: {  	_ =	swait.ge [sflag:s14], $0x1400  }
0x19: {  	[sflag:s14] =	ssyncset.done $0x0  }
0x1a: {  	[sflag:s14] =	ssyncadd.s32 $0xFFFFEC00  }
0x1b: {  	[tilespmem:s15], [sflag:$0x3] =	stream.linear.gather [hbm4b:s8+s4], $0x1400, $0x38;
	[tilespmem:$0x1E100] =	vst v63  }
0x1c: {  	_ =	swait.ge [sflag:s14], $0x1400  }
0x1d: {  	[sflag:s14] =	ssyncset.done $0x0  }
0x1e: {  	[sflag:s14] =	ssyncadd.s32 $0xFFFFEC00  }
0x1f: {  	[tilespmem:s17], [sflag:$0x1] =	stream.indirect.gather [hbm4b:s1+s16], $0x80, s4, s16, $0xb8;
	[tilespmem:$0x1E100] =	vst v63  }
0x20: {  	_ = 	snop  }
0x21: {  	[tilespmem:s18], [sflag:$0x2] =	stream.indirect.gather [hbm4b:s1+s16], $0x80, s16, s16, $0xb8;
	[tilespmem:$0x1E100] =	vst v63  }
0x22: {  	_ =	swait.ge [sflag:s19], $0x4000  }
0x23: {  	[sflag:s19] =	ssyncset.done $0x0  }
0x24: {  	s24 =	simm.s32 $0x1400;
	[sflag:s19] =	ssyncadd.s32 $0xFFFFC000  }
0x25: {  	[spmem:s2] =	stream.indirect.scatter.add.f32 [tilespmem:s17], [sflag:$0x3], $0x80, s24, s16, $0xb8;
	[tilespmem:$0x1E100] =	vst v63  }
0x26: {  	_ =	swait.ge [sflag:s14], $0x4000  }
0x27: {  	[sflag:s14] =	ssyncset.done $0x0  }
0x28: {  	s30 =	simm.s32 $0x100;
	[sflag:s14] =	ssyncadd.s32 $0xFFFFC000  }
0x29: {  	[tilespmem:s17], [sflag:$0x1] =	stream.indirect.gather [hbm4b:s1+s16], $0x80, s30, s16, $0xb8;
	[tilespmem:$0x1E100] =	vst v63  }
0x2a: {  	_ =	swait.ge [sflag:s20], $0x4000  }
0x2b: {  	[sflag:s20] =	ssyncset.done $0x0  }
0x2c: {  	s31 =	simm.s32 $0x1480;
	[sflag:s20] =	ssyncadd.s32 $0xFFFFC000  }
0x2d: {  	[spmem:s2] =	stream.indirect.scatter.add.f32 [tilespmem:s18], [sflag:$0x3], $0x80, s31, s16, $0xb8;
	[tilespmem:$0x1E100] =	vst v63  }
0x2e: {  	_ =	swait.ge [sflag:s14], $0x4000  }
0x2f: {  	[sflag:s14] =	ssyncset.done $0x0  }
0x30: {  	s25 =	simm.s32 $0x180;
	s24 =	simm.s32 $0x400;
	[sflag:s14] =	ssyncadd.s32 $0xFFFFC000  }
.LBB2_2:
0x31: {  	[tilespmem:s18], [sflag:$0x2] =	stream.indirect.gather [hbm4b:s1+s16], $0x80, s25, s16, $0xb8;
	[tilespmem:$0x1E100] =	vst v63  }
0x32: {  	s25 =	smov.u32 s24  }
0x33: {  	p0 =	sne.s32 s24, $0x4800;
	s24 =	sadd.s32 $0x400, s24;
	_ =	swait.ge [sflag:s19], $0x4000  }
0x34: {  	s25 =	sshra.s32 s25, $0x2;
	[sflag:s19] =	ssyncset.done $0x0  }
0x35: {  	s26 =	sadd.s32 $0x1400, s25;
	[sflag:s19] =	ssyncadd.s32 $0xFFFFC000  }
0x36: {  	[spmem:s2] =	stream.indirect.scatter.add.f32 [tilespmem:s17], [sflag:$0x3], $0x80, s26, s16, $0xb8;
	[tilespmem:$0x1E100] =	vst v63  }
0x37: {  	_ =	swait.ge [sflag:s14], $0x4000  }
0x38: {  	[sflag:s14] =	ssyncset.done $0x0  }
0x39: {  	s26 =	sadd.s32 $0x100, s25;
	[sflag:s14] =	ssyncadd.s32 $0xFFFFC000  }
0x3a: {  	[tilespmem:s17], [sflag:$0x1] =	stream.indirect.gather [hbm4b:s1+s16], $0x80, s26, s16, $0xb8;
	[tilespmem:$0x1E100] =	vst v63  }
0x3b: {  	_ =	swait.ge [sflag:s20], $0x4000  }
0x3c: {  	[sflag:s20] =	ssyncset.done $0x0  }
.Ltmp0:
0x3d: {  	s26 =	sadd.s32 $0x1480, s25;
	[sflag:s20] =	ssyncadd.s32 $0xFFFFC000;
	(pc) =	sbr.rel @p0 .LBB2_2-.Ltmp0, $4  }
0x3e: {  	[spmem:s2] =	stream.indirect.scatter.add.f32 [tilespmem:s18], [sflag:$0x3], $0x80, s26, s16, $0xb8;
	[tilespmem:$0x1E100] =	vst v63  }
0x3f: {  	_ =	swait.ge [sflag:s14], $0x4000  }
0x40: {  	[sflag:s14] =	ssyncset.done $0x0  }
0x41: {  	s25 =	sadd.s32 $0x180, s25;
	[sflag:s14] =	ssyncadd.s32 $0xFFFFC000  }
0x42: {  	[tilespmem:s18], [sflag:$0x2] =	stream.indirect.gather [hbm4b:s1+s16], $0x80, s25, s16, $0xb8;
	[tilespmem:$0x1E100] =	vst v63  }
0x43: {  	_ =	swait.ge [sflag:s19], $0x4000  }
0x44: {  	[sflag:s19] =	ssyncset.done $0x0  }
0x45: {  	[sflag:s19] =	ssyncadd.s32 $0xFFFFC000  }
0x46: {  	[spmem:s2] =	stream.indirect.scatter.add.f32 [tilespmem:s17], [sflag:$0x3], $0x80, s21, s16, $0xb8;
	[tilespmem:$0x1E100] =	vst v63  }
0x47: {  	_ =	swait.ge [sflag:s14], $0x4000  }
0x48: {  	[sflag:s14] =	ssyncset.done $0x0  }
0x49: {  	[sflag:s14] =	ssyncadd.s32 $0xFFFFC000  }
0x4a: {  	_ =	swait.ge [sflag:s20], $0x4000  }
0x4b: {  	[sflag:s20] =	ssyncset.done $0x0  }
0x4c: {  	[sflag:s20] =	ssyncadd.s32 $0xFFFFC000  }
0x4d: {  	[spmem:s2] =	stream.indirect.scatter.add.f32 [tilespmem:s18], [sflag:$0x3], $0x80, s22, s16, $0xb8;
	[tilespmem:$0x1E100] =	vst v63  }
0x4e: {  	_ =	swait.ge [sflag:s14], $0x4000  }
0x4f: {  	[sflag:s14] =	ssyncset.done $0x0  }
0x50: {  	s24 =	simm.s32 $0x0;
	[sflag:s14] =	ssyncadd.s32 $0xFFFFC000  }
0x51: {  	[tilespmem:s24], [sflag:$0x3] =	stream.linear.gather [hbm4b:s9+s24], $0x1400, $0x38;
	[tilespmem:$0x1E100] =	vst v63  }
0x52: {  	_ =	swait.ge [sflag:s14], $0x1400  }
0x53: {  	[sflag:s14] =	ssyncset.done $0x0  }
0x54: {  	[sflag:s14] =	ssyncadd.s32 $0xFFFFEC00  }
0x55: {  	[tilespmem:s15], [sflag:$0x3] =	stream.linear.gather [hbm4b:s10+s24], $0x1400, $0x38;
	[tilespmem:$0x1E100] =	vst v63  }
0x56: {  	_ =	swait.ge [sflag:s14], $0x1400  }
0x57: {  	[sflag:s14] =	ssyncset.done $0x0  }
0x58: {  	[sflag:s14] =	ssyncadd.s32 $0xFFFFEC00  }
0x59: {  	[tilespmem:s17], [sflag:$0x1] =	stream.indirect.gather [hbm4b:s1+s16], $0x80, s24, s16, $0xb8;
	[tilespmem:$0x1E100] =	vst v63  }
0x5a: {  	_ = 	snop  }
0x5b: {  	[tilespmem:s18], [sflag:$0x2] =	stream.indirect.gather [hbm4b:s1+s16], $0x80, s16, s16, $0xb8;
	[tilespmem:$0x1E100] =	vst v63  }
0x5c: {  	_ =	swait.ge [sflag:s19], $0x4000  }
0x5d: {  	[sflag:s19] =	ssyncset.done $0x0  }
0x5e: {  	s29 =	simm.s32 $0x1400;
	[sflag:s19] =	ssyncadd.s32 $0xFFFFC000  }
0x5f: {  	[spmem:s2] =	stream.indirect.scatter.add.f32 [tilespmem:s17], [sflag:$0x3], $0x80, s29, s16, $0xb8;
	[tilespmem:$0x1E100] =	vst v63  }
0x60: {  	_ =	swait.ge [sflag:s14], $0x4000  }
0x61: {  	[sflag:s14] =	ssyncset.done $0x0  }
0x62: {  	s30 =	simm.s32 $0x100;
	[sflag:s14] =	ssyncadd.s32 $0xFFFFC000  }
0x63: {  	[tilespmem:s17], [sflag:$0x1] =	stream.indirect.gather [hbm4b:s1+s16], $0x80, s30, s16, $0xb8;
	[tilespmem:$0x1E100] =	vst v63  }
0x64: {  	_ =	swait.ge [sflag:s20], $0x4000  }
0x65: {  	[sflag:s20] =	ssyncset.done $0x0  }
0x66: {  	s31 =	simm.s32 $0x1480;
	[sflag:s20] =	ssyncadd.s32 $0xFFFFC000  }
0x67: {  	[spmem:s2] =	stream.indirect.scatter.add.f32 [tilespmem:s18], [sflag:$0x3], $0x80, s31, s16, $0xb8;
	[tilespmem:$0x1E100] =	vst v63  }
0x68: {  	_ =	swait.ge [sflag:s14], $0x4000  }
0x69: {  	[sflag:s14] =	ssyncset.done $0x0  }
0x6a: {  	s25 =	simm.s32 $0x180;
	s24 =	simm.s32 $0x400;
	[sflag:s14] =	ssyncadd.s32 $0xFFFFC000  }
.LBB2_4:
0x6b: {  	[tilespmem:s18], [sflag:$0x2] =	stream.indirect.gather [hbm4b:s1+s16], $0x80, s25, s16, $0xb8;
	[tilespmem:$0x1E100] =	vst v63  }
0x6c: {  	s25 =	smov.u32 s24  }
0x6d: {  	p0 =	sne.s32 s24, $0x4800;
	s24 =	sadd.s32 $0x400, s24;
	_ =	swait.ge [sflag:s19], $0x4000  }
0x6e: {  	s25 =	sshra.s32 s25, $0x2;
	[sflag:s19] =	ssyncset.done $0x0  }
0x6f: {  	s26 =	sadd.s32 $0x1400, s25;
	[sflag:s19] =	ssyncadd.s32 $0xFFFFC000  }
0x70: {  	[spmem:s2] =	stream.indirect.scatter.add.f32 [tilespmem:s17], [sflag:$0x3], $0x80, s26, s16, $0xb8;
	[tilespmem:$0x1E100] =	vst v63  }
0x71: {  	_ =	swait.ge [sflag:s14], $0x4000  }
0x72: {  	[sflag:s14] =	ssyncset.done $0x0  }
0x73: {  	s26 =	sadd.s32 $0x100, s25;
	[sflag:s14] =	ssyncadd.s32 $0xFFFFC000  }
0x74: {  	[tilespmem:s17], [sflag:$0x1] =	stream.indirect.gather [hbm4b:s1+s16], $0x80, s26, s16, $0xb8;
	[tilespmem:$0x1E100] =	vst v63  }
0x75: {  	_ =	swait.ge [sflag:s20], $0x4000  }
0x76: {  	[sflag:s20] =	ssyncset.done $0x0  }
.Ltmp1:
0x77: {  	s26 =	sadd.s32 $0x1480, s25;
	[sflag:s20] =	ssyncadd.s32 $0xFFFFC000;
	(pc) =	sbr.rel @p0 .LBB2_4-.Ltmp1, $4  }
0x78: {  	[spmem:s2] =	stream.indirect.scatter.add.f32 [tilespmem:s18], [sflag:$0x3], $0x80, s26, s16, $0xb8;
	[tilespmem:$0x1E100] =	vst v63  }
0x79: {  	_ =	swait.ge [sflag:s14], $0x4000  }
0x7a: {  	[sflag:s14] =	ssyncset.done $0x0  }
0x7b: {  	s25 =	sadd.s32 $0x180, s25;
	[sflag:s14] =	ssyncadd.s32 $0xFFFFC000  }
0x7c: {  	[tilespmem:s18], [sflag:$0x2] =	stream.indirect.gather [hbm4b:s1+s16], $0x80, s25, s16, $0xb8;
	[tilespmem:$0x1E100] =	vst v63  }
0x7d: {  	_ =	swait.ge [sflag:s19], $0x4000  }
0x7e: {  	[sflag:s19] =	ssyncset.done $0x0  }
0x7f: {  	[sflag:s19] =	ssyncadd.s32 $0xFFFFC000  }
0x80: {  	[spmem:s2] =	stream.indirect.scatter.add.f32 [tilespmem:s17], [sflag:$0x3], $0x80, s21, s16, $0xb8;
	[tilespmem:$0x1E100] =	vst v63  }
0x81: {  	_ =	swait.ge [sflag:s14], $0x4000  }
0x82: {  	[sflag:s14] =	ssyncset.done $0x0  }
0x83: {  	[sflag:s14] =	ssyncadd.s32 $0xFFFFC000  }
0x84: {  	_ =	swait.ge [sflag:s20], $0x4000  }
0x85: {  	[sflag:s20] =	ssyncset.done $0x0  }
0x86: {  	[sflag:s20] =	ssyncadd.s32 $0xFFFFC000  }
0x87: {  	[spmem:s2] =	stream.indirect.scatter.add.f32 [tilespmem:s18], [sflag:$0x3], $0x80, s22, s16, $0xb8;
	[tilespmem:$0x1E100] =	vst v63  }
0x88: {  	_ =	swait.ge [sflag:s14], $0x4000  }
0x89: {  	s23 =	sadd.s32 $0x1, s23;
	[sflag:s14] =	ssyncset.done $0x0  }
0x8a: {  	p0 =	sne.s32 s23, s12;
	[sflag:s14] =	ssyncadd.s32 $0xFFFFC000  }
.Ltmp2:
0x8b: {  	[bflag:$0x0] =	sbarrier.arrive $0xFFFF;
	(pc) =	sbr.rel @p0 .LBB2_1-.Ltmp2, $4  }
0x8c: {  	[hbm:s11], [sflag:s6] =	dma.local [spmem:s13], $0x2720  }
0x8d: {  	_ =	swait.ge [sflag:s14], $0x2720  }
0x8e: {  	[sflag:s14] =	ssyncset.done $0x0  }
0x8f: {  	[sflag:s14] =	ssyncadd.s32 $0xFFFFD8E0  }
0x90: {  	_ =	sfence.sel $0x180000  }
0x91: {  	[bflag:$0x0] =	sbarrier.arrive $0xFFFF  }
0x92: {  	p0 =	sne.s32 s3, $0x0;
	_ =	strace $0x90000050  }
0x93: {  	s0 =	sadd.s32 @!p0 $0x100000, s0;
	[bflag:$0x2] =	sbarrier.arrive $0xFFFF  }
0x94: {  	[sflag:s0] =	ssyncadd.tile.s32 @!p0 $0x1;
	_ =	shalt  }
.Lfunc_end2:
_tile_overlayer_lowered:
.L_overlay_start_2:
0x95: {  	(tag) =	ssettag $0x2  }
0x96: {  	s0 =	rddreg [dreg:$0x0];
	s2 =	stileid.u32  }
0x97: {  	s1 =	rddreg [dreg:$0x1];
	p0 =	sne.s32 s2, $0x0  }
0x98: {  	s3 =	rddreg [dreg:$0x2];
	[bflag:$0x3] =	sbarrier.arrive $0xFFFF;
	s2 =	simm.s32 @!p0 $0x1C03  }
0x99: {  	[timem:s3], [sflag:s2] =	dma.local @!p0 [hbm:s0], s1  }
0x9a: {  	s0 =	simm.s32 @!p0 $0x3  }
0x9b: {  	_ =	swait.ge @!p0 [sflag:s0], s1  }
0x9c: {  	s1 =	ssub.s32 @!p0 $0x0, s1;
	[sflag:s0] =	ssyncset.done @!p0 $0x0  }
0x9d: {  	[sflag:s0] =	ssyncadd.s32 @!p0 s1  }
0x9e: {  	[bflag:$0x3] =	sbarrier.arrive $0xFFFF  }
0x9f: {  	_ =	shalt  }

// kernel: kernel.26.cloned.1.call-start
scs
__scs_entry_jumppad:
0x0: {  	(pc) =	sbr.rel $0x88, $3  }
0x1: {  	(tag) =	ssettag $0x0;
	lr =	simm.s32 $0x1  }
0x2: {  	[smem:$0x3F94] =	sst lr;
	_ =	strace $0xD0000000  }
0x3: {  	_ = 	snop  }
0x4: {  	_ = 	snop  }
0x5: {  	_ = 	snop  }
0x6: {  	_ = 	snop  }
0x7: {  	_ = 	snop  }
__scs_overlays_trampoline_lowered:
0x8: {  	[smem:$0x3FA3] =	sst s0  }
0x9: {  	[smem:$0x3FA4] =	sst s1  }
0xa: {  	[smem:$0x3FA5] =	sst s2  }
0xb: {  	[smem:$0x3FA6] =	sst s3  }
0xc: {  	[smem:$0x3FA7] =	sst s4  }
0xd: {  	[smem:$0x3FA8] =	sst s5  }
0xe: {  	[smem:$0x3FA9] =	sst s6  }
0xf: {  	[smem:$0x3FAA] =	sst s7  }
0x10: {  	[smem:$0x3FAB] =	sst s8  }
0x11: {  	[smem:$0x3FAC] =	sst s9;
	s0 =	simm.s32 @!p0 $0x0  }
0x12: {  	s1 =	sld [smem:$0x3F92];
	s0 =	simm.s32 @p0 $0x1  }
0x13: {  	[smem:$0x3FAD] =	sst s0;
	s0 =	simm.s32 @!p1 $0x0  }
0x14: {  	s2 =	sld [smem:$0x3F91];
	s0 =	simm.s32 @p1 $0x1  }
0x15: {  	[smem:$0x3FAE] =	sst s0;
	s0 =	simm.s32 @!p2 $0x0  }
0x16: {  	s3 =	sld [smem:$0x3FDB];
	s0 =	simm.s32 @p2 $0x1  }
0x17: {  	s4 =	simm.s32 $0x1BF5;
	[smem:$0x3FB0] =	sst s0  }
0x18: {  	s0 =	sld [smem:$0x3F93];
	_ =	swait.ge [sflag:s4], $0x0  }
0x19: {  	s7 =	sld [smem:$0x3F94]  }
0x1a: {  	s8 =	sadd.s32 $0xFFFFE003, lr  }
0x1b: {  	s9 =	sadd.s32 $0xFFFFFEF7, lr;
	s5 =	simm.s32 $0xFFFFFFFF;
	p2 =	slt.u32 s8, $0xFFFFF086  }
0x1c: {  	p1 =	slt.u32 s9, $0xF7A;
	s5 =	simm.s32 @!p2 $0x0  }
0x1d: {  	s5 =	simm.s32 @p1 $0x1;
	p0 =	seq.s32 s7, s2  }
0x1e: {  	s7 =	smul.u32 @!p0 $0xF7A, s2;
	p2 =	seq.s32 @!p0 s5, $0x0  }
0x1f: {  	s9 =	smul.u32 $0xF7A, s1;
	s8 =	simm.s32 @!p0 $0x1BF5;
	p2 =	por !p2, p0  }
0x20: {  	[sflag:s8] =	ssyncset.s32 @!p0 $0xFFFFF086;
	s6 =	sadd.s32 @!p0 s3, s7;
	s7 =	simm.s32 @!p0 $0x108  }
0x21: {  	s3 =	sadd.s32 s3, s9;
	s6 =	sadd.s32 @!p0 $0x88, s6;
	s7 =	simm.s32 @p2 $0x1082  }
0x22: {  	[simem:s7], [sflag:s8] =	dma.local @!p0 [hbm:s6], $0xF7A  }
0x23: {  	s9 =	sor.u32 $0xD0000000, s2;
	s6 =	simm.s32 $0x108;
	_ =	swait.ge @!p0 [sflag:s8], $0x0  }
0x24: {  	s3 =	sadd.s32 $0x88, s3;
	s6 =	simm.s32 @!p1 $0x1082;
	[sflag:s4] =	ssyncset.s32 $0xFFFFF086  }
0x25: {  	[simem:s6], [sflag:s4] =	dma.local [hbm:s3], $0xF7A  }
0x26: {  	[smem:$0x3F94] =	sst s1;
	(tag) =	ssettag s2;
	_ =	strace s9  }
0x27: {  	s1 =	sld [smem:$0x3FA4]  }
0x28: {  	s2 =	sld [smem:$0x3FA5]  }
0x29: {  	s4 =	sld [smem:$0x3FA7]  }
0x2a: {  	p0 =	seq.s32 s5, $0x0;
	s5 =	sld [smem:$0x3FA8]  }
0x2b: {  	s6 =	sld [smem:$0x3FA9]  }
0x2c: {  	s7 =	sld [smem:$0x3FAA]  }
0x2d: {  	s3 =	simm.s32 $0x108;
	s8 =	sld [smem:$0x3FAB]  }
0x2e: {  	s3 =	simm.s32 @!p0 $0x1082;
	s9 =	sld [smem:$0x3FAC]  }
0x2f: {  	lr =	sadd.s32 s0, s3;
	s0 =	sld [smem:$0x3FA3]  }
0x30: {  	s3 =	sld [smem:$0x3FA6]  }
0x31: {  	[smem:$0x3FAF] =	sst s10  }
0x32: {  	s10 =	sld [smem:$0x3FAD];
	_ =	sdelay $0x3  }
0x33: {  	p0 =	seq.s32 s10, $0x1;
	s10 =	sld [smem:$0x3FAF];
	_ =	sdelay $0x3  }
0x34: {  	[smem:$0x3FAF] =	sst s10  }
0x35: {  	s10 =	sld [smem:$0x3FAE];
	_ =	sdelay $0x3  }
0x36: {  	p1 =	seq.s32 s10, $0x1;
	s10 =	sld [smem:$0x3FAF];
	_ =	sdelay $0x3  }
0x37: {  	[smem:$0x3FAF] =	sst s10  }
0x38: {  	s10 =	sld [smem:$0x3FB0]  }
0x39: {  	_ = 	snop;
	(pc) =	sbr.ind lr, $3  }
0x3a: {  	_ = 	snop  }
0x3b: {  	_ = 	snop  }
0x3c: {  	p2 =	seq.s32 s10, $0x1;
	s10 =	sld [smem:$0x3FAF]  }
0x3d: {  	_ =	shalt  }
0x3e: {  	_ =	shalt  }
0x3f: {  	_ =	shalt  }
0x40: {  	_ =	shalt  }
0x41: {  	_ =	shalt  }
0x42: {  	_ =	shalt  }
0x43: {  	_ =	shalt  }
0x44: {  	_ =	shalt  }
0x45: {  	_ =	shalt  }
0x46: {  	_ =	shalt  }
0x47: {  	_ =	shalt  }
0x48: {  	_ =	shalt  }
0x49: {  	_ =	shalt  }
0x4a: {  	_ =	shalt  }
0x4b: {  	_ =	shalt  }
0x4c: {  	_ =	shalt  }
0x4d: {  	_ =	shalt  }
0x4e: {  	_ =	shalt  }
0x4f: {  	_ =	shalt  }
0x50: {  	_ =	shalt  }
0x51: {  	_ =	shalt  }
0x52: {  	_ =	shalt  }
0x53: {  	_ =	shalt  }
0x54: {  	_ =	shalt  }
0x55: {  	_ =	shalt  }
0x56: {  	_ =	shalt  }
0x57: {  	_ =	shalt  }
0x58: {  	_ =	shalt  }
0x59: {  	_ =	shalt  }
0x5a: {  	_ =	shalt  }
0x5b: {  	_ =	shalt  }
0x5c: {  	_ =	shalt  }
0x5d: {  	_ =	shalt  }
0x5e: {  	_ =	shalt  }
0x5f: {  	_ =	shalt  }
0x60: {  	_ =	shalt  }
0x61: {  	_ =	shalt  }
0x62: {  	_ =	shalt  }
0x63: {  	_ =	shalt  }
0x64: {  	_ =	shalt  }
0x65: {  	_ =	shalt  }
0x66: {  	_ =	shalt  }
0x67: {  	_ =	shalt  }
0x68: {  	_ =	shalt  }
0x69: {  	_ =	shalt  }
0x6a: {  	_ =	shalt  }
0x6b: {  	_ =	shalt  }
0x6c: {  	_ =	shalt  }
0x6d: {  	_ =	shalt  }
0x6e: {  	_ =	shalt  }
0x6f: {  	_ =	shalt  }
0x70: {  	_ =	shalt  }
0x71: {  	_ =	shalt  }
0x72: {  	_ =	shalt  }
0x73: {  	_ =	shalt  }
0x74: {  	_ =	shalt  }
0x75: {  	_ =	shalt  }
0x76: {  	_ =	shalt  }
0x77: {  	_ =	shalt  }
0x78: {  	_ =	shalt  }
0x79: {  	_ =	shalt  }
0x7a: {  	_ =	shalt  }
0x7b: {  	_ =	shalt  }
0x7c: {  	_ =	shalt  }
0x7d: {  	_ =	shalt  }
0x7e: {  	_ =	shalt  }
0x7f: {  	_ =	shalt  }
0x80: {  	_ =	shalt  }
0x81: {  	_ =	shalt  }
0x82: {  	_ =	shalt  }
0x83: {  	_ =	shalt  }
0x84: {  	_ =	shalt  }
0x85: {  	_ =	shalt  }
0x86: {  	_ =	shalt  }
0x87: {  	_ =	shalt  }
.Lfunc_end0:
.L_simem_size_0:
called_computation.4_lowered:
.L_overlay_start_0:
0x88: {  	s2 =	sld [smem:$0x3FD9]  }
0x89: {  	s3 =	sld [smem:$0x3FFE];
	_ =	sdelay $0x1  }
0x8a: {  	s1 =	srdreg.scid  }
0x8b: {  	s0 =	sand.u32 $0x1, s1  }
0x8c: {  	s17 =	sshll.u32 s0, $0xA;
	s2 =	sadd.s32 s3, s2  }
0x8d: {  	s2 =	sadd.s32 s2, s17  }
0x8e: {  	[smem:$0x3FBB] =	sst s2  }
0x8f: {  	_ = 	snop  }
0x90: {  	s2 =	sld [smem:$0x3FD0];
	(tm) =	ssettm $0x1  }
0x91: {  	s18 =	sld [smem:$0x3FFB];
	_ =	sdelay $0x3  }
0x92: {  	_ =	strace s18  }
0x93: {  	s3 =	sld [smem:$0x3FFC];
	_ =	sdelay $0x3  }
0x94: {  	_ =	strace s3  }
0x95: {  	s3 =	sld [smem:$0x3FFD];
	_ =	sdelay $0x3  }
0x96: {  	_ =	strace s3  }
0x97: {  	_ =	strace $0x8FFFFFFF  }
0x98: {  	s19 =	sld [smem:$0x3FDB];
	_ =	sdelay $0x1  }
0x99: {  	s4 =	simm.s32 $_scs_section_size  }
0x9a: {  	s5 =	simm.s32 $_size__tile_overlayer_lowered;
	s6 =	simm.s32 $_tile_overlayer_lowered  }
0x9b: {  	s22 =	simm.s32 $0x1BFF;
	s21 =	sshll.u32 s6, $0x1;
	s3 =	sadd.s32 s4, s19  }
0x9c: {  	s7 =	simm.s32 $0x0;
	s20 =	sshll.u32 s5, $0x1;
	s5 =	sadd.s32 s21, s3  }
0x9d: {  	[timem:s7], [sflag:s22] =	dma.local [hbm:s5], s20  }
0x9e: {  	_ =	swait.ge [sflag:s22], s20  }
0x9f: {  	s4 =	ssub.s32 $0x0, s20;
	[sflag:s22] =	ssyncset.done $0x0  }
0xa0: {  	[sflag:s22] =	ssyncadd.s32 s4;
	_ =	sdelay $0x1  }
0xa1: {  	s23 =	simm.s32 $0x1B8B  }
0xa2: {  	_ =	swait.ge [sflag:s23], $0x1  }
0xa3: {  	[sflag:s23] =	ssyncset.done $0x0  }
0xa4: {  	s25 =	simm.s32 $0x1B8E;
	s24 =	sld [smem:$0x3FFE];
	[sflag:s23] =	ssyncadd.s32 $0xFFFFFFFF  }
0xa5: {  	s26 =	simm.s32 $execute0_lowered;
	[smem:$0x3FD2] =	sst s25  }
0xa6: {  	s5 =	sshll.u32 s26, $0x1;
	_ =	strace $0x80000052;
	[dreg:$0x1] =	wrdreg $0xFFFFFFFF  }
0xa7: {  	s28 =	simm.s32 $_size_execute0_lowered;
	s3 =	sadd.s32 s3, s5;
	[dreg:$0x0] =	wrdreg $0x0  }
0xa8: {  	s5 =	sshll.u32 s28, $0x1;
	[dreg:$0x2] =	wrdreg s3  }
0xa9: {  	[dreg:$0x3] =	wrdreg s5  }
0xaa: {  	[dreg:$0x4] =	wrdreg $0xC0  }
0xab: {  	_ =	task [dreg:s7], $0x5FFFF  }
0xac: {  	[dreg:$0x1] =	wrdreg $0xFFFFFFFF  }
0xad: {  	[dreg:$0x0] =	wrdreg $0x60  }
0xae: {  	[dreg:$0x2] =	wrdreg s2  }
0xaf: {  	[dreg:$0x3] =	wrdreg s24  }
0xb0: {  	[dreg:$0x4] =	wrdreg $0xA8000  }
0xb1: {  	[dreg:$0x5] =	wrdreg $0x9  }
0xb2: {  	_ =	task.clear_ibuf [dreg:s7], $0x6FFFF;
	_ =	strace $0x90000052  }
0xb3: {  	s29 =	simm.s32 $0x9;
	_ =	strace $0x80000054  }
0xb4: {  	_ =	swait.ge [sflag:s29], $0x1  }
0xb5: {  	[sflag:s29] =	ssyncadd.s32 $0xFFFFFFFF  }
0xb6: {  	_ =	strace $0x90000054  }
0xb7: {  	_ =	sfence  }
0xb8: {  	s30 =	sld [smem:$0x0];
	_ =	sdelay $0x2  }
0xb9: {  	s31 =	sshll.u32 s1, $0xD;
	s1 =	sshrl.u32 s1, $0x2  }
0xba: {  	s3 =	sand.u32 $0x4000, s31;
	s1 =	sadd.s32 s1, s30  }
0xbb: {  	s0 =	sor.u32 s3, s0;
	s1 =	sshll.u32 s1, $0x11  }
0xbc: {  	s0 =	sor.u32 s1, s0  }
0xbd: {  	s0 =	sadd.s32 $0x8F2B, s0  }
0xbe: {  	[sflag:s0] =	ssyncadd.remote.s32 $0x1  }
0xbf: {  	_ =	sfence.sel $0xFFFF  }
0xc0: {  	[dreg:$0x0] =	wrdreg $0xFFFFFFFF;
	(pc) =	sbr.abs _section_cstart, $3  }
0xc1: {  	[dreg:$0x1] =	wrdreg $0xFFFFFFFF  }
0xc2: {  	_ =	task.clear_ibuf [dreg:s7], $0x2FFFF;
	_ =	strace $0x9FFFFFFF  }
0xc3: {  	(tm) =	ssettm $0x7FFFFFFF  }
tec
execute0_lowered:
.L_overlay_start_1:
0x0: {  	(tag) =	ssettag $0x1  }
0x1: {  	s1 =	rddreg [dreg:$0x0]  }
0x2: {  	s6 =	rddreg [dreg:$0x1]  }
0x3: {  	s2 =	rddreg [dreg:$0x2]  }
0x4: {  	s3 =	srdreg.scid;
	s0 =	rddreg [dreg:$0x3];
	s4 =	simm.s32 $0x0  }
0x5: {  	s15 =	simm.s32 $0x1400;
	s16 =	simm.s32 $0x80;
	s17 =	simm.s32 $0x2800  }
0x6: {  	s18 =	simm.s32 $0x6800;
	s19 =	simm.s32 $0x1;
	s20 =	simm.s32 $0x2  }
0x7: {  	s21 =	simm.s32 $0x2700;
	s22 =	simm.s32 $0x2780;
	s23 =	simm.s32 $0x0  }
0x8: {  	s7 =	sand.u32 $0x1, s3;
	[smem:$0x7FF] =	sst s4;
	s3 =	stileid.u32  }
0x9: {  	s9 =	sadd.s32 $0x19C00, s6;
	s10 =	sadd.s32 $0x23C00, s6;
	s5 =	sshll.u32 s7, $0x4  }
0xa: {  	_ =	strace $0x80000053;
	s12 =	smul.u32 $0x4E400, s3;
	s8 =	sor.u32 s3, s5  }
0xb: {  	s7 =	ssub.s32 $0x2, s7;
	s30 =	sshll.u32 s3, $0x6;
	s11 =	smul.u32 $0x2780, s8  }
0xc: {  	s28 =	sshrl.u32 s7, $0x1;
	s8 =	smul.u32 $0x2800, s8;
	s29 =	sshrl.u32 s12, $0x2  }
0xd: {  	s5 =	sadd.s32 $0x38200, s6;
	s13 =	ssub.s32 s7, s28;
	s14 =	sadd.s32 s29, s2  }
0xe: {  	s11 =	sadd.s32 s11, s6;
	s6 =	sor.u32 $0x1C03, s30;
	s31 =	sshrl.u32 s8, $0x3  }
0xf: {  	s7 =	sadd.s32 s9, s31;
	s8 =	sadd.s32 s10, s31;
	s12 =	sadd.s32 $0x280, s31  }
0x10: {  	s11 =	sadd.s32 $0x3AA00, s11;
	s9 =	sadd.s32 s9, s12;
	s10 =	sadd.s32 s10, s12  }
0x11: {  	s12 =	smax.u32 s13, $0x1;
	s13 =	sshrl.u32 s14, $0x3;
	s14 =	simm.s32 $0x3  }
.LBB2_1:
0x12: {  	[spmem:s13], [sflag:s6] =	dma.local [hbm:s5], $0x2720  }
0x13: {  	_ =	swait.ge [sflag:s14], $0x2720  }
0x14: {  	[sflag:s14] =	ssyncset.done $0x0  }
0x15: {  	[sflag:s14] =	ssyncadd.s32 $0xFFFFD8E0  }
0x16: {  	[bflag:$0x0] =	sbarrier.arrive $0xFFFF  }
0x17: {  	[tilespmem:s4], [sflag:$0x3] =	stream.linear.gather [hbm4b:s7+s4], $0x1400, $0x38;
	[tilespmem:$0x1E100] =	vst v63  }
0x18: {  	_ =	swait.ge [sflag:s14], $0x1400  }
0x19: {  	[sflag:s14] =	ssyncset.done $0x0  }
0x1a: {  	[sflag:s14] =	ssyncadd.s32 $0xFFFFEC00  }
0x1b: {  	[tilespmem:s15], [sflag:$0x3] =	stream.linear.gather [hbm4b:s8+s4], $0x1400, $0x38;
	[tilespmem:$0x1E100] =	vst v63  }
0x1c: {  	_ =	swait.ge [sflag:s14], $0x1400  }
0x1d: {  	[sflag:s14] =	ssyncset.done $0x0  }
0x1e: {  	[sflag:s14] =	ssyncadd.s32 $0xFFFFEC00  }
0x1f: {  	[tilespmem:s17], [sflag:$0x1] =	stream.indirect.gather [hbm4b:s1+s16], $0x80, s4, s16, $0xb8;
	[tilespmem:$0x1E100] =	vst v63  }
0x20: {  	_ = 	snop  }
0x21: {  	[tilespmem:s18], [sflag:$0x2] =	stream.indirect.gather [hbm4b:s1+s16], $0x80, s16, s16, $0xb8;
	[tilespmem:$0x1E100] =	vst v63  }
0x22: {  	_ =	swait.ge [sflag:s19], $0x4000  }
0x23: {  	[sflag:s19] =	ssyncset.done $0x0  }
0x24: {  	s24 =	simm.s32 $0x1400;
	[sflag:s19] =	ssyncadd.s32 $0xFFFFC000  }
0x25: {  	[spmem:s2] =	stream.indirect.scatter.add.f32 [tilespmem:s17], [sflag:$0x3], $0x80, s24, s16, $0xb8;
	[tilespmem:$0x1E100] =	vst v63  }
0x26: {  	_ =	swait.ge [sflag:s14], $0x4000  }
0x27: {  	[sflag:s14] =	ssyncset.done $0x0  }
0x28: {  	s30 =	simm.s32 $0x100;
	[sflag:s14] =	ssyncadd.s32 $0xFFFFC000  }
0x29: {  	[tilespmem:s17], [sflag:$0x1] =	stream.indirect.gather [hbm4b:s1+s16], $0x80, s30, s16, $0xb8;
	[tilespmem:$0x1E100] =	vst v63  }
0x2a: {  	_ =	swait.ge [sflag:s20], $0x4000  }
0x2b: {  	[sflag:s20] =	ssyncset.done $0x0  }
0x2c: {  	s31 =	simm.s32 $0x1480;
	[sflag:s20] =	ssyncadd.s32 $0xFFFFC000  }
0x2d: {  	[spmem:s2] =	stream.indirect.scatter.add.f32 [tilespmem:s18], [sflag:$0x3], $0x80, s31, s16, $0xb8;
	[tilespmem:$0x1E100] =	vst v63  }
0x2e: {  	_ =	swait.ge [sflag:s14], $0x4000  }
0x2f: {  	[sflag:s14] =	ssyncset.done $0x0  }
0x30: {  	s25 =	simm.s32 $0x180;
	s24 =	simm.s32 $0x400;
	[sflag:s14] =	ssyncadd.s32 $0xFFFFC000  }
.LBB2_2:
0x31: {  	[tilespmem:s18], [sflag:$0x2] =	stream.indirect.gather [hbm4b:s1+s16], $0x80, s25, s16, $0xb8;
	[tilespmem:$0x1E100] =	vst v63  }
0x32: {  	s25 =	smov.u32 s24  }
0x33: {  	p0 =	sne.s32 s24, $0x4800;
	s24 =	sadd.s32 $0x400, s24;
	_ =	swait.ge [sflag:s19], $0x4000  }
0x34: {  	s25 =	sshra.s32 s25, $0x2;
	[sflag:s19] =	ssyncset.done $0x0  }
0x35: {  	s26 =	sadd.s32 $0x1400, s25;
	[sflag:s19] =	ssyncadd.s32 $0xFFFFC000  }
0x36: {  	[spmem:s2] =	stream.indirect.scatter.add.f32 [tilespmem:s17], [sflag:$0x3], $0x80, s26, s16, $0xb8;
	[tilespmem:$0x1E100] =	vst v63  }
0x37: {  	_ =	swait.ge [sflag:s14], $0x4000  }
0x38: {  	[sflag:s14] =	ssyncset.done $0x0  }
0x39: {  	s26 =	sadd.s32 $0x100, s25;
	[sflag:s14] =	ssyncadd.s32 $0xFFFFC000  }
0x3a: {  	[tilespmem:s17], [sflag:$0x1] =	stream.indirect.gather [hbm4b:s1+s16], $0x80, s26, s16, $0xb8;
	[tilespmem:$0x1E100] =	vst v63  }
0x3b: {  	_ =	swait.ge [sflag:s20], $0x4000  }
0x3c: {  	[sflag:s20] =	ssyncset.done $0x0  }
.Ltmp0:
0x3d: {  	s26 =	sadd.s32 $0x1480, s25;
	[sflag:s20] =	ssyncadd.s32 $0xFFFFC000;
	(pc) =	sbr.rel @p0 .LBB2_2-.Ltmp0, $4  }
0x3e: {  	[spmem:s2] =	stream.indirect.scatter.add.f32 [tilespmem:s18], [sflag:$0x3], $0x80, s26, s16, $0xb8;
	[tilespmem:$0x1E100] =	vst v63  }
0x3f: {  	_ =	swait.ge [sflag:s14], $0x4000  }
0x40: {  	[sflag:s14] =	ssyncset.done $0x0  }
0x41: {  	s25 =	sadd.s32 $0x180, s25;
	[sflag:s14] =	ssyncadd.s32 $0xFFFFC000  }
0x42: {  	[tilespmem:s18], [sflag:$0x2] =	stream.indirect.gather [hbm4b:s1+s16], $0x80, s25, s16, $0xb8;
	[tilespmem:$0x1E100] =	vst v63  }
0x43: {  	_ =	swait.ge [sflag:s19], $0x4000  }
0x44: {  	[sflag:s19] =	ssyncset.done $0x0  }
0x45: {  	[sflag:s19] =	ssyncadd.s32 $0xFFFFC000  }
0x46: {  	[spmem:s2] =	stream.indirect.scatter.add.f32 [tilespmem:s17], [sflag:$0x3], $0x80, s21, s16, $0xb8;
	[tilespmem:$0x1E100] =	vst v63  }
0x47: {  	_ =	swait.ge [sflag:s14], $0x4000  }
0x48: {  	[sflag:s14] =	ssyncset.done $0x0  }
0x49: {  	[sflag:s14] =	ssyncadd.s32 $0xFFFFC000  }
0x4a: {  	_ =	swait.ge [sflag:s20], $0x4000  }
0x4b: {  	[sflag:s20] =	ssyncset.done $0x0  }
0x4c: {  	[sflag:s20] =	ssyncadd.s32 $0xFFFFC000  }
0x4d: {  	[spmem:s2] =	stream.indirect.scatter.add.f32 [tilespmem:s18], [sflag:$0x3], $0x80, s22, s16, $0xb8;
	[tilespmem:$0x1E100] =	vst v63  }
0x4e: {  	_ =	swait.ge [sflag:s14], $0x4000  }
0x4f: {  	[sflag:s14] =	ssyncset.done $0x0  }
0x50: {  	s24 =	simm.s32 $0x0;
	[sflag:s14] =	ssyncadd.s32 $0xFFFFC000  }
0x51: {  	[tilespmem:s24], [sflag:$0x3] =	stream.linear.gather [hbm4b:s9+s24], $0x1400, $0x38;
	[tilespmem:$0x1E100] =	vst v63  }
0x52: {  	_ =	swait.ge [sflag:s14], $0x1400  }
0x53: {  	[sflag:s14] =	ssyncset.done $0x0  }
0x54: {  	[sflag:s14] =	ssyncadd.s32 $0xFFFFEC00  }
0x55: {  	[tilespmem:s15], [sflag:$0x3] =	stream.linear.gather [hbm4b:s10+s24], $0x1400, $0x38;
	[tilespmem:$0x1E100] =	vst v63  }
0x56: {  	_ =	swait.ge [sflag:s14], $0x1400  }
0x57: {  	[sflag:s14] =	ssyncset.done $0x0  }
0x58: {  	[sflag:s14] =	ssyncadd.s32 $0xFFFFEC00  }
0x59: {  	[tilespmem:s17], [sflag:$0x1] =	stream.indirect.gather [hbm4b:s1+s16], $0x80, s24, s16, $0xb8;
	[tilespmem:$0x1E100] =	vst v63  }
0x5a: {  	_ = 	snop  }
0x5b: {  	[tilespmem:s18], [sflag:$0x2] =	stream.indirect.gather [hbm4b:s1+s16], $0x80, s16, s16, $0xb8;
	[tilespmem:$0x1E100] =	vst v63  }
0x5c: {  	_ =	swait.ge [sflag:s19], $0x4000  }
0x5d: {  	[sflag:s19] =	ssyncset.done $0x0  }
0x5e: {  	s29 =	simm.s32 $0x1400;
	[sflag:s19] =	ssyncadd.s32 $0xFFFFC000  }
0x5f: {  	[spmem:s2] =	stream.indirect.scatter.add.f32 [tilespmem:s17], [sflag:$0x3], $0x80, s29, s16, $0xb8;
	[tilespmem:$0x1E100] =	vst v63  }
0x60: {  	_ =	swait.ge [sflag:s14], $0x4000  }
0x61: {  	[sflag:s14] =	ssyncset.done $0x0  }
0x62: {  	s30 =	simm.s32 $0x100;
	[sflag:s14] =	ssyncadd.s32 $0xFFFFC000  }
0x63: {  	[tilespmem:s17], [sflag:$0x1] =	stream.indirect.gather [hbm4b:s1+s16], $0x80, s30, s16, $0xb8;
	[tilespmem:$0x1E100] =	vst v63  }
0x64: {  	_ =	swait.ge [sflag:s20], $0x4000  }
0x65: {  	[sflag:s20] =	ssyncset.done $0x0  }
0x66: {  	s31 =	simm.s32 $0x1480;
	[sflag:s20] =	ssyncadd.s32 $0xFFFFC000  }
0x67: {  	[spmem:s2] =	stream.indirect.scatter.add.f32 [tilespmem:s18], [sflag:$0x3], $0x80, s31, s16, $0xb8;
	[tilespmem:$0x1E100] =	vst v63  }
0x68: {  	_ =	swait.ge [sflag:s14], $0x4000  }
0x69: {  	[sflag:s14] =	ssyncset.done $0x0  }
0x6a: {  	s25 =	simm.s32 $0x180;
	s24 =	simm.s32 $0x400;
	[sflag:s14] =	ssyncadd.s32 $0xFFFFC000  }
.LBB2_4:
0x6b: {  	[tilespmem:s18], [sflag:$0x2] =	stream.indirect.gather [hbm4b:s1+s16], $0x80, s25, s16, $0xb8;
	[tilespmem:$0x1E100] =	vst v63  }
0x6c: {  	s25 =	smov.u32 s24  }
0x6d: {  	p0 =	sne.s32 s24, $0x4800;
	s24 =	sadd.s32 $0x400, s24;
	_ =	swait.ge [sflag:s19], $0x4000  }
0x6e: {  	s25 =	sshra.s32 s25, $0x2;
	[sflag:s19] =	ssyncset.done $0x0  }
0x6f: {  	s26 =	sadd.s32 $0x1400, s25;
	[sflag:s19] =	ssyncadd.s32 $0xFFFFC000  }
0x70: {  	[spmem:s2] =	stream.indirect.scatter.add.f32 [tilespmem:s17], [sflag:$0x3], $0x80, s26, s16, $0xb8;
	[tilespmem:$0x1E100] =	vst v63  }
0x71: {  	_ =	swait.ge [sflag:s14], $0x4000  }
0x72: {  	[sflag:s14] =	ssyncset.done $0x0  }
0x73: {  	s26 =	sadd.s32 $0x100, s25;
	[sflag:s14] =	ssyncadd.s32 $0xFFFFC000  }
0x74: {  	[tilespmem:s17], [sflag:$0x1] =	stream.indirect.gather [hbm4b:s1+s16], $0x80, s26, s16, $0xb8;
	[tilespmem:$0x1E100] =	vst v63  }
0x75: {  	_ =	swait.ge [sflag:s20], $0x4000  }
0x76: {  	[sflag:s20] =	ssyncset.done $0x0  }
.Ltmp1:
0x77: {  	s26 =	sadd.s32 $0x1480, s25;
	[sflag:s20] =	ssyncadd.s32 $0xFFFFC000;
	(pc) =	sbr.rel @p0 .LBB2_4-.Ltmp1, $4  }
0x78: {  	[spmem:s2] =	stream.indirect.scatter.add.f32 [tilespmem:s18], [sflag:$0x3], $0x80, s26, s16, $0xb8;
	[tilespmem:$0x1E100] =	vst v63  }
0x79: {  	_ =	swait.ge [sflag:s14], $0x4000  }
0x7a: {  	[sflag:s14] =	ssyncset.done $0x0  }
0x7b: {  	s25 =	sadd.s32 $0x180, s25;
	[sflag:s14] =	ssyncadd.s32 $0xFFFFC000  }
0x7c: {  	[tilespmem:s18], [sflag:$0x2] =	stream.indirect.gather [hbm4b:s1+s16], $0x80, s25, s16, $0xb8;
	[tilespmem:$0x1E100] =	vst v63  }
0x7d: {  	_ =	swait.ge [sflag:s19], $0x4000  }
0x7e: {  	[sflag:s19] =	ssyncset.done $0x0  }
0x7f: {  	[sflag:s19] =	ssyncadd.s32 $0xFFFFC000  }
0x80: {  	[spmem:s2] =	stream.indirect.scatter.add.f32 [tilespmem:s17], [sflag:$0x3], $0x80, s21, s16, $0xb8;
	[tilespmem:$0x1E100] =	vst v63  }
0x81: {  	_ =	swait.ge [sflag:s14], $0x4000  }
0x82: {  	[sflag:s14] =	ssyncset.done $0x0  }
0x83: {  	[sflag:s14] =	ssyncadd.s32 $0xFFFFC000  }
0x84: {  	_ =	swait.ge [sflag:s20], $0x4000  }
0x85: {  	[sflag:s20] =	ssyncset.done $0x0  }
0x86: {  	[sflag:s20] =	ssyncadd.s32 $0xFFFFC000  }
0x87: {  	[spmem:s2] =	stream.indirect.scatter.add.f32 [tilespmem:s18], [sflag:$0x3], $0x80, s22, s16, $0xb8;
	[tilespmem:$0x1E100] =	vst v63  }
0x88: {  	_ =	swait.ge [sflag:s14], $0x4000  }
0x89: {  	s23 =	sadd.s32 $0x1, s23;
	[sflag:s14] =	ssyncset.done $0x0  }
0x8a: {  	p0 =	sne.s32 s23, s12;
	[sflag:s14] =	ssyncadd.s32 $0xFFFFC000  }
.Ltmp2:
0x8b: {  	[bflag:$0x0] =	sbarrier.arrive $0xFFFF;
	(pc) =	sbr.rel @p0 .LBB2_1-.Ltmp2, $4  }
0x8c: {  	[hbm:s11], [sflag:s6] =	dma.local [spmem:s13], $0x2720  }
0x8d: {  	_ =	swait.ge [sflag:s14], $0x2720  }
0x8e: {  	[sflag:s14] =	ssyncset.done $0x0  }
0x8f: {  	[sflag:s14] =	ssyncadd.s32 $0xFFFFD8E0  }
0x90: {  	_ =	sfence.sel $0x180000  }
0x91: {  	[bflag:$0x0] =	sbarrier.arrive $0xFFFF  }
0x92: {  	p0 =	sne.s32 s3, $0x0;
	_ =	strace $0x90000053  }
0x93: {  	s0 =	sadd.s32 @!p0 $0x100000, s0;
	[bflag:$0x2] =	sbarrier.arrive $0xFFFF  }
0x94: {  	[sflag:s0] =	ssyncadd.tile.s32 @!p0 $0x1;
	_ =	shalt  }
.Lfunc_end2:
_tile_overlayer_lowered:
.L_overlay_start_2:
0x95: {  	(tag) =	ssettag $0x2  }
0x96: {  	s0 =	rddreg [dreg:$0x0];
	s2 =	stileid.u32  }
0x97: {  	s1 =	rddreg [dreg:$0x1];
	p0 =	sne.s32 s2, $0x0  }
0x98: {  	s3 =	rddreg [dreg:$0x2];
	[bflag:$0x3] =	sbarrier.arrive $0xFFFF;
	s2 =	simm.s32 @!p0 $0x1C03  }
0x99: {  	[timem:s3], [sflag:s2] =	dma.local @!p0 [hbm:s0], s1  }
0x9a: {  	s0 =	simm.s32 @!p0 $0x3  }
0x9b: {  	_ =	swait.ge @!p0 [sflag:s0], s1  }
0x9c: {  	s1 =	ssub.s32 @!p0 $0x0, s1;
	[sflag:s0] =	ssyncset.done @!p0 $0x0  }
0x9d: {  	[sflag:s0] =	ssyncadd.s32 @!p0 s1  }
0x9e: {  	[bflag:$0x3] =	sbarrier.arrive $0xFFFF  }
0x9f: {  	_ =	shalt  }

// kernel: kernel.29.cloned.1.call-start
scs
__scs_entry_jumppad:
0x0: {  	(pc) =	sbr.rel $0x88, $3  }
0x1: {  	(tag) =	ssettag $0x0;
	lr =	simm.s32 $0x1  }
0x2: {  	[smem:$0x3F94] =	sst lr;
	_ =	strace $0xD0000000  }
0x3: {  	_ = 	snop  }
0x4: {  	_ = 	snop  }
0x5: {  	_ = 	snop  }
0x6: {  	_ = 	snop  }
0x7: {  	_ = 	snop  }
__scs_overlays_trampoline_lowered:
0x8: {  	[smem:$0x3FA3] =	sst s0  }
0x9: {  	[smem:$0x3FA4] =	sst s1  }
0xa: {  	[smem:$0x3FA5] =	sst s2  }
0xb: {  	[smem:$0x3FA6] =	sst s3  }
0xc: {  	[smem:$0x3FA7] =	sst s4  }
0xd: {  	[smem:$0x3FA8] =	sst s5  }
0xe: {  	[smem:$0x3FA9] =	sst s6  }
0xf: {  	[smem:$0x3FAA] =	sst s7  }
0x10: {  	[smem:$0x3FAB] =	sst s8  }
0x11: {  	[smem:$0x3FAC] =	sst s9;
	s0 =	simm.s32 @!p0 $0x0  }
0x12: {  	s1 =	sld [smem:$0x3F92];
	s0 =	simm.s32 @p0 $0x1  }
0x13: {  	[smem:$0x3FAD] =	sst s0;
	s0 =	simm.s32 @!p1 $0x0  }
0x14: {  	s2 =	sld [smem:$0x3F91];
	s0 =	simm.s32 @p1 $0x1  }
0x15: {  	[smem:$0x3FAE] =	sst s0;
	s0 =	simm.s32 @!p2 $0x0  }
0x16: {  	s3 =	sld [smem:$0x3FDB];
	s0 =	simm.s32 @p2 $0x1  }
0x17: {  	s4 =	simm.s32 $0x1BF5;
	[smem:$0x3FB0] =	sst s0  }
0x18: {  	s0 =	sld [smem:$0x3F93];
	_ =	swait.ge [sflag:s4], $0x0  }
0x19: {  	s7 =	sld [smem:$0x3F94]  }
0x1a: {  	s8 =	sadd.s32 $0xFFFFE003, lr  }
0x1b: {  	s9 =	sadd.s32 $0xFFFFFEF7, lr;
	s5 =	simm.s32 $0xFFFFFFFF;
	p2 =	slt.u32 s8, $0xFFFFF086  }
0x1c: {  	p1 =	slt.u32 s9, $0xF7A;
	s5 =	simm.s32 @!p2 $0x0  }
0x1d: {  	s5 =	simm.s32 @p1 $0x1;
	p0 =	seq.s32 s7, s2  }
0x1e: {  	s7 =	smul.u32 @!p0 $0xF7A, s2;
	p2 =	seq.s32 @!p0 s5, $0x0  }
0x1f: {  	s9 =	smul.u32 $0xF7A, s1;
	s8 =	simm.s32 @!p0 $0x1BF5;
	p2 =	por !p2, p0  }
0x20: {  	[sflag:s8] =	ssyncset.s32 @!p0 $0xFFFFF086;
	s6 =	sadd.s32 @!p0 s3, s7;
	s7 =	simm.s32 @!p0 $0x108  }
0x21: {  	s3 =	sadd.s32 s3, s9;
	s6 =	sadd.s32 @!p0 $0x88, s6;
	s7 =	simm.s32 @p2 $0x1082  }
0x22: {  	[simem:s7], [sflag:s8] =	dma.local @!p0 [hbm:s6], $0xF7A  }
0x23: {  	s9 =	sor.u32 $0xD0000000, s2;
	s6 =	simm.s32 $0x108;
	_ =	swait.ge @!p0 [sflag:s8], $0x0  }
0x24: {  	s3 =	sadd.s32 $0x88, s3;
	s6 =	simm.s32 @!p1 $0x1082;
	[sflag:s4] =	ssyncset.s32 $0xFFFFF086  }
0x25: {  	[simem:s6], [sflag:s4] =	dma.local [hbm:s3], $0xF7A  }
0x26: {  	[smem:$0x3F94] =	sst s1;
	(tag) =	ssettag s2;
	_ =	strace s9  }
0x27: {  	s1 =	sld [smem:$0x3FA4]  }
0x28: {  	s2 =	sld [smem:$0x3FA5]  }
0x29: {  	s4 =	sld [smem:$0x3FA7]  }
0x2a: {  	p0 =	seq.s32 s5, $0x0;
	s5 =	sld [smem:$0x3FA8]  }
0x2b: {  	s6 =	sld [smem:$0x3FA9]  }
0x2c: {  	s7 =	sld [smem:$0x3FAA]  }
0x2d: {  	s3 =	simm.s32 $0x108;
	s8 =	sld [smem:$0x3FAB]  }
0x2e: {  	s3 =	simm.s32 @!p0 $0x1082;
	s9 =	sld [smem:$0x3FAC]  }
0x2f: {  	lr =	sadd.s32 s0, s3;
	s0 =	sld [smem:$0x3FA3]  }
0x30: {  	s3 =	sld [smem:$0x3FA6]  }
0x31: {  	[smem:$0x3FAF] =	sst s10  }
0x32: {  	s10 =	sld [smem:$0x3FAD];
	_ =	sdelay $0x3  }
0x33: {  	p0 =	seq.s32 s10, $0x1;
	s10 =	sld [smem:$0x3FAF];
	_ =	sdelay $0x3  }
0x34: {  	[smem:$0x3FAF] =	sst s10  }
0x35: {  	s10 =	sld [smem:$0x3FAE];
	_ =	sdelay $0x3  }
0x36: {  	p1 =	seq.s32 s10, $0x1;
	s10 =	sld [smem:$0x3FAF];
	_ =	sdelay $0x3  }
0x37: {  	[smem:$0x3FAF] =	sst s10  }
0x38: {  	s10 =	sld [smem:$0x3FB0]  }
0x39: {  	_ = 	snop;
	(pc) =	sbr.ind lr, $3  }
0x3a: {  	_ = 	snop  }
0x3b: {  	_ = 	snop  }
0x3c: {  	p2 =	seq.s32 s10, $0x1;
	s10 =	sld [smem:$0x3FAF]  }
0x3d: {  	_ =	shalt  }
0x3e: {  	_ =	shalt  }
0x3f: {  	_ =	shalt  }
0x40: {  	_ =	shalt  }
0x41: {  	_ =	shalt  }
0x42: {  	_ =	shalt  }
0x43: {  	_ =	shalt  }
0x44: {  	_ =	shalt  }
0x45: {  	_ =	shalt  }
0x46: {  	_ =	shalt  }
0x47: {  	_ =	shalt  }
0x48: {  	_ =	shalt  }
0x49: {  	_ =	shalt  }
0x4a: {  	_ =	shalt  }
0x4b: {  	_ =	shalt  }
0x4c: {  	_ =	shalt  }
0x4d: {  	_ =	shalt  }
0x4e: {  	_ =	shalt  }
0x4f: {  	_ =	shalt  }
0x50: {  	_ =	shalt  }
0x51: {  	_ =	shalt  }
0x52: {  	_ =	shalt  }
0x53: {  	_ =	shalt  }
0x54: {  	_ =	shalt  }
0x55: {  	_ =	shalt  }
0x56: {  	_ =	shalt  }
0x57: {  	_ =	shalt  }
0x58: {  	_ =	shalt  }
0x59: {  	_ =	shalt  }
0x5a: {  	_ =	shalt  }
0x5b: {  	_ =	shalt  }
0x5c: {  	_ =	shalt  }
0x5d: {  	_ =	shalt  }
0x5e: {  	_ =	shalt  }
0x5f: {  	_ =	shalt  }
0x60: {  	_ =	shalt  }
0x61: {  	_ =	shalt  }
0x62: {  	_ =	shalt  }
0x63: {  	_ =	shalt  }
0x64: {  	_ =	shalt  }
0x65: {  	_ =	shalt  }
0x66: {  	_ =	shalt  }
0x67: {  	_ =	shalt  }
0x68: {  	_ =	shalt  }
0x69: {  	_ =	shalt  }
0x6a: {  	_ =	shalt  }
0x6b: {  	_ =	shalt  }
0x6c: {  	_ =	shalt  }
0x6d: {  	_ =	shalt  }
0x6e: {  	_ =	shalt  }
0x6f: {  	_ =	shalt  }
0x70: {  	_ =	shalt  }
0x71: {  	_ =	shalt  }
0x72: {  	_ =	shalt  }
0x73: {  	_ =	shalt  }
0x74: {  	_ =	shalt  }
0x75: {  	_ =	shalt  }
0x76: {  	_ =	shalt  }
0x77: {  	_ =	shalt  }
0x78: {  	_ =	shalt  }
0x79: {  	_ =	shalt  }
0x7a: {  	_ =	shalt  }
0x7b: {  	_ =	shalt  }
0x7c: {  	_ =	shalt  }
0x7d: {  	_ =	shalt  }
0x7e: {  	_ =	shalt  }
0x7f: {  	_ =	shalt  }
0x80: {  	_ =	shalt  }
0x81: {  	_ =	shalt  }
0x82: {  	_ =	shalt  }
0x83: {  	_ =	shalt  }
0x84: {  	_ =	shalt  }
0x85: {  	_ =	shalt  }
0x86: {  	_ =	shalt  }
0x87: {  	_ =	shalt  }
.Lfunc_end0:
.L_simem_size_0:
called_computation.5_lowered:
.L_overlay_start_0:
0x88: {  	s2 =	sld [smem:$0x3FD9]  }
0x89: {  	s3 =	sld [smem:$0x3FFE];
	_ =	sdelay $0x1  }
0x8a: {  	s1 =	srdreg.scid  }
0x8b: {  	s0 =	sand.u32 $0x1, s1  }
0x8c: {  	s17 =	sshll.u32 s0, $0xA;
	s2 =	sadd.s32 s3, s2  }
0x8d: {  	s2 =	sadd.s32 s2, s17  }
0x8e: {  	[smem:$0x3FBB] =	sst s2  }
0x8f: {  	_ = 	snop  }
0x90: {  	s2 =	sld [smem:$0x3FD0];
	(tm) =	ssettm $0x1  }
0x91: {  	s18 =	sld [smem:$0x3FFB];
	_ =	sdelay $0x3  }
0x92: {  	_ =	strace s18  }
0x93: {  	s3 =	sld [smem:$0x3FFC];
	_ =	sdelay $0x3  }
0x94: {  	_ =	strace s3  }
0x95: {  	s3 =	sld [smem:$0x3FFD];
	_ =	sdelay $0x3  }
0x96: {  	_ =	strace s3  }
0x97: {  	_ =	strace $0x8FFFFFFF  }
0x98: {  	s19 =	sld [smem:$0x3FDB];
	_ =	sdelay $0x1  }
0x99: {  	s4 =	simm.s32 $_scs_section_size  }
0x9a: {  	s5 =	simm.s32 $_size__tile_overlayer_lowered;
	s6 =	simm.s32 $_tile_overlayer_lowered  }
0x9b: {  	s22 =	simm.s32 $0x1BFF;
	s21 =	sshll.u32 s6, $0x1;
	s3 =	sadd.s32 s4, s19  }
0x9c: {  	s7 =	simm.s32 $0x0;
	s20 =	sshll.u32 s5, $0x1;
	s5 =	sadd.s32 s21, s3  }
0x9d: {  	[timem:s7], [sflag:s22] =	dma.local [hbm:s5], s20  }
0x9e: {  	_ =	swait.ge [sflag:s22], s20  }
0x9f: {  	s4 =	ssub.s32 $0x0, s20;
	[sflag:s22] =	ssyncset.done $0x0  }
0xa0: {  	[sflag:s22] =	ssyncadd.s32 s4;
	_ =	sdelay $0x1  }
0xa1: {  	s23 =	simm.s32 $0x1B8B  }
0xa2: {  	_ =	swait.ge [sflag:s23], $0x1  }
0xa3: {  	[sflag:s23] =	ssyncset.done $0x0  }
0xa4: {  	s25 =	simm.s32 $0x1B8E;
	s24 =	sld [smem:$0x3FFE];
	[sflag:s23] =	ssyncadd.s32 $0xFFFFFFFF  }
0xa5: {  	s26 =	simm.s32 $execute0_lowered;
	[smem:$0x3FD2] =	sst s25  }
0xa6: {  	s5 =	sshll.u32 s26, $0x1;
	_ =	strace $0x80000055;
	[dreg:$0x1] =	wrdreg $0xFFFFFFFF  }
0xa7: {  	s28 =	simm.s32 $_size_execute0_lowered;
	s3 =	sadd.s32 s3, s5;
	[dreg:$0x0] =	wrdreg $0x0  }
0xa8: {  	s5 =	sshll.u32 s28, $0x1;
	[dreg:$0x2] =	wrdreg s3  }
0xa9: {  	[dreg:$0x3] =	wrdreg s5  }
0xaa: {  	[dreg:$0x4] =	wrdreg $0xC0  }
0xab: {  	_ =	task [dreg:s7], $0x5FFFF  }
0xac: {  	[dreg:$0x1] =	wrdreg $0xFFFFFFFF  }
0xad: {  	[dreg:$0x0] =	wrdreg $0x60  }
0xae: {  	[dreg:$0x2] =	wrdreg s2  }
0xaf: {  	[dreg:$0x3] =	wrdreg s24  }
0xb0: {  	[dreg:$0x4] =	wrdreg $0xA8000  }
0xb1: {  	[dreg:$0x5] =	wrdreg $0x9  }
0xb2: {  	_ =	task.clear_ibuf [dreg:s7], $0x6FFFF;
	_ =	strace $0x90000055  }
0xb3: {  	s29 =	simm.s32 $0x9;
	_ =	strace $0x80000057  }
0xb4: {  	_ =	swait.ge [sflag:s29], $0x1  }
0xb5: {  	[sflag:s29] =	ssyncadd.s32 $0xFFFFFFFF  }
0xb6: {  	_ =	strace $0x90000057  }
0xb7: {  	_ =	sfence  }
0xb8: {  	s30 =	sld [smem:$0x0];
	_ =	sdelay $0x2  }
0xb9: {  	s31 =	sshll.u32 s1, $0xD;
	s1 =	sshrl.u32 s1, $0x2  }
0xba: {  	s3 =	sand.u32 $0x4000, s31;
	s1 =	sadd.s32 s1, s30  }
0xbb: {  	s0 =	sor.u32 s3, s0;
	s1 =	sshll.u32 s1, $0x11  }
0xbc: {  	s0 =	sor.u32 s1, s0  }
0xbd: {  	s0 =	sadd.s32 $0x8F2B, s0  }
0xbe: {  	[sflag:s0] =	ssyncadd.remote.s32 $0x1  }
0xbf: {  	_ =	sfence.sel $0xFFFF  }
0xc0: {  	[dreg:$0x0] =	wrdreg $0xFFFFFFFF;
	(pc) =	sbr.abs _section_cstart, $3  }
0xc1: {  	[dreg:$0x1] =	wrdreg $0xFFFFFFFF  }
0xc2: {  	_ =	task.clear_ibuf [dreg:s7], $0x2FFFF;
	_ =	strace $0x9FFFFFFF  }
0xc3: {  	(tm) =	ssettm $0x7FFFFFFF  }
tec
execute0_lowered:
.L_overlay_start_1:
0x0: {  	(tag) =	ssettag $0x1  }
0x1: {  	s1 =	rddreg [dreg:$0x0]  }
0x2: {  	s6 =	rddreg [dreg:$0x1]  }
0x3: {  	s2 =	rddreg [dreg:$0x2]  }
0x4: {  	s3 =	srdreg.scid;
	s0 =	rddreg [dreg:$0x3];
	s4 =	simm.s32 $0x0  }
0x5: {  	s15 =	simm.s32 $0x1400;
	s16 =	simm.s32 $0x80;
	s17 =	simm.s32 $0x2800  }
0x6: {  	s18 =	simm.s32 $0x6800;
	s19 =	simm.s32 $0x1;
	s20 =	simm.s32 $0x2  }
0x7: {  	s21 =	simm.s32 $0x2700;
	s22 =	simm.s32 $0x2780;
	s23 =	simm.s32 $0x0  }
0x8: {  	s7 =	sand.u32 $0x1, s3;
	[smem:$0x7FF] =	sst s4;
	s3 =	stileid.u32  }
0x9: {  	s9 =	sadd.s32 $0x19C00, s6;
	s10 =	sadd.s32 $0x23C00, s6;
	s5 =	sshll.u32 s7, $0x4  }
0xa: {  	_ =	strace $0x80000056;
	s12 =	smul.u32 $0x4E400, s3;
	s8 =	sor.u32 s3, s5  }
0xb: {  	s7 =	ssub.s32 $0x2, s7;
	s30 =	sshll.u32 s3, $0x6;
	s11 =	smul.u32 $0x2780, s8  }
0xc: {  	s28 =	sshrl.u32 s7, $0x1;
	s8 =	smul.u32 $0x2800, s8;
	s29 =	sshrl.u32 s12, $0x2  }
0xd: {  	s5 =	sadd.s32 $0x38200, s6;
	s13 =	ssub.s32 s7, s28;
	s14 =	sadd.s32 s29, s2  }
0xe: {  	s11 =	sadd.s32 s11, s6;
	s6 =	sor.u32 $0x1C03, s30;
	s31 =	sshrl.u32 s8, $0x3  }
0xf: {  	s7 =	sadd.s32 s9, s31;
	s8 =	sadd.s32 s10, s31;
	s12 =	sadd.s32 $0x280, s31  }
0x10: {  	s11 =	sadd.s32 $0x3AA00, s11;
	s9 =	sadd.s32 s9, s12;
	s10 =	sadd.s32 s10, s12  }
0x11: {  	s12 =	smax.u32 s13, $0x1;
	s13 =	sshrl.u32 s14, $0x3;
	s14 =	simm.s32 $0x3  }
.LBB2_1:
0x12: {  	[spmem:s13], [sflag:s6] =	dma.local [hbm:s5], $0x2720  }
0x13: {  	_ =	swait.ge [sflag:s14], $0x2720  }
0x14: {  	[sflag:s14] =	ssyncset.done $0x0  }
0x15: {  	[sflag:s14] =	ssyncadd.s32 $0xFFFFD8E0  }
0x16: {  	[bflag:$0x0] =	sbarrier.arrive $0xFFFF  }
0x17: {  	[tilespmem:s4], [sflag:$0x3] =	stream.linear.gather [hbm4b:s7+s4], $0x1400, $0x38;
	[tilespmem:$0x1E100] =	vst v63  }
0x18: {  	_ =	swait.ge [sflag:s14], $0x1400  }
0x19: {  	[sflag:s14] =	ssyncset.done $0x0  }
0x1a: {  	[sflag:s14] =	ssyncadd.s32 $0xFFFFEC00  }
0x1b: {  	[tilespmem:s15], [sflag:$0x3] =	stream.linear.gather [hbm4b:s8+s4], $0x1400, $0x38;
	[tilespmem:$0x1E100] =	vst v63  }
0x1c: {  	_ =	swait.ge [sflag:s14], $0x1400  }
0x1d: {  	[sflag:s14] =	ssyncset.done $0x0  }
0x1e: {  	[sflag:s14] =	ssyncadd.s32 $0xFFFFEC00  }
0x1f: {  	[tilespmem:s17], [sflag:$0x1] =	stream.indirect.gather [hbm4b:s1+s16], $0x80, s4, s16, $0xb8;
	[tilespmem:$0x1E100] =	vst v63  }
0x20: {  	_ = 	snop  }
0x21: {  	[tilespmem:s18], [sflag:$0x2] =	stream.indirect.gather [hbm4b:s1+s16], $0x80, s16, s16, $0xb8;
	[tilespmem:$0x1E100] =	vst v63  }
0x22: {  	_ =	swait.ge [sflag:s19], $0x4000  }
0x23: {  	[sflag:s19] =	ssyncset.done $0x0  }
0x24: {  	s24 =	simm.s32 $0x1400;
	[sflag:s19] =	ssyncadd.s32 $0xFFFFC000  }
0x25: {  	[spmem:s2] =	stream.indirect.scatter.add.f32 [tilespmem:s17], [sflag:$0x3], $0x80, s24, s16, $0xb8;
	[tilespmem:$0x1E100] =	vst v63  }
0x26: {  	_ =	swait.ge [sflag:s14], $0x4000  }
0x27: {  	[sflag:s14] =	ssyncset.done $0x0  }
0x28: {  	s30 =	simm.s32 $0x100;
	[sflag:s14] =	ssyncadd.s32 $0xFFFFC000  }
0x29: {  	[tilespmem:s17], [sflag:$0x1] =	stream.indirect.gather [hbm4b:s1+s16], $0x80, s30, s16, $0xb8;
	[tilespmem:$0x1E100] =	vst v63  }
0x2a: {  	_ =	swait.ge [sflag:s20], $0x4000  }
0x2b: {  	[sflag:s20] =	ssyncset.done $0x0  }
0x2c: {  	s31 =	simm.s32 $0x1480;
	[sflag:s20] =	ssyncadd.s32 $0xFFFFC000  }
0x2d: {  	[spmem:s2] =	stream.indirect.scatter.add.f32 [tilespmem:s18], [sflag:$0x3], $0x80, s31, s16, $0xb8;
	[tilespmem:$0x1E100] =	vst v63  }
0x2e: {  	_ =	swait.ge [sflag:s14], $0x4000  }
0x2f: {  	[sflag:s14] =	ssyncset.done $0x0  }
0x30: {  	s25 =	simm.s32 $0x180;
	s24 =	simm.s32 $0x400;
	[sflag:s14] =	ssyncadd.s32 $0xFFFFC000  }
.LBB2_2:
0x31: {  	[tilespmem:s18], [sflag:$0x2] =	stream.indirect.gather [hbm4b:s1+s16], $0x80, s25, s16, $0xb8;
	[tilespmem:$0x1E100] =	vst v63  }
0x32: {  	s25 =	smov.u32 s24  }
0x33: {  	p0 =	sne.s32 s24, $0x4800;
	s24 =	sadd.s32 $0x400, s24;
	_ =	swait.ge [sflag:s19], $0x4000  }
0x34: {  	s25 =	sshra.s32 s25, $0x2;
	[sflag:s19] =	ssyncset.done $0x0  }
0x35: {  	s26 =	sadd.s32 $0x1400, s25;
	[sflag:s19] =	ssyncadd.s32 $0xFFFFC000  }
0x36: {  	[spmem:s2] =	stream.indirect.scatter.add.f32 [tilespmem:s17], [sflag:$0x3], $0x80, s26, s16, $0xb8;
	[tilespmem:$0x1E100] =	vst v63  }
0x37: {  	_ =	swait.ge [sflag:s14], $0x4000  }
0x38: {  	[sflag:s14] =	ssyncset.done $0x0  }
0x39: {  	s26 =	sadd.s32 $0x100, s25;
	[sflag:s14] =	ssyncadd.s32 $0xFFFFC000  }
0x3a: {  	[tilespmem:s17], [sflag:$0x1] =	stream.indirect.gather [hbm4b:s1+s16], $0x80, s26, s16, $0xb8;
	[tilespmem:$0x1E100] =	vst v63  }
0x3b: {  	_ =	swait.ge [sflag:s20], $0x4000  }
0x3c: {  	[sflag:s20] =	ssyncset.done $0x0  }
.Ltmp0:
0x3d: {  	s26 =	sadd.s32 $0x1480, s25;
	[sflag:s20] =	ssyncadd.s32 $0xFFFFC000;
	(pc) =	sbr.rel @p0 .LBB2_2-.Ltmp0, $4  }
0x3e: {  	[spmem:s2] =	stream.indirect.scatter.add.f32 [tilespmem:s18], [sflag:$0x3], $0x80, s26, s16, $0xb8;
	[tilespmem:$0x1E100] =	vst v63  }
0x3f: {  	_ =	swait.ge [sflag:s14], $0x4000  }
0x40: {  	[sflag:s14] =	ssyncset.done $0x0  }
0x41: {  	s25 =	sadd.s32 $0x180, s25;
	[sflag:s14] =	ssyncadd.s32 $0xFFFFC000  }
0x42: {  	[tilespmem:s18], [sflag:$0x2] =	stream.indirect.gather [hbm4b:s1+s16], $0x80, s25, s16, $0xb8;
	[tilespmem:$0x1E100] =	vst v63  }
0x43: {  	_ =	swait.ge [sflag:s19], $0x4000  }
0x44: {  	[sflag:s19] =	ssyncset.done $0x0  }
0x45: {  	[sflag:s19] =	ssyncadd.s32 $0xFFFFC000  }
0x46: {  	[spmem:s2] =	stream.indirect.scatter.add.f32 [tilespmem:s17], [sflag:$0x3], $0x80, s21, s16, $0xb8;
	[tilespmem:$0x1E100] =	vst v63  }
0x47: {  	_ =	swait.ge [sflag:s14], $0x4000  }
0x48: {  	[sflag:s14] =	ssyncset.done $0x0  }
0x49: {  	[sflag:s14] =	ssyncadd.s32 $0xFFFFC000  }
0x4a: {  	_ =	swait.ge [sflag:s20], $0x4000  }
0x4b: {  	[sflag:s20] =	ssyncset.done $0x0  }
0x4c: {  	[sflag:s20] =	ssyncadd.s32 $0xFFFFC000  }
0x4d: {  	[spmem:s2] =	stream.indirect.scatter.add.f32 [tilespmem:s18], [sflag:$0x3], $0x80, s22, s16, $0xb8;
	[tilespmem:$0x1E100] =	vst v63  }
0x4e: {  	_ =	swait.ge [sflag:s14], $0x4000  }
0x4f: {  	[sflag:s14] =	ssyncset.done $0x0  }
0x50: {  	s24 =	simm.s32 $0x0;
	[sflag:s14] =	ssyncadd.s32 $0xFFFFC000  }
0x51: {  	[tilespmem:s24], [sflag:$0x3] =	stream.linear.gather [hbm4b:s9+s24], $0x1400, $0x38;
	[tilespmem:$0x1E100] =	vst v63  }
0x52: {  	_ =	swait.ge [sflag:s14], $0x1400  }
0x53: {  	[sflag:s14] =	ssyncset.done $0x0  }
0x54: {  	[sflag:s14] =	ssyncadd.s32 $0xFFFFEC00  }
0x55: {  	[tilespmem:s15], [sflag:$0x3] =	stream.linear.gather [hbm4b:s10+s24], $0x1400, $0x38;
	[tilespmem:$0x1E100] =	vst v63  }
0x56: {  	_ =	swait.ge [sflag:s14], $0x1400  }
0x57: {  	[sflag:s14] =	ssyncset.done $0x0  }
0x58: {  	[sflag:s14] =	ssyncadd.s32 $0xFFFFEC00  }
0x59: {  	[tilespmem:s17], [sflag:$0x1] =	stream.indirect.gather [hbm4b:s1+s16], $0x80, s24, s16, $0xb8;
	[tilespmem:$0x1E100] =	vst v63  }
0x5a: {  	_ = 	snop  }
0x5b: {  	[tilespmem:s18], [sflag:$0x2] =	stream.indirect.gather [hbm4b:s1+s16], $0x80, s16, s16, $0xb8;
	[tilespmem:$0x1E100] =	vst v63  }
0x5c: {  	_ =	swait.ge [sflag:s19], $0x4000  }
0x5d: {  	[sflag:s19] =	ssyncset.done $0x0  }
0x5e: {  	s29 =	simm.s32 $0x1400;
	[sflag:s19] =	ssyncadd.s32 $0xFFFFC000  }
0x5f: {  	[spmem:s2] =	stream.indirect.scatter.add.f32 [tilespmem:s17], [sflag:$0x3], $0x80, s29, s16, $0xb8;
	[tilespmem:$0x1E100] =	vst v63  }
0x60: {  	_ =	swait.ge [sflag:s14], $0x4000  }
0x61: {  	[sflag:s14] =	ssyncset.done $0x0  }
0x62: {  	s30 =	simm.s32 $0x100;
	[sflag:s14] =	ssyncadd.s32 $0xFFFFC000  }
0x63: {  	[tilespmem:s17], [sflag:$0x1] =	stream.indirect.gather [hbm4b:s1+s16], $0x80, s30, s16, $0xb8;
	[tilespmem:$0x1E100] =	vst v63  }
0x64: {  	_ =	swait.ge [sflag:s20], $0x4000  }
0x65: {  	[sflag:s20] =	ssyncset.done $0x0  }
0x66: {  	s31 =	simm.s32 $0x1480;
	[sflag:s20] =	ssyncadd.s32 $0xFFFFC000  }
0x67: {  	[spmem:s2] =	stream.indirect.scatter.add.f32 [tilespmem:s18], [sflag:$0x3], $0x80, s31, s16, $0xb8;
	[tilespmem:$0x1E100] =	vst v63  }
0x68: {  	_ =	swait.ge [sflag:s14], $0x4000  }
0x69: {  	[sflag:s14] =	ssyncset.done $0x0  }
0x6a: {  	s25 =	simm.s32 $0x180;
	s24 =	simm.s32 $0x400;
	[sflag:s14] =	ssyncadd.s32 $0xFFFFC000  }
.LBB2_4:
0x6b: {  	[tilespmem:s18], [sflag:$0x2] =	stream.indirect.gather [hbm4b:s1+s16], $0x80, s25, s16, $0xb8;
	[tilespmem:$0x1E100] =	vst v63  }
0x6c: {  	s25 =	smov.u32 s24  }
0x6d: {  	p0 =	sne.s32 s24, $0x4800;
	s24 =	sadd.s32 $0x400, s24;
	_ =	swait.ge [sflag:s19], $0x4000  }
0x6e: {  	s25 =	sshra.s32 s25, $0x2;
	[sflag:s19] =	ssyncset.done $0x0  }
0x6f: {  	s26 =	sadd.s32 $0x1400, s25;
	[sflag:s19] =	ssyncadd.s32 $0xFFFFC000  }
0x70: {  	[spmem:s2] =	stream.indirect.scatter.add.f32 [tilespmem:s17], [sflag:$0x3], $0x80, s26, s16, $0xb8;
	[tilespmem:$0x1E100] =	vst v63  }
0x71: {  	_ =	swait.ge [sflag:s14], $0x4000  }
0x72: {  	[sflag:s14] =	ssyncset.done $0x0  }
0x73: {  	s26 =	sadd.s32 $0x100, s25;
	[sflag:s14] =	ssyncadd.s32 $0xFFFFC000  }
0x74: {  	[tilespmem:s17], [sflag:$0x1] =	stream.indirect.gather [hbm4b:s1+s16], $0x80, s26, s16, $0xb8;
	[tilespmem:$0x1E100] =	vst v63  }
0x75: {  	_ =	swait.ge [sflag:s20], $0x4000  }
0x76: {  	[sflag:s20] =	ssyncset.done $0x0  }
.Ltmp1:
0x77: {  	s26 =	sadd.s32 $0x1480, s25;
	[sflag:s20] =	ssyncadd.s32 $0xFFFFC000;
	(pc) =	sbr.rel @p0 .LBB2_4-.Ltmp1, $4  }
0x78: {  	[spmem:s2] =	stream.indirect.scatter.add.f32 [tilespmem:s18], [sflag:$0x3], $0x80, s26, s16, $0xb8;
	[tilespmem:$0x1E100] =	vst v63  }
0x79: {  	_ =	swait.ge [sflag:s14], $0x4000  }
0x7a: {  	[sflag:s14] =	ssyncset.done $0x0  }
0x7b: {  	s25 =	sadd.s32 $0x180, s25;
	[sflag:s14] =	ssyncadd.s32 $0xFFFFC000  }
0x7c: {  	[tilespmem:s18], [sflag:$0x2] =	stream.indirect.gather [hbm4b:s1+s16], $0x80, s25, s16, $0xb8;
	[tilespmem:$0x1E100] =	vst v63  }
0x7d: {  	_ =	swait.ge [sflag:s19], $0x4000  }
0x7e: {  	[sflag:s19] =	ssyncset.done $0x0  }
0x7f: {  	[sflag:s19] =	ssyncadd.s32 $0xFFFFC000  }
0x80: {  	[spmem:s2] =	stream.indirect.scatter.add.f32 [tilespmem:s17], [sflag:$0x3], $0x80, s21, s16, $0xb8;
	[tilespmem:$0x1E100] =	vst v63  }
0x81: {  	_ =	swait.ge [sflag:s14], $0x4000  }
0x82: {  	[sflag:s14] =	ssyncset.done $0x0  }
0x83: {  	[sflag:s14] =	ssyncadd.s32 $0xFFFFC000  }
0x84: {  	_ =	swait.ge [sflag:s20], $0x4000  }
0x85: {  	[sflag:s20] =	ssyncset.done $0x0  }
0x86: {  	[sflag:s20] =	ssyncadd.s32 $0xFFFFC000  }
0x87: {  	[spmem:s2] =	stream.indirect.scatter.add.f32 [tilespmem:s18], [sflag:$0x3], $0x80, s22, s16, $0xb8;
	[tilespmem:$0x1E100] =	vst v63  }
0x88: {  	_ =	swait.ge [sflag:s14], $0x4000  }
0x89: {  	s23 =	sadd.s32 $0x1, s23;
	[sflag:s14] =	ssyncset.done $0x0  }
0x8a: {  	p0 =	sne.s32 s23, s12;
	[sflag:s14] =	ssyncadd.s32 $0xFFFFC000  }
.Ltmp2:
0x8b: {  	[bflag:$0x0] =	sbarrier.arrive $0xFFFF;
	(pc) =	sbr.rel @p0 .LBB2_1-.Ltmp2, $4  }
0x8c: {  	[hbm:s11], [sflag:s6] =	dma.local [spmem:s13], $0x2720  }
0x8d: {  	_ =	swait.ge [sflag:s14], $0x2720  }
0x8e: {  	[sflag:s14] =	ssyncset.done $0x0  }
0x8f: {  	[sflag:s14] =	ssyncadd.s32 $0xFFFFD8E0  }
0x90: {  	_ =	sfence.sel $0x180000  }
0x91: {  	[bflag:$0x0] =	sbarrier.arrive $0xFFFF  }
0x92: {  	p0 =	sne.s32 s3, $0x0;
	_ =	strace $0x90000056  }
0x93: {  	s0 =	sadd.s32 @!p0 $0x100000, s0;
	[bflag:$0x2] =	sbarrier.arrive $0xFFFF  }
0x94: {  	[sflag:s0] =	ssyncadd.tile.s32 @!p0 $0x1;
	_ =	shalt  }
.Lfunc_end2:
_tile_overlayer_lowered:
.L_overlay_start_2:
0x95: {  	(tag) =	ssettag $0x2  }
0x96: {  	s0 =	rddreg [dreg:$0x0];
	s2 =	stileid.u32  }
0x97: {  	s1 =	rddreg [dreg:$0x1];
	p0 =	sne.s32 s2, $0x0  }
0x98: {  	s3 =	rddreg [dreg:$0x2];
	[bflag:$0x3] =	sbarrier.arrive $0xFFFF;
	s2 =	simm.s32 @!p0 $0x1C03  }
0x99: {  	[timem:s3], [sflag:s2] =	dma.local @!p0 [hbm:s0], s1  }
0x9a: {  	s0 =	simm.s32 @!p0 $0x3  }
0x9b: {  	_ =	swait.ge @!p0 [sflag:s0], s1  }
0x9c: {  	s1 =	ssub.s32 @!p0 $0x0, s1;
	[sflag:s0] =	ssyncset.done @!p0 $0x0  }
0x9d: {  	[sflag:s0] =	ssyncadd.s32 @!p0 s1  }
0x9e: {  	[bflag:$0x3] =	sbarrier.arrive $0xFFFF  }
0x9f: {  	_ =	shalt  }

</sc_bundles>
